<compile_context>
chip_gen: v7x
topology: tpu7x:2x2x1
jax: 0.10.2.dev20260603
libtpu: 0.0.44.dev20260713+nightly
codegen_flags: <defaults>
</compile_context>

<pallas_src>
import dataclasses
import functools

import jax
import jax.numpy as jnp
from jax import lax
from jax.experimental import pallas as pl
from jax.experimental.pallas import tpu as pltpu
from jax.experimental.pallas import tpu_sc as plsc

_T = 0.07
_B = 4096
_N = 100000
_D = 128
_RB = 512
_CB = 2048
_NCB = (_N + _CB - 1) // _CB

_NW = 32
_RPT = _B // _NW
_NV = _N // 16
_UNROLL = 5
_MININT = -2147483648

_mesh = plsc.VectorSubcoreMesh(core_axis_name="c", subcore_axis_name="s")
_CP = pltpu.CompilerParams()
if "needs_layout_passes" in pltpu.CompilerParams.__dataclass_fields__:
    _CP = dataclasses.replace(_CP, needs_layout_passes=False)



def _norm_body(x_ref, o_ref):
    x = x_ref[...]
    o_ref[...] = x / jnp.sqrt(jnp.sum(x * x, axis=1, keepdims=True))


def _normalize(points):
    return pl.pallas_call(
        _norm_body,
        out_shape=jax.ShapeDtypeStruct((_B, _D), jnp.float32),
    )(points)


def _matmul_body(np_ref, bank_ref, s_ref):
    s_ref[...] = lax.dot_general(
        np_ref[...], bank_ref[...], (((1,), (1,)), ((), ())),
        preferred_element_type=jnp.float32,
        precision=lax.Precision.DEFAULT)


def _similarities(norm_points, memory_bank):
    return pl.pallas_call(
        _matmul_body,
        grid=(_B // _RB, _NCB),
        in_specs=[
            pl.BlockSpec((_RB, _D), lambda i, j: (i, 0)),
            pl.BlockSpec((_CB, _D), lambda i, j: (j, 0)),
        ],
        out_specs=pl.BlockSpec((_RB, _CB), lambda i, j: (i, j)),
        out_shape=jax.ShapeDtypeStruct((_B, _N), jnp.float32),
    )(norm_points, memory_bank)



def _lane():
    return lax.iota(jnp.int32, 16)


def _key_of(v):
    b = plsc.bitcast(v, jnp.int32)
    return b ^ ((b >> 31) | jnp.int32(_MININT))


def _walk(hist, base, nsg, rank):
    big = jnp.int32(2147483647)

    def sg_body(s, sgv):
        a = jnp.zeros((16,), jnp.int32)
        for j in range(16):
            a = a + hist[pl.ds(base + s * 256 + j * 16, 16)]
        return jnp.where(_lane() == s, jnp.sum(a), sgv)

    sgv = lax.fori_loop(0, nsg, sg_body, jnp.zeros((16,), jnp.int32))
    tot = jnp.sum(sgv)
    suf = tot - plsc.cumsum(sgv) + sgv
    mask = suf >= rank
    s_star = jnp.max(jnp.where(mask, _lane(), 0))
    suf_s = jnp.min(jnp.where(mask, suf, big))
    above_sg = suf_s - jnp.sum(jnp.where(_lane() == s_star, sgv, 0))

    def vj_body(j, vjv):
        a = hist[pl.ds(base + s_star * 256 + j * 16, 16)]
        return jnp.where(_lane() == j, jnp.sum(a), vjv)

    vjv = lax.fori_loop(0, 16, vj_body, jnp.zeros((16,), jnp.int32))
    tot_v = jnp.sum(vjv)
    suf_v = tot_v - plsc.cumsum(vjv) + vjv
    rank_v = rank - above_sg
    mask_v = suf_v >= rank_v
    j_star = jnp.max(jnp.where(mask_v, _lane(), 0))
    suf_j = jnp.min(jnp.where(mask_v, suf_v, big))
    above_vj = suf_j - jnp.sum(jnp.where(_lane() == j_star, vjv, 0))

    lv = hist[pl.ds(base + s_star * 256 + j_star * 16, 16)]
    tot_l = jnp.sum(lv)
    suf_l = tot_l - plsc.cumsum(lv) + lv
    rank_l = rank_v - above_vj
    mask_l = suf_l >= rank_l
    l_star = jnp.max(jnp.where(mask_l, _lane(), 0))
    suf_ll = jnp.min(jnp.where(mask_l, suf_l, big))
    above_l = suf_ll - jnp.sum(jnp.where(_lane() == l_star, lv, 0))

    return (s_star * 256 + j_star * 16 + l_star,
            above_sg + above_vj + above_l)


def _clear(hist, base, nwords):
    z = jnp.zeros((16,), jnp.int32)
    for i in range(nwords // 16):
        hist[pl.ds(base + i * 16, 16)] = z


@functools.partial(
    pl.kernel,
    out_type=jax.ShapeDtypeStruct((_B * 16,), jnp.int32),
    mesh=_mesh,
    compiler_params=_CP,
    scratch_types=[
        pltpu.VMEM((_N,), jnp.float32),
        pltpu.VMEM((8192,), jnp.int32),
        pltpu.VMEM((_RPT * 16,), jnp.int32),
        pltpu.SemaphoreType.DMA,
    ],
)
def _select_sc(s_hbm, out_hbm, row_v, hist, res_v, sem):
    wid = lax.axis_index("s") * 2 + lax.axis_index("c")
    ones = jnp.ones((16,), jnp.int32)
    pltpu.async_copy(s_hbm.at[wid * _RPT], row_v, sem)

    @pl.loop(0, _RPT)
    def row_body(i):
        r = wid * _RPT + i
        pltpu.make_async_copy(s_hbm.at[r], row_v, sem).wait()

        _clear(hist, 0, 2048)

        @plsc.parallel_loop(0, _NV, unroll=_UNROLL)
        def scan0(q):
            key = _key_of(row_v[pl.ds(q * 16, 16)])
            plsc.addupdate_scatter(
                hist, [lax.shift_right_logical(key, 21)], ones)

        p4_0, a4_0 = _walk(hist, 0, 8, jnp.int32(4096))
        p1_0, a1_0 = _walk(hist, 0, 8, jnp.int32(100))
        r4 = 4096 - a4_0
        r1 = 100 - a1_0

        _clear(hist, 2048, 4096)

        @plsc.parallel_loop(0, _NV, unroll=_UNROLL)
        def scan1(q):
            key = _key_of(row_v[pl.ds(q * 16, 16)])
            top = lax.shift_right_logical(key, 21)
            mid = lax.shift_right_logical(key, 10) & 0x7FF
            plsc.addupdate_scatter(hist, [2048 + mid], ones,
                                   mask=top == p4_0)
            plsc.addupdate_scatter(hist, [4096 + mid], ones,
                                   mask=top == p1_0)

        p4_1, a4_1 = _walk(hist, 2048, 8, r4)
        p1_1, a1_1 = _walk(hist, 4096, 8, r1)
        r4b = r4 - a4_1
        r1b = r1 - a1_1
        pre4 = (p4_0 << 11) | p4_1
        pre1 = (p1_0 << 11) | p1_1

        _clear(hist, 6144, 2048)

        @plsc.parallel_loop(0, _NV, unroll=_UNROLL)
        def scan2(q):
            key = _key_of(row_v[pl.ds(q * 16, 16)])
            hi22 = lax.shift_right_logical(key, 10)
            lo = key & 0x3FF
            plsc.addupdate_scatter(hist, [6144 + lo], ones,
                                   mask=hi22 == pre4)
            plsc.addupdate_scatter(hist, [7168 + lo], ones,
                                   mask=hi22 == pre1)

        @pl.when(i < _RPT - 1)
        def _prefetch():
            pltpu.async_copy(s_hbm.at[r + 1], row_v, sem)

        p4_2, a4_2 = _walk(hist, 6144, 4, r4b)
        p1_2, a1_2 = _walk(hist, 7168, 4, r1b)

        key4 = (pre4 << 10) | p4_2
        key1 = (pre1 << 10) | p1_2
        m4 = r4b - a4_2
        m1 = r1b - a1_2

        l = _lane()
        res = jnp.where(l == 0, key4,
              jnp.where(l == 1, m4,
              jnp.where(l == 2, key1,
              jnp.where(l == 3, m1, 0))))
        res_v[pl.ds(i * 16, 16)] = res

    pltpu.sync_copy(res_v, out_hbm.at[pl.ds(wid * _RPT * 16, _RPT * 16)])


def _decode_key(k):
    bits = jnp.where(k < 0, k ^ jnp.int32(_MININT), ~k)
    return lax.bitcast_convert_type(bits, jnp.float32)



def _sums_body(s_ref, vk4_ref, vk1_ref, idx_ref, s4_ref, s1_ref, pos_ref):
    j = pl.program_id(1)

    @pl.when(j == 0)
    def _init():
        s4_ref[...] = jnp.zeros_like(s4_ref)
        s1_ref[...] = jnp.zeros_like(s1_ref)
        pos_ref[...] = jnp.zeros_like(pos_ref)

    v = s_ref[...]
    col = j * _CB + lax.broadcasted_iota(jnp.int32, (_RB, _CB), 1)
    valid = col < _N
    e = jnp.exp(v * (1.0 / _T))
    e4 = jnp.where(valid & (v > vk4_ref[...]), e, 0.0)
    e1 = jnp.where(valid & (v > vk1_ref[...]), e, 0.0)
    pv = jnp.where(col == idx_ref[...], v, 0.0)
    s4_ref[...] += jnp.sum(e4, axis=1, keepdims=True)
    s1_ref[...] += jnp.sum(e1, axis=1, keepdims=True)
    pos_ref[...] += jnp.sum(pv, axis=1, keepdims=True)


def _masked_sums(s, vk4096, vk100, point_indices):
    col1 = pl.BlockSpec((_RB, 1), lambda i, j: (i, 0))
    out_shape = jax.ShapeDtypeStruct((_B, 1), jnp.float32)
    return pl.pallas_call(
        _sums_body,
        grid=(_B // _RB, _NCB),
        in_specs=[
            pl.BlockSpec((_RB, _CB), lambda i, j: (i, j)),
            col1, col1, col1,
        ],
        out_specs=(col1, col1, col1),
        out_shape=(out_shape, out_shape, out_shape),
    )(s, vk4096, vk100, point_indices[:, None])


def _combine_body(pos_ref, s4_ref, s1_ref, k4_ref, m4_ref, k1_ref, m1_ref,
                  loss_ref):
    vk4 = _decode_key(k4_ref[...])
    vk1 = _decode_key(k1_ref[...])
    den = s4_ref[...] + m4_ref[...].astype(jnp.float32) * jnp.exp(vk4 * (1.0 / _T))
    num = (jnp.exp(pos_ref[...] * (1.0 / _T)) + s1_ref[...]
           + m1_ref[...].astype(jnp.float32) * jnp.exp(vk1 * (1.0 / _T)))
    per_row = -jnp.log(num / den + 1e-7)
    loss_ref[...] = jnp.sum(per_row, axis=0, keepdims=True) * (1.0 / _B)


def _combine(pos, s4, s1, k4, m4, k1, m1):
    out = pl.pallas_call(
        _combine_body,
        out_shape=jax.ShapeDtypeStruct((1, 1), jnp.float32),
    )(pos, s4, s1, k4, m4, k1, m1)
    return out.reshape(())


def kernel(points, point_indices, memory_bank):
    norm_points = _normalize(points)
    s = _similarities(norm_points, memory_bank)
    sel = _select_sc(s).reshape(_B, 16)
    k4, m4 = sel[:, 0:1], sel[:, 1:2]
    k1, m1 = sel[:, 2:3], sel[:, 3:4]
    vk4 = _decode_key(k4)
    vk1 = _decode_key(k1)
    s4, s1, pos = _masked_sums(s, vk4, vk1, point_indices.astype(jnp.int32))
    loss = _combine(pos, s4, s1, k4, m4, k1, m1)
    return (loss, s)

# --- scband reference (transcript-rebuilt; emitter-appended) ---
"""Pipeline reference for scband-alternative-ring-loss-1752346657498 (READ-ONLY COPY).

The authoritative reference and input builder live on the scoring server;
editing this copy changes nothing except your own understanding.
"""

import jax, jax.numpy as jnp
import numpy as np

T = 0.07
N_POTENTIAL_POSITIVE = 100
N_BACKGROUND = 4096


def l2_normalize(x):
    return x / jnp.sqrt(jnp.sum(x ** 2, axis=1, keepdims=True))


def setup_inputs(seed: int = 0) -> dict:
    key = jax.random.key(seed)
    k1, k2, k3 = jax.random.split(key, 3)
    points = jax.random.normal(k1, (4096, 128), dtype=jnp.float32)
    point_indices = jax.random.randint(k2, (4096,), 0, 100000, dtype=jnp.int32)
    memory_bank = jax.random.normal(k3, (100000, 128), dtype=jnp.float32)
    return {"points": points, "point_indices": point_indices, "memory_bank": memory_bank}


def reference(points, point_indices, memory_bank):
    # memory_bank.get_all_dot_products(norm_points) -> norm_points @ bank.T
    norm_points = l2_normalize(points)
    similarities = norm_points @ memory_bank.T  # [B, N]
    points_sim = jnp.exp(similarities / T)
    positive_sim = points_sim[jnp.arange(points_sim.shape[0]), point_indices]
    hard_negatives_sim, hn_indices = jax.lax.top_k(points_sim, N_BACKGROUND)  # sorted largest
    potential_positive_sim = hard_negatives_sim[:, :N_POTENTIAL_POSITIVE]
    # first call: lastneighbour == False branch
    total_positive_sim = positive_sim + potential_positive_sim.sum(axis=1)
    loss = -jnp.log(total_positive_sim / hard_negatives_sim.sum(axis=1) + 1e-07).mean()
    return (loss, jax.lax.stop_gradient(similarities))

if __name__ == "__main__":
    import jax
    _d = setup_inputs()
    print(jax.jit(kernel)(*tuple(_d.values())))

</pallas_src>

<mosaic_0001>
#map = affine_map<(d0, d1) -> (0, 0)>
#map1 = affine_map<(d0, d1) -> (0)>
module attributes {stable_mosaic.version = 14 : i64} {
  func.func @_select_sc(%arg0: i32, %arg1: i32, %arg2: memref<4096x100000xf32, #tpu.memory_space<hbm>>, %arg3: memref<65536xi32, #tpu.memory_space<hbm>>, %arg4: memref<100000xf32, #tpu.memory_space<vmem>>, %arg5: memref<8192xi32, #tpu.memory_space<vmem>>, %arg6: memref<2048xi32, #tpu.memory_space<vmem>>, %arg7: memref<!tpu.dma_semaphore, #tpu.memory_space<semaphore_mem>>) attributes {dimension_semantics = [#tpu.dimension_semantics<core_parallel>, #tpu.dimension_semantics<subcore_parallel>], iteration_bounds = array<i64: 2, 16>, scalar_prefetch = 0 : i64, scratch_operands = 4 : i64, tpu.core_type = #tpu.core_type<sc_vector_subcore>, window_params = [{transform_indices = #map}, {transform_indices = #map1}]} {
    %mul3A = arith.constant 2 : i32
    %mul3A_0 = arith.muli %arg1, %mul3A : i32
    %add3A = arith.addi %mul3A_0, %arg0 : i32
    %broadcast_in_dim3A = arith.constant 1 : i32
    %broadcast_in_dim3A_1 = vector.broadcast %broadcast_in_dim3A : i32 to vector<16xi32>
    %mul3A_2 = arith.constant 128 : i32
    %mul3A_3 = arith.muli %add3A, %mul3A_2 : i32
    %dma_start3A = arith.constant 0 : i32
    %dma_start3A_4 = tpu.memref_slice %arg2[%mul3A_3, %dma_start3A] : memref<4096x100000xf32, #tpu.memory_space<hbm>> -> memref<1x100000xf32, #tpu.memory_space<hbm>>
    %dma_start3A_5 = tpu.memref_squeeze %dma_start3A_4 : memref<1x100000xf32, #tpu.memory_space<hbm>> -> memref<100000xf32, #tpu.memory_space<hbm>>
    %dma_start3A_6 = arith.constant 0 : i32
    %dma_start3A_7 = tpu.memref_slice %arg2[%mul3A_3, %dma_start3A_6] : memref<4096x100000xf32, #tpu.memory_space<hbm>> -> memref<1x100000xf32, #tpu.memory_space<hbm>>
    %dma_start3A_8 = tpu.memref_squeeze %dma_start3A_7 : memref<1x100000xf32, #tpu.memory_space<hbm>> -> memref<100000xf32, #tpu.memory_space<hbm>>
    tpu.enqueue_dma source(%dma_start3A_8 : memref<100000xf32, #tpu.memory_space<hbm>>) target(%arg4 : memref<100000xf32, #tpu.memory_space<vmem>>) target_semaphore(%arg7 : memref<!tpu.dma_semaphore, #tpu.memory_space<semaphore_mem>>)
    %scan3A = arith.constant 0 : i32
    %scan3A_9 = arith.constant 128 : i32
    %scan3A_10 = arith.addi %scan3A, %scan3A_9 : i32
    %scan3A_11 = arith.constant 1 : i32
    scf.for %scan3A_17 = %scan3A to %scan3A_10 step %scan3A_11  : i32 {
      %mul3A_18 = arith.constant 1 : i32
      %mul3A_19 = arith.muli %scan3A_17, %mul3A_18 : i32
      %add3A_20 = arith.constant 0 : i32
      %add3A_21 = arith.addi %add3A_20, %mul3A_19 : i32
      %mul3A_22 = arith.constant 128 : i32
      %mul3A_23 = arith.muli %add3A, %mul3A_22 : i32
      %add3A_24 = arith.addi %mul3A_23, %add3A_21 : i32
      %dma_wait3A = arith.constant 0 : i32
      %dma_wait3A_25 = tpu.memref_slice %arg2[%add3A_24, %dma_wait3A] : memref<4096x100000xf32, #tpu.memory_space<hbm>> -> memref<1x100000xf32, #tpu.memory_space<hbm>>
      %dma_wait3A_26 = tpu.memref_squeeze %dma_wait3A_25 : memref<1x100000xf32, #tpu.memory_space<hbm>> -> memref<100000xf32, #tpu.memory_space<hbm>>
      %dma_wait3A_27 = arith.constant 0 : i32
      %dma_wait3A_28 = tpu.memref_slice %arg2[%add3A_24, %dma_wait3A_27] : memref<4096x100000xf32, #tpu.memory_space<hbm>> -> memref<1x100000xf32, #tpu.memory_space<hbm>>
      %dma_wait3A_29 = tpu.memref_squeeze %dma_wait3A_28 : memref<1x100000xf32, #tpu.memory_space<hbm>> -> memref<100000xf32, #tpu.memory_space<hbm>>
      tpu.wait_dma2 semaphore(%arg7 : memref<!tpu.dma_semaphore, #tpu.memory_space<semaphore_mem>>) src(%dma_wait3A_29 : memref<100000xf32, #tpu.memory_space<hbm>>) dst(%arg4 : memref<100000xf32, #tpu.memory_space<vmem>>)
      %broadcast_in_dim3A_30 = arith.constant 0 : i32
      %broadcast_in_dim3A_31 = vector.broadcast %broadcast_in_dim3A_30 : i32 to vector<16xi32>
      %swap3A = arith.constant 0 : index
      %swap3A_32 = tpu.vector_load %arg5[%swap3A] {strides = array<i32>} : memref<8192xi32, #tpu.memory_space<vmem>>, vector<16xi32>,
      tpu.vector_store %arg5[%swap3A], %broadcast_in_dim3A_31 {strides = array<i32>} : memref<8192xi32, #tpu.memory_space<vmem>>, vector<16xi32>,
      %swap3A_33 = arith.constant 16 : index
      %swap3A_34 = tpu.vector_load %arg5[%swap3A_33] {strides = array<i32>} : memref<8192xi32, #tpu.memory_space<vmem>>, vector<16xi32>,
      tpu.vector_store %arg5[%swap3A_33], %broadcast_in_dim3A_31 {strides = array<i32>} : memref<8192xi32, #tpu.memory_space<vmem>>, vector<16xi32>,
      %swap3A_35 = arith.constant 32 : index
      %swap3A_36 = tpu.vector_load %arg5[%swap3A_35] {strides = array<i32>} : memref<8192xi32, #tpu.memory_space<vmem>>, vector<16xi32>,
      tpu.vector_store %arg5[%swap3A_35], %broadcast_in_dim3A_31 {strides = array<i32>} : memref<8192xi32, #tpu.memory_space<vmem>>, vector<16xi32>,
      %swap3A_37 = arith.constant 48 : index
      %swap3A_38 = tpu.vector_load %arg5[%swap3A_37] {strides = array<i32>} : memref<8192xi32, #tpu.memory_space<vmem>>, vector<16xi32>,
      tpu.vector_store %arg5[%swap3A_37], %broadcast_in_dim3A_31 {strides = array<i32>} : memref<8192xi32, #tpu.memory_space<vmem>>, vector<16xi32>,
      %swap3A_39 = arith.constant 64 : index
      %swap3A_40 = tpu.vector_load %arg5[%swap3A_39] {strides = array<i32>} : memref<8192xi32, #tpu.memory_space<vmem>>, vector<16xi32>,
      tpu.vector_store %arg5[%swap3A_39], %broadcast_in_dim3A_31 {strides = array<i32>} : memref<8192xi32, #tpu.memory_space<vmem>>, vector<16xi32>,
      %swap3A_41 = arith.constant 80 : index
      %swap3A_42 = tpu.vector_load %arg5[%swap3A_41] {strides = array<i32>} : memref<8192xi32, #tpu.memory_space<vmem>>, vector<16xi32>,
      tpu.vector_store %arg5[%swap3A_41], %broadcast_in_dim3A_31 {strides = array<i32>} : memref<8192xi32, #tpu.memory_space<vmem>>, vector<16xi32>,
      %swap3A_43 = arith.constant 96 : index
      %swap3A_44 = tpu.vector_load %arg5[%swap3A_43] {strides = array<i32>} : memref<8192xi32, #tpu.memory_space<vmem>>, vector<16xi32>,
      tpu.vector_store %arg5[%swap3A_43], %broadcast_in_dim3A_31 {strides = array<i32>} : memref<8192xi32, #tpu.memory_space<vmem>>, vector<16xi32>,
      %swap3A_45 = arith.constant 112 : index
      %swap3A_46 = tpu.vector_load %arg5[%swap3A_45] {strides = array<i32>} : memref<8192xi32, #tpu.memory_space<vmem>>, vector<16xi32>,
      tpu.vector_store %arg5[%swap3A_45], %broadcast_in_dim3A_31 {strides = array<i32>} : memref<8192xi32, #tpu.memory_space<vmem>>, vector<16xi32>,
      %swap3A_47 = arith.constant 128 : index
      %swap3A_48 = tpu.vector_load %arg5[%swap3A_47] {strides = array<i32>} : memref<8192xi32, #tpu.memory_space<vmem>>, vector<16xi32>,
      tpu.vector_store %arg5[%swap3A_47], %broadcast_in_dim3A_31 {strides = array<i32>} : memref<8192xi32, #tpu.memory_space<vmem>>, vector<16xi32>,
      %swap3A_49 = arith.constant 144 : index
      %swap3A_50 = tpu.vector_load %arg5[%swap3A_49] {strides = array<i32>} : memref<8192xi32, #tpu.memory_space<vmem>>, vector<16xi32>,
      tpu.vector_store %arg5[%swap3A_49], %broadcast_in_dim3A_31 {strides = array<i32>} : memref<8192xi32, #tpu.memory_space<vmem>>, vector<16xi32>,
      %swap3A_51 = arith.constant 160 : index
      %swap3A_52 = tpu.vector_load %arg5[%swap3A_51] {strides = array<i32>} : memref<8192xi32, #tpu.memory_space<vmem>>, vector<16xi32>,
      tpu.vector_store %arg5[%swap3A_51], %broadcast_in_dim3A_31 {strides = array<i32>} : memref<8192xi32, #tpu.memory_space<vmem>>, vector<16xi32>,
      %swap3A_53 = arith.constant 176 : index
      %swap3A_54 = tpu.vector_load %arg5[%swap3A_53] {strides = array<i32>} : memref<8192xi32, #tpu.memory_space<vmem>>, vector<16xi32>,
      tpu.vector_store %arg5[%swap3A_53], %broadcast_in_dim3A_31 {strides = array<i32>} : memref<8192xi32, #tpu.memory_space<vmem>>, vector<16xi32>,
      %swap3A_55 = arith.constant 192 : index
      %swap3A_56 = tpu.vector_load %arg5[%swap3A_55] {strides = array<i32>} : memref<8192xi32, #tpu.memory_space<vmem>>, vector<16xi32>,
      tpu.vector_store %arg5[%swap3A_55], %broadcast_in_dim3A_31 {strides = array<i32>} : memref<8192xi32, #tpu.memory_space<vmem>>, vector<16xi32>,
      %swap3A_57 = arith.constant 208 : index
      %swap3A_58 = tpu.vector_load %arg5[%swap3A_57] {strides = array<i32>} : memref<8192xi32, #tpu.memory_space<vmem>>, vector<16xi32>,
      tpu.vector_store %arg5[%swap3A_57], %broadcast_in_dim3A_31 {strides = array<i32>} : memref<8192xi32, #tpu.memory_space<vmem>>, vector<16xi32>,
      %swap3A_59 = arith.constant 224 : index
      %swap3A_60 = tpu.vector_load %arg5[%swap3A_59] {strides = array<i32>} : memref<8192xi32, #tpu.memory_space<vmem>>, vector<16xi32>,
      tpu.vector_store %arg5[%swap3A_59], %broadcast_in_dim3A_31 {strides = array<i32>} : memref<8192xi32, #tpu.memory_space<vmem>>, vector<16xi32>,
      %swap3A_61 = arith.constant 240 : index
      %swap3A_62 = tpu.vector_load %arg5[%swap3A_61] {strides = array<i32>} : memref<8192xi32, #tpu.memory_space<vmem>>, vector<16xi32>,
      tpu.vector_store %arg5[%swap3A_61], %broadcast_in_dim3A_31 {strides = array<i32>} : memref<8192xi32, #tpu.memory_space<vmem>>, vector<16xi32>,
      %swap3A_63 = arith.constant 256 : index
      %swap3A_64 = tpu.vector_load %arg5[%swap3A_63] {strides = array<i32>} : memref<8192xi32, #tpu.memory_space<vmem>>, vector<16xi32>,
      tpu.vector_store %arg5[%swap3A_63], %broadcast_in_dim3A_31 {strides = array<i32>} : memref<8192xi32, #tpu.memory_space<vmem>>, vector<16xi32>,
      %swap3A_65 = arith.constant 272 : index
      %swap3A_66 = tpu.vector_load %arg5[%swap3A_65] {strides = array<i32>} : memref<8192xi32, #tpu.memory_space<vmem>>, vector<16xi32>,
      tpu.vector_store %arg5[%swap3A_65], %broadcast_in_dim3A_31 {strides = array<i32>} : memref<8192xi32, #tpu.memory_space<vmem>>, vector<16xi32>,
      %swap3A_67 = arith.constant 288 : index
      %swap3A_68 = tpu.vector_load %arg5[%swap3A_67] {strides = array<i32>} : memref<8192xi32, #tpu.memory_space<vmem>>, vector<16xi32>,
      tpu.vector_store %arg5[%swap3A_67], %broadcast_in_dim3A_31 {strides = array<i32>} : memref<8192xi32, #tpu.memory_space<vmem>>, vector<16xi32>,
      %swap3A_69 = arith.constant 304 : index
      %swap3A_70 = tpu.vector_load %arg5[%swap3A_69] {strides = array<i32>} : memref<8192xi32, #tpu.memory_space<vmem>>, vector<16xi32>,
      tpu.vector_store %arg5[%swap3A_69], %broadcast_in_dim3A_31 {strides = array<i32>} : memref<8192xi32, #tpu.memory_space<vmem>>, vector<16xi32>,
      %swap3A_71 = arith.constant 320 : index
      %swap3A_72 = tpu.vector_load %arg5[%swap3A_71] {strides = array<i32>} : memref<8192xi32, #tpu.memory_space<vmem>>, vector<16xi32>,
      tpu.vector_store %arg5[%swap3A_71], %broadcast_in_dim3A_31 {strides = array<i32>} : memref<8192xi32, #tpu.memory_space<vmem>>, vector<16xi32>,
      %swap3A_73 = arith.constant 336 : index
      %swap3A_74 = tpu.vector_load %arg5[%swap3A_73] {strides = array<i32>} : memref<8192xi32, #tpu.memory_space<vmem>>, vector<16xi32>,
      tpu.vector_store %arg5[%swap3A_73], %broadcast_in_dim3A_31 {strides = array<i32>} : memref<8192xi32, #tpu.memory_space<vmem>>, vector<16xi32>,
      %swap3A_75 = arith.constant 352 : index
      %swap3A_76 = tpu.vector_load %arg5[%swap3A_75] {strides = array<i32>} : memref<8192xi32, #tpu.memory_space<vmem>>, vector<16xi32>,
      tpu.vector_store %arg5[%swap3A_75], %broadcast_in_dim3A_31 {strides = array<i32>} : memref<8192xi32, #tpu.memory_space<vmem>>, vector<16xi32>,
      %swap3A_77 = arith.constant 368 : index
      %swap3A_78 = tpu.vector_load %arg5[%swap3A_77] {strides = array<i32>} : memref<8192xi32, #tpu.memory_space<vmem>>, vector<16xi32>,
      tpu.vector_store %arg5[%swap3A_77], %broadcast_in_dim3A_31 {strides = array<i32>} : memref<8192xi32, #tpu.memory_space<vmem>>, vector<16xi32>,
      %swap3A_79 = arith.constant 384 : index
      %swap3A_80 = tpu.vector_load %arg5[%swap3A_79] {strides = array<i32>} : memref<8192xi32, #tpu.memory_space<vmem>>, vector<16xi32>,
      tpu.vector_store %arg5[%swap3A_79], %broadcast_in_dim3A_31 {strides = array<i32>} : memref<8192xi32, #tpu.memory_space<vmem>>, vector<16xi32>,
      %swap3A_81 = arith.constant 400 : index
      %swap3A_82 = tpu.vector_load %arg5[%swap3A_81] {strides = array<i32>} : memref<8192xi32, #tpu.memory_space<vmem>>, vector<16xi32>,
      tpu.vector_store %arg5[%swap3A_81], %broadcast_in_dim3A_31 {strides = array<i32>} : memref<8192xi32, #tpu.memory_space<vmem>>, vector<16xi32>,
      %swap3A_83 = arith.constant 416 : index
      %swap3A_84 = tpu.vector_load %arg5[%swap3A_83] {strides = array<i32>} : memref<8192xi32, #tpu.memory_space<vmem>>, vector<16xi32>,
      tpu.vector_store %arg5[%swap3A_83], %broadcast_in_dim3A_31 {strides = array<i32>} : memref<8192xi32, #tpu.memory_space<vmem>>, vector<16xi32>,
      %swap3A_85 = arith.constant 432 : index
      %swap3A_86 = tpu.vector_load %arg5[%swap3A_85] {strides = array<i32>} : memref<8192xi32, #tpu.memory_space<vmem>>, vector<16xi32>,
      tpu.vector_store %arg5[%swap3A_85], %broadcast_in_dim3A_31 {strides = array<i32>} : memref<8192xi32, #tpu.memory_space<vmem>>, vector<16xi32>,
      %swap3A_87 = arith.constant 448 : index
      %swap3A_88 = tpu.vector_load %arg5[%swap3A_87] {strides = array<i32>} : memref<8192xi32, #tpu.memory_space<vmem>>, vector<16xi32>,
      tpu.vector_store %arg5[%swap3A_87], %broadcast_in_dim3A_31 {strides = array<i32>} : memref<8192xi32, #tpu.memory_space<vmem>>, vector<16xi32>,
      %swap3A_89 = arith.constant 464 : index
      %swap3A_90 = tpu.vector_load %arg5[%swap3A_89] {strides = array<i32>} : memref<8192xi32, #tpu.memory_space<vmem>>, vector<16xi32>,
      tpu.vector_store %arg5[%swap3A_89], %broadcast_in_dim3A_31 {strides = array<i32>} : memref<8192xi32, #tpu.memory_space<vmem>>, vector<16xi32>,
      %swap3A_91 = arith.constant 480 : index
      %swap3A_92 = tpu.vector_load %arg5[%swap3A_91] {strides = array<i32>} : memref<8192xi32, #tpu.memory_space<vmem>>, vector<16xi32>,
      tpu.vector_store %arg5[%swap3A_91], %broadcast_in_dim3A_31 {strides = array<i32>} : memref<8192xi32, #tpu.memory_space<vmem>>, vector<16xi32>,
      %swap3A_93 = arith.constant 496 : index
      %swap3A_94 = tpu.vector_load %arg5[%swap3A_93] {strides = array<i32>} : memref<8192xi32, #tpu.memory_space<vmem>>, vector<16xi32>,
      tpu.vector_store %arg5[%swap3A_93], %broadcast_in_dim3A_31 {strides = array<i32>} : memref<8192xi32, #tpu.memory_space<vmem>>, vector<16xi32>,
      %swap3A_95 = arith.constant 512 : index
      %swap3A_96 = tpu.vector_load %arg5[%swap3A_95] {strides = array<i32>} : memref<8192xi32, #tpu.memory_space<vmem>>, vector<16xi32>,
      tpu.vector_store %arg5[%swap3A_95], %broadcast_in_dim3A_31 {strides = array<i32>} : memref<8192xi32, #tpu.memory_space<vmem>>, vector<16xi32>,
      %swap3A_97 = arith.constant 528 : index
      %swap3A_98 = tpu.vector_load %arg5[%swap3A_97] {strides = array<i32>} : memref<8192xi32, #tpu.memory_space<vmem>>, vector<16xi32>,
      tpu.vector_store %arg5[%swap3A_97], %broadcast_in_dim3A_31 {strides = array<i32>} : memref<8192xi32, #tpu.memory_space<vmem>>, vector<16xi32>,
      %swap3A_99 = arith.constant 544 : index
      %swap3A_100 = tpu.vector_load %arg5[%swap3A_99] {strides = array<i32>} : memref<8192xi32, #tpu.memory_space<vmem>>, vector<16xi32>,
      tpu.vector_store %arg5[%swap3A_99], %broadcast_in_dim3A_31 {strides = array<i32>} : memref<8192xi32, #tpu.memory_space<vmem>>, vector<16xi32>,
      %swap3A_101 = arith.constant 560 : index
      %swap3A_102 = tpu.vector_load %arg5[%swap3A_101] {strides = array<i32>} : memref<8192xi32, #tpu.memory_space<vmem>>, vector<16xi32>,
      tpu.vector_store %arg5[%swap3A_101], %broadcast_in_dim3A_31 {strides = array<i32>} : memref<8192xi32, #tpu.memory_space<vmem>>, vector<16xi32>,
      %swap3A_103 = arith.constant 576 : index
      %swap3A_104 = tpu.vector_load %arg5[%swap3A_103] {strides = array<i32>} : memref<8192xi32, #tpu.memory_space<vmem>>, vector<16xi32>,
      tpu.vector_store %arg5[%swap3A_103], %broadcast_in_dim3A_31 {strides = array<i32>} : memref<8192xi32, #tpu.memory_space<vmem>>, vector<16xi32>,
      %swap3A_105 = arith.constant 592 : index
      %swap3A_106 = tpu.vector_load %arg5[%swap3A_105] {strides = array<i32>} : memref<8192xi32, #tpu.memory_space<vmem>>, vector<16xi32>,
      tpu.vector_store %arg5[%swap3A_105], %broadcast_in_dim3A_31 {strides = array<i32>} : memref<8192xi32, #tpu.memory_space<vmem>>, vector<16xi32>,
      %swap3A_107 = arith.constant 608 : index
      %swap3A_108 = tpu.vector_load %arg5[%swap3A_107] {strides = array<i32>} : memref<8192xi32, #tpu.memory_space<vmem>>, vector<16xi32>,
      tpu.vector_store %arg5[%swap3A_107], %broadcast_in_dim3A_31 {strides = array<i32>} : memref<8192xi32, #tpu.memory_space<vmem>>, vector<16xi32>,
      %swap3A_109 = arith.constant 624 : index
      %swap3A_110 = tpu.vector_load %arg5[%swap3A_109] {strides = array<i32>} : memref<8192xi32, #tpu.memory_space<vmem>>, vector<16xi32>,
      tpu.vector_store %arg5[%swap3A_109], %broadcast_in_dim3A_31 {strides = array<i32>} : memref<8192xi32, #tpu.memory_space<vmem>>, vector<16xi32>,
      %swap3A_111 = arith.constant 640 : index
      %swap3A_112 = tpu.vector_load %arg5[%swap3A_111] {strides = array<i32>} : memref<8192xi32, #tpu.memory_space<vmem>>, vector<16xi32>,
      tpu.vector_store %arg5[%swap3A_111], %broadcast_in_dim3A_31 {strides = array<i32>} : memref<8192xi32, #tpu.memory_space<vmem>>, vector<16xi32>,
      %swap3A_113 = arith.constant 656 : index
      %swap3A_114 = tpu.vector_load %arg5[%swap3A_113] {strides = array<i32>} : memref<8192xi32, #tpu.memory_space<vmem>>, vector<16xi32>,
      tpu.vector_store %arg5[%swap3A_113], %broadcast_in_dim3A_31 {strides = array<i32>} : memref<8192xi32, #tpu.memory_space<vmem>>, vector<16xi32>,
      %swap3A_115 = arith.constant 672 : index
      %swap3A_116 = tpu.vector_load %arg5[%swap3A_115] {strides = array<i32>} : memref<8192xi32, #tpu.memory_space<vmem>>, vector<16xi32>,
      tpu.vector_store %arg5[%swap3A_115], %broadcast_in_dim3A_31 {strides = array<i32>} : memref<8192xi32, #tpu.memory_space<vmem>>, vector<16xi32>,
      %swap3A_117 = arith.constant 688 : index
      %swap3A_118 = tpu.vector_load %arg5[%swap3A_117] {strides = array<i32>} : memref<8192xi32, #tpu.memory_space<vmem>>, vector<16xi32>,
      tpu.vector_store %arg5[%swap3A_117], %broadcast_in_dim3A_31 {strides = array<i32>} : memref<8192xi32, #tpu.memory_space<vmem>>, vector<16xi32>,
      %swap3A_119 = arith.constant 704 : index
      %swap3A_120 = tpu.vector_load %arg5[%swap3A_119] {strides = array<i32>} : memref<8192xi32, #tpu.memory_space<vmem>>, vector<16xi32>,
      tpu.vector_store %arg5[%swap3A_119], %broadcast_in_dim3A_31 {strides = array<i32>} : memref<8192xi32, #tpu.memory_space<vmem>>, vector<16xi32>,
      %swap3A_121 = arith.constant 720 : index
      %swap3A_122 = tpu.vector_load %arg5[%swap3A_121] {strides = array<i32>} : memref<8192xi32, #tpu.memory_space<vmem>>, vector<16xi32>,
      tpu.vector_store %arg5[%swap3A_121], %broadcast_in_dim3A_31 {strides = array<i32>} : memref<8192xi32, #tpu.memory_space<vmem>>, vector<16xi32>,
      %swap3A_123 = arith.constant 736 : index
      %swap3A_124 = tpu.vector_load %arg5[%swap3A_123] {strides = array<i32>} : memref<8192xi32, #tpu.memory_space<vmem>>, vector<16xi32>,
      tpu.vector_store %arg5[%swap3A_123], %broadcast_in_dim3A_31 {strides = array<i32>} : memref<8192xi32, #tpu.memory_space<vmem>>, vector<16xi32>,
      %swap3A_125 = arith.constant 752 : index
      %swap3A_126 = tpu.vector_load %arg5[%swap3A_125] {strides = array<i32>} : memref<8192xi32, #tpu.memory_space<vmem>>, vector<16xi32>,
      tpu.vector_store %arg5[%swap3A_125], %broadcast_in_dim3A_31 {strides = array<i32>} : memref<8192xi32, #tpu.memory_space<vmem>>, vector<16xi32>,
      %swap3A_127 = arith.constant 768 : index
      %swap3A_128 = tpu.vector_load %arg5[%swap3A_127] {strides = array<i32>} : memref<8192xi32, #tpu.memory_space<vmem>>, vector<16xi32>,
      tpu.vector_store %arg5[%swap3A_127], %broadcast_in_dim3A_31 {strides = array<i32>} : memref<8192xi32, #tpu.memory_space<vmem>>, vector<16xi32>,
      %swap3A_129 = arith.constant 784 : index
      %swap3A_130 = tpu.vector_load %arg5[%swap3A_129] {strides = array<i32>} : memref<8192xi32, #tpu.memory_space<vmem>>, vector<16xi32>,
      tpu.vector_store %arg5[%swap3A_129], %broadcast_in_dim3A_31 {strides = array<i32>} : memref<8192xi32, #tpu.memory_space<vmem>>, vector<16xi32>,
      %swap3A_131 = arith.constant 800 : index
      %swap3A_132 = tpu.vector_load %arg5[%swap3A_131] {strides = array<i32>} : memref<8192xi32, #tpu.memory_space<vmem>>, vector<16xi32>,
      tpu.vector_store %arg5[%swap3A_131], %broadcast_in_dim3A_31 {strides = array<i32>} : memref<8192xi32, #tpu.memory_space<vmem>>, vector<16xi32>,
      %swap3A_133 = arith.constant 816 : index
      %swap3A_134 = tpu.vector_load %arg5[%swap3A_133] {strides = array<i32>} : memref<8192xi32, #tpu.memory_space<vmem>>, vector<16xi32>,
      tpu.vector_store %arg5[%swap3A_133], %broadcast_in_dim3A_31 {strides = array<i32>} : memref<8192xi32, #tpu.memory_space<vmem>>, vector<16xi32>,
      %swap3A_135 = arith.constant 832 : index
      %swap3A_136 = tpu.vector_load %arg5[%swap3A_135] {strides = array<i32>} : memref<8192xi32, #tpu.memory_space<vmem>>, vector<16xi32>,
      tpu.vector_store %arg5[%swap3A_135], %broadcast_in_dim3A_31 {strides = array<i32>} : memref<8192xi32, #tpu.memory_space<vmem>>, vector<16xi32>,
      %swap3A_137 = arith.constant 848 : index
      %swap3A_138 = tpu.vector_load %arg5[%swap3A_137] {strides = array<i32>} : memref<8192xi32, #tpu.memory_space<vmem>>, vector<16xi32>,
      tpu.vector_store %arg5[%swap3A_137], %broadcast_in_dim3A_31 {strides = array<i32>} : memref<8192xi32, #tpu.memory_space<vmem>>, vector<16xi32>,
      %swap3A_139 = arith.constant 864 : index
      %swap3A_140 = tpu.vector_load %arg5[%swap3A_139] {strides = array<i32>} : memref<8192xi32, #tpu.memory_space<vmem>>, vector<16xi32>,
      tpu.vector_store %arg5[%swap3A_139], %broadcast_in_dim3A_31 {strides = array<i32>} : memref<8192xi32, #tpu.memory_space<vmem>>, vector<16xi32>,
      %swap3A_141 = arith.constant 880 : index
      %swap3A_142 = tpu.vector_load %arg5[%swap3A_141] {strides = array<i32>} : memref<8192xi32, #tpu.memory_space<vmem>>, vector<16xi32>,
      tpu.vector_store %arg5[%swap3A_141], %broadcast_in_dim3A_31 {strides = array<i32>} : memref<8192xi32, #tpu.memory_space<vmem>>, vector<16xi32>,
      %swap3A_143 = arith.constant 896 : index
      %swap3A_144 = tpu.vector_load %arg5[%swap3A_143] {strides = array<i32>} : memref<8192xi32, #tpu.memory_space<vmem>>, vector<16xi32>,
      tpu.vector_store %arg5[%swap3A_143], %broadcast_in_dim3A_31 {strides = array<i32>} : memref<8192xi32, #tpu.memory_space<vmem>>, vector<16xi32>,
      %swap3A_145 = arith.constant 912 : index
      %swap3A_146 = tpu.vector_load %arg5[%swap3A_145] {strides = array<i32>} : memref<8192xi32, #tpu.memory_space<vmem>>, vector<16xi32>,
      tpu.vector_store %arg5[%swap3A_145], %broadcast_in_dim3A_31 {strides = array<i32>} : memref<8192xi32, #tpu.memory_space<vmem>>, vector<16xi32>,
      %swap3A_147 = arith.constant 928 : index
      %swap3A_148 = tpu.vector_load %arg5[%swap3A_147] {strides = array<i32>} : memref<8192xi32, #tpu.memory_space<vmem>>, vector<16xi32>,
      tpu.vector_store %arg5[%swap3A_147], %broadcast_in_dim3A_31 {strides = array<i32>} : memref<8192xi32, #tpu.memory_space<vmem>>, vector<16xi32>,
      %swap3A_149 = arith.constant 944 : index
      %swap3A_150 = tpu.vector_load %arg5[%swap3A_149] {strides = array<i32>} : memref<8192xi32, #tpu.memory_space<vmem>>, vector<16xi32>,
      tpu.vector_store %arg5[%swap3A_149], %broadcast_in_dim3A_31 {strides = array<i32>} : memref<8192xi32, #tpu.memory_space<vmem>>, vector<16xi32>,
      %swap3A_151 = arith.constant 960 : index
      %swap3A_152 = tpu.vector_load %arg5[%swap3A_151] {strides = array<i32>} : memref<8192xi32, #tpu.memory_space<vmem>>, vector<16xi32>,
      tpu.vector_store %arg5[%swap3A_151], %broadcast_in_dim3A_31 {strides = array<i32>} : memref<8192xi32, #tpu.memory_space<vmem>>, vector<16xi32>,
      %swap3A_153 = arith.constant 976 : index
      %swap3A_154 = tpu.vector_load %arg5[%swap3A_153] {strides = array<i32>} : memref<8192xi32, #tpu.memory_space<vmem>>, vector<16xi32>,
      tpu.vector_store %arg5[%swap3A_153], %broadcast_in_dim3A_31 {strides = array<i32>} : memref<8192xi32, #tpu.memory_space<vmem>>, vector<16xi32>,
      %swap3A_155 = arith.constant 992 : index
      %swap3A_156 = tpu.vector_load %arg5[%swap3A_155] {strides = array<i32>} : memref<8192xi32, #tpu.memory_space<vmem>>, vector<16xi32>,
      tpu.vector_store %arg5[%swap3A_155], %broadcast_in_dim3A_31 {strides = array<i32>} : memref<8192xi32, #tpu.memory_space<vmem>>, vector<16xi32>,
      %swap3A_157 = arith.constant 1008 : index
      %swap3A_158 = tpu.vector_load %arg5[%swap3A_157] {strides = array<i32>} : memref<8192xi32, #tpu.memory_space<vmem>>, vector<16xi32>,
      tpu.vector_store %arg5[%swap3A_157], %broadcast_in_dim3A_31 {strides = array<i32>} : memref<8192xi32, #tpu.memory_space<vmem>>, vector<16xi32>,
      %swap3A_159 = arith.constant 1024 : index
      %swap3A_160 = tpu.vector_load %arg5[%swap3A_159] {strides = array<i32>} : memref<8192xi32, #tpu.memory_space<vmem>>, vector<16xi32>,
      tpu.vector_store %arg5[%swap3A_159], %broadcast_in_dim3A_31 {strides = array<i32>} : memref<8192xi32, #tpu.memory_space<vmem>>, vector<16xi32>,
      %swap3A_161 = arith.constant 1040 : index
      %swap3A_162 = tpu.vector_load %arg5[%swap3A_161] {strides = array<i32>} : memref<8192xi32, #tpu.memory_space<vmem>>, vector<16xi32>,
      tpu.vector_store %arg5[%swap3A_161], %broadcast_in_dim3A_31 {strides = array<i32>} : memref<8192xi32, #tpu.memory_space<vmem>>, vector<16xi32>,
      %swap3A_163 = arith.constant 1056 : index
      %swap3A_164 = tpu.vector_load %arg5[%swap3A_163] {strides = array<i32>} : memref<8192xi32, #tpu.memory_space<vmem>>, vector<16xi32>,
      tpu.vector_store %arg5[%swap3A_163], %broadcast_in_dim3A_31 {strides = array<i32>} : memref<8192xi32, #tpu.memory_space<vmem>>, vector<16xi32>,
      %swap3A_165 = arith.constant 1072 : index
      %swap3A_166 = tpu.vector_load %arg5[%swap3A_165] {strides = array<i32>} : memref<8192xi32, #tpu.memory_space<vmem>>, vector<16xi32>,
      tpu.vector_store %arg5[%swap3A_165], %broadcast_in_dim3A_31 {strides = array<i32>} : memref<8192xi32, #tpu.memory_space<vmem>>, vector<16xi32>,
      %swap3A_167 = arith.constant 1088 : index
      %swap3A_168 = tpu.vector_load %arg5[%swap3A_167] {strides = array<i32>} : memref<8192xi32, #tpu.memory_space<vmem>>, vector<16xi32>,
      tpu.vector_store %arg5[%swap3A_167], %broadcast_in_dim3A_31 {strides = array<i32>} : memref<8192xi32, #tpu.memory_space<vmem>>, vector<16xi32>,
      %swap3A_169 = arith.constant 1104 : index
      %swap3A_170 = tpu.vector_load %arg5[%swap3A_169] {strides = array<i32>} : memref<8192xi32, #tpu.memory_space<vmem>>, vector<16xi32>,
      tpu.vector_store %arg5[%swap3A_169], %broadcast_in_dim3A_31 {strides = array<i32>} : memref<8192xi32, #tpu.memory_space<vmem>>, vector<16xi32>,
      %swap3A_171 = arith.constant 1120 : index
      %swap3A_172 = tpu.vector_load %arg5[%swap3A_171] {strides = array<i32>} : memref<8192xi32, #tpu.memory_space<vmem>>, vector<16xi32>,
      tpu.vector_store %arg5[%swap3A_171], %broadcast_in_dim3A_31 {strides = array<i32>} : memref<8192xi32, #tpu.memory_space<vmem>>, vector<16xi32>,
      %swap3A_173 = arith.constant 1136 : index
      %swap3A_174 = tpu.vector_load %arg5[%swap3A_173] {strides = array<i32>} : memref<8192xi32, #tpu.memory_space<vmem>>, vector<16xi32>,
      tpu.vector_store %arg5[%swap3A_173], %broadcast_in_dim3A_31 {strides = array<i32>} : memref<8192xi32, #tpu.memory_space<vmem>>, vector<16xi32>,
      %swap3A_175 = arith.constant 1152 : index
      %swap3A_176 = tpu.vector_load %arg5[%swap3A_175] {strides = array<i32>} : memref<8192xi32, #tpu.memory_space<vmem>>, vector<16xi32>,
      tpu.vector_store %arg5[%swap3A_175], %broadcast_in_dim3A_31 {strides = array<i32>} : memref<8192xi32, #tpu.memory_space<vmem>>, vector<16xi32>,
      %swap3A_177 = arith.constant 1168 : index
      %swap3A_178 = tpu.vector_load %arg5[%swap3A_177] {strides = array<i32>} : memref<8192xi32, #tpu.memory_space<vmem>>, vector<16xi32>,
      tpu.vector_store %arg5[%swap3A_177], %broadcast_in_dim3A_31 {strides = array<i32>} : memref<8192xi32, #tpu.memory_space<vmem>>, vector<16xi32>,
      %swap3A_179 = arith.constant 1184 : index
      %swap3A_180 = tpu.vector_load %arg5[%swap3A_179] {strides = array<i32>} : memref<8192xi32, #tpu.memory_space<vmem>>, vector<16xi32>,
      tpu.vector_store %arg5[%swap3A_179], %broadcast_in_dim3A_31 {strides = array<i32>} : memref<8192xi32, #tpu.memory_space<vmem>>, vector<16xi32>,
      %swap3A_181 = arith.constant 1200 : index
      %swap3A_182 = tpu.vector_load %arg5[%swap3A_181] {strides = array<i32>} : memref<8192xi32, #tpu.memory_space<vmem>>, vector<16xi32>,
      tpu.vector_store %arg5[%swap3A_181], %broadcast_in_dim3A_31 {strides = array<i32>} : memref<8192xi32, #tpu.memory_space<vmem>>, vector<16xi32>,
      %swap3A_183 = arith.constant 1216 : index
      %swap3A_184 = tpu.vector_load %arg5[%swap3A_183] {strides = array<i32>} : memref<8192xi32, #tpu.memory_space<vmem>>, vector<16xi32>,
      tpu.vector_store %arg5[%swap3A_183], %broadcast_in_dim3A_31 {strides = array<i32>} : memref<8192xi32, #tpu.memory_space<vmem>>, vector<16xi32>,
      %swap3A_185 = arith.constant 1232 : index
      %swap3A_186 = tpu.vector_load %arg5[%swap3A_185] {strides = array<i32>} : memref<8192xi32, #tpu.memory_space<vmem>>, vector<16xi32>,
      tpu.vector_store %arg5[%swap3A_185], %broadcast_in_dim3A_31 {strides = array<i32>} : memref<8192xi32, #tpu.memory_space<vmem>>, vector<16xi32>,
      %swap3A_187 = arith.constant 1248 : index
      %swap3A_188 = tpu.vector_load %arg5[%swap3A_187] {strides = array<i32>} : memref<8192xi32, #tpu.memory_space<vmem>>, vector<16xi32>,
      tpu.vector_store %arg5[%swap3A_187], %broadcast_in_dim3A_31 {strides = array<i32>} : memref<8192xi32, #tpu.memory_space<vmem>>, vector<16xi32>,
      %swap3A_189 = arith.constant 1264 : index
      %swap3A_190 = tpu.vector_load %arg5[%swap3A_189] {strides = array<i32>} : memref<8192xi32, #tpu.memory_space<vmem>>, vector<16xi32>,
      tpu.vector_store %arg5[%swap3A_189], %broadcast_in_dim3A_31 {strides = array<i32>} : memref<8192xi32, #tpu.memory_space<vmem>>, vector<16xi32>,
      %swap3A_191 = arith.constant 1280 : index
      %swap3A_192 = tpu.vector_load %arg5[%swap3A_191] {strides = array<i32>} : memref<8192xi32, #tpu.memory_space<vmem>>, vector<16xi32>,
      tpu.vector_store %arg5[%swap3A_191], %broadcast_in_dim3A_31 {strides = array<i32>} : memref<8192xi32, #tpu.memory_space<vmem>>, vector<16xi32>,
      %swap3A_193 = arith.constant 1296 : index
      %swap3A_194 = tpu.vector_load %arg5[%swap3A_193] {strides = array<i32>} : memref<8192xi32, #tpu.memory_space<vmem>>, vector<16xi32>,
      tpu.vector_store %arg5[%swap3A_193], %broadcast_in_dim3A_31 {strides = array<i32>} : memref<8192xi32, #tpu.memory_space<vmem>>, vector<16xi32>,
      %swap3A_195 = arith.constant 1312 : index
      %swap3A_196 = tpu.vector_load %arg5[%swap3A_195] {strides = array<i32>} : memref<8192xi32, #tpu.memory_space<vmem>>, vector<16xi32>,
      tpu.vector_store %arg5[%swap3A_195], %broadcast_in_dim3A_31 {strides = array<i32>} : memref<8192xi32, #tpu.memory_space<vmem>>, vector<16xi32>,
      %swap3A_197 = arith.constant 1328 : index
      %swap3A_198 = tpu.vector_load %arg5[%swap3A_197] {strides = array<i32>} : memref<8192xi32, #tpu.memory_space<vmem>>, vector<16xi32>,
      tpu.vector_store %arg5[%swap3A_197], %broadcast_in_dim3A_31 {strides = array<i32>} : memref<8192xi32, #tpu.memory_space<vmem>>, vector<16xi32>,
      %swap3A_199 = arith.constant 1344 : index
      %swap3A_200 = tpu.vector_load %arg5[%swap3A_199] {strides = array<i32>} : memref<8192xi32, #tpu.memory_space<vmem>>, vector<16xi32>,
      tpu.vector_store %arg5[%swap3A_199], %broadcast_in_dim3A_31 {strides = array<i32>} : memref<8192xi32, #tpu.memory_space<vmem>>, vector<16xi32>,
      %swap3A_201 = arith.constant 1360 : index
      %swap3A_202 = tpu.vector_load %arg5[%swap3A_201] {strides = array<i32>} : memref<8192xi32, #tpu.memory_space<vmem>>, vector<16xi32>,
      tpu.vector_store %arg5[%swap3A_201], %broadcast_in_dim3A_31 {strides = array<i32>} : memref<8192xi32, #tpu.memory_space<vmem>>, vector<16xi32>,
      %swap3A_203 = arith.constant 1376 : index
      %swap3A_204 = tpu.vector_load %arg5[%swap3A_203] {strides = array<i32>} : memref<8192xi32, #tpu.memory_space<vmem>>, vector<16xi32>,
      tpu.vector_store %arg5[%swap3A_203], %broadcast_in_dim3A_31 {strides = array<i32>} : memref<8192xi32, #tpu.memory_space<vmem>>, vector<16xi32>,
      %swap3A_205 = arith.constant 1392 : index
      %swap3A_206 = tpu.vector_load %arg5[%swap3A_205] {strides = array<i32>} : memref<8192xi32, #tpu.memory_space<vmem>>, vector<16xi32>,
      tpu.vector_store %arg5[%swap3A_205], %broadcast_in_dim3A_31 {strides = array<i32>} : memref<8192xi32, #tpu.memory_space<vmem>>, vector<16xi32>,
      %swap3A_207 = arith.constant 1408 : index
      %swap3A_208 = tpu.vector_load %arg5[%swap3A_207] {strides = array<i32>} : memref<8192xi32, #tpu.memory_space<vmem>>, vector<16xi32>,
      tpu.vector_store %arg5[%swap3A_207], %broadcast_in_dim3A_31 {strides = array<i32>} : memref<8192xi32, #tpu.memory_space<vmem>>, vector<16xi32>,
      %swap3A_209 = arith.constant 1424 : index
      %swap3A_210 = tpu.vector_load %arg5[%swap3A_209] {strides = array<i32>} : memref<8192xi32, #tpu.memory_space<vmem>>, vector<16xi32>,
      tpu.vector_store %arg5[%swap3A_209], %broadcast_in_dim3A_31 {strides = array<i32>} : memref<8192xi32, #tpu.memory_space<vmem>>, vector<16xi32>,
      %swap3A_211 = arith.constant 1440 : index
      %swap3A_212 = tpu.vector_load %arg5[%swap3A_211] {strides = array<i32>} : memref<8192xi32, #tpu.memory_space<vmem>>, vector<16xi32>,
      tpu.vector_store %arg5[%swap3A_211], %broadcast_in_dim3A_31 {strides = array<i32>} : memref<8192xi32, #tpu.memory_space<vmem>>, vector<16xi32>,
      %swap3A_213 = arith.constant 1456 : index
      %swap3A_214 = tpu.vector_load %arg5[%swap3A_213] {strides = array<i32>} : memref<8192xi32, #tpu.memory_space<vmem>>, vector<16xi32>,
      tpu.vector_store %arg5[%swap3A_213], %broadcast_in_dim3A_31 {strides = array<i32>} : memref<8192xi32, #tpu.memory_space<vmem>>, vector<16xi32>,
      %swap3A_215 = arith.constant 1472 : index
      %swap3A_216 = tpu.vector_load %arg5[%swap3A_215] {strides = array<i32>} : memref<8192xi32, #tpu.memory_space<vmem>>, vector<16xi32>,
      tpu.vector_store %arg5[%swap3A_215], %broadcast_in_dim3A_31 {strides = array<i32>} : memref<8192xi32, #tpu.memory_space<vmem>>, vector<16xi32>,
      %swap3A_217 = arith.constant 1488 : index
      %swap3A_218 = tpu.vector_load %arg5[%swap3A_217] {strides = array<i32>} : memref<8192xi32, #tpu.memory_space<vmem>>, vector<16xi32>,
      tpu.vector_store %arg5[%swap3A_217], %broadcast_in_dim3A_31 {strides = array<i32>} : memref<8192xi32, #tpu.memory_space<vmem>>, vector<16xi32>,
      %swap3A_219 = arith.constant 1504 : index
      %swap3A_220 = tpu.vector_load %arg5[%swap3A_219] {strides = array<i32>} : memref<8192xi32, #tpu.memory_space<vmem>>, vector<16xi32>,
      tpu.vector_store %arg5[%swap3A_219], %broadcast_in_dim3A_31 {strides = array<i32>} : memref<8192xi32, #tpu.memory_space<vmem>>, vector<16xi32>,
      %swap3A_221 = arith.constant 1520 : index
      %swap3A_222 = tpu.vector_load %arg5[%swap3A_221] {strides = array<i32>} : memref<8192xi32, #tpu.memory_space<vmem>>, vector<16xi32>,
      tpu.vector_store %arg5[%swap3A_221], %broadcast_in_dim3A_31 {strides = array<i32>} : memref<8192xi32, #tpu.memory_space<vmem>>, vector<16xi32>,
      %swap3A_223 = arith.constant 1536 : index
      %swap3A_224 = tpu.vector_load %arg5[%swap3A_223] {strides = array<i32>} : memref<8192xi32, #tpu.memory_space<vmem>>, vector<16xi32>,
      tpu.vector_store %arg5[%swap3A_223], %broadcast_in_dim3A_31 {strides = array<i32>} : memref<8192xi32, #tpu.memory_space<vmem>>, vector<16xi32>,
      %swap3A_225 = arith.constant 1552 : index
      %swap3A_226 = tpu.vector_load %arg5[%swap3A_225] {strides = array<i32>} : memref<8192xi32, #tpu.memory_space<vmem>>, vector<16xi32>,
      tpu.vector_store %arg5[%swap3A_225], %broadcast_in_dim3A_31 {strides = array<i32>} : memref<8192xi32, #tpu.memory_space<vmem>>, vector<16xi32>,
      %swap3A_227 = arith.constant 1568 : index
      %swap3A_228 = tpu.vector_load %arg5[%swap3A_227] {strides = array<i32>} : memref<8192xi32, #tpu.memory_space<vmem>>, vector<16xi32>,
      tpu.vector_store %arg5[%swap3A_227], %broadcast_in_dim3A_31 {strides = array<i32>} : memref<8192xi32, #tpu.memory_space<vmem>>, vector<16xi32>,
      %swap3A_229 = arith.constant 1584 : index
      %swap3A_230 = tpu.vector_load %arg5[%swap3A_229] {strides = array<i32>} : memref<8192xi32, #tpu.memory_space<vmem>>, vector<16xi32>,
      tpu.vector_store %arg5[%swap3A_229], %broadcast_in_dim3A_31 {strides = array<i32>} : memref<8192xi32, #tpu.memory_space<vmem>>, vector<16xi32>,
      %swap3A_231 = arith.constant 1600 : index
      %swap3A_232 = tpu.vector_load %arg5[%swap3A_231] {strides = array<i32>} : memref<8192xi32, #tpu.memory_space<vmem>>, vector<16xi32>,
      tpu.vector_store %arg5[%swap3A_231], %broadcast_in_dim3A_31 {strides = array<i32>} : memref<8192xi32, #tpu.memory_space<vmem>>, vector<16xi32>,
      %swap3A_233 = arith.constant 1616 : index
      %swap3A_234 = tpu.vector_load %arg5[%swap3A_233] {strides = array<i32>} : memref<8192xi32, #tpu.memory_space<vmem>>, vector<16xi32>,
      tpu.vector_store %arg5[%swap3A_233], %broadcast_in_dim3A_31 {strides = array<i32>} : memref<8192xi32, #tpu.memory_space<vmem>>, vector<16xi32>,
      %swap3A_235 = arith.constant 1632 : index
      %swap3A_236 = tpu.vector_load %arg5[%swap3A_235] {strides = array<i32>} : memref<8192xi32, #tpu.memory_space<vmem>>, vector<16xi32>,
      tpu.vector_store %arg5[%swap3A_235], %broadcast_in_dim3A_31 {strides = array<i32>} : memref<8192xi32, #tpu.memory_space<vmem>>, vector<16xi32>,
      %swap3A_237 = arith.constant 1648 : index
      %swap3A_238 = tpu.vector_load %arg5[%swap3A_237] {strides = array<i32>} : memref<8192xi32, #tpu.memory_space<vmem>>, vector<16xi32>,
      tpu.vector_store %arg5[%swap3A_237], %broadcast_in_dim3A_31 {strides = array<i32>} : memref<8192xi32, #tpu.memory_space<vmem>>, vector<16xi32>,
      %swap3A_239 = arith.constant 1664 : index
      %swap3A_240 = tpu.vector_load %arg5[%swap3A_239] {strides = array<i32>} : memref<8192xi32, #tpu.memory_space<vmem>>, vector<16xi32>,
      tpu.vector_store %arg5[%swap3A_239], %broadcast_in_dim3A_31 {strides = array<i32>} : memref<8192xi32, #tpu.memory_space<vmem>>, vector<16xi32>,
      %swap3A_241 = arith.constant 1680 : index
      %swap3A_242 = tpu.vector_load %arg5[%swap3A_241] {strides = array<i32>} : memref<8192xi32, #tpu.memory_space<vmem>>, vector<16xi32>,
      tpu.vector_store %arg5[%swap3A_241], %broadcast_in_dim3A_31 {strides = array<i32>} : memref<8192xi32, #tpu.memory_space<vmem>>, vector<16xi32>,
      %swap3A_243 = arith.constant 1696 : index
      %swap3A_244 = tpu.vector_load %arg5[%swap3A_243] {strides = array<i32>} : memref<8192xi32, #tpu.memory_space<vmem>>, vector<16xi32>,
      tpu.vector_store %arg5[%swap3A_243], %broadcast_in_dim3A_31 {strides = array<i32>} : memref<8192xi32, #tpu.memory_space<vmem>>, vector<16xi32>,
      %swap3A_245 = arith.constant 1712 : index
      %swap3A_246 = tpu.vector_load %arg5[%swap3A_245] {strides = array<i32>} : memref<8192xi32, #tpu.memory_space<vmem>>, vector<16xi32>,
      tpu.vector_store %arg5[%swap3A_245], %broadcast_in_dim3A_31 {strides = array<i32>} : memref<8192xi32, #tpu.memory_space<vmem>>, vector<16xi32>,
      %swap3A_247 = arith.constant 1728 : index
      %swap3A_248 = tpu.vector_load %arg5[%swap3A_247] {strides = array<i32>} : memref<8192xi32, #tpu.memory_space<vmem>>, vector<16xi32>,
      tpu.vector_store %arg5[%swap3A_247], %broadcast_in_dim3A_31 {strides = array<i32>} : memref<8192xi32, #tpu.memory_space<vmem>>, vector<16xi32>,
      %swap3A_249 = arith.constant 1744 : index
      %swap3A_250 = tpu.vector_load %arg5[%swap3A_249] {strides = array<i32>} : memref<8192xi32, #tpu.memory_space<vmem>>, vector<16xi32>,
      tpu.vector_store %arg5[%swap3A_249], %broadcast_in_dim3A_31 {strides = array<i32>} : memref<8192xi32, #tpu.memory_space<vmem>>, vector<16xi32>,
      %swap3A_251 = arith.constant 1760 : index
      %swap3A_252 = tpu.vector_load %arg5[%swap3A_251] {strides = array<i32>} : memref<8192xi32, #tpu.memory_space<vmem>>, vector<16xi32>,
      tpu.vector_store %arg5[%swap3A_251], %broadcast_in_dim3A_31 {strides = array<i32>} : memref<8192xi32, #tpu.memory_space<vmem>>, vector<16xi32>,
      %swap3A_253 = arith.constant 1776 : index
      %swap3A_254 = tpu.vector_load %arg5[%swap3A_253] {strides = array<i32>} : memref<8192xi32, #tpu.memory_space<vmem>>, vector<16xi32>,
      tpu.vector_store %arg5[%swap3A_253], %broadcast_in_dim3A_31 {strides = array<i32>} : memref<8192xi32, #tpu.memory_space<vmem>>, vector<16xi32>,
      %swap3A_255 = arith.constant 1792 : index
      %swap3A_256 = tpu.vector_load %arg5[%swap3A_255] {strides = array<i32>} : memref<8192xi32, #tpu.memory_space<vmem>>, vector<16xi32>,
      tpu.vector_store %arg5[%swap3A_255], %broadcast_in_dim3A_31 {strides = array<i32>} : memref<8192xi32, #tpu.memory_space<vmem>>, vector<16xi32>,
      %swap3A_257 = arith.constant 1808 : index
      %swap3A_258 = tpu.vector_load %arg5[%swap3A_257] {strides = array<i32>} : memref<8192xi32, #tpu.memory_space<vmem>>, vector<16xi32>,
      tpu.vector_store %arg5[%swap3A_257], %broadcast_in_dim3A_31 {strides = array<i32>} : memref<8192xi32, #tpu.memory_space<vmem>>, vector<16xi32>,
      %swap3A_259 = arith.constant 1824 : index
      %swap3A_260 = tpu.vector_load %arg5[%swap3A_259] {strides = array<i32>} : memref<8192xi32, #tpu.memory_space<vmem>>, vector<16xi32>,
      tpu.vector_store %arg5[%swap3A_259], %broadcast_in_dim3A_31 {strides = array<i32>} : memref<8192xi32, #tpu.memory_space<vmem>>, vector<16xi32>,
      %swap3A_261 = arith.constant 1840 : index
      %swap3A_262 = tpu.vector_load %arg5[%swap3A_261] {strides = array<i32>} : memref<8192xi32, #tpu.memory_space<vmem>>, vector<16xi32>,
      tpu.vector_store %arg5[%swap3A_261], %broadcast_in_dim3A_31 {strides = array<i32>} : memref<8192xi32, #tpu.memory_space<vmem>>, vector<16xi32>,
      %swap3A_263 = arith.constant 1856 : index
      %swap3A_264 = tpu.vector_load %arg5[%swap3A_263] {strides = array<i32>} : memref<8192xi32, #tpu.memory_space<vmem>>, vector<16xi32>,
      tpu.vector_store %arg5[%swap3A_263], %broadcast_in_dim3A_31 {strides = array<i32>} : memref<8192xi32, #tpu.memory_space<vmem>>, vector<16xi32>,
      %swap3A_265 = arith.constant 1872 : index
      %swap3A_266 = tpu.vector_load %arg5[%swap3A_265] {strides = array<i32>} : memref<8192xi32, #tpu.memory_space<vmem>>, vector<16xi32>,
      tpu.vector_store %arg5[%swap3A_265], %broadcast_in_dim3A_31 {strides = array<i32>} : memref<8192xi32, #tpu.memory_space<vmem>>, vector<16xi32>,
      %swap3A_267 = arith.constant 1888 : index
      %swap3A_268 = tpu.vector_load %arg5[%swap3A_267] {strides = array<i32>} : memref<8192xi32, #tpu.memory_space<vmem>>, vector<16xi32>,
      tpu.vector_store %arg5[%swap3A_267], %broadcast_in_dim3A_31 {strides = array<i32>} : memref<8192xi32, #tpu.memory_space<vmem>>, vector<16xi32>,
      %swap3A_269 = arith.constant 1904 : index
      %swap3A_270 = tpu.vector_load %arg5[%swap3A_269] {strides = array<i32>} : memref<8192xi32, #tpu.memory_space<vmem>>, vector<16xi32>,
      tpu.vector_store %arg5[%swap3A_269], %broadcast_in_dim3A_31 {strides = array<i32>} : memref<8192xi32, #tpu.memory_space<vmem>>, vector<16xi32>,
      %swap3A_271 = arith.constant 1920 : index
      %swap3A_272 = tpu.vector_load %arg5[%swap3A_271] {strides = array<i32>} : memref<8192xi32, #tpu.memory_space<vmem>>, vector<16xi32>,
      tpu.vector_store %arg5[%swap3A_271], %broadcast_in_dim3A_31 {strides = array<i32>} : memref<8192xi32, #tpu.memory_space<vmem>>, vector<16xi32>,
      %swap3A_273 = arith.constant 1936 : index
      %swap3A_274 = tpu.vector_load %arg5[%swap3A_273] {strides = array<i32>} : memref<8192xi32, #tpu.memory_space<vmem>>, vector<16xi32>,
      tpu.vector_store %arg5[%swap3A_273], %broadcast_in_dim3A_31 {strides = array<i32>} : memref<8192xi32, #tpu.memory_space<vmem>>, vector<16xi32>,
      %swap3A_275 = arith.constant 1952 : index
      %swap3A_276 = tpu.vector_load %arg5[%swap3A_275] {strides = array<i32>} : memref<8192xi32, #tpu.memory_space<vmem>>, vector<16xi32>,
      tpu.vector_store %arg5[%swap3A_275], %broadcast_in_dim3A_31 {strides = array<i32>} : memref<8192xi32, #tpu.memory_space<vmem>>, vector<16xi32>,
      %swap3A_277 = arith.constant 1968 : index
      %swap3A_278 = tpu.vector_load %arg5[%swap3A_277] {strides = array<i32>} : memref<8192xi32, #tpu.memory_space<vmem>>, vector<16xi32>,
      tpu.vector_store %arg5[%swap3A_277], %broadcast_in_dim3A_31 {strides = array<i32>} : memref<8192xi32, #tpu.memory_space<vmem>>, vector<16xi32>,
      %swap3A_279 = arith.constant 1984 : index
      %swap3A_280 = tpu.vector_load %arg5[%swap3A_279] {strides = array<i32>} : memref<8192xi32, #tpu.memory_space<vmem>>, vector<16xi32>,
      tpu.vector_store %arg5[%swap3A_279], %broadcast_in_dim3A_31 {strides = array<i32>} : memref<8192xi32, #tpu.memory_space<vmem>>, vector<16xi32>,
      %swap3A_281 = arith.constant 2000 : index
      %swap3A_282 = tpu.vector_load %arg5[%swap3A_281] {strides = array<i32>} : memref<8192xi32, #tpu.memory_space<vmem>>, vector<16xi32>,
      tpu.vector_store %arg5[%swap3A_281], %broadcast_in_dim3A_31 {strides = array<i32>} : memref<8192xi32, #tpu.memory_space<vmem>>, vector<16xi32>,
      %swap3A_283 = arith.constant 2016 : index
      %swap3A_284 = tpu.vector_load %arg5[%swap3A_283] {strides = array<i32>} : memref<8192xi32, #tpu.memory_space<vmem>>, vector<16xi32>,
      tpu.vector_store %arg5[%swap3A_283], %broadcast_in_dim3A_31 {strides = array<i32>} : memref<8192xi32, #tpu.memory_space<vmem>>, vector<16xi32>,
      %swap3A_285 = arith.constant 2032 : index
      %swap3A_286 = tpu.vector_load %arg5[%swap3A_285] {strides = array<i32>} : memref<8192xi32, #tpu.memory_space<vmem>>, vector<16xi32>,
      tpu.vector_store %arg5[%swap3A_285], %broadcast_in_dim3A_31 {strides = array<i32>} : memref<8192xi32, #tpu.memory_space<vmem>>, vector<16xi32>,
      %parallel_loop3A = arith.constant 0 : i32
      %parallel_loop3A_287 = arith.constant 6250 : i32
      %parallel_loop3A_288 = arith.constant 1 : i32
      scf.for %parallel_loop3A_2145 = %parallel_loop3A to %parallel_loop3A_287 step %parallel_loop3A_288  : i32 {
        %parallel_loop3A_2146 = arith.constant 16 : i32
        %parallel_loop3A_2147 = arith.muli %parallel_loop3A_2145, %parallel_loop3A_2146 : i32
        %parallel_loop3A_2148 = arith.index_cast %parallel_loop3A_2147 : i32 to index
        %parallel_loop3A_2149 = tpu.vector_load %arg4[%parallel_loop3A_2148] {strides = array<i32>} : memref<100000xf32, #tpu.memory_space<vmem>>, vector<16xf32>,
        %parallel_loop3A_2150 = vector.bitcast %parallel_loop3A_2149 : vector<16xf32> to vector<16xi32>
        %parallel_loop3A_2151 = arith.constant 31 : i32
        %parallel_loop3A_2152 = vector.broadcast %parallel_loop3A_2151 : i32 to vector<16xi32>
        %parallel_loop3A_2153 = arith.shrsi %parallel_loop3A_2150, %parallel_loop3A_2152 : vector<16xi32>
        %parallel_loop3A_2154 = arith.constant -2147483648 : i32
        %parallel_loop3A_2155 = vector.broadcast %parallel_loop3A_2154 : i32 to vector<16xi32>
        %parallel_loop3A_2156 = arith.ori %parallel_loop3A_2153, %parallel_loop3A_2155 : vector<16xi32>
        %parallel_loop3A_2157 = arith.xori %parallel_loop3A_2150, %parallel_loop3A_2156 : vector<16xi32>
        %parallel_loop3A_2158 = arith.constant 21 : i32
        %parallel_loop3A_2159 = vector.broadcast %parallel_loop3A_2158 : i32 to vector<16xi32>
        %parallel_loop3A_2160 = arith.shrui %parallel_loop3A_2157, %parallel_loop3A_2159 : vector<16xi32>
        tpu.vector_store_idx %arg5[%parallel_loop3A_2160], %broadcast_in_dim3A_1 {add = true} : memref<8192xi32, #tpu.memory_space<vmem>>[vector<16xi32>], vector<16xi32>,
      } {sc.loop_unroll_factor = 5 : i64, sc.parallel_access}
      %broadcast_in_dim3A_289 = arith.constant 0 : i32
      %broadcast_in_dim3A_290 = vector.broadcast %broadcast_in_dim3A_289 : i32 to vector<16xi32>
      %scan3A_291 = arith.constant 0 : i32
      %scan3A_292 = arith.constant 8 : i32
      %scan3A_293 = arith.addi %scan3A_291, %scan3A_292 : i32
      %scan3A_294 = arith.constant 1 : i32
      %scan3A_295 = scf.for %scan3A_2145 = %scan3A_291 to %scan3A_293 step %scan3A_294 iter_args(%scan3A_2146 = %broadcast_in_dim3A_290) -> (vector<16xi32>)  : i32 {
        %broadcast_in_dim3A_2147 = arith.constant 0 : i32
        %broadcast_in_dim3A_2148 = vector.broadcast %broadcast_in_dim3A_2147 : i32 to vector<16xi32>
        %mul3A_2149 = arith.constant 256 : i32
        %mul3A_2150 = arith.muli %scan3A_2145, %mul3A_2149 : i32
        %add3A_2151 = arith.constant 0 : i32
        %add3A_2152 = arith.addi %add3A_2151, %mul3A_2150 : i32
        %add3A_2153 = arith.constant 0 : i32
        %add3A_2154 = arith.addi %add3A_2152, %add3A_2153 : i32
        %get3A_2155 = arith.index_cast %add3A_2154 : i32 to index
        %get3A_2156 = tpu.vector_load %arg5[%get3A_2155] {strides = array<i32>} : memref<8192xi32, #tpu.memory_space<vmem>>, vector<16xi32>,
        %add3A_2157 = arith.addi %broadcast_in_dim3A_2148, %get3A_2156 : vector<16xi32>
        %mul3A_2158 = arith.constant 256 : i32
        %mul3A_2159 = arith.muli %scan3A_2145, %mul3A_2158 : i32
        %add3A_2160 = arith.constant 0 : i32
        %add3A_2161 = arith.addi %add3A_2160, %mul3A_2159 : i32
        %add3A_2162 = arith.constant 16 : i32
        %add3A_2163 = arith.addi %add3A_2161, %add3A_2162 : i32
        %get3A_2164 = arith.index_cast %add3A_2163 : i32 to index
        %get3A_2165 = tpu.vector_load %arg5[%get3A_2164] {strides = array<i32>} : memref<8192xi32, #tpu.memory_space<vmem>>, vector<16xi32>,
        %add3A_2166 = arith.addi %add3A_2157, %get3A_2165 : vector<16xi32>
        %mul3A_2167 = arith.constant 256 : i32
        %mul3A_2168 = arith.muli %scan3A_2145, %mul3A_2167 : i32
        %add3A_2169 = arith.constant 0 : i32
        %add3A_2170 = arith.addi %add3A_2169, %mul3A_2168 : i32
        %add3A_2171 = arith.constant 32 : i32
        %add3A_2172 = arith.addi %add3A_2170, %add3A_2171 : i32
        %get3A_2173 = arith.index_cast %add3A_2172 : i32 to index
        %get3A_2174 = tpu.vector_load %arg5[%get3A_2173] {strides = array<i32>} : memref<8192xi32, #tpu.memory_space<vmem>>, vector<16xi32>,
        %add3A_2175 = arith.addi %add3A_2166, %get3A_2174 : vector<16xi32>
        %mul3A_2176 = arith.constant 256 : i32
        %mul3A_2177 = arith.muli %scan3A_2145, %mul3A_2176 : i32
        %add3A_2178 = arith.constant 0 : i32
        %add3A_2179 = arith.addi %add3A_2178, %mul3A_2177 : i32
        %add3A_2180 = arith.constant 48 : i32
        %add3A_2181 = arith.addi %add3A_2179, %add3A_2180 : i32
        %get3A_2182 = arith.index_cast %add3A_2181 : i32 to index
        %get3A_2183 = tpu.vector_load %arg5[%get3A_2182] {strides = array<i32>} : memref<8192xi32, #tpu.memory_space<vmem>>, vector<16xi32>,
        %add3A_2184 = arith.addi %add3A_2175, %get3A_2183 : vector<16xi32>
        %mul3A_2185 = arith.constant 256 : i32
        %mul3A_2186 = arith.muli %scan3A_2145, %mul3A_2185 : i32
        %add3A_2187 = arith.constant 0 : i32
        %add3A_2188 = arith.addi %add3A_2187, %mul3A_2186 : i32
        %add3A_2189 = arith.constant 64 : i32
        %add3A_2190 = arith.addi %add3A_2188, %add3A_2189 : i32
        %get3A_2191 = arith.index_cast %add3A_2190 : i32 to index
        %get3A_2192 = tpu.vector_load %arg5[%get3A_2191] {strides = array<i32>} : memref<8192xi32, #tpu.memory_space<vmem>>, vector<16xi32>,
        %add3A_2193 = arith.addi %add3A_2184, %get3A_2192 : vector<16xi32>
        %mul3A_2194 = arith.constant 256 : i32
        %mul3A_2195 = arith.muli %scan3A_2145, %mul3A_2194 : i32
        %add3A_2196 = arith.constant 0 : i32
        %add3A_2197 = arith.addi %add3A_2196, %mul3A_2195 : i32
        %add3A_2198 = arith.constant 80 : i32
        %add3A_2199 = arith.addi %add3A_2197, %add3A_2198 : i32
        %get3A_2200 = arith.index_cast %add3A_2199 : i32 to index
        %get3A_2201 = tpu.vector_load %arg5[%get3A_2200] {strides = array<i32>} : memref<8192xi32, #tpu.memory_space<vmem>>, vector<16xi32>,
        %add3A_2202 = arith.addi %add3A_2193, %get3A_2201 : vector<16xi32>
        %mul3A_2203 = arith.constant 256 : i32
        %mul3A_2204 = arith.muli %scan3A_2145, %mul3A_2203 : i32
        %add3A_2205 = arith.constant 0 : i32
        %add3A_2206 = arith.addi %add3A_2205, %mul3A_2204 : i32
        %add3A_2207 = arith.constant 96 : i32
        %add3A_2208 = arith.addi %add3A_2206, %add3A_2207 : i32
        %get3A_2209 = arith.index_cast %add3A_2208 : i32 to index
        %get3A_2210 = tpu.vector_load %arg5[%get3A_2209] {strides = array<i32>} : memref<8192xi32, #tpu.memory_space<vmem>>, vector<16xi32>,
        %add3A_2211 = arith.addi %add3A_2202, %get3A_2210 : vector<16xi32>
        %mul3A_2212 = arith.constant 256 : i32
        %mul3A_2213 = arith.muli %scan3A_2145, %mul3A_2212 : i32
        %add3A_2214 = arith.constant 0 : i32
        %add3A_2215 = arith.addi %add3A_2214, %mul3A_2213 : i32
        %add3A_2216 = arith.constant 112 : i32
        %add3A_2217 = arith.addi %add3A_2215, %add3A_2216 : i32
        %get3A_2218 = arith.index_cast %add3A_2217 : i32 to index
        %get3A_2219 = tpu.vector_load %arg5[%get3A_2218] {strides = array<i32>} : memref<8192xi32, #tpu.memory_space<vmem>>, vector<16xi32>,
        %add3A_2220 = arith.addi %add3A_2211, %get3A_2219 : vector<16xi32>
        %mul3A_2221 = arith.constant 256 : i32
        %mul3A_2222 = arith.muli %scan3A_2145, %mul3A_2221 : i32
        %add3A_2223 = arith.constant 0 : i32
        %add3A_2224 = arith.addi %add3A_2223, %mul3A_2222 : i32
        %add3A_2225 = arith.constant 128 : i32
        %add3A_2226 = arith.addi %add3A_2224, %add3A_2225 : i32
        %get3A_2227 = arith.index_cast %add3A_2226 : i32 to index
        %get3A_2228 = tpu.vector_load %arg5[%get3A_2227] {strides = array<i32>} : memref<8192xi32, #tpu.memory_space<vmem>>, vector<16xi32>,
        %add3A_2229 = arith.addi %add3A_2220, %get3A_2228 : vector<16xi32>
        %mul3A_2230 = arith.constant 256 : i32
        %mul3A_2231 = arith.muli %scan3A_2145, %mul3A_2230 : i32
        %add3A_2232 = arith.constant 0 : i32
        %add3A_2233 = arith.addi %add3A_2232, %mul3A_2231 : i32
        %add3A_2234 = arith.constant 144 : i32
        %add3A_2235 = arith.addi %add3A_2233, %add3A_2234 : i32
        %get3A_2236 = arith.index_cast %add3A_2235 : i32 to index
        %get3A_2237 = tpu.vector_load %arg5[%get3A_2236] {strides = array<i32>} : memref<8192xi32, #tpu.memory_space<vmem>>, vector<16xi32>,
        %add3A_2238 = arith.addi %add3A_2229, %get3A_2237 : vector<16xi32>
        %mul3A_2239 = arith.constant 256 : i32
        %mul3A_2240 = arith.muli %scan3A_2145, %mul3A_2239 : i32
        %add3A_2241 = arith.constant 0 : i32
        %add3A_2242 = arith.addi %add3A_2241, %mul3A_2240 : i32
        %add3A_2243 = arith.constant 160 : i32
        %add3A_2244 = arith.addi %add3A_2242, %add3A_2243 : i32
        %get3A_2245 = arith.index_cast %add3A_2244 : i32 to index
        %get3A_2246 = tpu.vector_load %arg5[%get3A_2245] {strides = array<i32>} : memref<8192xi32, #tpu.memory_space<vmem>>, vector<16xi32>,
        %add3A_2247 = arith.addi %add3A_2238, %get3A_2246 : vector<16xi32>
        %mul3A_2248 = arith.constant 256 : i32
        %mul3A_2249 = arith.muli %scan3A_2145, %mul3A_2248 : i32
        %add3A_2250 = arith.constant 0 : i32
        %add3A_2251 = arith.addi %add3A_2250, %mul3A_2249 : i32
        %add3A_2252 = arith.constant 176 : i32
        %add3A_2253 = arith.addi %add3A_2251, %add3A_2252 : i32
        %get3A_2254 = arith.index_cast %add3A_2253 : i32 to index
        %get3A_2255 = tpu.vector_load %arg5[%get3A_2254] {strides = array<i32>} : memref<8192xi32, #tpu.memory_space<vmem>>, vector<16xi32>,
        %add3A_2256 = arith.addi %add3A_2247, %get3A_2255 : vector<16xi32>
        %mul3A_2257 = arith.constant 256 : i32
        %mul3A_2258 = arith.muli %scan3A_2145, %mul3A_2257 : i32
        %add3A_2259 = arith.constant 0 : i32
        %add3A_2260 = arith.addi %add3A_2259, %mul3A_2258 : i32
        %add3A_2261 = arith.constant 192 : i32
        %add3A_2262 = arith.addi %add3A_2260, %add3A_2261 : i32
        %get3A_2263 = arith.index_cast %add3A_2262 : i32 to index
        %get3A_2264 = tpu.vector_load %arg5[%get3A_2263] {strides = array<i32>} : memref<8192xi32, #tpu.memory_space<vmem>>, vector<16xi32>,
        %add3A_2265 = arith.addi %add3A_2256, %get3A_2264 : vector<16xi32>
        %mul3A_2266 = arith.constant 256 : i32
        %mul3A_2267 = arith.muli %scan3A_2145, %mul3A_2266 : i32
        %add3A_2268 = arith.constant 0 : i32
        %add3A_2269 = arith.addi %add3A_2268, %mul3A_2267 : i32
        %add3A_2270 = arith.constant 208 : i32
        %add3A_2271 = arith.addi %add3A_2269, %add3A_2270 : i32
        %get3A_2272 = arith.index_cast %add3A_2271 : i32 to index
        %get3A_2273 = tpu.vector_load %arg5[%get3A_2272] {strides = array<i32>} : memref<8192xi32, #tpu.memory_space<vmem>>, vector<16xi32>,
        %add3A_2274 = arith.addi %add3A_2265, %get3A_2273 : vector<16xi32>
        %mul3A_2275 = arith.constant 256 : i32
        %mul3A_2276 = arith.muli %scan3A_2145, %mul3A_2275 : i32
        %add3A_2277 = arith.constant 0 : i32
        %add3A_2278 = arith.addi %add3A_2277, %mul3A_2276 : i32
        %add3A_2279 = arith.constant 224 : i32
        %add3A_2280 = arith.addi %add3A_2278, %add3A_2279 : i32
        %get3A_2281 = arith.index_cast %add3A_2280 : i32 to index
        %get3A_2282 = tpu.vector_load %arg5[%get3A_2281] {strides = array<i32>} : memref<8192xi32, #tpu.memory_space<vmem>>, vector<16xi32>,
        %add3A_2283 = arith.addi %add3A_2274, %get3A_2282 : vector<16xi32>
        %mul3A_2284 = arith.constant 256 : i32
        %mul3A_2285 = arith.muli %scan3A_2145, %mul3A_2284 : i32
        %add3A_2286 = arith.constant 0 : i32
        %add3A_2287 = arith.addi %add3A_2286, %mul3A_2285 : i32
        %add3A_2288 = arith.constant 240 : i32
        %add3A_2289 = arith.addi %add3A_2287, %add3A_2288 : i32
        %get3A_2290 = arith.index_cast %add3A_2289 : i32 to index
        %get3A_2291 = tpu.vector_load %arg5[%get3A_2290] {strides = array<i32>} : memref<8192xi32, #tpu.memory_space<vmem>>, vector<16xi32>,
        %add3A_2292 = arith.addi %add3A_2283, %get3A_2291 : vector<16xi32>
        %iota3A_2293 = tpu.iota {dimensions = array<i32: 0>} : vector<16xi32>
        %eq3A_2294 = vector.broadcast %scan3A_2145 : i32 to vector<16xi32>
        %eq3A_2295 = arith.cmpi eq, %iota3A_2293, %eq3A_2294 : vector<16xi32>
        %reduce_sum3A_2296 = arith.constant true
        %reduce_sum3A_2297 = vector.broadcast %reduce_sum3A_2296 : i1 to vector<16xi1>
        %reduce_sum3A_2298 = tpu.scan <sum>, %add3A_2292 masked %reduce_sum3A_2297 : vector<16xi32>, vector<16xi1> -> vector<16xi32>
        %reduce_sum3A_2299 = vector.extract %reduce_sum3A_2298[15] : i32 from vector<16xi32>
        %broadcast_in_dim3A_2300 = vector.broadcast %reduce_sum3A_2299 : i32 to vector<16xi32>
        %select_n3A_2301 = arith.select %eq3A_2295, %broadcast_in_dim3A_2300, %scan3A_2146 : vector<16xi1>, vector<16xi32>
        scf.yield %select_n3A_2301 : vector<16xi32>
      }
      %scan3A_296 = arith.constant 8 : i32
      %reduce_sum3A = arith.constant true
      %reduce_sum3A_297 = vector.broadcast %reduce_sum3A : i1 to vector<16xi1>
      %reduce_sum3A_298 = tpu.scan <sum>, %scan3A_295 masked %reduce_sum3A_297 : vector<16xi32>, vector<16xi1> -> vector<16xi32>
      %reduce_sum3A_299 = vector.extract %reduce_sum3A_298[15] : i32 from vector<16xi32>
      %broadcast_in_dim3A_300 = arith.constant true
      %broadcast_in_dim3A_301 = vector.broadcast %broadcast_in_dim3A_300 : i1 to vector<16xi1>
      %masked_cumsum3A = tpu.scan <sum>, %scan3A_295 masked %broadcast_in_dim3A_301 : vector<16xi32>, vector<16xi1> -> vector<16xi32>
      %sub3A = vector.broadcast %reduce_sum3A_299 : i32 to vector<16xi32>
      %sub3A_302 = arith.subi %sub3A, %masked_cumsum3A : vector<16xi32>
      %add3A_303 = arith.addi %sub3A_302, %scan3A_295 : vector<16xi32>
      %ge3A = arith.constant 4096 : i32
      %ge3A_304 = vector.broadcast %ge3A : i32 to vector<16xi32>
      %ge3A_305 = arith.cmpi sge, %add3A_303, %ge3A_304 : vector<16xi32>
      %iota3A = tpu.iota {dimensions = array<i32: 0>} : vector<16xi32>
      %jit3A = arith.constant 0 : i32
      %broadcast_in_dim3A_306 = vector.broadcast %jit3A : i32 to vector<16xi32>
      %select_n3A = arith.select %ge3A_305, %iota3A, %broadcast_in_dim3A_306 : vector<16xi1>, vector<16xi32>
      %reduce_max3A = arith.constant true
      %reduce_max3A_307 = vector.broadcast %reduce_max3A : i1 to vector<16xi1>
      %reduce_max3A_308 = arith.constant -2147483648 : i32
      %reduce_max3A_309 = vector.broadcast %reduce_max3A_308 : i32 to vector<16xi32>
      %reduce_max3A_310 = arith.xori %select_n3A, %reduce_max3A_309 : vector<16xi32>
      %reduce_max3A_311 = tpu.scan <max>, %reduce_max3A_310 masked %reduce_max3A_307 : vector<16xi32>, vector<16xi1> -> vector<16xi32>
      %reduce_max3A_312 = arith.xori %reduce_max3A_311, %reduce_max3A_309 : vector<16xi32>
      %reduce_max3A_313 = vector.extract %reduce_max3A_312[15] : i32 from vector<16xi32>
      %jit3A_314 = arith.constant 2147483647 : i32
      %broadcast_in_dim3A_315 = vector.broadcast %jit3A_314 : i32 to vector<16xi32>
      %select_n3A_316 = arith.select %ge3A_305, %add3A_303, %broadcast_in_dim3A_315 : vector<16xi1>, vector<16xi32>
      %reduce_min3A = arith.constant true
      %reduce_min3A_317 = vector.broadcast %reduce_min3A : i1 to vector<16xi1>
      %reduce_min3A_318 = arith.constant -2147483648 : i32
      %reduce_min3A_319 = vector.broadcast %reduce_min3A_318 : i32 to vector<16xi32>
      %reduce_min3A_320 = arith.xori %select_n3A_316, %reduce_min3A_319 : vector<16xi32>
      %reduce_min3A_321 = tpu.scan <min>, %reduce_min3A_320 masked %reduce_min3A_317 : vector<16xi32>, vector<16xi1> -> vector<16xi32>
      %reduce_min3A_322 = arith.xori %reduce_min3A_321, %reduce_min3A_319 : vector<16xi32>
      %reduce_min3A_323 = vector.extract %reduce_min3A_322[15] : i32 from vector<16xi32>
      %iota3A_324 = tpu.iota {dimensions = array<i32: 0>} : vector<16xi32>
      %eq3A = vector.broadcast %reduce_max3A_313 : i32 to vector<16xi32>
      %eq3A_325 = arith.cmpi eq, %iota3A_324, %eq3A : vector<16xi32>
      %jit3A_326 = arith.constant 0 : i32
      %broadcast_in_dim3A_327 = vector.broadcast %jit3A_326 : i32 to vector<16xi32>
      %select_n3A_328 = arith.select %eq3A_325, %scan3A_295, %broadcast_in_dim3A_327 : vector<16xi1>, vector<16xi32>
      %reduce_sum3A_329 = arith.constant true
      %reduce_sum3A_330 = vector.broadcast %reduce_sum3A_329 : i1 to vector<16xi1>
      %reduce_sum3A_331 = tpu.scan <sum>, %select_n3A_328 masked %reduce_sum3A_330 : vector<16xi32>, vector<16xi1> -> vector<16xi32>
      %reduce_sum3A_332 = vector.extract %reduce_sum3A_331[15] : i32 from vector<16xi32>
      %sub3A_333 = arith.subi %reduce_min3A_323, %reduce_sum3A_332 : i32
      %broadcast_in_dim3A_334 = arith.constant 0 : i32
      %broadcast_in_dim3A_335 = vector.broadcast %broadcast_in_dim3A_334 : i32 to vector<16xi32>
      %scan3A_336 = arith.constant 0 : i32
      %scan3A_337 = arith.constant 16 : i32
      %scan3A_338 = arith.addi %scan3A_336, %scan3A_337 : i32
      %scan3A_339 = arith.constant 1 : i32
      %scan3A_340 = scf.for %scan3A_2145 = %scan3A_336 to %scan3A_338 step %scan3A_339 iter_args(%scan3A_2146 = %broadcast_in_dim3A_335) -> (vector<16xi32>)  : i32 {
        %mul3A_2147 = arith.constant 256 : i32
        %mul3A_2148 = arith.muli %reduce_max3A_313, %mul3A_2147 : i32
        %add3A_2149 = arith.constant 0 : i32
        %add3A_2150 = arith.addi %add3A_2149, %mul3A_2148 : i32
        %mul3A_2151 = arith.constant 16 : i32
        %mul3A_2152 = arith.muli %scan3A_2145, %mul3A_2151 : i32
        %add3A_2153 = arith.addi %add3A_2150, %mul3A_2152 : i32
        %get3A_2154 = arith.index_cast %add3A_2153 : i32 to index
        %get3A_2155 = tpu.vector_load %arg5[%get3A_2154] {strides = array<i32>} : memref<8192xi32, #tpu.memory_space<vmem>>, vector<16xi32>,
        %iota3A_2156 = tpu.iota {dimensions = array<i32: 0>} : vector<16xi32>
        %eq3A_2157 = vector.broadcast %scan3A_2145 : i32 to vector<16xi32>
        %eq3A_2158 = arith.cmpi eq, %iota3A_2156, %eq3A_2157 : vector<16xi32>
        %reduce_sum3A_2159 = arith.constant true
        %reduce_sum3A_2160 = vector.broadcast %reduce_sum3A_2159 : i1 to vector<16xi1>
        %reduce_sum3A_2161 = tpu.scan <sum>, %get3A_2155 masked %reduce_sum3A_2160 : vector<16xi32>, vector<16xi1> -> vector<16xi32>
        %reduce_sum3A_2162 = vector.extract %reduce_sum3A_2161[15] : i32 from vector<16xi32>
        %broadcast_in_dim3A_2163 = vector.broadcast %reduce_sum3A_2162 : i32 to vector<16xi32>
        %select_n3A_2164 = arith.select %eq3A_2158, %broadcast_in_dim3A_2163, %scan3A_2146 : vector<16xi1>, vector<16xi32>
        scf.yield %select_n3A_2164 : vector<16xi32>
      }
      %scan3A_341 = arith.constant 16 : i32
      %reduce_sum3A_342 = arith.constant true
      %reduce_sum3A_343 = vector.broadcast %reduce_sum3A_342 : i1 to vector<16xi1>
      %reduce_sum3A_344 = tpu.scan <sum>, %scan3A_340 masked %reduce_sum3A_343 : vector<16xi32>, vector<16xi1> -> vector<16xi32>
      %reduce_sum3A_345 = vector.extract %reduce_sum3A_344[15] : i32 from vector<16xi32>
      %broadcast_in_dim3A_346 = arith.constant true
      %broadcast_in_dim3A_347 = vector.broadcast %broadcast_in_dim3A_346 : i1 to vector<16xi1>
      %masked_cumsum3A_348 = tpu.scan <sum>, %scan3A_340 masked %broadcast_in_dim3A_347 : vector<16xi32>, vector<16xi1> -> vector<16xi32>
      %sub3A_349 = vector.broadcast %reduce_sum3A_345 : i32 to vector<16xi32>
      %sub3A_350 = arith.subi %sub3A_349, %masked_cumsum3A_348 : vector<16xi32>
      %add3A_351 = arith.addi %sub3A_350, %scan3A_340 : vector<16xi32>
      %sub3A_352 = arith.constant 4096 : i32
      %sub3A_353 = arith.subi %sub3A_352, %sub3A_333 : i32
      %ge3A_354 = vector.broadcast %sub3A_353 : i32 to vector<16xi32>
      %ge3A_355 = arith.cmpi sge, %add3A_351, %ge3A_354 : vector<16xi32>
      %iota3A_356 = tpu.iota {dimensions = array<i32: 0>} : vector<16xi32>
      %jit3A_357 = arith.constant 0 : i32
      %broadcast_in_dim3A_358 = vector.broadcast %jit3A_357 : i32 to vector<16xi32>
      %select_n3A_359 = arith.select %ge3A_355, %iota3A_356, %broadcast_in_dim3A_358 : vector<16xi1>, vector<16xi32>
      %reduce_max3A_360 = arith.constant true
      %reduce_max3A_361 = vector.broadcast %reduce_max3A_360 : i1 to vector<16xi1>
      %reduce_max3A_362 = arith.constant -2147483648 : i32
      %reduce_max3A_363 = vector.broadcast %reduce_max3A_362 : i32 to vector<16xi32>
      %reduce_max3A_364 = arith.xori %select_n3A_359, %reduce_max3A_363 : vector<16xi32>
      %reduce_max3A_365 = tpu.scan <max>, %reduce_max3A_364 masked %reduce_max3A_361 : vector<16xi32>, vector<16xi1> -> vector<16xi32>
      %reduce_max3A_366 = arith.xori %reduce_max3A_365, %reduce_max3A_363 : vector<16xi32>
      %reduce_max3A_367 = vector.extract %reduce_max3A_366[15] : i32 from vector<16xi32>
      %jit3A_368 = arith.constant 2147483647 : i32
      %broadcast_in_dim3A_369 = vector.broadcast %jit3A_368 : i32 to vector<16xi32>
      %select_n3A_370 = arith.select %ge3A_355, %add3A_351, %broadcast_in_dim3A_369 : vector<16xi1>, vector<16xi32>
      %reduce_min3A_371 = arith.constant true
      %reduce_min3A_372 = vector.broadcast %reduce_min3A_371 : i1 to vector<16xi1>
      %reduce_min3A_373 = arith.constant -2147483648 : i32
      %reduce_min3A_374 = vector.broadcast %reduce_min3A_373 : i32 to vector<16xi32>
      %reduce_min3A_375 = arith.xori %select_n3A_370, %reduce_min3A_374 : vector<16xi32>
      %reduce_min3A_376 = tpu.scan <min>, %reduce_min3A_375 masked %reduce_min3A_372 : vector<16xi32>, vector<16xi1> -> vector<16xi32>
      %reduce_min3A_377 = arith.xori %reduce_min3A_376, %reduce_min3A_374 : vector<16xi32>
      %reduce_min3A_378 = vector.extract %reduce_min3A_377[15] : i32 from vector<16xi32>
      %iota3A_379 = tpu.iota {dimensions = array<i32: 0>} : vector<16xi32>
      %eq3A_380 = vector.broadcast %reduce_max3A_367 : i32 to vector<16xi32>
      %eq3A_381 = arith.cmpi eq, %iota3A_379, %eq3A_380 : vector<16xi32>
      %jit3A_382 = arith.constant 0 : i32
      %broadcast_in_dim3A_383 = vector.broadcast %jit3A_382 : i32 to vector<16xi32>
      %select_n3A_384 = arith.select %eq3A_381, %scan3A_340, %broadcast_in_dim3A_383 : vector<16xi1>, vector<16xi32>
      %reduce_sum3A_385 = arith.constant true
      %reduce_sum3A_386 = vector.broadcast %reduce_sum3A_385 : i1 to vector<16xi1>
      %reduce_sum3A_387 = tpu.scan <sum>, %select_n3A_384 masked %reduce_sum3A_386 : vector<16xi32>, vector<16xi1> -> vector<16xi32>
      %reduce_sum3A_388 = vector.extract %reduce_sum3A_387[15] : i32 from vector<16xi32>
      %sub3A_389 = arith.subi %reduce_min3A_378, %reduce_sum3A_388 : i32
      %mul3A_390 = arith.constant 256 : i32
      %mul3A_391 = arith.muli %reduce_max3A_313, %mul3A_390 : i32
      %add3A_392 = arith.constant 0 : i32
      %add3A_393 = arith.addi %add3A_392, %mul3A_391 : i32
      %mul3A_394 = arith.constant 16 : i32
      %mul3A_395 = arith.muli %reduce_max3A_367, %mul3A_394 : i32
      %add3A_396 = arith.addi %add3A_393, %mul3A_395 : i32
      %get3A = arith.index_cast %add3A_396 : i32 to index
      %get3A_397 = tpu.vector_load %arg5[%get3A] {strides = array<i32>} : memref<8192xi32, #tpu.memory_space<vmem>>, vector<16xi32>,
      %reduce_sum3A_398 = arith.constant true
      %reduce_sum3A_399 = vector.broadcast %reduce_sum3A_398 : i1 to vector<16xi1>
      %reduce_sum3A_400 = tpu.scan <sum>, %get3A_397 masked %reduce_sum3A_399 : vector<16xi32>, vector<16xi1> -> vector<16xi32>
      %reduce_sum3A_401 = vector.extract %reduce_sum3A_400[15] : i32 from vector<16xi32>
      %broadcast_in_dim3A_402 = arith.constant true
      %broadcast_in_dim3A_403 = vector.broadcast %broadcast_in_dim3A_402 : i1 to vector<16xi1>
      %masked_cumsum3A_404 = tpu.scan <sum>, %get3A_397 masked %broadcast_in_dim3A_403 : vector<16xi32>, vector<16xi1> -> vector<16xi32>
      %sub3A_405 = vector.broadcast %reduce_sum3A_401 : i32 to vector<16xi32>
      %sub3A_406 = arith.subi %sub3A_405, %masked_cumsum3A_404 : vector<16xi32>
      %add3A_407 = arith.addi %sub3A_406, %get3A_397 : vector<16xi32>
      %sub3A_408 = arith.subi %sub3A_353, %sub3A_389 : i32
      %ge3A_409 = vector.broadcast %sub3A_408 : i32 to vector<16xi32>
      %ge3A_410 = arith.cmpi sge, %add3A_407, %ge3A_409 : vector<16xi32>
      %iota3A_411 = tpu.iota {dimensions = array<i32: 0>} : vector<16xi32>
      %jit3A_412 = arith.constant 0 : i32
      %broadcast_in_dim3A_413 = vector.broadcast %jit3A_412 : i32 to vector<16xi32>
      %select_n3A_414 = arith.select %ge3A_410, %iota3A_411, %broadcast_in_dim3A_413 : vector<16xi1>, vector<16xi32>
      %reduce_max3A_415 = arith.constant true
      %reduce_max3A_416 = vector.broadcast %reduce_max3A_415 : i1 to vector<16xi1>
      %reduce_max3A_417 = arith.constant -2147483648 : i32
      %reduce_max3A_418 = vector.broadcast %reduce_max3A_417 : i32 to vector<16xi32>
      %reduce_max3A_419 = arith.xori %select_n3A_414, %reduce_max3A_418 : vector<16xi32>
      %reduce_max3A_420 = tpu.scan <max>, %reduce_max3A_419 masked %reduce_max3A_416 : vector<16xi32>, vector<16xi1> -> vector<16xi32>
      %reduce_max3A_421 = arith.xori %reduce_max3A_420, %reduce_max3A_418 : vector<16xi32>
      %reduce_max3A_422 = vector.extract %reduce_max3A_421[15] : i32 from vector<16xi32>
      %jit3A_423 = arith.constant 2147483647 : i32
      %broadcast_in_dim3A_424 = vector.broadcast %jit3A_423 : i32 to vector<16xi32>
      %select_n3A_425 = arith.select %ge3A_410, %add3A_407, %broadcast_in_dim3A_424 : vector<16xi1>, vector<16xi32>
      %reduce_min3A_426 = arith.constant true
      %reduce_min3A_427 = vector.broadcast %reduce_min3A_426 : i1 to vector<16xi1>
      %reduce_min3A_428 = arith.constant -2147483648 : i32
      %reduce_min3A_429 = vector.broadcast %reduce_min3A_428 : i32 to vector<16xi32>
      %reduce_min3A_430 = arith.xori %select_n3A_425, %reduce_min3A_429 : vector<16xi32>
      %reduce_min3A_431 = tpu.scan <min>, %reduce_min3A_430 masked %reduce_min3A_427 : vector<16xi32>, vector<16xi1> -> vector<16xi32>
      %reduce_min3A_432 = arith.xori %reduce_min3A_431, %reduce_min3A_429 : vector<16xi32>
      %reduce_min3A_433 = vector.extract %reduce_min3A_432[15] : i32 from vector<16xi32>
      %iota3A_434 = tpu.iota {dimensions = array<i32: 0>} : vector<16xi32>
      %eq3A_435 = vector.broadcast %reduce_max3A_422 : i32 to vector<16xi32>
      %eq3A_436 = arith.cmpi eq, %iota3A_434, %eq3A_435 : vector<16xi32>
      %jit3A_437 = arith.constant 0 : i32
      %broadcast_in_dim3A_438 = vector.broadcast %jit3A_437 : i32 to vector<16xi32>
      %select_n3A_439 = arith.select %eq3A_436, %get3A_397, %broadcast_in_dim3A_438 : vector<16xi1>, vector<16xi32>
      %reduce_sum3A_440 = arith.constant true
      %reduce_sum3A_441 = vector.broadcast %reduce_sum3A_440 : i1 to vector<16xi1>
      %reduce_sum3A_442 = tpu.scan <sum>, %select_n3A_439 masked %reduce_sum3A_441 : vector<16xi32>, vector<16xi1> -> vector<16xi32>
      %reduce_sum3A_443 = vector.extract %reduce_sum3A_442[15] : i32 from vector<16xi32>
      %sub3A_444 = arith.subi %reduce_min3A_433, %reduce_sum3A_443 : i32
      %mul3A_445 = arith.constant 256 : i32
      %mul3A_446 = arith.muli %reduce_max3A_313, %mul3A_445 : i32
      %mul3A_447 = arith.constant 16 : i32
      %mul3A_448 = arith.muli %reduce_max3A_367, %mul3A_447 : i32
      %add3A_449 = arith.addi %mul3A_446, %mul3A_448 : i32
      %add3A_450 = arith.addi %add3A_449, %reduce_max3A_422 : i32
      %add3A_451 = arith.addi %sub3A_333, %sub3A_389 : i32
      %add3A_452 = arith.addi %add3A_451, %sub3A_444 : i32
      %broadcast_in_dim3A_453 = arith.constant 0 : i32
      %broadcast_in_dim3A_454 = vector.broadcast %broadcast_in_dim3A_453 : i32 to vector<16xi32>
      %scan3A_455 = arith.constant 0 : i32
      %scan3A_456 = arith.constant 8 : i32
      %scan3A_457 = arith.addi %scan3A_455, %scan3A_456 : i32
      %scan3A_458 = arith.constant 1 : i32
      %scan3A_459 = scf.for %scan3A_2145 = %scan3A_455 to %scan3A_457 step %scan3A_458 iter_args(%scan3A_2146 = %broadcast_in_dim3A_454) -> (vector<16xi32>)  : i32 {
        %broadcast_in_dim3A_2147 = arith.constant 0 : i32
        %broadcast_in_dim3A_2148 = vector.broadcast %broadcast_in_dim3A_2147 : i32 to vector<16xi32>
        %mul3A_2149 = arith.constant 256 : i32
        %mul3A_2150 = arith.muli %scan3A_2145, %mul3A_2149 : i32
        %add3A_2151 = arith.constant 0 : i32
        %add3A_2152 = arith.addi %add3A_2151, %mul3A_2150 : i32
        %add3A_2153 = arith.constant 0 : i32
        %add3A_2154 = arith.addi %add3A_2152, %add3A_2153 : i32
        %get3A_2155 = arith.index_cast %add3A_2154 : i32 to index
        %get3A_2156 = tpu.vector_load %arg5[%get3A_2155] {strides = array<i32>} : memref<8192xi32, #tpu.memory_space<vmem>>, vector<16xi32>,
        %add3A_2157 = arith.addi %broadcast_in_dim3A_2148, %get3A_2156 : vector<16xi32>
        %mul3A_2158 = arith.constant 256 : i32
        %mul3A_2159 = arith.muli %scan3A_2145, %mul3A_2158 : i32
        %add3A_2160 = arith.constant 0 : i32
        %add3A_2161 = arith.addi %add3A_2160, %mul3A_2159 : i32
        %add3A_2162 = arith.constant 16 : i32
        %add3A_2163 = arith.addi %add3A_2161, %add3A_2162 : i32
        %get3A_2164 = arith.index_cast %add3A_2163 : i32 to index
        %get3A_2165 = tpu.vector_load %arg5[%get3A_2164] {strides = array<i32>} : memref<8192xi32, #tpu.memory_space<vmem>>, vector<16xi32>,
        %add3A_2166 = arith.addi %add3A_2157, %get3A_2165 : vector<16xi32>
        %mul3A_2167 = arith.constant 256 : i32
        %mul3A_2168 = arith.muli %scan3A_2145, %mul3A_2167 : i32
        %add3A_2169 = arith.constant 0 : i32
        %add3A_2170 = arith.addi %add3A_2169, %mul3A_2168 : i32
        %add3A_2171 = arith.constant 32 : i32
        %add3A_2172 = arith.addi %add3A_2170, %add3A_2171 : i32
        %get3A_2173 = arith.index_cast %add3A_2172 : i32 to index
        %get3A_2174 = tpu.vector_load %arg5[%get3A_2173] {strides = array<i32>} : memref<8192xi32, #tpu.memory_space<vmem>>, vector<16xi32>,
        %add3A_2175 = arith.addi %add3A_2166, %get3A_2174 : vector<16xi32>
        %mul3A_2176 = arith.constant 256 : i32
        %mul3A_2177 = arith.muli %scan3A_2145, %mul3A_2176 : i32
        %add3A_2178 = arith.constant 0 : i32
        %add3A_2179 = arith.addi %add3A_2178, %mul3A_2177 : i32
        %add3A_2180 = arith.constant 48 : i32
        %add3A_2181 = arith.addi %add3A_2179, %add3A_2180 : i32
        %get3A_2182 = arith.index_cast %add3A_2181 : i32 to index
        %get3A_2183 = tpu.vector_load %arg5[%get3A_2182] {strides = array<i32>} : memref<8192xi32, #tpu.memory_space<vmem>>, vector<16xi32>,
        %add3A_2184 = arith.addi %add3A_2175, %get3A_2183 : vector<16xi32>
        %mul3A_2185 = arith.constant 256 : i32
        %mul3A_2186 = arith.muli %scan3A_2145, %mul3A_2185 : i32
        %add3A_2187 = arith.constant 0 : i32
        %add3A_2188 = arith.addi %add3A_2187, %mul3A_2186 : i32
        %add3A_2189 = arith.constant 64 : i32
        %add3A_2190 = arith.addi %add3A_2188, %add3A_2189 : i32
        %get3A_2191 = arith.index_cast %add3A_2190 : i32 to index
        %get3A_2192 = tpu.vector_load %arg5[%get3A_2191] {strides = array<i32>} : memref<8192xi32, #tpu.memory_space<vmem>>, vector<16xi32>,
        %add3A_2193 = arith.addi %add3A_2184, %get3A_2192 : vector<16xi32>
        %mul3A_2194 = arith.constant 256 : i32
        %mul3A_2195 = arith.muli %scan3A_2145, %mul3A_2194 : i32
        %add3A_2196 = arith.constant 0 : i32
        %add3A_2197 = arith.addi %add3A_2196, %mul3A_2195 : i32
        %add3A_2198 = arith.constant 80 : i32
        %add3A_2199 = arith.addi %add3A_2197, %add3A_2198 : i32
        %get3A_2200 = arith.index_cast %add3A_2199 : i32 to index
        %get3A_2201 = tpu.vector_load %arg5[%get3A_2200] {strides = array<i32>} : memref<8192xi32, #tpu.memory_space<vmem>>, vector<16xi32>,
        %add3A_2202 = arith.addi %add3A_2193, %get3A_2201 : vector<16xi32>
        %mul3A_2203 = arith.constant 256 : i32
        %mul3A_2204 = arith.muli %scan3A_2145, %mul3A_2203 : i32
        %add3A_2205 = arith.constant 0 : i32
        %add3A_2206 = arith.addi %add3A_2205, %mul3A_2204 : i32
        %add3A_2207 = arith.constant 96 : i32
        %add3A_2208 = arith.addi %add3A_2206, %add3A_2207 : i32
        %get3A_2209 = arith.index_cast %add3A_2208 : i32 to index
        %get3A_2210 = tpu.vector_load %arg5[%get3A_2209] {strides = array<i32>} : memref<8192xi32, #tpu.memory_space<vmem>>, vector<16xi32>,
        %add3A_2211 = arith.addi %add3A_2202, %get3A_2210 : vector<16xi32>
        %mul3A_2212 = arith.constant 256 : i32
        %mul3A_2213 = arith.muli %scan3A_2145, %mul3A_2212 : i32
        %add3A_2214 = arith.constant 0 : i32
        %add3A_2215 = arith.addi %add3A_2214, %mul3A_2213 : i32
        %add3A_2216 = arith.constant 112 : i32
        %add3A_2217 = arith.addi %add3A_2215, %add3A_2216 : i32
        %get3A_2218 = arith.index_cast %add3A_2217 : i32 to index
        %get3A_2219 = tpu.vector_load %arg5[%get3A_2218] {strides = array<i32>} : memref<8192xi32, #tpu.memory_space<vmem>>, vector<16xi32>,
        %add3A_2220 = arith.addi %add3A_2211, %get3A_2219 : vector<16xi32>
        %mul3A_2221 = arith.constant 256 : i32
        %mul3A_2222 = arith.muli %scan3A_2145, %mul3A_2221 : i32
        %add3A_2223 = arith.constant 0 : i32
        %add3A_2224 = arith.addi %add3A_2223, %mul3A_2222 : i32
        %add3A_2225 = arith.constant 128 : i32
        %add3A_2226 = arith.addi %add3A_2224, %add3A_2225 : i32
        %get3A_2227 = arith.index_cast %add3A_2226 : i32 to index
        %get3A_2228 = tpu.vector_load %arg5[%get3A_2227] {strides = array<i32>} : memref<8192xi32, #tpu.memory_space<vmem>>, vector<16xi32>,
        %add3A_2229 = arith.addi %add3A_2220, %get3A_2228 : vector<16xi32>
        %mul3A_2230 = arith.constant 256 : i32
        %mul3A_2231 = arith.muli %scan3A_2145, %mul3A_2230 : i32
        %add3A_2232 = arith.constant 0 : i32
        %add3A_2233 = arith.addi %add3A_2232, %mul3A_2231 : i32
        %add3A_2234 = arith.constant 144 : i32
        %add3A_2235 = arith.addi %add3A_2233, %add3A_2234 : i32
        %get3A_2236 = arith.index_cast %add3A_2235 : i32 to index
        %get3A_2237 = tpu.vector_load %arg5[%get3A_2236] {strides = array<i32>} : memref<8192xi32, #tpu.memory_space<vmem>>, vector<16xi32>,
        %add3A_2238 = arith.addi %add3A_2229, %get3A_2237 : vector<16xi32>
        %mul3A_2239 = arith.constant 256 : i32
        %mul3A_2240 = arith.muli %scan3A_2145, %mul3A_2239 : i32
        %add3A_2241 = arith.constant 0 : i32
        %add3A_2242 = arith.addi %add3A_2241, %mul3A_2240 : i32
        %add3A_2243 = arith.constant 160 : i32
        %add3A_2244 = arith.addi %add3A_2242, %add3A_2243 : i32
        %get3A_2245 = arith.index_cast %add3A_2244 : i32 to index
        %get3A_2246 = tpu.vector_load %arg5[%get3A_2245] {strides = array<i32>} : memref<8192xi32, #tpu.memory_space<vmem>>, vector<16xi32>,
        %add3A_2247 = arith.addi %add3A_2238, %get3A_2246 : vector<16xi32>
        %mul3A_2248 = arith.constant 256 : i32
        %mul3A_2249 = arith.muli %scan3A_2145, %mul3A_2248 : i32
        %add3A_2250 = arith.constant 0 : i32
        %add3A_2251 = arith.addi %add3A_2250, %mul3A_2249 : i32
        %add3A_2252 = arith.constant 176 : i32
        %add3A_2253 = arith.addi %add3A_2251, %add3A_2252 : i32
        %get3A_2254 = arith.index_cast %add3A_2253 : i32 to index
        %get3A_2255 = tpu.vector_load %arg5[%get3A_2254] {strides = array<i32>} : memref<8192xi32, #tpu.memory_space<vmem>>, vector<16xi32>,
        %add3A_2256 = arith.addi %add3A_2247, %get3A_2255 : vector<16xi32>
        %mul3A_2257 = arith.constant 256 : i32
        %mul3A_2258 = arith.muli %scan3A_2145, %mul3A_2257 : i32
        %add3A_2259 = arith.constant 0 : i32
        %add3A_2260 = arith.addi %add3A_2259, %mul3A_2258 : i32
        %add3A_2261 = arith.constant 192 : i32
        %add3A_2262 = arith.addi %add3A_2260, %add3A_2261 : i32
        %get3A_2263 = arith.index_cast %add3A_2262 : i32 to index
        %get3A_2264 = tpu.vector_load %arg5[%get3A_2263] {strides = array<i32>} : memref<8192xi32, #tpu.memory_space<vmem>>, vector<16xi32>,
        %add3A_2265 = arith.addi %add3A_2256, %get3A_2264 : vector<16xi32>
        %mul3A_2266 = arith.constant 256 : i32
        %mul3A_2267 = arith.muli %scan3A_2145, %mul3A_2266 : i32
        %add3A_2268 = arith.constant 0 : i32
        %add3A_2269 = arith.addi %add3A_2268, %mul3A_2267 : i32
        %add3A_2270 = arith.constant 208 : i32
        %add3A_2271 = arith.addi %add3A_2269, %add3A_2270 : i32
        %get3A_2272 = arith.index_cast %add3A_2271 : i32 to index
        %get3A_2273 = tpu.vector_load %arg5[%get3A_2272] {strides = array<i32>} : memref<8192xi32, #tpu.memory_space<vmem>>, vector<16xi32>,
        %add3A_2274 = arith.addi %add3A_2265, %get3A_2273 : vector<16xi32>
        %mul3A_2275 = arith.constant 256 : i32
        %mul3A_2276 = arith.muli %scan3A_2145, %mul3A_2275 : i32
        %add3A_2277 = arith.constant 0 : i32
        %add3A_2278 = arith.addi %add3A_2277, %mul3A_2276 : i32
        %add3A_2279 = arith.constant 224 : i32
        %add3A_2280 = arith.addi %add3A_2278, %add3A_2279 : i32
        %get3A_2281 = arith.index_cast %add3A_2280 : i32 to index
        %get3A_2282 = tpu.vector_load %arg5[%get3A_2281] {strides = array<i32>} : memref<8192xi32, #tpu.memory_space<vmem>>, vector<16xi32>,
        %add3A_2283 = arith.addi %add3A_2274, %get3A_2282 : vector<16xi32>
        %mul3A_2284 = arith.constant 256 : i32
        %mul3A_2285 = arith.muli %scan3A_2145, %mul3A_2284 : i32
        %add3A_2286 = arith.constant 0 : i32
        %add3A_2287 = arith.addi %add3A_2286, %mul3A_2285 : i32
        %add3A_2288 = arith.constant 240 : i32
        %add3A_2289 = arith.addi %add3A_2287, %add3A_2288 : i32
        %get3A_2290 = arith.index_cast %add3A_2289 : i32 to index
        %get3A_2291 = tpu.vector_load %arg5[%get3A_2290] {strides = array<i32>} : memref<8192xi32, #tpu.memory_space<vmem>>, vector<16xi32>,
        %add3A_2292 = arith.addi %add3A_2283, %get3A_2291 : vector<16xi32>
        %iota3A_2293 = tpu.iota {dimensions = array<i32: 0>} : vector<16xi32>
        %eq3A_2294 = vector.broadcast %scan3A_2145 : i32 to vector<16xi32>
        %eq3A_2295 = arith.cmpi eq, %iota3A_2293, %eq3A_2294 : vector<16xi32>
        %reduce_sum3A_2296 = arith.constant true
        %reduce_sum3A_2297 = vector.broadcast %reduce_sum3A_2296 : i1 to vector<16xi1>
        %reduce_sum3A_2298 = tpu.scan <sum>, %add3A_2292 masked %reduce_sum3A_2297 : vector<16xi32>, vector<16xi1> -> vector<16xi32>
        %reduce_sum3A_2299 = vector.extract %reduce_sum3A_2298[15] : i32 from vector<16xi32>
        %broadcast_in_dim3A_2300 = vector.broadcast %reduce_sum3A_2299 : i32 to vector<16xi32>
        %select_n3A_2301 = arith.select %eq3A_2295, %broadcast_in_dim3A_2300, %scan3A_2146 : vector<16xi1>, vector<16xi32>
        scf.yield %select_n3A_2301 : vector<16xi32>
      }
      %scan3A_460 = arith.constant 8 : i32
      %reduce_sum3A_461 = arith.constant true
      %reduce_sum3A_462 = vector.broadcast %reduce_sum3A_461 : i1 to vector<16xi1>
      %reduce_sum3A_463 = tpu.scan <sum>, %scan3A_459 masked %reduce_sum3A_462 : vector<16xi32>, vector<16xi1> -> vector<16xi32>
      %reduce_sum3A_464 = vector.extract %reduce_sum3A_463[15] : i32 from vector<16xi32>
      %broadcast_in_dim3A_465 = arith.constant true
      %broadcast_in_dim3A_466 = vector.broadcast %broadcast_in_dim3A_465 : i1 to vector<16xi1>
      %masked_cumsum3A_467 = tpu.scan <sum>, %scan3A_459 masked %broadcast_in_dim3A_466 : vector<16xi32>, vector<16xi1> -> vector<16xi32>
      %sub3A_468 = vector.broadcast %reduce_sum3A_464 : i32 to vector<16xi32>
      %sub3A_469 = arith.subi %sub3A_468, %masked_cumsum3A_467 : vector<16xi32>
      %add3A_470 = arith.addi %sub3A_469, %scan3A_459 : vector<16xi32>
      %ge3A_471 = arith.constant 100 : i32
      %ge3A_472 = vector.broadcast %ge3A_471 : i32 to vector<16xi32>
      %ge3A_473 = arith.cmpi sge, %add3A_470, %ge3A_472 : vector<16xi32>
      %iota3A_474 = tpu.iota {dimensions = array<i32: 0>} : vector<16xi32>
      %jit3A_475 = arith.constant 0 : i32
      %broadcast_in_dim3A_476 = vector.broadcast %jit3A_475 : i32 to vector<16xi32>
      %select_n3A_477 = arith.select %ge3A_473, %iota3A_474, %broadcast_in_dim3A_476 : vector<16xi1>, vector<16xi32>
      %reduce_max3A_478 = arith.constant true
      %reduce_max3A_479 = vector.broadcast %reduce_max3A_478 : i1 to vector<16xi1>
      %reduce_max3A_480 = arith.constant -2147483648 : i32
      %reduce_max3A_481 = vector.broadcast %reduce_max3A_480 : i32 to vector<16xi32>
      %reduce_max3A_482 = arith.xori %select_n3A_477, %reduce_max3A_481 : vector<16xi32>
      %reduce_max3A_483 = tpu.scan <max>, %reduce_max3A_482 masked %reduce_max3A_479 : vector<16xi32>, vector<16xi1> -> vector<16xi32>
      %reduce_max3A_484 = arith.xori %reduce_max3A_483, %reduce_max3A_481 : vector<16xi32>
      %reduce_max3A_485 = vector.extract %reduce_max3A_484[15] : i32 from vector<16xi32>
      %jit3A_486 = arith.constant 2147483647 : i32
      %broadcast_in_dim3A_487 = vector.broadcast %jit3A_486 : i32 to vector<16xi32>
      %select_n3A_488 = arith.select %ge3A_473, %add3A_470, %broadcast_in_dim3A_487 : vector<16xi1>, vector<16xi32>
      %reduce_min3A_489 = arith.constant true
      %reduce_min3A_490 = vector.broadcast %reduce_min3A_489 : i1 to vector<16xi1>
      %reduce_min3A_491 = arith.constant -2147483648 : i32
      %reduce_min3A_492 = vector.broadcast %reduce_min3A_491 : i32 to vector<16xi32>
      %reduce_min3A_493 = arith.xori %select_n3A_488, %reduce_min3A_492 : vector<16xi32>
      %reduce_min3A_494 = tpu.scan <min>, %reduce_min3A_493 masked %reduce_min3A_490 : vector<16xi32>, vector<16xi1> -> vector<16xi32>
      %reduce_min3A_495 = arith.xori %reduce_min3A_494, %reduce_min3A_492 : vector<16xi32>
      %reduce_min3A_496 = vector.extract %reduce_min3A_495[15] : i32 from vector<16xi32>
      %iota3A_497 = tpu.iota {dimensions = array<i32: 0>} : vector<16xi32>
      %eq3A_498 = vector.broadcast %reduce_max3A_485 : i32 to vector<16xi32>
      %eq3A_499 = arith.cmpi eq, %iota3A_497, %eq3A_498 : vector<16xi32>
      %jit3A_500 = arith.constant 0 : i32
      %broadcast_in_dim3A_501 = vector.broadcast %jit3A_500 : i32 to vector<16xi32>
      %select_n3A_502 = arith.select %eq3A_499, %scan3A_459, %broadcast_in_dim3A_501 : vector<16xi1>, vector<16xi32>
      %reduce_sum3A_503 = arith.constant true
      %reduce_sum3A_504 = vector.broadcast %reduce_sum3A_503 : i1 to vector<16xi1>
      %reduce_sum3A_505 = tpu.scan <sum>, %select_n3A_502 masked %reduce_sum3A_504 : vector<16xi32>, vector<16xi1> -> vector<16xi32>
      %reduce_sum3A_506 = vector.extract %reduce_sum3A_505[15] : i32 from vector<16xi32>
      %sub3A_507 = arith.subi %reduce_min3A_496, %reduce_sum3A_506 : i32
      %broadcast_in_dim3A_508 = arith.constant 0 : i32
      %broadcast_in_dim3A_509 = vector.broadcast %broadcast_in_dim3A_508 : i32 to vector<16xi32>
      %scan3A_510 = arith.constant 0 : i32
      %scan3A_511 = arith.constant 16 : i32
      %scan3A_512 = arith.addi %scan3A_510, %scan3A_511 : i32
      %scan3A_513 = arith.constant 1 : i32
      %scan3A_514 = scf.for %scan3A_2145 = %scan3A_510 to %scan3A_512 step %scan3A_513 iter_args(%scan3A_2146 = %broadcast_in_dim3A_509) -> (vector<16xi32>)  : i32 {
        %mul3A_2147 = arith.constant 256 : i32
        %mul3A_2148 = arith.muli %reduce_max3A_485, %mul3A_2147 : i32
        %add3A_2149 = arith.constant 0 : i32
        %add3A_2150 = arith.addi %add3A_2149, %mul3A_2148 : i32
        %mul3A_2151 = arith.constant 16 : i32
        %mul3A_2152 = arith.muli %scan3A_2145, %mul3A_2151 : i32
        %add3A_2153 = arith.addi %add3A_2150, %mul3A_2152 : i32
        %get3A_2154 = arith.index_cast %add3A_2153 : i32 to index
        %get3A_2155 = tpu.vector_load %arg5[%get3A_2154] {strides = array<i32>} : memref<8192xi32, #tpu.memory_space<vmem>>, vector<16xi32>,
        %iota3A_2156 = tpu.iota {dimensions = array<i32: 0>} : vector<16xi32>
        %eq3A_2157 = vector.broadcast %scan3A_2145 : i32 to vector<16xi32>
        %eq3A_2158 = arith.cmpi eq, %iota3A_2156, %eq3A_2157 : vector<16xi32>
        %reduce_sum3A_2159 = arith.constant true
        %reduce_sum3A_2160 = vector.broadcast %reduce_sum3A_2159 : i1 to vector<16xi1>
        %reduce_sum3A_2161 = tpu.scan <sum>, %get3A_2155 masked %reduce_sum3A_2160 : vector<16xi32>, vector<16xi1> -> vector<16xi32>
        %reduce_sum3A_2162 = vector.extract %reduce_sum3A_2161[15] : i32 from vector<16xi32>
        %broadcast_in_dim3A_2163 = vector.broadcast %reduce_sum3A_2162 : i32 to vector<16xi32>
        %select_n3A_2164 = arith.select %eq3A_2158, %broadcast_in_dim3A_2163, %scan3A_2146 : vector<16xi1>, vector<16xi32>
        scf.yield %select_n3A_2164 : vector<16xi32>
      }
      %scan3A_515 = arith.constant 16 : i32
      %reduce_sum3A_516 = arith.constant true
      %reduce_sum3A_517 = vector.broadcast %reduce_sum3A_516 : i1 to vector<16xi1>
      %reduce_sum3A_518 = tpu.scan <sum>, %scan3A_514 masked %reduce_sum3A_517 : vector<16xi32>, vector<16xi1> -> vector<16xi32>
      %reduce_sum3A_519 = vector.extract %reduce_sum3A_518[15] : i32 from vector<16xi32>
      %broadcast_in_dim3A_520 = arith.constant true
      %broadcast_in_dim3A_521 = vector.broadcast %broadcast_in_dim3A_520 : i1 to vector<16xi1>
      %masked_cumsum3A_522 = tpu.scan <sum>, %scan3A_514 masked %broadcast_in_dim3A_521 : vector<16xi32>, vector<16xi1> -> vector<16xi32>
      %sub3A_523 = vector.broadcast %reduce_sum3A_519 : i32 to vector<16xi32>
      %sub3A_524 = arith.subi %sub3A_523, %masked_cumsum3A_522 : vector<16xi32>
      %add3A_525 = arith.addi %sub3A_524, %scan3A_514 : vector<16xi32>
      %sub3A_526 = arith.constant 100 : i32
      %sub3A_527 = arith.subi %sub3A_526, %sub3A_507 : i32
      %ge3A_528 = vector.broadcast %sub3A_527 : i32 to vector<16xi32>
      %ge3A_529 = arith.cmpi sge, %add3A_525, %ge3A_528 : vector<16xi32>
      %iota3A_530 = tpu.iota {dimensions = array<i32: 0>} : vector<16xi32>
      %jit3A_531 = arith.constant 0 : i32
      %broadcast_in_dim3A_532 = vector.broadcast %jit3A_531 : i32 to vector<16xi32>
      %select_n3A_533 = arith.select %ge3A_529, %iota3A_530, %broadcast_in_dim3A_532 : vector<16xi1>, vector<16xi32>
      %reduce_max3A_534 = arith.constant true
      %reduce_max3A_535 = vector.broadcast %reduce_max3A_534 : i1 to vector<16xi1>
      %reduce_max3A_536 = arith.constant -2147483648 : i32
      %reduce_max3A_537 = vector.broadcast %reduce_max3A_536 : i32 to vector<16xi32>
      %reduce_max3A_538 = arith.xori %select_n3A_533, %reduce_max3A_537 : vector<16xi32>
      %reduce_max3A_539 = tpu.scan <max>, %reduce_max3A_538 masked %reduce_max3A_535 : vector<16xi32>, vector<16xi1> -> vector<16xi32>
      %reduce_max3A_540 = arith.xori %reduce_max3A_539, %reduce_max3A_537 : vector<16xi32>
      %reduce_max3A_541 = vector.extract %reduce_max3A_540[15] : i32 from vector<16xi32>
      %jit3A_542 = arith.constant 2147483647 : i32
      %broadcast_in_dim3A_543 = vector.broadcast %jit3A_542 : i32 to vector<16xi32>
      %select_n3A_544 = arith.select %ge3A_529, %add3A_525, %broadcast_in_dim3A_543 : vector<16xi1>, vector<16xi32>
      %reduce_min3A_545 = arith.constant true
      %reduce_min3A_546 = vector.broadcast %reduce_min3A_545 : i1 to vector<16xi1>
      %reduce_min3A_547 = arith.constant -2147483648 : i32
      %reduce_min3A_548 = vector.broadcast %reduce_min3A_547 : i32 to vector<16xi32>
      %reduce_min3A_549 = arith.xori %select_n3A_544, %reduce_min3A_548 : vector<16xi32>
      %reduce_min3A_550 = tpu.scan <min>, %reduce_min3A_549 masked %reduce_min3A_546 : vector<16xi32>, vector<16xi1> -> vector<16xi32>
      %reduce_min3A_551 = arith.xori %reduce_min3A_550, %reduce_min3A_548 : vector<16xi32>
      %reduce_min3A_552 = vector.extract %reduce_min3A_551[15] : i32 from vector<16xi32>
      %iota3A_553 = tpu.iota {dimensions = array<i32: 0>} : vector<16xi32>
      %eq3A_554 = vector.broadcast %reduce_max3A_541 : i32 to vector<16xi32>
      %eq3A_555 = arith.cmpi eq, %iota3A_553, %eq3A_554 : vector<16xi32>
      %jit3A_556 = arith.constant 0 : i32
      %broadcast_in_dim3A_557 = vector.broadcast %jit3A_556 : i32 to vector<16xi32>
      %select_n3A_558 = arith.select %eq3A_555, %scan3A_514, %broadcast_in_dim3A_557 : vector<16xi1>, vector<16xi32>
      %reduce_sum3A_559 = arith.constant true
      %reduce_sum3A_560 = vector.broadcast %reduce_sum3A_559 : i1 to vector<16xi1>
      %reduce_sum3A_561 = tpu.scan <sum>, %select_n3A_558 masked %reduce_sum3A_560 : vector<16xi32>, vector<16xi1> -> vector<16xi32>
      %reduce_sum3A_562 = vector.extract %reduce_sum3A_561[15] : i32 from vector<16xi32>
      %sub3A_563 = arith.subi %reduce_min3A_552, %reduce_sum3A_562 : i32
      %mul3A_564 = arith.constant 256 : i32
      %mul3A_565 = arith.muli %reduce_max3A_485, %mul3A_564 : i32
      %add3A_566 = arith.constant 0 : i32
      %add3A_567 = arith.addi %add3A_566, %mul3A_565 : i32
      %mul3A_568 = arith.constant 16 : i32
      %mul3A_569 = arith.muli %reduce_max3A_541, %mul3A_568 : i32
      %add3A_570 = arith.addi %add3A_567, %mul3A_569 : i32
      %get3A_571 = arith.index_cast %add3A_570 : i32 to index
      %get3A_572 = tpu.vector_load %arg5[%get3A_571] {strides = array<i32>} : memref<8192xi32, #tpu.memory_space<vmem>>, vector<16xi32>,
      %reduce_sum3A_573 = arith.constant true
      %reduce_sum3A_574 = vector.broadcast %reduce_sum3A_573 : i1 to vector<16xi1>
      %reduce_sum3A_575 = tpu.scan <sum>, %get3A_572 masked %reduce_sum3A_574 : vector<16xi32>, vector<16xi1> -> vector<16xi32>
      %reduce_sum3A_576 = vector.extract %reduce_sum3A_575[15] : i32 from vector<16xi32>
      %broadcast_in_dim3A_577 = arith.constant true
      %broadcast_in_dim3A_578 = vector.broadcast %broadcast_in_dim3A_577 : i1 to vector<16xi1>
      %masked_cumsum3A_579 = tpu.scan <sum>, %get3A_572 masked %broadcast_in_dim3A_578 : vector<16xi32>, vector<16xi1> -> vector<16xi32>
      %sub3A_580 = vector.broadcast %reduce_sum3A_576 : i32 to vector<16xi32>
      %sub3A_581 = arith.subi %sub3A_580, %masked_cumsum3A_579 : vector<16xi32>
      %add3A_582 = arith.addi %sub3A_581, %get3A_572 : vector<16xi32>
      %sub3A_583 = arith.subi %sub3A_527, %sub3A_563 : i32
      %ge3A_584 = vector.broadcast %sub3A_583 : i32 to vector<16xi32>
      %ge3A_585 = arith.cmpi sge, %add3A_582, %ge3A_584 : vector<16xi32>
      %iota3A_586 = tpu.iota {dimensions = array<i32: 0>} : vector<16xi32>
      %jit3A_587 = arith.constant 0 : i32
      %broadcast_in_dim3A_588 = vector.broadcast %jit3A_587 : i32 to vector<16xi32>
      %select_n3A_589 = arith.select %ge3A_585, %iota3A_586, %broadcast_in_dim3A_588 : vector<16xi1>, vector<16xi32>
      %reduce_max3A_590 = arith.constant true
      %reduce_max3A_591 = vector.broadcast %reduce_max3A_590 : i1 to vector<16xi1>
      %reduce_max3A_592 = arith.constant -2147483648 : i32
      %reduce_max3A_593 = vector.broadcast %reduce_max3A_592 : i32 to vector<16xi32>
      %reduce_max3A_594 = arith.xori %select_n3A_589, %reduce_max3A_593 : vector<16xi32>
      %reduce_max3A_595 = tpu.scan <max>, %reduce_max3A_594 masked %reduce_max3A_591 : vector<16xi32>, vector<16xi1> -> vector<16xi32>
      %reduce_max3A_596 = arith.xori %reduce_max3A_595, %reduce_max3A_593 : vector<16xi32>
      %reduce_max3A_597 = vector.extract %reduce_max3A_596[15] : i32 from vector<16xi32>
      %jit3A_598 = arith.constant 2147483647 : i32
      %broadcast_in_dim3A_599 = vector.broadcast %jit3A_598 : i32 to vector<16xi32>
      %select_n3A_600 = arith.select %ge3A_585, %add3A_582, %broadcast_in_dim3A_599 : vector<16xi1>, vector<16xi32>
      %reduce_min3A_601 = arith.constant true
      %reduce_min3A_602 = vector.broadcast %reduce_min3A_601 : i1 to vector<16xi1>
      %reduce_min3A_603 = arith.constant -2147483648 : i32
      %reduce_min3A_604 = vector.broadcast %reduce_min3A_603 : i32 to vector<16xi32>
      %reduce_min3A_605 = arith.xori %select_n3A_600, %reduce_min3A_604 : vector<16xi32>
      %reduce_min3A_606 = tpu.scan <min>, %reduce_min3A_605 masked %reduce_min3A_602 : vector<16xi32>, vector<16xi1> -> vector<16xi32>
      %reduce_min3A_607 = arith.xori %reduce_min3A_606, %reduce_min3A_604 : vector<16xi32>
      %reduce_min3A_608 = vector.extract %reduce_min3A_607[15] : i32 from vector<16xi32>
      %iota3A_609 = tpu.iota {dimensions = array<i32: 0>} : vector<16xi32>
      %eq3A_610 = vector.broadcast %reduce_max3A_597 : i32 to vector<16xi32>
      %eq3A_611 = arith.cmpi eq, %iota3A_609, %eq3A_610 : vector<16xi32>
      %jit3A_612 = arith.constant 0 : i32
      %broadcast_in_dim3A_613 = vector.broadcast %jit3A_612 : i32 to vector<16xi32>
      %select_n3A_614 = arith.select %eq3A_611, %get3A_572, %broadcast_in_dim3A_613 : vector<16xi1>, vector<16xi32>
      %reduce_sum3A_615 = arith.constant true
      %reduce_sum3A_616 = vector.broadcast %reduce_sum3A_615 : i1 to vector<16xi1>
      %reduce_sum3A_617 = tpu.scan <sum>, %select_n3A_614 masked %reduce_sum3A_616 : vector<16xi32>, vector<16xi1> -> vector<16xi32>
      %reduce_sum3A_618 = vector.extract %reduce_sum3A_617[15] : i32 from vector<16xi32>
      %sub3A_619 = arith.subi %reduce_min3A_608, %reduce_sum3A_618 : i32
      %mul3A_620 = arith.constant 256 : i32
      %mul3A_621 = arith.muli %reduce_max3A_485, %mul3A_620 : i32
      %mul3A_622 = arith.constant 16 : i32
      %mul3A_623 = arith.muli %reduce_max3A_541, %mul3A_622 : i32
      %add3A_624 = arith.addi %mul3A_621, %mul3A_623 : i32
      %add3A_625 = arith.addi %add3A_624, %reduce_max3A_597 : i32
      %add3A_626 = arith.addi %sub3A_507, %sub3A_563 : i32
      %add3A_627 = arith.addi %add3A_626, %sub3A_619 : i32
      %sub3A_628 = arith.constant 4096 : i32
      %sub3A_629 = arith.subi %sub3A_628, %add3A_452 : i32
      %sub3A_630 = arith.constant 100 : i32
      %sub3A_631 = arith.subi %sub3A_630, %add3A_627 : i32
      %broadcast_in_dim3A_632 = arith.constant 0 : i32
      %broadcast_in_dim3A_633 = vector.broadcast %broadcast_in_dim3A_632 : i32 to vector<16xi32>
      %swap3A_634 = arith.constant 2048 : index
      %swap3A_635 = tpu.vector_load %arg5[%swap3A_634] {strides = array<i32>} : memref<8192xi32, #tpu.memory_space<vmem>>, vector<16xi32>,
      tpu.vector_store %arg5[%swap3A_634], %broadcast_in_dim3A_633 {strides = array<i32>} : memref<8192xi32, #tpu.memory_space<vmem>>, vector<16xi32>,
      %swap3A_636 = arith.constant 2064 : index
      %swap3A_637 = tpu.vector_load %arg5[%swap3A_636] {strides = array<i32>} : memref<8192xi32, #tpu.memory_space<vmem>>, vector<16xi32>,
      tpu.vector_store %arg5[%swap3A_636], %broadcast_in_dim3A_633 {strides = array<i32>} : memref<8192xi32, #tpu.memory_space<vmem>>, vector<16xi32>,
      %swap3A_638 = arith.constant 2080 : index
      %swap3A_639 = tpu.vector_load %arg5[%swap3A_638] {strides = array<i32>} : memref<8192xi32, #tpu.memory_space<vmem>>, vector<16xi32>,
      tpu.vector_store %arg5[%swap3A_638], %broadcast_in_dim3A_633 {strides = array<i32>} : memref<8192xi32, #tpu.memory_space<vmem>>, vector<16xi32>,
      %swap3A_640 = arith.constant 2096 : index
      %swap3A_641 = tpu.vector_load %arg5[%swap3A_640] {strides = array<i32>} : memref<8192xi32, #tpu.memory_space<vmem>>, vector<16xi32>,
      tpu.vector_store %arg5[%swap3A_640], %broadcast_in_dim3A_633 {strides = array<i32>} : memref<8192xi32, #tpu.memory_space<vmem>>, vector<16xi32>,
      %swap3A_642 = arith.constant 2112 : index
      %swap3A_643 = tpu.vector_load %arg5[%swap3A_642] {strides = array<i32>} : memref<8192xi32, #tpu.memory_space<vmem>>, vector<16xi32>,
      tpu.vector_store %arg5[%swap3A_642], %broadcast_in_dim3A_633 {strides = array<i32>} : memref<8192xi32, #tpu.memory_space<vmem>>, vector<16xi32>,
      %swap3A_644 = arith.constant 2128 : index
      %swap3A_645 = tpu.vector_load %arg5[%swap3A_644] {strides = array<i32>} : memref<8192xi32, #tpu.memory_space<vmem>>, vector<16xi32>,
      tpu.vector_store %arg5[%swap3A_644], %broadcast_in_dim3A_633 {strides = array<i32>} : memref<8192xi32, #tpu.memory_space<vmem>>, vector<16xi32>,
      %swap3A_646 = arith.constant 2144 : index
      %swap3A_647 = tpu.vector_load %arg5[%swap3A_646] {strides = array<i32>} : memref<8192xi32, #tpu.memory_space<vmem>>, vector<16xi32>,
      tpu.vector_store %arg5[%swap3A_646], %broadcast_in_dim3A_633 {strides = array<i32>} : memref<8192xi32, #tpu.memory_space<vmem>>, vector<16xi32>,
      %swap3A_648 = arith.constant 2160 : index
      %swap3A_649 = tpu.vector_load %arg5[%swap3A_648] {strides = array<i32>} : memref<8192xi32, #tpu.memory_space<vmem>>, vector<16xi32>,
      tpu.vector_store %arg5[%swap3A_648], %broadcast_in_dim3A_633 {strides = array<i32>} : memref<8192xi32, #tpu.memory_space<vmem>>, vector<16xi32>,
      %swap3A_650 = arith.constant 2176 : index
      %swap3A_651 = tpu.vector_load %arg5[%swap3A_650] {strides = array<i32>} : memref<8192xi32, #tpu.memory_space<vmem>>, vector<16xi32>,
      tpu.vector_store %arg5[%swap3A_650], %broadcast_in_dim3A_633 {strides = array<i32>} : memref<8192xi32, #tpu.memory_space<vmem>>, vector<16xi32>,
      %swap3A_652 = arith.constant 2192 : index
      %swap3A_653 = tpu.vector_load %arg5[%swap3A_652] {strides = array<i32>} : memref<8192xi32, #tpu.memory_space<vmem>>, vector<16xi32>,
      tpu.vector_store %arg5[%swap3A_652], %broadcast_in_dim3A_633 {strides = array<i32>} : memref<8192xi32, #tpu.memory_space<vmem>>, vector<16xi32>,
      %swap3A_654 = arith.constant 2208 : index
      %swap3A_655 = tpu.vector_load %arg5[%swap3A_654] {strides = array<i32>} : memref<8192xi32, #tpu.memory_space<vmem>>, vector<16xi32>,
      tpu.vector_store %arg5[%swap3A_654], %broadcast_in_dim3A_633 {strides = array<i32>} : memref<8192xi32, #tpu.memory_space<vmem>>, vector<16xi32>,
      %swap3A_656 = arith.constant 2224 : index
      %swap3A_657 = tpu.vector_load %arg5[%swap3A_656] {strides = array<i32>} : memref<8192xi32, #tpu.memory_space<vmem>>, vector<16xi32>,
      tpu.vector_store %arg5[%swap3A_656], %broadcast_in_dim3A_633 {strides = array<i32>} : memref<8192xi32, #tpu.memory_space<vmem>>, vector<16xi32>,
      %swap3A_658 = arith.constant 2240 : index
      %swap3A_659 = tpu.vector_load %arg5[%swap3A_658] {strides = array<i32>} : memref<8192xi32, #tpu.memory_space<vmem>>, vector<16xi32>,
      tpu.vector_store %arg5[%swap3A_658], %broadcast_in_dim3A_633 {strides = array<i32>} : memref<8192xi32, #tpu.memory_space<vmem>>, vector<16xi32>,
      %swap3A_660 = arith.constant 2256 : index
      %swap3A_661 = tpu.vector_load %arg5[%swap3A_660] {strides = array<i32>} : memref<8192xi32, #tpu.memory_space<vmem>>, vector<16xi32>,
      tpu.vector_store %arg5[%swap3A_660], %broadcast_in_dim3A_633 {strides = array<i32>} : memref<8192xi32, #tpu.memory_space<vmem>>, vector<16xi32>,
      %swap3A_662 = arith.constant 2272 : index
      %swap3A_663 = tpu.vector_load %arg5[%swap3A_662] {strides = array<i32>} : memref<8192xi32, #tpu.memory_space<vmem>>, vector<16xi32>,
      tpu.vector_store %arg5[%swap3A_662], %broadcast_in_dim3A_633 {strides = array<i32>} : memref<8192xi32, #tpu.memory_space<vmem>>, vector<16xi32>,
      %swap3A_664 = arith.constant 2288 : index
      %swap3A_665 = tpu.vector_load %arg5[%swap3A_664] {strides = array<i32>} : memref<8192xi32, #tpu.memory_space<vmem>>, vector<16xi32>,
      tpu.vector_store %arg5[%swap3A_664], %broadcast_in_dim3A_633 {strides = array<i32>} : memref<8192xi32, #tpu.memory_space<vmem>>, vector<16xi32>,
      %swap3A_666 = arith.constant 2304 : index
      %swap3A_667 = tpu.vector_load %arg5[%swap3A_666] {strides = array<i32>} : memref<8192xi32, #tpu.memory_space<vmem>>, vector<16xi32>,
      tpu.vector_store %arg5[%swap3A_666], %broadcast_in_dim3A_633 {strides = array<i32>} : memref<8192xi32, #tpu.memory_space<vmem>>, vector<16xi32>,
      %swap3A_668 = arith.constant 2320 : index
      %swap3A_669 = tpu.vector_load %arg5[%swap3A_668] {strides = array<i32>} : memref<8192xi32, #tpu.memory_space<vmem>>, vector<16xi32>,
      tpu.vector_store %arg5[%swap3A_668], %broadcast_in_dim3A_633 {strides = array<i32>} : memref<8192xi32, #tpu.memory_space<vmem>>, vector<16xi32>,
      %swap3A_670 = arith.constant 2336 : index
      %swap3A_671 = tpu.vector_load %arg5[%swap3A_670] {strides = array<i32>} : memref<8192xi32, #tpu.memory_space<vmem>>, vector<16xi32>,
      tpu.vector_store %arg5[%swap3A_670], %broadcast_in_dim3A_633 {strides = array<i32>} : memref<8192xi32, #tpu.memory_space<vmem>>, vector<16xi32>,
      %swap3A_672 = arith.constant 2352 : index
      %swap3A_673 = tpu.vector_load %arg5[%swap3A_672] {strides = array<i32>} : memref<8192xi32, #tpu.memory_space<vmem>>, vector<16xi32>,
      tpu.vector_store %arg5[%swap3A_672], %broadcast_in_dim3A_633 {strides = array<i32>} : memref<8192xi32, #tpu.memory_space<vmem>>, vector<16xi32>,
      %swap3A_674 = arith.constant 2368 : index
      %swap3A_675 = tpu.vector_load %arg5[%swap3A_674] {strides = array<i32>} : memref<8192xi32, #tpu.memory_space<vmem>>, vector<16xi32>,
      tpu.vector_store %arg5[%swap3A_674], %broadcast_in_dim3A_633 {strides = array<i32>} : memref<8192xi32, #tpu.memory_space<vmem>>, vector<16xi32>,
      %swap3A_676 = arith.constant 2384 : index
      %swap3A_677 = tpu.vector_load %arg5[%swap3A_676] {strides = array<i32>} : memref<8192xi32, #tpu.memory_space<vmem>>, vector<16xi32>,
      tpu.vector_store %arg5[%swap3A_676], %broadcast_in_dim3A_633 {strides = array<i32>} : memref<8192xi32, #tpu.memory_space<vmem>>, vector<16xi32>,
      %swap3A_678 = arith.constant 2400 : index
      %swap3A_679 = tpu.vector_load %arg5[%swap3A_678] {strides = array<i32>} : memref<8192xi32, #tpu.memory_space<vmem>>, vector<16xi32>,
      tpu.vector_store %arg5[%swap3A_678], %broadcast_in_dim3A_633 {strides = array<i32>} : memref<8192xi32, #tpu.memory_space<vmem>>, vector<16xi32>,
      %swap3A_680 = arith.constant 2416 : index
      %swap3A_681 = tpu.vector_load %arg5[%swap3A_680] {strides = array<i32>} : memref<8192xi32, #tpu.memory_space<vmem>>, vector<16xi32>,
      tpu.vector_store %arg5[%swap3A_680], %broadcast_in_dim3A_633 {strides = array<i32>} : memref<8192xi32, #tpu.memory_space<vmem>>, vector<16xi32>,
      %swap3A_682 = arith.constant 2432 : index
      %swap3A_683 = tpu.vector_load %arg5[%swap3A_682] {strides = array<i32>} : memref<8192xi32, #tpu.memory_space<vmem>>, vector<16xi32>,
      tpu.vector_store %arg5[%swap3A_682], %broadcast_in_dim3A_633 {strides = array<i32>} : memref<8192xi32, #tpu.memory_space<vmem>>, vector<16xi32>,
      %swap3A_684 = arith.constant 2448 : index
      %swap3A_685 = tpu.vector_load %arg5[%swap3A_684] {strides = array<i32>} : memref<8192xi32, #tpu.memory_space<vmem>>, vector<16xi32>,
      tpu.vector_store %arg5[%swap3A_684], %broadcast_in_dim3A_633 {strides = array<i32>} : memref<8192xi32, #tpu.memory_space<vmem>>, vector<16xi32>,
      %swap3A_686 = arith.constant 2464 : index
      %swap3A_687 = tpu.vector_load %arg5[%swap3A_686] {strides = array<i32>} : memref<8192xi32, #tpu.memory_space<vmem>>, vector<16xi32>,
      tpu.vector_store %arg5[%swap3A_686], %broadcast_in_dim3A_633 {strides = array<i32>} : memref<8192xi32, #tpu.memory_space<vmem>>, vector<16xi32>,
      %swap3A_688 = arith.constant 2480 : index
      %swap3A_689 = tpu.vector_load %arg5[%swap3A_688] {strides = array<i32>} : memref<8192xi32, #tpu.memory_space<vmem>>, vector<16xi32>,
      tpu.vector_store %arg5[%swap3A_688], %broadcast_in_dim3A_633 {strides = array<i32>} : memref<8192xi32, #tpu.memory_space<vmem>>, vector<16xi32>,
      %swap3A_690 = arith.constant 2496 : index
      %swap3A_691 = tpu.vector_load %arg5[%swap3A_690] {strides = array<i32>} : memref<8192xi32, #tpu.memory_space<vmem>>, vector<16xi32>,
      tpu.vector_store %arg5[%swap3A_690], %broadcast_in_dim3A_633 {strides = array<i32>} : memref<8192xi32, #tpu.memory_space<vmem>>, vector<16xi32>,
      %swap3A_692 = arith.constant 2512 : index
      %swap3A_693 = tpu.vector_load %arg5[%swap3A_692] {strides = array<i32>} : memref<8192xi32, #tpu.memory_space<vmem>>, vector<16xi32>,
      tpu.vector_store %arg5[%swap3A_692], %broadcast_in_dim3A_633 {strides = array<i32>} : memref<8192xi32, #tpu.memory_space<vmem>>, vector<16xi32>,
      %swap3A_694 = arith.constant 2528 : index
      %swap3A_695 = tpu.vector_load %arg5[%swap3A_694] {strides = array<i32>} : memref<8192xi32, #tpu.memory_space<vmem>>, vector<16xi32>,
      tpu.vector_store %arg5[%swap3A_694], %broadcast_in_dim3A_633 {strides = array<i32>} : memref<8192xi32, #tpu.memory_space<vmem>>, vector<16xi32>,
      %swap3A_696 = arith.constant 2544 : index
      %swap3A_697 = tpu.vector_load %arg5[%swap3A_696] {strides = array<i32>} : memref<8192xi32, #tpu.memory_space<vmem>>, vector<16xi32>,
      tpu.vector_store %arg5[%swap3A_696], %broadcast_in_dim3A_633 {strides = array<i32>} : memref<8192xi32, #tpu.memory_space<vmem>>, vector<16xi32>,
      %swap3A_698 = arith.constant 2560 : index
      %swap3A_699 = tpu.vector_load %arg5[%swap3A_698] {strides = array<i32>} : memref<8192xi32, #tpu.memory_space<vmem>>, vector<16xi32>,
      tpu.vector_store %arg5[%swap3A_698], %broadcast_in_dim3A_633 {strides = array<i32>} : memref<8192xi32, #tpu.memory_space<vmem>>, vector<16xi32>,
      %swap3A_700 = arith.constant 2576 : index
      %swap3A_701 = tpu.vector_load %arg5[%swap3A_700] {strides = array<i32>} : memref<8192xi32, #tpu.memory_space<vmem>>, vector<16xi32>,
      tpu.vector_store %arg5[%swap3A_700], %broadcast_in_dim3A_633 {strides = array<i32>} : memref<8192xi32, #tpu.memory_space<vmem>>, vector<16xi32>,
      %swap3A_702 = arith.constant 2592 : index
      %swap3A_703 = tpu.vector_load %arg5[%swap3A_702] {strides = array<i32>} : memref<8192xi32, #tpu.memory_space<vmem>>, vector<16xi32>,
      tpu.vector_store %arg5[%swap3A_702], %broadcast_in_dim3A_633 {strides = array<i32>} : memref<8192xi32, #tpu.memory_space<vmem>>, vector<16xi32>,
      %swap3A_704 = arith.constant 2608 : index
      %swap3A_705 = tpu.vector_load %arg5[%swap3A_704] {strides = array<i32>} : memref<8192xi32, #tpu.memory_space<vmem>>, vector<16xi32>,
      tpu.vector_store %arg5[%swap3A_704], %broadcast_in_dim3A_633 {strides = array<i32>} : memref<8192xi32, #tpu.memory_space<vmem>>, vector<16xi32>,
      %swap3A_706 = arith.constant 2624 : index
      %swap3A_707 = tpu.vector_load %arg5[%swap3A_706] {strides = array<i32>} : memref<8192xi32, #tpu.memory_space<vmem>>, vector<16xi32>,
      tpu.vector_store %arg5[%swap3A_706], %broadcast_in_dim3A_633 {strides = array<i32>} : memref<8192xi32, #tpu.memory_space<vmem>>, vector<16xi32>,
      %swap3A_708 = arith.constant 2640 : index
      %swap3A_709 = tpu.vector_load %arg5[%swap3A_708] {strides = array<i32>} : memref<8192xi32, #tpu.memory_space<vmem>>, vector<16xi32>,
      tpu.vector_store %arg5[%swap3A_708], %broadcast_in_dim3A_633 {strides = array<i32>} : memref<8192xi32, #tpu.memory_space<vmem>>, vector<16xi32>,
      %swap3A_710 = arith.constant 2656 : index
      %swap3A_711 = tpu.vector_load %arg5[%swap3A_710] {strides = array<i32>} : memref<8192xi32, #tpu.memory_space<vmem>>, vector<16xi32>,
      tpu.vector_store %arg5[%swap3A_710], %broadcast_in_dim3A_633 {strides = array<i32>} : memref<8192xi32, #tpu.memory_space<vmem>>, vector<16xi32>,
      %swap3A_712 = arith.constant 2672 : index
      %swap3A_713 = tpu.vector_load %arg5[%swap3A_712] {strides = array<i32>} : memref<8192xi32, #tpu.memory_space<vmem>>, vector<16xi32>,
      tpu.vector_store %arg5[%swap3A_712], %broadcast_in_dim3A_633 {strides = array<i32>} : memref<8192xi32, #tpu.memory_space<vmem>>, vector<16xi32>,
      %swap3A_714 = arith.constant 2688 : index
      %swap3A_715 = tpu.vector_load %arg5[%swap3A_714] {strides = array<i32>} : memref<8192xi32, #tpu.memory_space<vmem>>, vector<16xi32>,
      tpu.vector_store %arg5[%swap3A_714], %broadcast_in_dim3A_633 {strides = array<i32>} : memref<8192xi32, #tpu.memory_space<vmem>>, vector<16xi32>,
      %swap3A_716 = arith.constant 2704 : index
      %swap3A_717 = tpu.vector_load %arg5[%swap3A_716] {strides = array<i32>} : memref<8192xi32, #tpu.memory_space<vmem>>, vector<16xi32>,
      tpu.vector_store %arg5[%swap3A_716], %broadcast_in_dim3A_633 {strides = array<i32>} : memref<8192xi32, #tpu.memory_space<vmem>>, vector<16xi32>,
      %swap3A_718 = arith.constant 2720 : index
      %swap3A_719 = tpu.vector_load %arg5[%swap3A_718] {strides = array<i32>} : memref<8192xi32, #tpu.memory_space<vmem>>, vector<16xi32>,
      tpu.vector_store %arg5[%swap3A_718], %broadcast_in_dim3A_633 {strides = array<i32>} : memref<8192xi32, #tpu.memory_space<vmem>>, vector<16xi32>,
      %swap3A_720 = arith.constant 2736 : index
      %swap3A_721 = tpu.vector_load %arg5[%swap3A_720] {strides = array<i32>} : memref<8192xi32, #tpu.memory_space<vmem>>, vector<16xi32>,
      tpu.vector_store %arg5[%swap3A_720], %broadcast_in_dim3A_633 {strides = array<i32>} : memref<8192xi32, #tpu.memory_space<vmem>>, vector<16xi32>,
      %swap3A_722 = arith.constant 2752 : index
      %swap3A_723 = tpu.vector_load %arg5[%swap3A_722] {strides = array<i32>} : memref<8192xi32, #tpu.memory_space<vmem>>, vector<16xi32>,
      tpu.vector_store %arg5[%swap3A_722], %broadcast_in_dim3A_633 {strides = array<i32>} : memref<8192xi32, #tpu.memory_space<vmem>>, vector<16xi32>,
      %swap3A_724 = arith.constant 2768 : index
      %swap3A_725 = tpu.vector_load %arg5[%swap3A_724] {strides = array<i32>} : memref<8192xi32, #tpu.memory_space<vmem>>, vector<16xi32>,
      tpu.vector_store %arg5[%swap3A_724], %broadcast_in_dim3A_633 {strides = array<i32>} : memref<8192xi32, #tpu.memory_space<vmem>>, vector<16xi32>,
      %swap3A_726 = arith.constant 2784 : index
      %swap3A_727 = tpu.vector_load %arg5[%swap3A_726] {strides = array<i32>} : memref<8192xi32, #tpu.memory_space<vmem>>, vector<16xi32>,
      tpu.vector_store %arg5[%swap3A_726], %broadcast_in_dim3A_633 {strides = array<i32>} : memref<8192xi32, #tpu.memory_space<vmem>>, vector<16xi32>,
      %swap3A_728 = arith.constant 2800 : index
      %swap3A_729 = tpu.vector_load %arg5[%swap3A_728] {strides = array<i32>} : memref<8192xi32, #tpu.memory_space<vmem>>, vector<16xi32>,
      tpu.vector_store %arg5[%swap3A_728], %broadcast_in_dim3A_633 {strides = array<i32>} : memref<8192xi32, #tpu.memory_space<vmem>>, vector<16xi32>,
      %swap3A_730 = arith.constant 2816 : index
      %swap3A_731 = tpu.vector_load %arg5[%swap3A_730] {strides = array<i32>} : memref<8192xi32, #tpu.memory_space<vmem>>, vector<16xi32>,
      tpu.vector_store %arg5[%swap3A_730], %broadcast_in_dim3A_633 {strides = array<i32>} : memref<8192xi32, #tpu.memory_space<vmem>>, vector<16xi32>,
      %swap3A_732 = arith.constant 2832 : index
      %swap3A_733 = tpu.vector_load %arg5[%swap3A_732] {strides = array<i32>} : memref<8192xi32, #tpu.memory_space<vmem>>, vector<16xi32>,
      tpu.vector_store %arg5[%swap3A_732], %broadcast_in_dim3A_633 {strides = array<i32>} : memref<8192xi32, #tpu.memory_space<vmem>>, vector<16xi32>,
      %swap3A_734 = arith.constant 2848 : index
      %swap3A_735 = tpu.vector_load %arg5[%swap3A_734] {strides = array<i32>} : memref<8192xi32, #tpu.memory_space<vmem>>, vector<16xi32>,
      tpu.vector_store %arg5[%swap3A_734], %broadcast_in_dim3A_633 {strides = array<i32>} : memref<8192xi32, #tpu.memory_space<vmem>>, vector<16xi32>,
      %swap3A_736 = arith.constant 2864 : index
      %swap3A_737 = tpu.vector_load %arg5[%swap3A_736] {strides = array<i32>} : memref<8192xi32, #tpu.memory_space<vmem>>, vector<16xi32>,
      tpu.vector_store %arg5[%swap3A_736], %broadcast_in_dim3A_633 {strides = array<i32>} : memref<8192xi32, #tpu.memory_space<vmem>>, vector<16xi32>,
      %swap3A_738 = arith.constant 2880 : index
      %swap3A_739 = tpu.vector_load %arg5[%swap3A_738] {strides = array<i32>} : memref<8192xi32, #tpu.memory_space<vmem>>, vector<16xi32>,
      tpu.vector_store %arg5[%swap3A_738], %broadcast_in_dim3A_633 {strides = array<i32>} : memref<8192xi32, #tpu.memory_space<vmem>>, vector<16xi32>,
      %swap3A_740 = arith.constant 2896 : index
      %swap3A_741 = tpu.vector_load %arg5[%swap3A_740] {strides = array<i32>} : memref<8192xi32, #tpu.memory_space<vmem>>, vector<16xi32>,
      tpu.vector_store %arg5[%swap3A_740], %broadcast_in_dim3A_633 {strides = array<i32>} : memref<8192xi32, #tpu.memory_space<vmem>>, vector<16xi32>,
      %swap3A_742 = arith.constant 2912 : index
      %swap3A_743 = tpu.vector_load %arg5[%swap3A_742] {strides = array<i32>} : memref<8192xi32, #tpu.memory_space<vmem>>, vector<16xi32>,
      tpu.vector_store %arg5[%swap3A_742], %broadcast_in_dim3A_633 {strides = array<i32>} : memref<8192xi32, #tpu.memory_space<vmem>>, vector<16xi32>,
      %swap3A_744 = arith.constant 2928 : index
      %swap3A_745 = tpu.vector_load %arg5[%swap3A_744] {strides = array<i32>} : memref<8192xi32, #tpu.memory_space<vmem>>, vector<16xi32>,
      tpu.vector_store %arg5[%swap3A_744], %broadcast_in_dim3A_633 {strides = array<i32>} : memref<8192xi32, #tpu.memory_space<vmem>>, vector<16xi32>,
      %swap3A_746 = arith.constant 2944 : index
      %swap3A_747 = tpu.vector_load %arg5[%swap3A_746] {strides = array<i32>} : memref<8192xi32, #tpu.memory_space<vmem>>, vector<16xi32>,
      tpu.vector_store %arg5[%swap3A_746], %broadcast_in_dim3A_633 {strides = array<i32>} : memref<8192xi32, #tpu.memory_space<vmem>>, vector<16xi32>,
      %swap3A_748 = arith.constant 2960 : index
      %swap3A_749 = tpu.vector_load %arg5[%swap3A_748] {strides = array<i32>} : memref<8192xi32, #tpu.memory_space<vmem>>, vector<16xi32>,
      tpu.vector_store %arg5[%swap3A_748], %broadcast_in_dim3A_633 {strides = array<i32>} : memref<8192xi32, #tpu.memory_space<vmem>>, vector<16xi32>,
      %swap3A_750 = arith.constant 2976 : index
      %swap3A_751 = tpu.vector_load %arg5[%swap3A_750] {strides = array<i32>} : memref<8192xi32, #tpu.memory_space<vmem>>, vector<16xi32>,
      tpu.vector_store %arg5[%swap3A_750], %broadcast_in_dim3A_633 {strides = array<i32>} : memref<8192xi32, #tpu.memory_space<vmem>>, vector<16xi32>,
      %swap3A_752 = arith.constant 2992 : index
      %swap3A_753 = tpu.vector_load %arg5[%swap3A_752] {strides = array<i32>} : memref<8192xi32, #tpu.memory_space<vmem>>, vector<16xi32>,
      tpu.vector_store %arg5[%swap3A_752], %broadcast_in_dim3A_633 {strides = array<i32>} : memref<8192xi32, #tpu.memory_space<vmem>>, vector<16xi32>,
      %swap3A_754 = arith.constant 3008 : index
      %swap3A_755 = tpu.vector_load %arg5[%swap3A_754] {strides = array<i32>} : memref<8192xi32, #tpu.memory_space<vmem>>, vector<16xi32>,
      tpu.vector_store %arg5[%swap3A_754], %broadcast_in_dim3A_633 {strides = array<i32>} : memref<8192xi32, #tpu.memory_space<vmem>>, vector<16xi32>,
      %swap3A_756 = arith.constant 3024 : index
      %swap3A_757 = tpu.vector_load %arg5[%swap3A_756] {strides = array<i32>} : memref<8192xi32, #tpu.memory_space<vmem>>, vector<16xi32>,
      tpu.vector_store %arg5[%swap3A_756], %broadcast_in_dim3A_633 {strides = array<i32>} : memref<8192xi32, #tpu.memory_space<vmem>>, vector<16xi32>,
      %swap3A_758 = arith.constant 3040 : index
      %swap3A_759 = tpu.vector_load %arg5[%swap3A_758] {strides = array<i32>} : memref<8192xi32, #tpu.memory_space<vmem>>, vector<16xi32>,
      tpu.vector_store %arg5[%swap3A_758], %broadcast_in_dim3A_633 {strides = array<i32>} : memref<8192xi32, #tpu.memory_space<vmem>>, vector<16xi32>,
      %swap3A_760 = arith.constant 3056 : index
      %swap3A_761 = tpu.vector_load %arg5[%swap3A_760] {strides = array<i32>} : memref<8192xi32, #tpu.memory_space<vmem>>, vector<16xi32>,
      tpu.vector_store %arg5[%swap3A_760], %broadcast_in_dim3A_633 {strides = array<i32>} : memref<8192xi32, #tpu.memory_space<vmem>>, vector<16xi32>,
      %swap3A_762 = arith.constant 3072 : index
      %swap3A_763 = tpu.vector_load %arg5[%swap3A_762] {strides = array<i32>} : memref<8192xi32, #tpu.memory_space<vmem>>, vector<16xi32>,
      tpu.vector_store %arg5[%swap3A_762], %broadcast_in_dim3A_633 {strides = array<i32>} : memref<8192xi32, #tpu.memory_space<vmem>>, vector<16xi32>,
      %swap3A_764 = arith.constant 3088 : index
      %swap3A_765 = tpu.vector_load %arg5[%swap3A_764] {strides = array<i32>} : memref<8192xi32, #tpu.memory_space<vmem>>, vector<16xi32>,
      tpu.vector_store %arg5[%swap3A_764], %broadcast_in_dim3A_633 {strides = array<i32>} : memref<8192xi32, #tpu.memory_space<vmem>>, vector<16xi32>,
      %swap3A_766 = arith.constant 3104 : index
      %swap3A_767 = tpu.vector_load %arg5[%swap3A_766] {strides = array<i32>} : memref<8192xi32, #tpu.memory_space<vmem>>, vector<16xi32>,
      tpu.vector_store %arg5[%swap3A_766], %broadcast_in_dim3A_633 {strides = array<i32>} : memref<8192xi32, #tpu.memory_space<vmem>>, vector<16xi32>,
      %swap3A_768 = arith.constant 3120 : index
      %swap3A_769 = tpu.vector_load %arg5[%swap3A_768] {strides = array<i32>} : memref<8192xi32, #tpu.memory_space<vmem>>, vector<16xi32>,
      tpu.vector_store %arg5[%swap3A_768], %broadcast_in_dim3A_633 {strides = array<i32>} : memref<8192xi32, #tpu.memory_space<vmem>>, vector<16xi32>,
      %swap3A_770 = arith.constant 3136 : index
      %swap3A_771 = tpu.vector_load %arg5[%swap3A_770] {strides = array<i32>} : memref<8192xi32, #tpu.memory_space<vmem>>, vector<16xi32>,
      tpu.vector_store %arg5[%swap3A_770], %broadcast_in_dim3A_633 {strides = array<i32>} : memref<8192xi32, #tpu.memory_space<vmem>>, vector<16xi32>,
      %swap3A_772 = arith.constant 3152 : index
      %swap3A_773 = tpu.vector_load %arg5[%swap3A_772] {strides = array<i32>} : memref<8192xi32, #tpu.memory_space<vmem>>, vector<16xi32>,
      tpu.vector_store %arg5[%swap3A_772], %broadcast_in_dim3A_633 {strides = array<i32>} : memref<8192xi32, #tpu.memory_space<vmem>>, vector<16xi32>,
      %swap3A_774 = arith.constant 3168 : index
      %swap3A_775 = tpu.vector_load %arg5[%swap3A_774] {strides = array<i32>} : memref<8192xi32, #tpu.memory_space<vmem>>, vector<16xi32>,
      tpu.vector_store %arg5[%swap3A_774], %broadcast_in_dim3A_633 {strides = array<i32>} : memref<8192xi32, #tpu.memory_space<vmem>>, vector<16xi32>,
      %swap3A_776 = arith.constant 3184 : index
      %swap3A_777 = tpu.vector_load %arg5[%swap3A_776] {strides = array<i32>} : memref<8192xi32, #tpu.memory_space<vmem>>, vector<16xi32>,
      tpu.vector_store %arg5[%swap3A_776], %broadcast_in_dim3A_633 {strides = array<i32>} : memref<8192xi32, #tpu.memory_space<vmem>>, vector<16xi32>,
      %swap3A_778 = arith.constant 3200 : index
      %swap3A_779 = tpu.vector_load %arg5[%swap3A_778] {strides = array<i32>} : memref<8192xi32, #tpu.memory_space<vmem>>, vector<16xi32>,
      tpu.vector_store %arg5[%swap3A_778], %broadcast_in_dim3A_633 {strides = array<i32>} : memref<8192xi32, #tpu.memory_space<vmem>>, vector<16xi32>,
      %swap3A_780 = arith.constant 3216 : index
      %swap3A_781 = tpu.vector_load %arg5[%swap3A_780] {strides = array<i32>} : memref<8192xi32, #tpu.memory_space<vmem>>, vector<16xi32>,
      tpu.vector_store %arg5[%swap3A_780], %broadcast_in_dim3A_633 {strides = array<i32>} : memref<8192xi32, #tpu.memory_space<vmem>>, vector<16xi32>,
      %swap3A_782 = arith.constant 3232 : index
      %swap3A_783 = tpu.vector_load %arg5[%swap3A_782] {strides = array<i32>} : memref<8192xi32, #tpu.memory_space<vmem>>, vector<16xi32>,
      tpu.vector_store %arg5[%swap3A_782], %broadcast_in_dim3A_633 {strides = array<i32>} : memref<8192xi32, #tpu.memory_space<vmem>>, vector<16xi32>,
      %swap3A_784 = arith.constant 3248 : index
      %swap3A_785 = tpu.vector_load %arg5[%swap3A_784] {strides = array<i32>} : memref<8192xi32, #tpu.memory_space<vmem>>, vector<16xi32>,
      tpu.vector_store %arg5[%swap3A_784], %broadcast_in_dim3A_633 {strides = array<i32>} : memref<8192xi32, #tpu.memory_space<vmem>>, vector<16xi32>,
      %swap3A_786 = arith.constant 3264 : index
      %swap3A_787 = tpu.vector_load %arg5[%swap3A_786] {strides = array<i32>} : memref<8192xi32, #tpu.memory_space<vmem>>, vector<16xi32>,
      tpu.vector_store %arg5[%swap3A_786], %broadcast_in_dim3A_633 {strides = array<i32>} : memref<8192xi32, #tpu.memory_space<vmem>>, vector<16xi32>,
      %swap3A_788 = arith.constant 3280 : index
      %swap3A_789 = tpu.vector_load %arg5[%swap3A_788] {strides = array<i32>} : memref<8192xi32, #tpu.memory_space<vmem>>, vector<16xi32>,
      tpu.vector_store %arg5[%swap3A_788], %broadcast_in_dim3A_633 {strides = array<i32>} : memref<8192xi32, #tpu.memory_space<vmem>>, vector<16xi32>,
      %swap3A_790 = arith.constant 3296 : index
      %swap3A_791 = tpu.vector_load %arg5[%swap3A_790] {strides = array<i32>} : memref<8192xi32, #tpu.memory_space<vmem>>, vector<16xi32>,
      tpu.vector_store %arg5[%swap3A_790], %broadcast_in_dim3A_633 {strides = array<i32>} : memref<8192xi32, #tpu.memory_space<vmem>>, vector<16xi32>,
      %swap3A_792 = arith.constant 3312 : index
      %swap3A_793 = tpu.vector_load %arg5[%swap3A_792] {strides = array<i32>} : memref<8192xi32, #tpu.memory_space<vmem>>, vector<16xi32>,
      tpu.vector_store %arg5[%swap3A_792], %broadcast_in_dim3A_633 {strides = array<i32>} : memref<8192xi32, #tpu.memory_space<vmem>>, vector<16xi32>,
      %swap3A_794 = arith.constant 3328 : index
      %swap3A_795 = tpu.vector_load %arg5[%swap3A_794] {strides = array<i32>} : memref<8192xi32, #tpu.memory_space<vmem>>, vector<16xi32>,
      tpu.vector_store %arg5[%swap3A_794], %broadcast_in_dim3A_633 {strides = array<i32>} : memref<8192xi32, #tpu.memory_space<vmem>>, vector<16xi32>,
      %swap3A_796 = arith.constant 3344 : index
      %swap3A_797 = tpu.vector_load %arg5[%swap3A_796] {strides = array<i32>} : memref<8192xi32, #tpu.memory_space<vmem>>, vector<16xi32>,
      tpu.vector_store %arg5[%swap3A_796], %broadcast_in_dim3A_633 {strides = array<i32>} : memref<8192xi32, #tpu.memory_space<vmem>>, vector<16xi32>,
      %swap3A_798 = arith.constant 3360 : index
      %swap3A_799 = tpu.vector_load %arg5[%swap3A_798] {strides = array<i32>} : memref<8192xi32, #tpu.memory_space<vmem>>, vector<16xi32>,
      tpu.vector_store %arg5[%swap3A_798], %broadcast_in_dim3A_633 {strides = array<i32>} : memref<8192xi32, #tpu.memory_space<vmem>>, vector<16xi32>,
      %swap3A_800 = arith.constant 3376 : index
      %swap3A_801 = tpu.vector_load %arg5[%swap3A_800] {strides = array<i32>} : memref<8192xi32, #tpu.memory_space<vmem>>, vector<16xi32>,
      tpu.vector_store %arg5[%swap3A_800], %broadcast_in_dim3A_633 {strides = array<i32>} : memref<8192xi32, #tpu.memory_space<vmem>>, vector<16xi32>,
      %swap3A_802 = arith.constant 3392 : index
      %swap3A_803 = tpu.vector_load %arg5[%swap3A_802] {strides = array<i32>} : memref<8192xi32, #tpu.memory_space<vmem>>, vector<16xi32>,
      tpu.vector_store %arg5[%swap3A_802], %broadcast_in_dim3A_633 {strides = array<i32>} : memref<8192xi32, #tpu.memory_space<vmem>>, vector<16xi32>,
      %swap3A_804 = arith.constant 3408 : index
      %swap3A_805 = tpu.vector_load %arg5[%swap3A_804] {strides = array<i32>} : memref<8192xi32, #tpu.memory_space<vmem>>, vector<16xi32>,
      tpu.vector_store %arg5[%swap3A_804], %broadcast_in_dim3A_633 {strides = array<i32>} : memref<8192xi32, #tpu.memory_space<vmem>>, vector<16xi32>,
      %swap3A_806 = arith.constant 3424 : index
      %swap3A_807 = tpu.vector_load %arg5[%swap3A_806] {strides = array<i32>} : memref<8192xi32, #tpu.memory_space<vmem>>, vector<16xi32>,
      tpu.vector_store %arg5[%swap3A_806], %broadcast_in_dim3A_633 {strides = array<i32>} : memref<8192xi32, #tpu.memory_space<vmem>>, vector<16xi32>,
      %swap3A_808 = arith.constant 3440 : index
      %swap3A_809 = tpu.vector_load %arg5[%swap3A_808] {strides = array<i32>} : memref<8192xi32, #tpu.memory_space<vmem>>, vector<16xi32>,
      tpu.vector_store %arg5[%swap3A_808], %broadcast_in_dim3A_633 {strides = array<i32>} : memref<8192xi32, #tpu.memory_space<vmem>>, vector<16xi32>,
      %swap3A_810 = arith.constant 3456 : index
      %swap3A_811 = tpu.vector_load %arg5[%swap3A_810] {strides = array<i32>} : memref<8192xi32, #tpu.memory_space<vmem>>, vector<16xi32>,
      tpu.vector_store %arg5[%swap3A_810], %broadcast_in_dim3A_633 {strides = array<i32>} : memref<8192xi32, #tpu.memory_space<vmem>>, vector<16xi32>,
      %swap3A_812 = arith.constant 3472 : index
      %swap3A_813 = tpu.vector_load %arg5[%swap3A_812] {strides = array<i32>} : memref<8192xi32, #tpu.memory_space<vmem>>, vector<16xi32>,
      tpu.vector_store %arg5[%swap3A_812], %broadcast_in_dim3A_633 {strides = array<i32>} : memref<8192xi32, #tpu.memory_space<vmem>>, vector<16xi32>,
      %swap3A_814 = arith.constant 3488 : index
      %swap3A_815 = tpu.vector_load %arg5[%swap3A_814] {strides = array<i32>} : memref<8192xi32, #tpu.memory_space<vmem>>, vector<16xi32>,
      tpu.vector_store %arg5[%swap3A_814], %broadcast_in_dim3A_633 {strides = array<i32>} : memref<8192xi32, #tpu.memory_space<vmem>>, vector<16xi32>,
      %swap3A_816 = arith.constant 3504 : index
      %swap3A_817 = tpu.vector_load %arg5[%swap3A_816] {strides = array<i32>} : memref<8192xi32, #tpu.memory_space<vmem>>, vector<16xi32>,
      tpu.vector_store %arg5[%swap3A_816], %broadcast_in_dim3A_633 {strides = array<i32>} : memref<8192xi32, #tpu.memory_space<vmem>>, vector<16xi32>,
      %swap3A_818 = arith.constant 3520 : index
      %swap3A_819 = tpu.vector_load %arg5[%swap3A_818] {strides = array<i32>} : memref<8192xi32, #tpu.memory_space<vmem>>, vector<16xi32>,
      tpu.vector_store %arg5[%swap3A_818], %broadcast_in_dim3A_633 {strides = array<i32>} : memref<8192xi32, #tpu.memory_space<vmem>>, vector<16xi32>,
      %swap3A_820 = arith.constant 3536 : index
      %swap3A_821 = tpu.vector_load %arg5[%swap3A_820] {strides = array<i32>} : memref<8192xi32, #tpu.memory_space<vmem>>, vector<16xi32>,
      tpu.vector_store %arg5[%swap3A_820], %broadcast_in_dim3A_633 {strides = array<i32>} : memref<8192xi32, #tpu.memory_space<vmem>>, vector<16xi32>,
      %swap3A_822 = arith.constant 3552 : index
      %swap3A_823 = tpu.vector_load %arg5[%swap3A_822] {strides = array<i32>} : memref<8192xi32, #tpu.memory_space<vmem>>, vector<16xi32>,
      tpu.vector_store %arg5[%swap3A_822], %broadcast_in_dim3A_633 {strides = array<i32>} : memref<8192xi32, #tpu.memory_space<vmem>>, vector<16xi32>,
      %swap3A_824 = arith.constant 3568 : index
      %swap3A_825 = tpu.vector_load %arg5[%swap3A_824] {strides = array<i32>} : memref<8192xi32, #tpu.memory_space<vmem>>, vector<16xi32>,
      tpu.vector_store %arg5[%swap3A_824], %broadcast_in_dim3A_633 {strides = array<i32>} : memref<8192xi32, #tpu.memory_space<vmem>>, vector<16xi32>,
      %swap3A_826 = arith.constant 3584 : index
      %swap3A_827 = tpu.vector_load %arg5[%swap3A_826] {strides = array<i32>} : memref<8192xi32, #tpu.memory_space<vmem>>, vector<16xi32>,
      tpu.vector_store %arg5[%swap3A_826], %broadcast_in_dim3A_633 {strides = array<i32>} : memref<8192xi32, #tpu.memory_space<vmem>>, vector<16xi32>,
      %swap3A_828 = arith.constant 3600 : index
      %swap3A_829 = tpu.vector_load %arg5[%swap3A_828] {strides = array<i32>} : memref<8192xi32, #tpu.memory_space<vmem>>, vector<16xi32>,
      tpu.vector_store %arg5[%swap3A_828], %broadcast_in_dim3A_633 {strides = array<i32>} : memref<8192xi32, #tpu.memory_space<vmem>>, vector<16xi32>,
      %swap3A_830 = arith.constant 3616 : index
      %swap3A_831 = tpu.vector_load %arg5[%swap3A_830] {strides = array<i32>} : memref<8192xi32, #tpu.memory_space<vmem>>, vector<16xi32>,
      tpu.vector_store %arg5[%swap3A_830], %broadcast_in_dim3A_633 {strides = array<i32>} : memref<8192xi32, #tpu.memory_space<vmem>>, vector<16xi32>,
      %swap3A_832 = arith.constant 3632 : index
      %swap3A_833 = tpu.vector_load %arg5[%swap3A_832] {strides = array<i32>} : memref<8192xi32, #tpu.memory_space<vmem>>, vector<16xi32>,
      tpu.vector_store %arg5[%swap3A_832], %broadcast_in_dim3A_633 {strides = array<i32>} : memref<8192xi32, #tpu.memory_space<vmem>>, vector<16xi32>,
      %swap3A_834 = arith.constant 3648 : index
      %swap3A_835 = tpu.vector_load %arg5[%swap3A_834] {strides = array<i32>} : memref<8192xi32, #tpu.memory_space<vmem>>, vector<16xi32>,
      tpu.vector_store %arg5[%swap3A_834], %broadcast_in_dim3A_633 {strides = array<i32>} : memref<8192xi32, #tpu.memory_space<vmem>>, vector<16xi32>,
      %swap3A_836 = arith.constant 3664 : index
      %swap3A_837 = tpu.vector_load %arg5[%swap3A_836] {strides = array<i32>} : memref<8192xi32, #tpu.memory_space<vmem>>, vector<16xi32>,
      tpu.vector_store %arg5[%swap3A_836], %broadcast_in_dim3A_633 {strides = array<i32>} : memref<8192xi32, #tpu.memory_space<vmem>>, vector<16xi32>,
      %swap3A_838 = arith.constant 3680 : index
      %swap3A_839 = tpu.vector_load %arg5[%swap3A_838] {strides = array<i32>} : memref<8192xi32, #tpu.memory_space<vmem>>, vector<16xi32>,
      tpu.vector_store %arg5[%swap3A_838], %broadcast_in_dim3A_633 {strides = array<i32>} : memref<8192xi32, #tpu.memory_space<vmem>>, vector<16xi32>,
      %swap3A_840 = arith.constant 3696 : index
      %swap3A_841 = tpu.vector_load %arg5[%swap3A_840] {strides = array<i32>} : memref<8192xi32, #tpu.memory_space<vmem>>, vector<16xi32>,
      tpu.vector_store %arg5[%swap3A_840], %broadcast_in_dim3A_633 {strides = array<i32>} : memref<8192xi32, #tpu.memory_space<vmem>>, vector<16xi32>,
      %swap3A_842 = arith.constant 3712 : index
      %swap3A_843 = tpu.vector_load %arg5[%swap3A_842] {strides = array<i32>} : memref<8192xi32, #tpu.memory_space<vmem>>, vector<16xi32>,
      tpu.vector_store %arg5[%swap3A_842], %broadcast_in_dim3A_633 {strides = array<i32>} : memref<8192xi32, #tpu.memory_space<vmem>>, vector<16xi32>,
      %swap3A_844 = arith.constant 3728 : index
      %swap3A_845 = tpu.vector_load %arg5[%swap3A_844] {strides = array<i32>} : memref<8192xi32, #tpu.memory_space<vmem>>, vector<16xi32>,
      tpu.vector_store %arg5[%swap3A_844], %broadcast_in_dim3A_633 {strides = array<i32>} : memref<8192xi32, #tpu.memory_space<vmem>>, vector<16xi32>,
      %swap3A_846 = arith.constant 3744 : index
      %swap3A_847 = tpu.vector_load %arg5[%swap3A_846] {strides = array<i32>} : memref<8192xi32, #tpu.memory_space<vmem>>, vector<16xi32>,
      tpu.vector_store %arg5[%swap3A_846], %broadcast_in_dim3A_633 {strides = array<i32>} : memref<8192xi32, #tpu.memory_space<vmem>>, vector<16xi32>,
      %swap3A_848 = arith.constant 3760 : index
      %swap3A_849 = tpu.vector_load %arg5[%swap3A_848] {strides = array<i32>} : memref<8192xi32, #tpu.memory_space<vmem>>, vector<16xi32>,
      tpu.vector_store %arg5[%swap3A_848], %broadcast_in_dim3A_633 {strides = array<i32>} : memref<8192xi32, #tpu.memory_space<vmem>>, vector<16xi32>,
      %swap3A_850 = arith.constant 3776 : index
      %swap3A_851 = tpu.vector_load %arg5[%swap3A_850] {strides = array<i32>} : memref<8192xi32, #tpu.memory_space<vmem>>, vector<16xi32>,
      tpu.vector_store %arg5[%swap3A_850], %broadcast_in_dim3A_633 {strides = array<i32>} : memref<8192xi32, #tpu.memory_space<vmem>>, vector<16xi32>,
      %swap3A_852 = arith.constant 3792 : index
      %swap3A_853 = tpu.vector_load %arg5[%swap3A_852] {strides = array<i32>} : memref<8192xi32, #tpu.memory_space<vmem>>, vector<16xi32>,
      tpu.vector_store %arg5[%swap3A_852], %broadcast_in_dim3A_633 {strides = array<i32>} : memref<8192xi32, #tpu.memory_space<vmem>>, vector<16xi32>,
      %swap3A_854 = arith.constant 3808 : index
      %swap3A_855 = tpu.vector_load %arg5[%swap3A_854] {strides = array<i32>} : memref<8192xi32, #tpu.memory_space<vmem>>, vector<16xi32>,
      tpu.vector_store %arg5[%swap3A_854], %broadcast_in_dim3A_633 {strides = array<i32>} : memref<8192xi32, #tpu.memory_space<vmem>>, vector<16xi32>,
      %swap3A_856 = arith.constant 3824 : index
      %swap3A_857 = tpu.vector_load %arg5[%swap3A_856] {strides = array<i32>} : memref<8192xi32, #tpu.memory_space<vmem>>, vector<16xi32>,
      tpu.vector_store %arg5[%swap3A_856], %broadcast_in_dim3A_633 {strides = array<i32>} : memref<8192xi32, #tpu.memory_space<vmem>>, vector<16xi32>,
      %swap3A_858 = arith.constant 3840 : index
      %swap3A_859 = tpu.vector_load %arg5[%swap3A_858] {strides = array<i32>} : memref<8192xi32, #tpu.memory_space<vmem>>, vector<16xi32>,
      tpu.vector_store %arg5[%swap3A_858], %broadcast_in_dim3A_633 {strides = array<i32>} : memref<8192xi32, #tpu.memory_space<vmem>>, vector<16xi32>,
      %swap3A_860 = arith.constant 3856 : index
      %swap3A_861 = tpu.vector_load %arg5[%swap3A_860] {strides = array<i32>} : memref<8192xi32, #tpu.memory_space<vmem>>, vector<16xi32>,
      tpu.vector_store %arg5[%swap3A_860], %broadcast_in_dim3A_633 {strides = array<i32>} : memref<8192xi32, #tpu.memory_space<vmem>>, vector<16xi32>,
      %swap3A_862 = arith.constant 3872 : index
      %swap3A_863 = tpu.vector_load %arg5[%swap3A_862] {strides = array<i32>} : memref<8192xi32, #tpu.memory_space<vmem>>, vector<16xi32>,
      tpu.vector_store %arg5[%swap3A_862], %broadcast_in_dim3A_633 {strides = array<i32>} : memref<8192xi32, #tpu.memory_space<vmem>>, vector<16xi32>,
      %swap3A_864 = arith.constant 3888 : index
      %swap3A_865 = tpu.vector_load %arg5[%swap3A_864] {strides = array<i32>} : memref<8192xi32, #tpu.memory_space<vmem>>, vector<16xi32>,
      tpu.vector_store %arg5[%swap3A_864], %broadcast_in_dim3A_633 {strides = array<i32>} : memref<8192xi32, #tpu.memory_space<vmem>>, vector<16xi32>,
      %swap3A_866 = arith.constant 3904 : index
      %swap3A_867 = tpu.vector_load %arg5[%swap3A_866] {strides = array<i32>} : memref<8192xi32, #tpu.memory_space<vmem>>, vector<16xi32>,
      tpu.vector_store %arg5[%swap3A_866], %broadcast_in_dim3A_633 {strides = array<i32>} : memref<8192xi32, #tpu.memory_space<vmem>>, vector<16xi32>,
      %swap3A_868 = arith.constant 3920 : index
      %swap3A_869 = tpu.vector_load %arg5[%swap3A_868] {strides = array<i32>} : memref<8192xi32, #tpu.memory_space<vmem>>, vector<16xi32>,
      tpu.vector_store %arg5[%swap3A_868], %broadcast_in_dim3A_633 {strides = array<i32>} : memref<8192xi32, #tpu.memory_space<vmem>>, vector<16xi32>,
      %swap3A_870 = arith.constant 3936 : index
      %swap3A_871 = tpu.vector_load %arg5[%swap3A_870] {strides = array<i32>} : memref<8192xi32, #tpu.memory_space<vmem>>, vector<16xi32>,
      tpu.vector_store %arg5[%swap3A_870], %broadcast_in_dim3A_633 {strides = array<i32>} : memref<8192xi32, #tpu.memory_space<vmem>>, vector<16xi32>,
      %swap3A_872 = arith.constant 3952 : index
      %swap3A_873 = tpu.vector_load %arg5[%swap3A_872] {strides = array<i32>} : memref<8192xi32, #tpu.memory_space<vmem>>, vector<16xi32>,
      tpu.vector_store %arg5[%swap3A_872], %broadcast_in_dim3A_633 {strides = array<i32>} : memref<8192xi32, #tpu.memory_space<vmem>>, vector<16xi32>,
      %swap3A_874 = arith.constant 3968 : index
      %swap3A_875 = tpu.vector_load %arg5[%swap3A_874] {strides = array<i32>} : memref<8192xi32, #tpu.memory_space<vmem>>, vector<16xi32>,
      tpu.vector_store %arg5[%swap3A_874], %broadcast_in_dim3A_633 {strides = array<i32>} : memref<8192xi32, #tpu.memory_space<vmem>>, vector<16xi32>,
      %swap3A_876 = arith.constant 3984 : index
      %swap3A_877 = tpu.vector_load %arg5[%swap3A_876] {strides = array<i32>} : memref<8192xi32, #tpu.memory_space<vmem>>, vector<16xi32>,
      tpu.vector_store %arg5[%swap3A_876], %broadcast_in_dim3A_633 {strides = array<i32>} : memref<8192xi32, #tpu.memory_space<vmem>>, vector<16xi32>,
      %swap3A_878 = arith.constant 4000 : index
      %swap3A_879 = tpu.vector_load %arg5[%swap3A_878] {strides = array<i32>} : memref<8192xi32, #tpu.memory_space<vmem>>, vector<16xi32>,
      tpu.vector_store %arg5[%swap3A_878], %broadcast_in_dim3A_633 {strides = array<i32>} : memref<8192xi32, #tpu.memory_space<vmem>>, vector<16xi32>,
      %swap3A_880 = arith.constant 4016 : index
      %swap3A_881 = tpu.vector_load %arg5[%swap3A_880] {strides = array<i32>} : memref<8192xi32, #tpu.memory_space<vmem>>, vector<16xi32>,
      tpu.vector_store %arg5[%swap3A_880], %broadcast_in_dim3A_633 {strides = array<i32>} : memref<8192xi32, #tpu.memory_space<vmem>>, vector<16xi32>,
      %swap3A_882 = arith.constant 4032 : index
      %swap3A_883 = tpu.vector_load %arg5[%swap3A_882] {strides = array<i32>} : memref<8192xi32, #tpu.memory_space<vmem>>, vector<16xi32>,
      tpu.vector_store %arg5[%swap3A_882], %broadcast_in_dim3A_633 {strides = array<i32>} : memref<8192xi32, #tpu.memory_space<vmem>>, vector<16xi32>,
      %swap3A_884 = arith.constant 4048 : index
      %swap3A_885 = tpu.vector_load %arg5[%swap3A_884] {strides = array<i32>} : memref<8192xi32, #tpu.memory_space<vmem>>, vector<16xi32>,
      tpu.vector_store %arg5[%swap3A_884], %broadcast_in_dim3A_633 {strides = array<i32>} : memref<8192xi32, #tpu.memory_space<vmem>>, vector<16xi32>,
      %swap3A_886 = arith.constant 4064 : index
      %swap3A_887 = tpu.vector_load %arg5[%swap3A_886] {strides = array<i32>} : memref<8192xi32, #tpu.memory_space<vmem>>, vector<16xi32>,
      tpu.vector_store %arg5[%swap3A_886], %broadcast_in_dim3A_633 {strides = array<i32>} : memref<8192xi32, #tpu.memory_space<vmem>>, vector<16xi32>,
      %swap3A_888 = arith.constant 4080 : index
      %swap3A_889 = tpu.vector_load %arg5[%swap3A_888] {strides = array<i32>} : memref<8192xi32, #tpu.memory_space<vmem>>, vector<16xi32>,
      tpu.vector_store %arg5[%swap3A_888], %broadcast_in_dim3A_633 {strides = array<i32>} : memref<8192xi32, #tpu.memory_space<vmem>>, vector<16xi32>,
      %swap3A_890 = arith.constant 4096 : index
      %swap3A_891 = tpu.vector_load %arg5[%swap3A_890] {strides = array<i32>} : memref<8192xi32, #tpu.memory_space<vmem>>, vector<16xi32>,
      tpu.vector_store %arg5[%swap3A_890], %broadcast_in_dim3A_633 {strides = array<i32>} : memref<8192xi32, #tpu.memory_space<vmem>>, vector<16xi32>,
      %swap3A_892 = arith.constant 4112 : index
      %swap3A_893 = tpu.vector_load %arg5[%swap3A_892] {strides = array<i32>} : memref<8192xi32, #tpu.memory_space<vmem>>, vector<16xi32>,
      tpu.vector_store %arg5[%swap3A_892], %broadcast_in_dim3A_633 {strides = array<i32>} : memref<8192xi32, #tpu.memory_space<vmem>>, vector<16xi32>,
      %swap3A_894 = arith.constant 4128 : index
      %swap3A_895 = tpu.vector_load %arg5[%swap3A_894] {strides = array<i32>} : memref<8192xi32, #tpu.memory_space<vmem>>, vector<16xi32>,
      tpu.vector_store %arg5[%swap3A_894], %broadcast_in_dim3A_633 {strides = array<i32>} : memref<8192xi32, #tpu.memory_space<vmem>>, vector<16xi32>,
      %swap3A_896 = arith.constant 4144 : index
      %swap3A_897 = tpu.vector_load %arg5[%swap3A_896] {strides = array<i32>} : memref<8192xi32, #tpu.memory_space<vmem>>, vector<16xi32>,
      tpu.vector_store %arg5[%swap3A_896], %broadcast_in_dim3A_633 {strides = array<i32>} : memref<8192xi32, #tpu.memory_space<vmem>>, vector<16xi32>,
      %swap3A_898 = arith.constant 4160 : index
      %swap3A_899 = tpu.vector_load %arg5[%swap3A_898] {strides = array<i32>} : memref<8192xi32, #tpu.memory_space<vmem>>, vector<16xi32>,
      tpu.vector_store %arg5[%swap3A_898], %broadcast_in_dim3A_633 {strides = array<i32>} : memref<8192xi32, #tpu.memory_space<vmem>>, vector<16xi32>,
      %swap3A_900 = arith.constant 4176 : index
      %swap3A_901 = tpu.vector_load %arg5[%swap3A_900] {strides = array<i32>} : memref<8192xi32, #tpu.memory_space<vmem>>, vector<16xi32>,
      tpu.vector_store %arg5[%swap3A_900], %broadcast_in_dim3A_633 {strides = array<i32>} : memref<8192xi32, #tpu.memory_space<vmem>>, vector<16xi32>,
      %swap3A_902 = arith.constant 4192 : index
      %swap3A_903 = tpu.vector_load %arg5[%swap3A_902] {strides = array<i32>} : memref<8192xi32, #tpu.memory_space<vmem>>, vector<16xi32>,
      tpu.vector_store %arg5[%swap3A_902], %broadcast_in_dim3A_633 {strides = array<i32>} : memref<8192xi32, #tpu.memory_space<vmem>>, vector<16xi32>,
      %swap3A_904 = arith.constant 4208 : index
      %swap3A_905 = tpu.vector_load %arg5[%swap3A_904] {strides = array<i32>} : memref<8192xi32, #tpu.memory_space<vmem>>, vector<16xi32>,
      tpu.vector_store %arg5[%swap3A_904], %broadcast_in_dim3A_633 {strides = array<i32>} : memref<8192xi32, #tpu.memory_space<vmem>>, vector<16xi32>,
      %swap3A_906 = arith.constant 4224 : index
      %swap3A_907 = tpu.vector_load %arg5[%swap3A_906] {strides = array<i32>} : memref<8192xi32, #tpu.memory_space<vmem>>, vector<16xi32>,
      tpu.vector_store %arg5[%swap3A_906], %broadcast_in_dim3A_633 {strides = array<i32>} : memref<8192xi32, #tpu.memory_space<vmem>>, vector<16xi32>,
      %swap3A_908 = arith.constant 4240 : index
      %swap3A_909 = tpu.vector_load %arg5[%swap3A_908] {strides = array<i32>} : memref<8192xi32, #tpu.memory_space<vmem>>, vector<16xi32>,
      tpu.vector_store %arg5[%swap3A_908], %broadcast_in_dim3A_633 {strides = array<i32>} : memref<8192xi32, #tpu.memory_space<vmem>>, vector<16xi32>,
      %swap3A_910 = arith.constant 4256 : index
      %swap3A_911 = tpu.vector_load %arg5[%swap3A_910] {strides = array<i32>} : memref<8192xi32, #tpu.memory_space<vmem>>, vector<16xi32>,
      tpu.vector_store %arg5[%swap3A_910], %broadcast_in_dim3A_633 {strides = array<i32>} : memref<8192xi32, #tpu.memory_space<vmem>>, vector<16xi32>,
      %swap3A_912 = arith.constant 4272 : index
      %swap3A_913 = tpu.vector_load %arg5[%swap3A_912] {strides = array<i32>} : memref<8192xi32, #tpu.memory_space<vmem>>, vector<16xi32>,
      tpu.vector_store %arg5[%swap3A_912], %broadcast_in_dim3A_633 {strides = array<i32>} : memref<8192xi32, #tpu.memory_space<vmem>>, vector<16xi32>,
      %swap3A_914 = arith.constant 4288 : index
      %swap3A_915 = tpu.vector_load %arg5[%swap3A_914] {strides = array<i32>} : memref<8192xi32, #tpu.memory_space<vmem>>, vector<16xi32>,
      tpu.vector_store %arg5[%swap3A_914], %broadcast_in_dim3A_633 {strides = array<i32>} : memref<8192xi32, #tpu.memory_space<vmem>>, vector<16xi32>,
      %swap3A_916 = arith.constant 4304 : index
      %swap3A_917 = tpu.vector_load %arg5[%swap3A_916] {strides = array<i32>} : memref<8192xi32, #tpu.memory_space<vmem>>, vector<16xi32>,
      tpu.vector_store %arg5[%swap3A_916], %broadcast_in_dim3A_633 {strides = array<i32>} : memref<8192xi32, #tpu.memory_space<vmem>>, vector<16xi32>,
      %swap3A_918 = arith.constant 4320 : index
      %swap3A_919 = tpu.vector_load %arg5[%swap3A_918] {strides = array<i32>} : memref<8192xi32, #tpu.memory_space<vmem>>, vector<16xi32>,
      tpu.vector_store %arg5[%swap3A_918], %broadcast_in_dim3A_633 {strides = array<i32>} : memref<8192xi32, #tpu.memory_space<vmem>>, vector<16xi32>,
      %swap3A_920 = arith.constant 4336 : index
      %swap3A_921 = tpu.vector_load %arg5[%swap3A_920] {strides = array<i32>} : memref<8192xi32, #tpu.memory_space<vmem>>, vector<16xi32>,
      tpu.vector_store %arg5[%swap3A_920], %broadcast_in_dim3A_633 {strides = array<i32>} : memref<8192xi32, #tpu.memory_space<vmem>>, vector<16xi32>,
      %swap3A_922 = arith.constant 4352 : index
      %swap3A_923 = tpu.vector_load %arg5[%swap3A_922] {strides = array<i32>} : memref<8192xi32, #tpu.memory_space<vmem>>, vector<16xi32>,
      tpu.vector_store %arg5[%swap3A_922], %broadcast_in_dim3A_633 {strides = array<i32>} : memref<8192xi32, #tpu.memory_space<vmem>>, vector<16xi32>,
      %swap3A_924 = arith.constant 4368 : index
      %swap3A_925 = tpu.vector_load %arg5[%swap3A_924] {strides = array<i32>} : memref<8192xi32, #tpu.memory_space<vmem>>, vector<16xi32>,
      tpu.vector_store %arg5[%swap3A_924], %broadcast_in_dim3A_633 {strides = array<i32>} : memref<8192xi32, #tpu.memory_space<vmem>>, vector<16xi32>,
      %swap3A_926 = arith.constant 4384 : index
      %swap3A_927 = tpu.vector_load %arg5[%swap3A_926] {strides = array<i32>} : memref<8192xi32, #tpu.memory_space<vmem>>, vector<16xi32>,
      tpu.vector_store %arg5[%swap3A_926], %broadcast_in_dim3A_633 {strides = array<i32>} : memref<8192xi32, #tpu.memory_space<vmem>>, vector<16xi32>,
      %swap3A_928 = arith.constant 4400 : index
      %swap3A_929 = tpu.vector_load %arg5[%swap3A_928] {strides = array<i32>} : memref<8192xi32, #tpu.memory_space<vmem>>, vector<16xi32>,
      tpu.vector_store %arg5[%swap3A_928], %broadcast_in_dim3A_633 {strides = array<i32>} : memref<8192xi32, #tpu.memory_space<vmem>>, vector<16xi32>,
      %swap3A_930 = arith.constant 4416 : index
      %swap3A_931 = tpu.vector_load %arg5[%swap3A_930] {strides = array<i32>} : memref<8192xi32, #tpu.memory_space<vmem>>, vector<16xi32>,
      tpu.vector_store %arg5[%swap3A_930], %broadcast_in_dim3A_633 {strides = array<i32>} : memref<8192xi32, #tpu.memory_space<vmem>>, vector<16xi32>,
      %swap3A_932 = arith.constant 4432 : index
      %swap3A_933 = tpu.vector_load %arg5[%swap3A_932] {strides = array<i32>} : memref<8192xi32, #tpu.memory_space<vmem>>, vector<16xi32>,
      tpu.vector_store %arg5[%swap3A_932], %broadcast_in_dim3A_633 {strides = array<i32>} : memref<8192xi32, #tpu.memory_space<vmem>>, vector<16xi32>,
      %swap3A_934 = arith.constant 4448 : index
      %swap3A_935 = tpu.vector_load %arg5[%swap3A_934] {strides = array<i32>} : memref<8192xi32, #tpu.memory_space<vmem>>, vector<16xi32>,
      tpu.vector_store %arg5[%swap3A_934], %broadcast_in_dim3A_633 {strides = array<i32>} : memref<8192xi32, #tpu.memory_space<vmem>>, vector<16xi32>,
      %swap3A_936 = arith.constant 4464 : index
      %swap3A_937 = tpu.vector_load %arg5[%swap3A_936] {strides = array<i32>} : memref<8192xi32, #tpu.memory_space<vmem>>, vector<16xi32>,
      tpu.vector_store %arg5[%swap3A_936], %broadcast_in_dim3A_633 {strides = array<i32>} : memref<8192xi32, #tpu.memory_space<vmem>>, vector<16xi32>,
      %swap3A_938 = arith.constant 4480 : index
      %swap3A_939 = tpu.vector_load %arg5[%swap3A_938] {strides = array<i32>} : memref<8192xi32, #tpu.memory_space<vmem>>, vector<16xi32>,
      tpu.vector_store %arg5[%swap3A_938], %broadcast_in_dim3A_633 {strides = array<i32>} : memref<8192xi32, #tpu.memory_space<vmem>>, vector<16xi32>,
      %swap3A_940 = arith.constant 4496 : index
      %swap3A_941 = tpu.vector_load %arg5[%swap3A_940] {strides = array<i32>} : memref<8192xi32, #tpu.memory_space<vmem>>, vector<16xi32>,
      tpu.vector_store %arg5[%swap3A_940], %broadcast_in_dim3A_633 {strides = array<i32>} : memref<8192xi32, #tpu.memory_space<vmem>>, vector<16xi32>,
      %swap3A_942 = arith.constant 4512 : index
      %swap3A_943 = tpu.vector_load %arg5[%swap3A_942] {strides = array<i32>} : memref<8192xi32, #tpu.memory_space<vmem>>, vector<16xi32>,
      tpu.vector_store %arg5[%swap3A_942], %broadcast_in_dim3A_633 {strides = array<i32>} : memref<8192xi32, #tpu.memory_space<vmem>>, vector<16xi32>,
      %swap3A_944 = arith.constant 4528 : index
      %swap3A_945 = tpu.vector_load %arg5[%swap3A_944] {strides = array<i32>} : memref<8192xi32, #tpu.memory_space<vmem>>, vector<16xi32>,
      tpu.vector_store %arg5[%swap3A_944], %broadcast_in_dim3A_633 {strides = array<i32>} : memref<8192xi32, #tpu.memory_space<vmem>>, vector<16xi32>,
      %swap3A_946 = arith.constant 4544 : index
      %swap3A_947 = tpu.vector_load %arg5[%swap3A_946] {strides = array<i32>} : memref<8192xi32, #tpu.memory_space<vmem>>, vector<16xi32>,
      tpu.vector_store %arg5[%swap3A_946], %broadcast_in_dim3A_633 {strides = array<i32>} : memref<8192xi32, #tpu.memory_space<vmem>>, vector<16xi32>,
      %swap3A_948 = arith.constant 4560 : index
      %swap3A_949 = tpu.vector_load %arg5[%swap3A_948] {strides = array<i32>} : memref<8192xi32, #tpu.memory_space<vmem>>, vector<16xi32>,
      tpu.vector_store %arg5[%swap3A_948], %broadcast_in_dim3A_633 {strides = array<i32>} : memref<8192xi32, #tpu.memory_space<vmem>>, vector<16xi32>,
      %swap3A_950 = arith.constant 4576 : index
      %swap3A_951 = tpu.vector_load %arg5[%swap3A_950] {strides = array<i32>} : memref<8192xi32, #tpu.memory_space<vmem>>, vector<16xi32>,
      tpu.vector_store %arg5[%swap3A_950], %broadcast_in_dim3A_633 {strides = array<i32>} : memref<8192xi32, #tpu.memory_space<vmem>>, vector<16xi32>,
      %swap3A_952 = arith.constant 4592 : index
      %swap3A_953 = tpu.vector_load %arg5[%swap3A_952] {strides = array<i32>} : memref<8192xi32, #tpu.memory_space<vmem>>, vector<16xi32>,
      tpu.vector_store %arg5[%swap3A_952], %broadcast_in_dim3A_633 {strides = array<i32>} : memref<8192xi32, #tpu.memory_space<vmem>>, vector<16xi32>,
      %swap3A_954 = arith.constant 4608 : index
      %swap3A_955 = tpu.vector_load %arg5[%swap3A_954] {strides = array<i32>} : memref<8192xi32, #tpu.memory_space<vmem>>, vector<16xi32>,
      tpu.vector_store %arg5[%swap3A_954], %broadcast_in_dim3A_633 {strides = array<i32>} : memref<8192xi32, #tpu.memory_space<vmem>>, vector<16xi32>,
      %swap3A_956 = arith.constant 4624 : index
      %swap3A_957 = tpu.vector_load %arg5[%swap3A_956] {strides = array<i32>} : memref<8192xi32, #tpu.memory_space<vmem>>, vector<16xi32>,
      tpu.vector_store %arg5[%swap3A_956], %broadcast_in_dim3A_633 {strides = array<i32>} : memref<8192xi32, #tpu.memory_space<vmem>>, vector<16xi32>,
      %swap3A_958 = arith.constant 4640 : index
      %swap3A_959 = tpu.vector_load %arg5[%swap3A_958] {strides = array<i32>} : memref<8192xi32, #tpu.memory_space<vmem>>, vector<16xi32>,
      tpu.vector_store %arg5[%swap3A_958], %broadcast_in_dim3A_633 {strides = array<i32>} : memref<8192xi32, #tpu.memory_space<vmem>>, vector<16xi32>,
      %swap3A_960 = arith.constant 4656 : index
      %swap3A_961 = tpu.vector_load %arg5[%swap3A_960] {strides = array<i32>} : memref<8192xi32, #tpu.memory_space<vmem>>, vector<16xi32>,
      tpu.vector_store %arg5[%swap3A_960], %broadcast_in_dim3A_633 {strides = array<i32>} : memref<8192xi32, #tpu.memory_space<vmem>>, vector<16xi32>,
      %swap3A_962 = arith.constant 4672 : index
      %swap3A_963 = tpu.vector_load %arg5[%swap3A_962] {strides = array<i32>} : memref<8192xi32, #tpu.memory_space<vmem>>, vector<16xi32>,
      tpu.vector_store %arg5[%swap3A_962], %broadcast_in_dim3A_633 {strides = array<i32>} : memref<8192xi32, #tpu.memory_space<vmem>>, vector<16xi32>,
      %swap3A_964 = arith.constant 4688 : index
      %swap3A_965 = tpu.vector_load %arg5[%swap3A_964] {strides = array<i32>} : memref<8192xi32, #tpu.memory_space<vmem>>, vector<16xi32>,
      tpu.vector_store %arg5[%swap3A_964], %broadcast_in_dim3A_633 {strides = array<i32>} : memref<8192xi32, #tpu.memory_space<vmem>>, vector<16xi32>,
      %swap3A_966 = arith.constant 4704 : index
      %swap3A_967 = tpu.vector_load %arg5[%swap3A_966] {strides = array<i32>} : memref<8192xi32, #tpu.memory_space<vmem>>, vector<16xi32>,
      tpu.vector_store %arg5[%swap3A_966], %broadcast_in_dim3A_633 {strides = array<i32>} : memref<8192xi32, #tpu.memory_space<vmem>>, vector<16xi32>,
      %swap3A_968 = arith.constant 4720 : index
      %swap3A_969 = tpu.vector_load %arg5[%swap3A_968] {strides = array<i32>} : memref<8192xi32, #tpu.memory_space<vmem>>, vector<16xi32>,
      tpu.vector_store %arg5[%swap3A_968], %broadcast_in_dim3A_633 {strides = array<i32>} : memref<8192xi32, #tpu.memory_space<vmem>>, vector<16xi32>,
      %swap3A_970 = arith.constant 4736 : index
      %swap3A_971 = tpu.vector_load %arg5[%swap3A_970] {strides = array<i32>} : memref<8192xi32, #tpu.memory_space<vmem>>, vector<16xi32>,
      tpu.vector_store %arg5[%swap3A_970], %broadcast_in_dim3A_633 {strides = array<i32>} : memref<8192xi32, #tpu.memory_space<vmem>>, vector<16xi32>,
      %swap3A_972 = arith.constant 4752 : index
      %swap3A_973 = tpu.vector_load %arg5[%swap3A_972] {strides = array<i32>} : memref<8192xi32, #tpu.memory_space<vmem>>, vector<16xi32>,
      tpu.vector_store %arg5[%swap3A_972], %broadcast_in_dim3A_633 {strides = array<i32>} : memref<8192xi32, #tpu.memory_space<vmem>>, vector<16xi32>,
      %swap3A_974 = arith.constant 4768 : index
      %swap3A_975 = tpu.vector_load %arg5[%swap3A_974] {strides = array<i32>} : memref<8192xi32, #tpu.memory_space<vmem>>, vector<16xi32>,
      tpu.vector_store %arg5[%swap3A_974], %broadcast_in_dim3A_633 {strides = array<i32>} : memref<8192xi32, #tpu.memory_space<vmem>>, vector<16xi32>,
      %swap3A_976 = arith.constant 4784 : index
      %swap3A_977 = tpu.vector_load %arg5[%swap3A_976] {strides = array<i32>} : memref<8192xi32, #tpu.memory_space<vmem>>, vector<16xi32>,
      tpu.vector_store %arg5[%swap3A_976], %broadcast_in_dim3A_633 {strides = array<i32>} : memref<8192xi32, #tpu.memory_space<vmem>>, vector<16xi32>,
      %swap3A_978 = arith.constant 4800 : index
      %swap3A_979 = tpu.vector_load %arg5[%swap3A_978] {strides = array<i32>} : memref<8192xi32, #tpu.memory_space<vmem>>, vector<16xi32>,
      tpu.vector_store %arg5[%swap3A_978], %broadcast_in_dim3A_633 {strides = array<i32>} : memref<8192xi32, #tpu.memory_space<vmem>>, vector<16xi32>,
      %swap3A_980 = arith.constant 4816 : index
      %swap3A_981 = tpu.vector_load %arg5[%swap3A_980] {strides = array<i32>} : memref<8192xi32, #tpu.memory_space<vmem>>, vector<16xi32>,
      tpu.vector_store %arg5[%swap3A_980], %broadcast_in_dim3A_633 {strides = array<i32>} : memref<8192xi32, #tpu.memory_space<vmem>>, vector<16xi32>,
      %swap3A_982 = arith.constant 4832 : index
      %swap3A_983 = tpu.vector_load %arg5[%swap3A_982] {strides = array<i32>} : memref<8192xi32, #tpu.memory_space<vmem>>, vector<16xi32>,
      tpu.vector_store %arg5[%swap3A_982], %broadcast_in_dim3A_633 {strides = array<i32>} : memref<8192xi32, #tpu.memory_space<vmem>>, vector<16xi32>,
      %swap3A_984 = arith.constant 4848 : index
      %swap3A_985 = tpu.vector_load %arg5[%swap3A_984] {strides = array<i32>} : memref<8192xi32, #tpu.memory_space<vmem>>, vector<16xi32>,
      tpu.vector_store %arg5[%swap3A_984], %broadcast_in_dim3A_633 {strides = array<i32>} : memref<8192xi32, #tpu.memory_space<vmem>>, vector<16xi32>,
      %swap3A_986 = arith.constant 4864 : index
      %swap3A_987 = tpu.vector_load %arg5[%swap3A_986] {strides = array<i32>} : memref<8192xi32, #tpu.memory_space<vmem>>, vector<16xi32>,
      tpu.vector_store %arg5[%swap3A_986], %broadcast_in_dim3A_633 {strides = array<i32>} : memref<8192xi32, #tpu.memory_space<vmem>>, vector<16xi32>,
      %swap3A_988 = arith.constant 4880 : index
      %swap3A_989 = tpu.vector_load %arg5[%swap3A_988] {strides = array<i32>} : memref<8192xi32, #tpu.memory_space<vmem>>, vector<16xi32>,
      tpu.vector_store %arg5[%swap3A_988], %broadcast_in_dim3A_633 {strides = array<i32>} : memref<8192xi32, #tpu.memory_space<vmem>>, vector<16xi32>,
      %swap3A_990 = arith.constant 4896 : index
      %swap3A_991 = tpu.vector_load %arg5[%swap3A_990] {strides = array<i32>} : memref<8192xi32, #tpu.memory_space<vmem>>, vector<16xi32>,
      tpu.vector_store %arg5[%swap3A_990], %broadcast_in_dim3A_633 {strides = array<i32>} : memref<8192xi32, #tpu.memory_space<vmem>>, vector<16xi32>,
      %swap3A_992 = arith.constant 4912 : index
      %swap3A_993 = tpu.vector_load %arg5[%swap3A_992] {strides = array<i32>} : memref<8192xi32, #tpu.memory_space<vmem>>, vector<16xi32>,
      tpu.vector_store %arg5[%swap3A_992], %broadcast_in_dim3A_633 {strides = array<i32>} : memref<8192xi32, #tpu.memory_space<vmem>>, vector<16xi32>,
      %swap3A_994 = arith.constant 4928 : index
      %swap3A_995 = tpu.vector_load %arg5[%swap3A_994] {strides = array<i32>} : memref<8192xi32, #tpu.memory_space<vmem>>, vector<16xi32>,
      tpu.vector_store %arg5[%swap3A_994], %broadcast_in_dim3A_633 {strides = array<i32>} : memref<8192xi32, #tpu.memory_space<vmem>>, vector<16xi32>,
      %swap3A_996 = arith.constant 4944 : index
      %swap3A_997 = tpu.vector_load %arg5[%swap3A_996] {strides = array<i32>} : memref<8192xi32, #tpu.memory_space<vmem>>, vector<16xi32>,
      tpu.vector_store %arg5[%swap3A_996], %broadcast_in_dim3A_633 {strides = array<i32>} : memref<8192xi32, #tpu.memory_space<vmem>>, vector<16xi32>,
      %swap3A_998 = arith.constant 4960 : index
      %swap3A_999 = tpu.vector_load %arg5[%swap3A_998] {strides = array<i32>} : memref<8192xi32, #tpu.memory_space<vmem>>, vector<16xi32>,
      tpu.vector_store %arg5[%swap3A_998], %broadcast_in_dim3A_633 {strides = array<i32>} : memref<8192xi32, #tpu.memory_space<vmem>>, vector<16xi32>,
      %swap3A_1000 = arith.constant 4976 : index
      %swap3A_1001 = tpu.vector_load %arg5[%swap3A_1000] {strides = array<i32>} : memref<8192xi32, #tpu.memory_space<vmem>>, vector<16xi32>,
      tpu.vector_store %arg5[%swap3A_1000], %broadcast_in_dim3A_633 {strides = array<i32>} : memref<8192xi32, #tpu.memory_space<vmem>>, vector<16xi32>,
      %swap3A_1002 = arith.constant 4992 : index
      %swap3A_1003 = tpu.vector_load %arg5[%swap3A_1002] {strides = array<i32>} : memref<8192xi32, #tpu.memory_space<vmem>>, vector<16xi32>,
      tpu.vector_store %arg5[%swap3A_1002], %broadcast_in_dim3A_633 {strides = array<i32>} : memref<8192xi32, #tpu.memory_space<vmem>>, vector<16xi32>,
      %swap3A_1004 = arith.constant 5008 : index
      %swap3A_1005 = tpu.vector_load %arg5[%swap3A_1004] {strides = array<i32>} : memref<8192xi32, #tpu.memory_space<vmem>>, vector<16xi32>,
      tpu.vector_store %arg5[%swap3A_1004], %broadcast_in_dim3A_633 {strides = array<i32>} : memref<8192xi32, #tpu.memory_space<vmem>>, vector<16xi32>,
      %swap3A_1006 = arith.constant 5024 : index
      %swap3A_1007 = tpu.vector_load %arg5[%swap3A_1006] {strides = array<i32>} : memref<8192xi32, #tpu.memory_space<vmem>>, vector<16xi32>,
      tpu.vector_store %arg5[%swap3A_1006], %broadcast_in_dim3A_633 {strides = array<i32>} : memref<8192xi32, #tpu.memory_space<vmem>>, vector<16xi32>,
      %swap3A_1008 = arith.constant 5040 : index
      %swap3A_1009 = tpu.vector_load %arg5[%swap3A_1008] {strides = array<i32>} : memref<8192xi32, #tpu.memory_space<vmem>>, vector<16xi32>,
      tpu.vector_store %arg5[%swap3A_1008], %broadcast_in_dim3A_633 {strides = array<i32>} : memref<8192xi32, #tpu.memory_space<vmem>>, vector<16xi32>,
      %swap3A_1010 = arith.constant 5056 : index
      %swap3A_1011 = tpu.vector_load %arg5[%swap3A_1010] {strides = array<i32>} : memref<8192xi32, #tpu.memory_space<vmem>>, vector<16xi32>,
      tpu.vector_store %arg5[%swap3A_1010], %broadcast_in_dim3A_633 {strides = array<i32>} : memref<8192xi32, #tpu.memory_space<vmem>>, vector<16xi32>,
      %swap3A_1012 = arith.constant 5072 : index
      %swap3A_1013 = tpu.vector_load %arg5[%swap3A_1012] {strides = array<i32>} : memref<8192xi32, #tpu.memory_space<vmem>>, vector<16xi32>,
      tpu.vector_store %arg5[%swap3A_1012], %broadcast_in_dim3A_633 {strides = array<i32>} : memref<8192xi32, #tpu.memory_space<vmem>>, vector<16xi32>,
      %swap3A_1014 = arith.constant 5088 : index
      %swap3A_1015 = tpu.vector_load %arg5[%swap3A_1014] {strides = array<i32>} : memref<8192xi32, #tpu.memory_space<vmem>>, vector<16xi32>,
      tpu.vector_store %arg5[%swap3A_1014], %broadcast_in_dim3A_633 {strides = array<i32>} : memref<8192xi32, #tpu.memory_space<vmem>>, vector<16xi32>,
      %swap3A_1016 = arith.constant 5104 : index
      %swap3A_1017 = tpu.vector_load %arg5[%swap3A_1016] {strides = array<i32>} : memref<8192xi32, #tpu.memory_space<vmem>>, vector<16xi32>,
      tpu.vector_store %arg5[%swap3A_1016], %broadcast_in_dim3A_633 {strides = array<i32>} : memref<8192xi32, #tpu.memory_space<vmem>>, vector<16xi32>,
      %swap3A_1018 = arith.constant 5120 : index
      %swap3A_1019 = tpu.vector_load %arg5[%swap3A_1018] {strides = array<i32>} : memref<8192xi32, #tpu.memory_space<vmem>>, vector<16xi32>,
      tpu.vector_store %arg5[%swap3A_1018], %broadcast_in_dim3A_633 {strides = array<i32>} : memref<8192xi32, #tpu.memory_space<vmem>>, vector<16xi32>,
      %swap3A_1020 = arith.constant 5136 : index
      %swap3A_1021 = tpu.vector_load %arg5[%swap3A_1020] {strides = array<i32>} : memref<8192xi32, #tpu.memory_space<vmem>>, vector<16xi32>,
      tpu.vector_store %arg5[%swap3A_1020], %broadcast_in_dim3A_633 {strides = array<i32>} : memref<8192xi32, #tpu.memory_space<vmem>>, vector<16xi32>,
      %swap3A_1022 = arith.constant 5152 : index
      %swap3A_1023 = tpu.vector_load %arg5[%swap3A_1022] {strides = array<i32>} : memref<8192xi32, #tpu.memory_space<vmem>>, vector<16xi32>,
      tpu.vector_store %arg5[%swap3A_1022], %broadcast_in_dim3A_633 {strides = array<i32>} : memref<8192xi32, #tpu.memory_space<vmem>>, vector<16xi32>,
      %swap3A_1024 = arith.constant 5168 : index
      %swap3A_1025 = tpu.vector_load %arg5[%swap3A_1024] {strides = array<i32>} : memref<8192xi32, #tpu.memory_space<vmem>>, vector<16xi32>,
      tpu.vector_store %arg5[%swap3A_1024], %broadcast_in_dim3A_633 {strides = array<i32>} : memref<8192xi32, #tpu.memory_space<vmem>>, vector<16xi32>,
      %swap3A_1026 = arith.constant 5184 : index
      %swap3A_1027 = tpu.vector_load %arg5[%swap3A_1026] {strides = array<i32>} : memref<8192xi32, #tpu.memory_space<vmem>>, vector<16xi32>,
      tpu.vector_store %arg5[%swap3A_1026], %broadcast_in_dim3A_633 {strides = array<i32>} : memref<8192xi32, #tpu.memory_space<vmem>>, vector<16xi32>,
      %swap3A_1028 = arith.constant 5200 : index
      %swap3A_1029 = tpu.vector_load %arg5[%swap3A_1028] {strides = array<i32>} : memref<8192xi32, #tpu.memory_space<vmem>>, vector<16xi32>,
      tpu.vector_store %arg5[%swap3A_1028], %broadcast_in_dim3A_633 {strides = array<i32>} : memref<8192xi32, #tpu.memory_space<vmem>>, vector<16xi32>,
      %swap3A_1030 = arith.constant 5216 : index
      %swap3A_1031 = tpu.vector_load %arg5[%swap3A_1030] {strides = array<i32>} : memref<8192xi32, #tpu.memory_space<vmem>>, vector<16xi32>,
      tpu.vector_store %arg5[%swap3A_1030], %broadcast_in_dim3A_633 {strides = array<i32>} : memref<8192xi32, #tpu.memory_space<vmem>>, vector<16xi32>,
      %swap3A_1032 = arith.constant 5232 : index
      %swap3A_1033 = tpu.vector_load %arg5[%swap3A_1032] {strides = array<i32>} : memref<8192xi32, #tpu.memory_space<vmem>>, vector<16xi32>,
      tpu.vector_store %arg5[%swap3A_1032], %broadcast_in_dim3A_633 {strides = array<i32>} : memref<8192xi32, #tpu.memory_space<vmem>>, vector<16xi32>,
      %swap3A_1034 = arith.constant 5248 : index
      %swap3A_1035 = tpu.vector_load %arg5[%swap3A_1034] {strides = array<i32>} : memref<8192xi32, #tpu.memory_space<vmem>>, vector<16xi32>,
      tpu.vector_store %arg5[%swap3A_1034], %broadcast_in_dim3A_633 {strides = array<i32>} : memref<8192xi32, #tpu.memory_space<vmem>>, vector<16xi32>,
      %swap3A_1036 = arith.constant 5264 : index
      %swap3A_1037 = tpu.vector_load %arg5[%swap3A_1036] {strides = array<i32>} : memref<8192xi32, #tpu.memory_space<vmem>>, vector<16xi32>,
      tpu.vector_store %arg5[%swap3A_1036], %broadcast_in_dim3A_633 {strides = array<i32>} : memref<8192xi32, #tpu.memory_space<vmem>>, vector<16xi32>,
      %swap3A_1038 = arith.constant 5280 : index
      %swap3A_1039 = tpu.vector_load %arg5[%swap3A_1038] {strides = array<i32>} : memref<8192xi32, #tpu.memory_space<vmem>>, vector<16xi32>,
      tpu.vector_store %arg5[%swap3A_1038], %broadcast_in_dim3A_633 {strides = array<i32>} : memref<8192xi32, #tpu.memory_space<vmem>>, vector<16xi32>,
      %swap3A_1040 = arith.constant 5296 : index
      %swap3A_1041 = tpu.vector_load %arg5[%swap3A_1040] {strides = array<i32>} : memref<8192xi32, #tpu.memory_space<vmem>>, vector<16xi32>,
      tpu.vector_store %arg5[%swap3A_1040], %broadcast_in_dim3A_633 {strides = array<i32>} : memref<8192xi32, #tpu.memory_space<vmem>>, vector<16xi32>,
      %swap3A_1042 = arith.constant 5312 : index
      %swap3A_1043 = tpu.vector_load %arg5[%swap3A_1042] {strides = array<i32>} : memref<8192xi32, #tpu.memory_space<vmem>>, vector<16xi32>,
      tpu.vector_store %arg5[%swap3A_1042], %broadcast_in_dim3A_633 {strides = array<i32>} : memref<8192xi32, #tpu.memory_space<vmem>>, vector<16xi32>,
      %swap3A_1044 = arith.constant 5328 : index
      %swap3A_1045 = tpu.vector_load %arg5[%swap3A_1044] {strides = array<i32>} : memref<8192xi32, #tpu.memory_space<vmem>>, vector<16xi32>,
      tpu.vector_store %arg5[%swap3A_1044], %broadcast_in_dim3A_633 {strides = array<i32>} : memref<8192xi32, #tpu.memory_space<vmem>>, vector<16xi32>,
      %swap3A_1046 = arith.constant 5344 : index
      %swap3A_1047 = tpu.vector_load %arg5[%swap3A_1046] {strides = array<i32>} : memref<8192xi32, #tpu.memory_space<vmem>>, vector<16xi32>,
      tpu.vector_store %arg5[%swap3A_1046], %broadcast_in_dim3A_633 {strides = array<i32>} : memref<8192xi32, #tpu.memory_space<vmem>>, vector<16xi32>,
      %swap3A_1048 = arith.constant 5360 : index
      %swap3A_1049 = tpu.vector_load %arg5[%swap3A_1048] {strides = array<i32>} : memref<8192xi32, #tpu.memory_space<vmem>>, vector<16xi32>,
      tpu.vector_store %arg5[%swap3A_1048], %broadcast_in_dim3A_633 {strides = array<i32>} : memref<8192xi32, #tpu.memory_space<vmem>>, vector<16xi32>,
      %swap3A_1050 = arith.constant 5376 : index
      %swap3A_1051 = tpu.vector_load %arg5[%swap3A_1050] {strides = array<i32>} : memref<8192xi32, #tpu.memory_space<vmem>>, vector<16xi32>,
      tpu.vector_store %arg5[%swap3A_1050], %broadcast_in_dim3A_633 {strides = array<i32>} : memref<8192xi32, #tpu.memory_space<vmem>>, vector<16xi32>,
      %swap3A_1052 = arith.constant 5392 : index
      %swap3A_1053 = tpu.vector_load %arg5[%swap3A_1052] {strides = array<i32>} : memref<8192xi32, #tpu.memory_space<vmem>>, vector<16xi32>,
      tpu.vector_store %arg5[%swap3A_1052], %broadcast_in_dim3A_633 {strides = array<i32>} : memref<8192xi32, #tpu.memory_space<vmem>>, vector<16xi32>,
      %swap3A_1054 = arith.constant 5408 : index
      %swap3A_1055 = tpu.vector_load %arg5[%swap3A_1054] {strides = array<i32>} : memref<8192xi32, #tpu.memory_space<vmem>>, vector<16xi32>,
      tpu.vector_store %arg5[%swap3A_1054], %broadcast_in_dim3A_633 {strides = array<i32>} : memref<8192xi32, #tpu.memory_space<vmem>>, vector<16xi32>,
      %swap3A_1056 = arith.constant 5424 : index
      %swap3A_1057 = tpu.vector_load %arg5[%swap3A_1056] {strides = array<i32>} : memref<8192xi32, #tpu.memory_space<vmem>>, vector<16xi32>,
      tpu.vector_store %arg5[%swap3A_1056], %broadcast_in_dim3A_633 {strides = array<i32>} : memref<8192xi32, #tpu.memory_space<vmem>>, vector<16xi32>,
      %swap3A_1058 = arith.constant 5440 : index
      %swap3A_1059 = tpu.vector_load %arg5[%swap3A_1058] {strides = array<i32>} : memref<8192xi32, #tpu.memory_space<vmem>>, vector<16xi32>,
      tpu.vector_store %arg5[%swap3A_1058], %broadcast_in_dim3A_633 {strides = array<i32>} : memref<8192xi32, #tpu.memory_space<vmem>>, vector<16xi32>,
      %swap3A_1060 = arith.constant 5456 : index
      %swap3A_1061 = tpu.vector_load %arg5[%swap3A_1060] {strides = array<i32>} : memref<8192xi32, #tpu.memory_space<vmem>>, vector<16xi32>,
      tpu.vector_store %arg5[%swap3A_1060], %broadcast_in_dim3A_633 {strides = array<i32>} : memref<8192xi32, #tpu.memory_space<vmem>>, vector<16xi32>,
      %swap3A_1062 = arith.constant 5472 : index
      %swap3A_1063 = tpu.vector_load %arg5[%swap3A_1062] {strides = array<i32>} : memref<8192xi32, #tpu.memory_space<vmem>>, vector<16xi32>,
      tpu.vector_store %arg5[%swap3A_1062], %broadcast_in_dim3A_633 {strides = array<i32>} : memref<8192xi32, #tpu.memory_space<vmem>>, vector<16xi32>,
      %swap3A_1064 = arith.constant 5488 : index
      %swap3A_1065 = tpu.vector_load %arg5[%swap3A_1064] {strides = array<i32>} : memref<8192xi32, #tpu.memory_space<vmem>>, vector<16xi32>,
      tpu.vector_store %arg5[%swap3A_1064], %broadcast_in_dim3A_633 {strides = array<i32>} : memref<8192xi32, #tpu.memory_space<vmem>>, vector<16xi32>,
      %swap3A_1066 = arith.constant 5504 : index
      %swap3A_1067 = tpu.vector_load %arg5[%swap3A_1066] {strides = array<i32>} : memref<8192xi32, #tpu.memory_space<vmem>>, vector<16xi32>,
      tpu.vector_store %arg5[%swap3A_1066], %broadcast_in_dim3A_633 {strides = array<i32>} : memref<8192xi32, #tpu.memory_space<vmem>>, vector<16xi32>,
      %swap3A_1068 = arith.constant 5520 : index
      %swap3A_1069 = tpu.vector_load %arg5[%swap3A_1068] {strides = array<i32>} : memref<8192xi32, #tpu.memory_space<vmem>>, vector<16xi32>,
      tpu.vector_store %arg5[%swap3A_1068], %broadcast_in_dim3A_633 {strides = array<i32>} : memref<8192xi32, #tpu.memory_space<vmem>>, vector<16xi32>,
      %swap3A_1070 = arith.constant 5536 : index
      %swap3A_1071 = tpu.vector_load %arg5[%swap3A_1070] {strides = array<i32>} : memref<8192xi32, #tpu.memory_space<vmem>>, vector<16xi32>,
      tpu.vector_store %arg5[%swap3A_1070], %broadcast_in_dim3A_633 {strides = array<i32>} : memref<8192xi32, #tpu.memory_space<vmem>>, vector<16xi32>,
      %swap3A_1072 = arith.constant 5552 : index
      %swap3A_1073 = tpu.vector_load %arg5[%swap3A_1072] {strides = array<i32>} : memref<8192xi32, #tpu.memory_space<vmem>>, vector<16xi32>,
      tpu.vector_store %arg5[%swap3A_1072], %broadcast_in_dim3A_633 {strides = array<i32>} : memref<8192xi32, #tpu.memory_space<vmem>>, vector<16xi32>,
      %swap3A_1074 = arith.constant 5568 : index
      %swap3A_1075 = tpu.vector_load %arg5[%swap3A_1074] {strides = array<i32>} : memref<8192xi32, #tpu.memory_space<vmem>>, vector<16xi32>,
      tpu.vector_store %arg5[%swap3A_1074], %broadcast_in_dim3A_633 {strides = array<i32>} : memref<8192xi32, #tpu.memory_space<vmem>>, vector<16xi32>,
      %swap3A_1076 = arith.constant 5584 : index
      %swap3A_1077 = tpu.vector_load %arg5[%swap3A_1076] {strides = array<i32>} : memref<8192xi32, #tpu.memory_space<vmem>>, vector<16xi32>,
      tpu.vector_store %arg5[%swap3A_1076], %broadcast_in_dim3A_633 {strides = array<i32>} : memref<8192xi32, #tpu.memory_space<vmem>>, vector<16xi32>,
      %swap3A_1078 = arith.constant 5600 : index
      %swap3A_1079 = tpu.vector_load %arg5[%swap3A_1078] {strides = array<i32>} : memref<8192xi32, #tpu.memory_space<vmem>>, vector<16xi32>,
      tpu.vector_store %arg5[%swap3A_1078], %broadcast_in_dim3A_633 {strides = array<i32>} : memref<8192xi32, #tpu.memory_space<vmem>>, vector<16xi32>,
      %swap3A_1080 = arith.constant 5616 : index
      %swap3A_1081 = tpu.vector_load %arg5[%swap3A_1080] {strides = array<i32>} : memref<8192xi32, #tpu.memory_space<vmem>>, vector<16xi32>,
      tpu.vector_store %arg5[%swap3A_1080], %broadcast_in_dim3A_633 {strides = array<i32>} : memref<8192xi32, #tpu.memory_space<vmem>>, vector<16xi32>,
      %swap3A_1082 = arith.constant 5632 : index
      %swap3A_1083 = tpu.vector_load %arg5[%swap3A_1082] {strides = array<i32>} : memref<8192xi32, #tpu.memory_space<vmem>>, vector<16xi32>,
      tpu.vector_store %arg5[%swap3A_1082], %broadcast_in_dim3A_633 {strides = array<i32>} : memref<8192xi32, #tpu.memory_space<vmem>>, vector<16xi32>,
      %swap3A_1084 = arith.constant 5648 : index
      %swap3A_1085 = tpu.vector_load %arg5[%swap3A_1084] {strides = array<i32>} : memref<8192xi32, #tpu.memory_space<vmem>>, vector<16xi32>,
      tpu.vector_store %arg5[%swap3A_1084], %broadcast_in_dim3A_633 {strides = array<i32>} : memref<8192xi32, #tpu.memory_space<vmem>>, vector<16xi32>,
      %swap3A_1086 = arith.constant 5664 : index
      %swap3A_1087 = tpu.vector_load %arg5[%swap3A_1086] {strides = array<i32>} : memref<8192xi32, #tpu.memory_space<vmem>>, vector<16xi32>,
      tpu.vector_store %arg5[%swap3A_1086], %broadcast_in_dim3A_633 {strides = array<i32>} : memref<8192xi32, #tpu.memory_space<vmem>>, vector<16xi32>,
      %swap3A_1088 = arith.constant 5680 : index
      %swap3A_1089 = tpu.vector_load %arg5[%swap3A_1088] {strides = array<i32>} : memref<8192xi32, #tpu.memory_space<vmem>>, vector<16xi32>,
      tpu.vector_store %arg5[%swap3A_1088], %broadcast_in_dim3A_633 {strides = array<i32>} : memref<8192xi32, #tpu.memory_space<vmem>>, vector<16xi32>,
      %swap3A_1090 = arith.constant 5696 : index
      %swap3A_1091 = tpu.vector_load %arg5[%swap3A_1090] {strides = array<i32>} : memref<8192xi32, #tpu.memory_space<vmem>>, vector<16xi32>,
      tpu.vector_store %arg5[%swap3A_1090], %broadcast_in_dim3A_633 {strides = array<i32>} : memref<8192xi32, #tpu.memory_space<vmem>>, vector<16xi32>,
      %swap3A_1092 = arith.constant 5712 : index
      %swap3A_1093 = tpu.vector_load %arg5[%swap3A_1092] {strides = array<i32>} : memref<8192xi32, #tpu.memory_space<vmem>>, vector<16xi32>,
      tpu.vector_store %arg5[%swap3A_1092], %broadcast_in_dim3A_633 {strides = array<i32>} : memref<8192xi32, #tpu.memory_space<vmem>>, vector<16xi32>,
      %swap3A_1094 = arith.constant 5728 : index
      %swap3A_1095 = tpu.vector_load %arg5[%swap3A_1094] {strides = array<i32>} : memref<8192xi32, #tpu.memory_space<vmem>>, vector<16xi32>,
      tpu.vector_store %arg5[%swap3A_1094], %broadcast_in_dim3A_633 {strides = array<i32>} : memref<8192xi32, #tpu.memory_space<vmem>>, vector<16xi32>,
      %swap3A_1096 = arith.constant 5744 : index
      %swap3A_1097 = tpu.vector_load %arg5[%swap3A_1096] {strides = array<i32>} : memref<8192xi32, #tpu.memory_space<vmem>>, vector<16xi32>,
      tpu.vector_store %arg5[%swap3A_1096], %broadcast_in_dim3A_633 {strides = array<i32>} : memref<8192xi32, #tpu.memory_space<vmem>>, vector<16xi32>,
      %swap3A_1098 = arith.constant 5760 : index
      %swap3A_1099 = tpu.vector_load %arg5[%swap3A_1098] {strides = array<i32>} : memref<8192xi32, #tpu.memory_space<vmem>>, vector<16xi32>,
      tpu.vector_store %arg5[%swap3A_1098], %broadcast_in_dim3A_633 {strides = array<i32>} : memref<8192xi32, #tpu.memory_space<vmem>>, vector<16xi32>,
      %swap3A_1100 = arith.constant 5776 : index
      %swap3A_1101 = tpu.vector_load %arg5[%swap3A_1100] {strides = array<i32>} : memref<8192xi32, #tpu.memory_space<vmem>>, vector<16xi32>,
      tpu.vector_store %arg5[%swap3A_1100], %broadcast_in_dim3A_633 {strides = array<i32>} : memref<8192xi32, #tpu.memory_space<vmem>>, vector<16xi32>,
      %swap3A_1102 = arith.constant 5792 : index
      %swap3A_1103 = tpu.vector_load %arg5[%swap3A_1102] {strides = array<i32>} : memref<8192xi32, #tpu.memory_space<vmem>>, vector<16xi32>,
      tpu.vector_store %arg5[%swap3A_1102], %broadcast_in_dim3A_633 {strides = array<i32>} : memref<8192xi32, #tpu.memory_space<vmem>>, vector<16xi32>,
      %swap3A_1104 = arith.constant 5808 : index
      %swap3A_1105 = tpu.vector_load %arg5[%swap3A_1104] {strides = array<i32>} : memref<8192xi32, #tpu.memory_space<vmem>>, vector<16xi32>,
      tpu.vector_store %arg5[%swap3A_1104], %broadcast_in_dim3A_633 {strides = array<i32>} : memref<8192xi32, #tpu.memory_space<vmem>>, vector<16xi32>,
      %swap3A_1106 = arith.constant 5824 : index
      %swap3A_1107 = tpu.vector_load %arg5[%swap3A_1106] {strides = array<i32>} : memref<8192xi32, #tpu.memory_space<vmem>>, vector<16xi32>,
      tpu.vector_store %arg5[%swap3A_1106], %broadcast_in_dim3A_633 {strides = array<i32>} : memref<8192xi32, #tpu.memory_space<vmem>>, vector<16xi32>,
      %swap3A_1108 = arith.constant 5840 : index
      %swap3A_1109 = tpu.vector_load %arg5[%swap3A_1108] {strides = array<i32>} : memref<8192xi32, #tpu.memory_space<vmem>>, vector<16xi32>,
      tpu.vector_store %arg5[%swap3A_1108], %broadcast_in_dim3A_633 {strides = array<i32>} : memref<8192xi32, #tpu.memory_space<vmem>>, vector<16xi32>,
      %swap3A_1110 = arith.constant 5856 : index
      %swap3A_1111 = tpu.vector_load %arg5[%swap3A_1110] {strides = array<i32>} : memref<8192xi32, #tpu.memory_space<vmem>>, vector<16xi32>,
      tpu.vector_store %arg5[%swap3A_1110], %broadcast_in_dim3A_633 {strides = array<i32>} : memref<8192xi32, #tpu.memory_space<vmem>>, vector<16xi32>,
      %swap3A_1112 = arith.constant 5872 : index
      %swap3A_1113 = tpu.vector_load %arg5[%swap3A_1112] {strides = array<i32>} : memref<8192xi32, #tpu.memory_space<vmem>>, vector<16xi32>,
      tpu.vector_store %arg5[%swap3A_1112], %broadcast_in_dim3A_633 {strides = array<i32>} : memref<8192xi32, #tpu.memory_space<vmem>>, vector<16xi32>,
      %swap3A_1114 = arith.constant 5888 : index
      %swap3A_1115 = tpu.vector_load %arg5[%swap3A_1114] {strides = array<i32>} : memref<8192xi32, #tpu.memory_space<vmem>>, vector<16xi32>,
      tpu.vector_store %arg5[%swap3A_1114], %broadcast_in_dim3A_633 {strides = array<i32>} : memref<8192xi32, #tpu.memory_space<vmem>>, vector<16xi32>,
      %swap3A_1116 = arith.constant 5904 : index
      %swap3A_1117 = tpu.vector_load %arg5[%swap3A_1116] {strides = array<i32>} : memref<8192xi32, #tpu.memory_space<vmem>>, vector<16xi32>,
      tpu.vector_store %arg5[%swap3A_1116], %broadcast_in_dim3A_633 {strides = array<i32>} : memref<8192xi32, #tpu.memory_space<vmem>>, vector<16xi32>,
      %swap3A_1118 = arith.constant 5920 : index
      %swap3A_1119 = tpu.vector_load %arg5[%swap3A_1118] {strides = array<i32>} : memref<8192xi32, #tpu.memory_space<vmem>>, vector<16xi32>,
      tpu.vector_store %arg5[%swap3A_1118], %broadcast_in_dim3A_633 {strides = array<i32>} : memref<8192xi32, #tpu.memory_space<vmem>>, vector<16xi32>,
      %swap3A_1120 = arith.constant 5936 : index
      %swap3A_1121 = tpu.vector_load %arg5[%swap3A_1120] {strides = array<i32>} : memref<8192xi32, #tpu.memory_space<vmem>>, vector<16xi32>,
      tpu.vector_store %arg5[%swap3A_1120], %broadcast_in_dim3A_633 {strides = array<i32>} : memref<8192xi32, #tpu.memory_space<vmem>>, vector<16xi32>,
      %swap3A_1122 = arith.constant 5952 : index
      %swap3A_1123 = tpu.vector_load %arg5[%swap3A_1122] {strides = array<i32>} : memref<8192xi32, #tpu.memory_space<vmem>>, vector<16xi32>,
      tpu.vector_store %arg5[%swap3A_1122], %broadcast_in_dim3A_633 {strides = array<i32>} : memref<8192xi32, #tpu.memory_space<vmem>>, vector<16xi32>,
      %swap3A_1124 = arith.constant 5968 : index
      %swap3A_1125 = tpu.vector_load %arg5[%swap3A_1124] {strides = array<i32>} : memref<8192xi32, #tpu.memory_space<vmem>>, vector<16xi32>,
      tpu.vector_store %arg5[%swap3A_1124], %broadcast_in_dim3A_633 {strides = array<i32>} : memref<8192xi32, #tpu.memory_space<vmem>>, vector<16xi32>,
      %swap3A_1126 = arith.constant 5984 : index
      %swap3A_1127 = tpu.vector_load %arg5[%swap3A_1126] {strides = array<i32>} : memref<8192xi32, #tpu.memory_space<vmem>>, vector<16xi32>,
      tpu.vector_store %arg5[%swap3A_1126], %broadcast_in_dim3A_633 {strides = array<i32>} : memref<8192xi32, #tpu.memory_space<vmem>>, vector<16xi32>,
      %swap3A_1128 = arith.constant 6000 : index
      %swap3A_1129 = tpu.vector_load %arg5[%swap3A_1128] {strides = array<i32>} : memref<8192xi32, #tpu.memory_space<vmem>>, vector<16xi32>,
      tpu.vector_store %arg5[%swap3A_1128], %broadcast_in_dim3A_633 {strides = array<i32>} : memref<8192xi32, #tpu.memory_space<vmem>>, vector<16xi32>,
      %swap3A_1130 = arith.constant 6016 : index
      %swap3A_1131 = tpu.vector_load %arg5[%swap3A_1130] {strides = array<i32>} : memref<8192xi32, #tpu.memory_space<vmem>>, vector<16xi32>,
      tpu.vector_store %arg5[%swap3A_1130], %broadcast_in_dim3A_633 {strides = array<i32>} : memref<8192xi32, #tpu.memory_space<vmem>>, vector<16xi32>,
      %swap3A_1132 = arith.constant 6032 : index
      %swap3A_1133 = tpu.vector_load %arg5[%swap3A_1132] {strides = array<i32>} : memref<8192xi32, #tpu.memory_space<vmem>>, vector<16xi32>,
      tpu.vector_store %arg5[%swap3A_1132], %broadcast_in_dim3A_633 {strides = array<i32>} : memref<8192xi32, #tpu.memory_space<vmem>>, vector<16xi32>,
      %swap3A_1134 = arith.constant 6048 : index
      %swap3A_1135 = tpu.vector_load %arg5[%swap3A_1134] {strides = array<i32>} : memref<8192xi32, #tpu.memory_space<vmem>>, vector<16xi32>,
      tpu.vector_store %arg5[%swap3A_1134], %broadcast_in_dim3A_633 {strides = array<i32>} : memref<8192xi32, #tpu.memory_space<vmem>>, vector<16xi32>,
      %swap3A_1136 = arith.constant 6064 : index
      %swap3A_1137 = tpu.vector_load %arg5[%swap3A_1136] {strides = array<i32>} : memref<8192xi32, #tpu.memory_space<vmem>>, vector<16xi32>,
      tpu.vector_store %arg5[%swap3A_1136], %broadcast_in_dim3A_633 {strides = array<i32>} : memref<8192xi32, #tpu.memory_space<vmem>>, vector<16xi32>,
      %swap3A_1138 = arith.constant 6080 : index
      %swap3A_1139 = tpu.vector_load %arg5[%swap3A_1138] {strides = array<i32>} : memref<8192xi32, #tpu.memory_space<vmem>>, vector<16xi32>,
      tpu.vector_store %arg5[%swap3A_1138], %broadcast_in_dim3A_633 {strides = array<i32>} : memref<8192xi32, #tpu.memory_space<vmem>>, vector<16xi32>,
      %swap3A_1140 = arith.constant 6096 : index
      %swap3A_1141 = tpu.vector_load %arg5[%swap3A_1140] {strides = array<i32>} : memref<8192xi32, #tpu.memory_space<vmem>>, vector<16xi32>,
      tpu.vector_store %arg5[%swap3A_1140], %broadcast_in_dim3A_633 {strides = array<i32>} : memref<8192xi32, #tpu.memory_space<vmem>>, vector<16xi32>,
      %swap3A_1142 = arith.constant 6112 : index
      %swap3A_1143 = tpu.vector_load %arg5[%swap3A_1142] {strides = array<i32>} : memref<8192xi32, #tpu.memory_space<vmem>>, vector<16xi32>,
      tpu.vector_store %arg5[%swap3A_1142], %broadcast_in_dim3A_633 {strides = array<i32>} : memref<8192xi32, #tpu.memory_space<vmem>>, vector<16xi32>,
      %swap3A_1144 = arith.constant 6128 : index
      %swap3A_1145 = tpu.vector_load %arg5[%swap3A_1144] {strides = array<i32>} : memref<8192xi32, #tpu.memory_space<vmem>>, vector<16xi32>,
      tpu.vector_store %arg5[%swap3A_1144], %broadcast_in_dim3A_633 {strides = array<i32>} : memref<8192xi32, #tpu.memory_space<vmem>>, vector<16xi32>,
      %parallel_loop3A_1146 = arith.constant 0 : i32
      %parallel_loop3A_1147 = arith.constant 6250 : i32
      %parallel_loop3A_1148 = arith.constant 1 : i32
      scf.for %parallel_loop3A_2145 = %parallel_loop3A_1146 to %parallel_loop3A_1147 step %parallel_loop3A_1148  : i32 {
        %parallel_loop3A_2146 = arith.constant 16 : i32
        %parallel_loop3A_2147 = arith.muli %parallel_loop3A_2145, %parallel_loop3A_2146 : i32
        %parallel_loop3A_2148 = arith.index_cast %parallel_loop3A_2147 : i32 to index
        %parallel_loop3A_2149 = tpu.vector_load %arg4[%parallel_loop3A_2148] {strides = array<i32>} : memref<100000xf32, #tpu.memory_space<vmem>>, vector<16xf32>,
        %parallel_loop3A_2150 = vector.bitcast %parallel_loop3A_2149 : vector<16xf32> to vector<16xi32>
        %parallel_loop3A_2151 = arith.constant 31 : i32
        %parallel_loop3A_2152 = vector.broadcast %parallel_loop3A_2151 : i32 to vector<16xi32>
        %parallel_loop3A_2153 = arith.shrsi %parallel_loop3A_2150, %parallel_loop3A_2152 : vector<16xi32>
        %parallel_loop3A_2154 = arith.constant -2147483648 : i32
        %parallel_loop3A_2155 = vector.broadcast %parallel_loop3A_2154 : i32 to vector<16xi32>
        %parallel_loop3A_2156 = arith.ori %parallel_loop3A_2153, %parallel_loop3A_2155 : vector<16xi32>
        %parallel_loop3A_2157 = arith.xori %parallel_loop3A_2150, %parallel_loop3A_2156 : vector<16xi32>
        %parallel_loop3A_2158 = arith.constant 21 : i32
        %parallel_loop3A_2159 = vector.broadcast %parallel_loop3A_2158 : i32 to vector<16xi32>
        %parallel_loop3A_2160 = arith.shrui %parallel_loop3A_2157, %parallel_loop3A_2159 : vector<16xi32>
        %parallel_loop3A_2161 = arith.constant 10 : i32
        %parallel_loop3A_2162 = vector.broadcast %parallel_loop3A_2161 : i32 to vector<16xi32>
        %parallel_loop3A_2163 = arith.shrui %parallel_loop3A_2157, %parallel_loop3A_2162 : vector<16xi32>
        %parallel_loop3A_2164 = arith.constant 2047 : i32
        %parallel_loop3A_2165 = vector.broadcast %parallel_loop3A_2164 : i32 to vector<16xi32>
        %parallel_loop3A_2166 = arith.andi %parallel_loop3A_2163, %parallel_loop3A_2165 : vector<16xi32>
        %parallel_loop3A_2167 = arith.constant 2048 : i32
        %parallel_loop3A_2168 = vector.broadcast %parallel_loop3A_2167 : i32 to vector<16xi32>
        %parallel_loop3A_2169 = arith.addi %parallel_loop3A_2168, %parallel_loop3A_2166 : vector<16xi32>
        %parallel_loop3A_2170 = vector.broadcast %add3A_450 : i32 to vector<16xi32>
        %parallel_loop3A_2171 = arith.cmpi eq, %parallel_loop3A_2160, %parallel_loop3A_2170 : vector<16xi32>
        tpu.vector_store_idx %arg5[%parallel_loop3A_2169], %broadcast_in_dim3A_1 masked %parallel_loop3A_2171 {add = true} : memref<8192xi32, #tpu.memory_space<vmem>>[vector<16xi32>], vector<16xi32>, vector<16xi1>
        %parallel_loop3A_2172 = arith.constant 4096 : i32
        %parallel_loop3A_2173 = vector.broadcast %parallel_loop3A_2172 : i32 to vector<16xi32>
        %parallel_loop3A_2174 = arith.addi %parallel_loop3A_2173, %parallel_loop3A_2166 : vector<16xi32>
        %parallel_loop3A_2175 = vector.broadcast %add3A_625 : i32 to vector<16xi32>
        %parallel_loop3A_2176 = arith.cmpi eq, %parallel_loop3A_2160, %parallel_loop3A_2175 : vector<16xi32>
        tpu.vector_store_idx %arg5[%parallel_loop3A_2174], %broadcast_in_dim3A_1 masked %parallel_loop3A_2176 {add = true} : memref<8192xi32, #tpu.memory_space<vmem>>[vector<16xi32>], vector<16xi32>, vector<16xi1>
      } {sc.loop_unroll_factor = 5 : i64, sc.parallel_access}
      %broadcast_in_dim3A_1149 = arith.constant 0 : i32
      %broadcast_in_dim3A_1150 = vector.broadcast %broadcast_in_dim3A_1149 : i32 to vector<16xi32>
      %scan3A_1151 = arith.constant 0 : i32
      %scan3A_1152 = arith.constant 8 : i32
      %scan3A_1153 = arith.addi %scan3A_1151, %scan3A_1152 : i32
      %scan3A_1154 = arith.constant 1 : i32
      %scan3A_1155 = scf.for %scan3A_2145 = %scan3A_1151 to %scan3A_1153 step %scan3A_1154 iter_args(%scan3A_2146 = %broadcast_in_dim3A_1150) -> (vector<16xi32>)  : i32 {
        %broadcast_in_dim3A_2147 = arith.constant 0 : i32
        %broadcast_in_dim3A_2148 = vector.broadcast %broadcast_in_dim3A_2147 : i32 to vector<16xi32>
        %mul3A_2149 = arith.constant 256 : i32
        %mul3A_2150 = arith.muli %scan3A_2145, %mul3A_2149 : i32
        %add3A_2151 = arith.constant 2048 : i32
        %add3A_2152 = arith.addi %add3A_2151, %mul3A_2150 : i32
        %add3A_2153 = arith.constant 0 : i32
        %add3A_2154 = arith.addi %add3A_2152, %add3A_2153 : i32
        %get3A_2155 = arith.index_cast %add3A_2154 : i32 to index
        %get3A_2156 = tpu.vector_load %arg5[%get3A_2155] {strides = array<i32>} : memref<8192xi32, #tpu.memory_space<vmem>>, vector<16xi32>,
        %add3A_2157 = arith.addi %broadcast_in_dim3A_2148, %get3A_2156 : vector<16xi32>
        %mul3A_2158 = arith.constant 256 : i32
        %mul3A_2159 = arith.muli %scan3A_2145, %mul3A_2158 : i32
        %add3A_2160 = arith.constant 2048 : i32
        %add3A_2161 = arith.addi %add3A_2160, %mul3A_2159 : i32
        %add3A_2162 = arith.constant 16 : i32
        %add3A_2163 = arith.addi %add3A_2161, %add3A_2162 : i32
        %get3A_2164 = arith.index_cast %add3A_2163 : i32 to index
        %get3A_2165 = tpu.vector_load %arg5[%get3A_2164] {strides = array<i32>} : memref<8192xi32, #tpu.memory_space<vmem>>, vector<16xi32>,
        %add3A_2166 = arith.addi %add3A_2157, %get3A_2165 : vector<16xi32>
        %mul3A_2167 = arith.constant 256 : i32
        %mul3A_2168 = arith.muli %scan3A_2145, %mul3A_2167 : i32
        %add3A_2169 = arith.constant 2048 : i32
        %add3A_2170 = arith.addi %add3A_2169, %mul3A_2168 : i32
        %add3A_2171 = arith.constant 32 : i32
        %add3A_2172 = arith.addi %add3A_2170, %add3A_2171 : i32
        %get3A_2173 = arith.index_cast %add3A_2172 : i32 to index
        %get3A_2174 = tpu.vector_load %arg5[%get3A_2173] {strides = array<i32>} : memref<8192xi32, #tpu.memory_space<vmem>>, vector<16xi32>,
        %add3A_2175 = arith.addi %add3A_2166, %get3A_2174 : vector<16xi32>
        %mul3A_2176 = arith.constant 256 : i32
        %mul3A_2177 = arith.muli %scan3A_2145, %mul3A_2176 : i32
        %add3A_2178 = arith.constant 2048 : i32
        %add3A_2179 = arith.addi %add3A_2178, %mul3A_2177 : i32
        %add3A_2180 = arith.constant 48 : i32
        %add3A_2181 = arith.addi %add3A_2179, %add3A_2180 : i32
        %get3A_2182 = arith.index_cast %add3A_2181 : i32 to index
        %get3A_2183 = tpu.vector_load %arg5[%get3A_2182] {strides = array<i32>} : memref<8192xi32, #tpu.memory_space<vmem>>, vector<16xi32>,
        %add3A_2184 = arith.addi %add3A_2175, %get3A_2183 : vector<16xi32>
        %mul3A_2185 = arith.constant 256 : i32
        %mul3A_2186 = arith.muli %scan3A_2145, %mul3A_2185 : i32
        %add3A_2187 = arith.constant 2048 : i32
        %add3A_2188 = arith.addi %add3A_2187, %mul3A_2186 : i32
        %add3A_2189 = arith.constant 64 : i32
        %add3A_2190 = arith.addi %add3A_2188, %add3A_2189 : i32
        %get3A_2191 = arith.index_cast %add3A_2190 : i32 to index
        %get3A_2192 = tpu.vector_load %arg5[%get3A_2191] {strides = array<i32>} : memref<8192xi32, #tpu.memory_space<vmem>>, vector<16xi32>,
        %add3A_2193 = arith.addi %add3A_2184, %get3A_2192 : vector<16xi32>
        %mul3A_2194 = arith.constant 256 : i32
        %mul3A_2195 = arith.muli %scan3A_2145, %mul3A_2194 : i32
        %add3A_2196 = arith.constant 2048 : i32
        %add3A_2197 = arith.addi %add3A_2196, %mul3A_2195 : i32
        %add3A_2198 = arith.constant 80 : i32
        %add3A_2199 = arith.addi %add3A_2197, %add3A_2198 : i32
        %get3A_2200 = arith.index_cast %add3A_2199 : i32 to index
        %get3A_2201 = tpu.vector_load %arg5[%get3A_2200] {strides = array<i32>} : memref<8192xi32, #tpu.memory_space<vmem>>, vector<16xi32>,
        %add3A_2202 = arith.addi %add3A_2193, %get3A_2201 : vector<16xi32>
        %mul3A_2203 = arith.constant 256 : i32
        %mul3A_2204 = arith.muli %scan3A_2145, %mul3A_2203 : i32
        %add3A_2205 = arith.constant 2048 : i32
        %add3A_2206 = arith.addi %add3A_2205, %mul3A_2204 : i32
        %add3A_2207 = arith.constant 96 : i32
        %add3A_2208 = arith.addi %add3A_2206, %add3A_2207 : i32
        %get3A_2209 = arith.index_cast %add3A_2208 : i32 to index
        %get3A_2210 = tpu.vector_load %arg5[%get3A_2209] {strides = array<i32>} : memref<8192xi32, #tpu.memory_space<vmem>>, vector<16xi32>,
        %add3A_2211 = arith.addi %add3A_2202, %get3A_2210 : vector<16xi32>
        %mul3A_2212 = arith.constant 256 : i32
        %mul3A_2213 = arith.muli %scan3A_2145, %mul3A_2212 : i32
        %add3A_2214 = arith.constant 2048 : i32
        %add3A_2215 = arith.addi %add3A_2214, %mul3A_2213 : i32
        %add3A_2216 = arith.constant 112 : i32
        %add3A_2217 = arith.addi %add3A_2215, %add3A_2216 : i32
        %get3A_2218 = arith.index_cast %add3A_2217 : i32 to index
        %get3A_2219 = tpu.vector_load %arg5[%get3A_2218] {strides = array<i32>} : memref<8192xi32, #tpu.memory_space<vmem>>, vector<16xi32>,
        %add3A_2220 = arith.addi %add3A_2211, %get3A_2219 : vector<16xi32>
        %mul3A_2221 = arith.constant 256 : i32
        %mul3A_2222 = arith.muli %scan3A_2145, %mul3A_2221 : i32
        %add3A_2223 = arith.constant 2048 : i32
        %add3A_2224 = arith.addi %add3A_2223, %mul3A_2222 : i32
        %add3A_2225 = arith.constant 128 : i32
        %add3A_2226 = arith.addi %add3A_2224, %add3A_2225 : i32
        %get3A_2227 = arith.index_cast %add3A_2226 : i32 to index
        %get3A_2228 = tpu.vector_load %arg5[%get3A_2227] {strides = array<i32>} : memref<8192xi32, #tpu.memory_space<vmem>>, vector<16xi32>,
        %add3A_2229 = arith.addi %add3A_2220, %get3A_2228 : vector<16xi32>
        %mul3A_2230 = arith.constant 256 : i32
        %mul3A_2231 = arith.muli %scan3A_2145, %mul3A_2230 : i32
        %add3A_2232 = arith.constant 2048 : i32
        %add3A_2233 = arith.addi %add3A_2232, %mul3A_2231 : i32
        %add3A_2234 = arith.constant 144 : i32
        %add3A_2235 = arith.addi %add3A_2233, %add3A_2234 : i32
        %get3A_2236 = arith.index_cast %add3A_2235 : i32 to index
        %get3A_2237 = tpu.vector_load %arg5[%get3A_2236] {strides = array<i32>} : memref<8192xi32, #tpu.memory_space<vmem>>, vector<16xi32>,
        %add3A_2238 = arith.addi %add3A_2229, %get3A_2237 : vector<16xi32>
        %mul3A_2239 = arith.constant 256 : i32
        %mul3A_2240 = arith.muli %scan3A_2145, %mul3A_2239 : i32
        %add3A_2241 = arith.constant 2048 : i32
        %add3A_2242 = arith.addi %add3A_2241, %mul3A_2240 : i32
        %add3A_2243 = arith.constant 160 : i32
        %add3A_2244 = arith.addi %add3A_2242, %add3A_2243 : i32
        %get3A_2245 = arith.index_cast %add3A_2244 : i32 to index
        %get3A_2246 = tpu.vector_load %arg5[%get3A_2245] {strides = array<i32>} : memref<8192xi32, #tpu.memory_space<vmem>>, vector<16xi32>,
        %add3A_2247 = arith.addi %add3A_2238, %get3A_2246 : vector<16xi32>
        %mul3A_2248 = arith.constant 256 : i32
        %mul3A_2249 = arith.muli %scan3A_2145, %mul3A_2248 : i32
        %add3A_2250 = arith.constant 2048 : i32
        %add3A_2251 = arith.addi %add3A_2250, %mul3A_2249 : i32
        %add3A_2252 = arith.constant 176 : i32
        %add3A_2253 = arith.addi %add3A_2251, %add3A_2252 : i32
        %get3A_2254 = arith.index_cast %add3A_2253 : i32 to index
        %get3A_2255 = tpu.vector_load %arg5[%get3A_2254] {strides = array<i32>} : memref<8192xi32, #tpu.memory_space<vmem>>, vector<16xi32>,
        %add3A_2256 = arith.addi %add3A_2247, %get3A_2255 : vector<16xi32>
        %mul3A_2257 = arith.constant 256 : i32
        %mul3A_2258 = arith.muli %scan3A_2145, %mul3A_2257 : i32
        %add3A_2259 = arith.constant 2048 : i32
        %add3A_2260 = arith.addi %add3A_2259, %mul3A_2258 : i32
        %add3A_2261 = arith.constant 192 : i32
        %add3A_2262 = arith.addi %add3A_2260, %add3A_2261 : i32
        %get3A_2263 = arith.index_cast %add3A_2262 : i32 to index
        %get3A_2264 = tpu.vector_load %arg5[%get3A_2263] {strides = array<i32>} : memref<8192xi32, #tpu.memory_space<vmem>>, vector<16xi32>,
        %add3A_2265 = arith.addi %add3A_2256, %get3A_2264 : vector<16xi32>
        %mul3A_2266 = arith.constant 256 : i32
        %mul3A_2267 = arith.muli %scan3A_2145, %mul3A_2266 : i32
        %add3A_2268 = arith.constant 2048 : i32
        %add3A_2269 = arith.addi %add3A_2268, %mul3A_2267 : i32
        %add3A_2270 = arith.constant 208 : i32
        %add3A_2271 = arith.addi %add3A_2269, %add3A_2270 : i32
        %get3A_2272 = arith.index_cast %add3A_2271 : i32 to index
        %get3A_2273 = tpu.vector_load %arg5[%get3A_2272] {strides = array<i32>} : memref<8192xi32, #tpu.memory_space<vmem>>, vector<16xi32>,
        %add3A_2274 = arith.addi %add3A_2265, %get3A_2273 : vector<16xi32>
        %mul3A_2275 = arith.constant 256 : i32
        %mul3A_2276 = arith.muli %scan3A_2145, %mul3A_2275 : i32
        %add3A_2277 = arith.constant 2048 : i32
        %add3A_2278 = arith.addi %add3A_2277, %mul3A_2276 : i32
        %add3A_2279 = arith.constant 224 : i32
        %add3A_2280 = arith.addi %add3A_2278, %add3A_2279 : i32
        %get3A_2281 = arith.index_cast %add3A_2280 : i32 to index
        %get3A_2282 = tpu.vector_load %arg5[%get3A_2281] {strides = array<i32>} : memref<8192xi32, #tpu.memory_space<vmem>>, vector<16xi32>,
        %add3A_2283 = arith.addi %add3A_2274, %get3A_2282 : vector<16xi32>
        %mul3A_2284 = arith.constant 256 : i32
        %mul3A_2285 = arith.muli %scan3A_2145, %mul3A_2284 : i32
        %add3A_2286 = arith.constant 2048 : i32
        %add3A_2287 = arith.addi %add3A_2286, %mul3A_2285 : i32
        %add3A_2288 = arith.constant 240 : i32
        %add3A_2289 = arith.addi %add3A_2287, %add3A_2288 : i32
        %get3A_2290 = arith.index_cast %add3A_2289 : i32 to index
        %get3A_2291 = tpu.vector_load %arg5[%get3A_2290] {strides = array<i32>} : memref<8192xi32, #tpu.memory_space<vmem>>, vector<16xi32>,
        %add3A_2292 = arith.addi %add3A_2283, %get3A_2291 : vector<16xi32>
        %iota3A_2293 = tpu.iota {dimensions = array<i32: 0>} : vector<16xi32>
        %eq3A_2294 = vector.broadcast %scan3A_2145 : i32 to vector<16xi32>
        %eq3A_2295 = arith.cmpi eq, %iota3A_2293, %eq3A_2294 : vector<16xi32>
        %reduce_sum3A_2296 = arith.constant true
        %reduce_sum3A_2297 = vector.broadcast %reduce_sum3A_2296 : i1 to vector<16xi1>
        %reduce_sum3A_2298 = tpu.scan <sum>, %add3A_2292 masked %reduce_sum3A_2297 : vector<16xi32>, vector<16xi1> -> vector<16xi32>
        %reduce_sum3A_2299 = vector.extract %reduce_sum3A_2298[15] : i32 from vector<16xi32>
        %broadcast_in_dim3A_2300 = vector.broadcast %reduce_sum3A_2299 : i32 to vector<16xi32>
        %select_n3A_2301 = arith.select %eq3A_2295, %broadcast_in_dim3A_2300, %scan3A_2146 : vector<16xi1>, vector<16xi32>
        scf.yield %select_n3A_2301 : vector<16xi32>
      }
      %scan3A_1156 = arith.constant 8 : i32
      %reduce_sum3A_1157 = arith.constant true
      %reduce_sum3A_1158 = vector.broadcast %reduce_sum3A_1157 : i1 to vector<16xi1>
      %reduce_sum3A_1159 = tpu.scan <sum>, %scan3A_1155 masked %reduce_sum3A_1158 : vector<16xi32>, vector<16xi1> -> vector<16xi32>
      %reduce_sum3A_1160 = vector.extract %reduce_sum3A_1159[15] : i32 from vector<16xi32>
      %broadcast_in_dim3A_1161 = arith.constant true
      %broadcast_in_dim3A_1162 = vector.broadcast %broadcast_in_dim3A_1161 : i1 to vector<16xi1>
      %masked_cumsum3A_1163 = tpu.scan <sum>, %scan3A_1155 masked %broadcast_in_dim3A_1162 : vector<16xi32>, vector<16xi1> -> vector<16xi32>
      %sub3A_1164 = vector.broadcast %reduce_sum3A_1160 : i32 to vector<16xi32>
      %sub3A_1165 = arith.subi %sub3A_1164, %masked_cumsum3A_1163 : vector<16xi32>
      %add3A_1166 = arith.addi %sub3A_1165, %scan3A_1155 : vector<16xi32>
      %ge3A_1167 = vector.broadcast %sub3A_629 : i32 to vector<16xi32>
      %ge3A_1168 = arith.cmpi sge, %add3A_1166, %ge3A_1167 : vector<16xi32>
      %iota3A_1169 = tpu.iota {dimensions = array<i32: 0>} : vector<16xi32>
      %jit3A_1170 = arith.constant 0 : i32
      %broadcast_in_dim3A_1171 = vector.broadcast %jit3A_1170 : i32 to vector<16xi32>
      %select_n3A_1172 = arith.select %ge3A_1168, %iota3A_1169, %broadcast_in_dim3A_1171 : vector<16xi1>, vector<16xi32>
      %reduce_max3A_1173 = arith.constant true
      %reduce_max3A_1174 = vector.broadcast %reduce_max3A_1173 : i1 to vector<16xi1>
      %reduce_max3A_1175 = arith.constant -2147483648 : i32
      %reduce_max3A_1176 = vector.broadcast %reduce_max3A_1175 : i32 to vector<16xi32>
      %reduce_max3A_1177 = arith.xori %select_n3A_1172, %reduce_max3A_1176 : vector<16xi32>
      %reduce_max3A_1178 = tpu.scan <max>, %reduce_max3A_1177 masked %reduce_max3A_1174 : vector<16xi32>, vector<16xi1> -> vector<16xi32>
      %reduce_max3A_1179 = arith.xori %reduce_max3A_1178, %reduce_max3A_1176 : vector<16xi32>
      %reduce_max3A_1180 = vector.extract %reduce_max3A_1179[15] : i32 from vector<16xi32>
      %jit3A_1181 = arith.constant 2147483647 : i32
      %broadcast_in_dim3A_1182 = vector.broadcast %jit3A_1181 : i32 to vector<16xi32>
      %select_n3A_1183 = arith.select %ge3A_1168, %add3A_1166, %broadcast_in_dim3A_1182 : vector<16xi1>, vector<16xi32>
      %reduce_min3A_1184 = arith.constant true
      %reduce_min3A_1185 = vector.broadcast %reduce_min3A_1184 : i1 to vector<16xi1>
      %reduce_min3A_1186 = arith.constant -2147483648 : i32
      %reduce_min3A_1187 = vector.broadcast %reduce_min3A_1186 : i32 to vector<16xi32>
      %reduce_min3A_1188 = arith.xori %select_n3A_1183, %reduce_min3A_1187 : vector<16xi32>
      %reduce_min3A_1189 = tpu.scan <min>, %reduce_min3A_1188 masked %reduce_min3A_1185 : vector<16xi32>, vector<16xi1> -> vector<16xi32>
      %reduce_min3A_1190 = arith.xori %reduce_min3A_1189, %reduce_min3A_1187 : vector<16xi32>
      %reduce_min3A_1191 = vector.extract %reduce_min3A_1190[15] : i32 from vector<16xi32>
      %iota3A_1192 = tpu.iota {dimensions = array<i32: 0>} : vector<16xi32>
      %eq3A_1193 = vector.broadcast %reduce_max3A_1180 : i32 to vector<16xi32>
      %eq3A_1194 = arith.cmpi eq, %iota3A_1192, %eq3A_1193 : vector<16xi32>
      %jit3A_1195 = arith.constant 0 : i32
      %broadcast_in_dim3A_1196 = vector.broadcast %jit3A_1195 : i32 to vector<16xi32>
      %select_n3A_1197 = arith.select %eq3A_1194, %scan3A_1155, %broadcast_in_dim3A_1196 : vector<16xi1>, vector<16xi32>
      %reduce_sum3A_1198 = arith.constant true
      %reduce_sum3A_1199 = vector.broadcast %reduce_sum3A_1198 : i1 to vector<16xi1>
      %reduce_sum3A_1200 = tpu.scan <sum>, %select_n3A_1197 masked %reduce_sum3A_1199 : vector<16xi32>, vector<16xi1> -> vector<16xi32>
      %reduce_sum3A_1201 = vector.extract %reduce_sum3A_1200[15] : i32 from vector<16xi32>
      %sub3A_1202 = arith.subi %reduce_min3A_1191, %reduce_sum3A_1201 : i32
      %broadcast_in_dim3A_1203 = arith.constant 0 : i32
      %broadcast_in_dim3A_1204 = vector.broadcast %broadcast_in_dim3A_1203 : i32 to vector<16xi32>
      %scan3A_1205 = arith.constant 0 : i32
      %scan3A_1206 = arith.constant 16 : i32
      %scan3A_1207 = arith.addi %scan3A_1205, %scan3A_1206 : i32
      %scan3A_1208 = arith.constant 1 : i32
      %scan3A_1209 = scf.for %scan3A_2145 = %scan3A_1205 to %scan3A_1207 step %scan3A_1208 iter_args(%scan3A_2146 = %broadcast_in_dim3A_1204) -> (vector<16xi32>)  : i32 {
        %mul3A_2147 = arith.constant 256 : i32
        %mul3A_2148 = arith.muli %reduce_max3A_1180, %mul3A_2147 : i32
        %add3A_2149 = arith.constant 2048 : i32
        %add3A_2150 = arith.addi %add3A_2149, %mul3A_2148 : i32
        %mul3A_2151 = arith.constant 16 : i32
        %mul3A_2152 = arith.muli %scan3A_2145, %mul3A_2151 : i32
        %add3A_2153 = arith.addi %add3A_2150, %mul3A_2152 : i32
        %get3A_2154 = arith.index_cast %add3A_2153 : i32 to index
        %get3A_2155 = tpu.vector_load %arg5[%get3A_2154] {strides = array<i32>} : memref<8192xi32, #tpu.memory_space<vmem>>, vector<16xi32>,
        %iota3A_2156 = tpu.iota {dimensions = array<i32: 0>} : vector<16xi32>
        %eq3A_2157 = vector.broadcast %scan3A_2145 : i32 to vector<16xi32>
        %eq3A_2158 = arith.cmpi eq, %iota3A_2156, %eq3A_2157 : vector<16xi32>
        %reduce_sum3A_2159 = arith.constant true
        %reduce_sum3A_2160 = vector.broadcast %reduce_sum3A_2159 : i1 to vector<16xi1>
        %reduce_sum3A_2161 = tpu.scan <sum>, %get3A_2155 masked %reduce_sum3A_2160 : vector<16xi32>, vector<16xi1> -> vector<16xi32>
        %reduce_sum3A_2162 = vector.extract %reduce_sum3A_2161[15] : i32 from vector<16xi32>
        %broadcast_in_dim3A_2163 = vector.broadcast %reduce_sum3A_2162 : i32 to vector<16xi32>
        %select_n3A_2164 = arith.select %eq3A_2158, %broadcast_in_dim3A_2163, %scan3A_2146 : vector<16xi1>, vector<16xi32>
        scf.yield %select_n3A_2164 : vector<16xi32>
      }
      %scan3A_1210 = arith.constant 16 : i32
      %reduce_sum3A_1211 = arith.constant true
      %reduce_sum3A_1212 = vector.broadcast %reduce_sum3A_1211 : i1 to vector<16xi1>
      %reduce_sum3A_1213 = tpu.scan <sum>, %scan3A_1209 masked %reduce_sum3A_1212 : vector<16xi32>, vector<16xi1> -> vector<16xi32>
      %reduce_sum3A_1214 = vector.extract %reduce_sum3A_1213[15] : i32 from vector<16xi32>
      %broadcast_in_dim3A_1215 = arith.constant true
      %broadcast_in_dim3A_1216 = vector.broadcast %broadcast_in_dim3A_1215 : i1 to vector<16xi1>
      %masked_cumsum3A_1217 = tpu.scan <sum>, %scan3A_1209 masked %broadcast_in_dim3A_1216 : vector<16xi32>, vector<16xi1> -> vector<16xi32>
      %sub3A_1218 = vector.broadcast %reduce_sum3A_1214 : i32 to vector<16xi32>
      %sub3A_1219 = arith.subi %sub3A_1218, %masked_cumsum3A_1217 : vector<16xi32>
      %add3A_1220 = arith.addi %sub3A_1219, %scan3A_1209 : vector<16xi32>
      %sub3A_1221 = arith.subi %sub3A_629, %sub3A_1202 : i32
      %ge3A_1222 = vector.broadcast %sub3A_1221 : i32 to vector<16xi32>
      %ge3A_1223 = arith.cmpi sge, %add3A_1220, %ge3A_1222 : vector<16xi32>
      %iota3A_1224 = tpu.iota {dimensions = array<i32: 0>} : vector<16xi32>
      %jit3A_1225 = arith.constant 0 : i32
      %broadcast_in_dim3A_1226 = vector.broadcast %jit3A_1225 : i32 to vector<16xi32>
      %select_n3A_1227 = arith.select %ge3A_1223, %iota3A_1224, %broadcast_in_dim3A_1226 : vector<16xi1>, vector<16xi32>
      %reduce_max3A_1228 = arith.constant true
      %reduce_max3A_1229 = vector.broadcast %reduce_max3A_1228 : i1 to vector<16xi1>
      %reduce_max3A_1230 = arith.constant -2147483648 : i32
      %reduce_max3A_1231 = vector.broadcast %reduce_max3A_1230 : i32 to vector<16xi32>
      %reduce_max3A_1232 = arith.xori %select_n3A_1227, %reduce_max3A_1231 : vector<16xi32>
      %reduce_max3A_1233 = tpu.scan <max>, %reduce_max3A_1232 masked %reduce_max3A_1229 : vector<16xi32>, vector<16xi1> -> vector<16xi32>
      %reduce_max3A_1234 = arith.xori %reduce_max3A_1233, %reduce_max3A_1231 : vector<16xi32>
      %reduce_max3A_1235 = vector.extract %reduce_max3A_1234[15] : i32 from vector<16xi32>
      %jit3A_1236 = arith.constant 2147483647 : i32
      %broadcast_in_dim3A_1237 = vector.broadcast %jit3A_1236 : i32 to vector<16xi32>
      %select_n3A_1238 = arith.select %ge3A_1223, %add3A_1220, %broadcast_in_dim3A_1237 : vector<16xi1>, vector<16xi32>
      %reduce_min3A_1239 = arith.constant true
      %reduce_min3A_1240 = vector.broadcast %reduce_min3A_1239 : i1 to vector<16xi1>
      %reduce_min3A_1241 = arith.constant -2147483648 : i32
      %reduce_min3A_1242 = vector.broadcast %reduce_min3A_1241 : i32 to vector<16xi32>
      %reduce_min3A_1243 = arith.xori %select_n3A_1238, %reduce_min3A_1242 : vector<16xi32>
      %reduce_min3A_1244 = tpu.scan <min>, %reduce_min3A_1243 masked %reduce_min3A_1240 : vector<16xi32>, vector<16xi1> -> vector<16xi32>
      %reduce_min3A_1245 = arith.xori %reduce_min3A_1244, %reduce_min3A_1242 : vector<16xi32>
      %reduce_min3A_1246 = vector.extract %reduce_min3A_1245[15] : i32 from vector<16xi32>
      %iota3A_1247 = tpu.iota {dimensions = array<i32: 0>} : vector<16xi32>
      %eq3A_1248 = vector.broadcast %reduce_max3A_1235 : i32 to vector<16xi32>
      %eq3A_1249 = arith.cmpi eq, %iota3A_1247, %eq3A_1248 : vector<16xi32>
      %jit3A_1250 = arith.constant 0 : i32
      %broadcast_in_dim3A_1251 = vector.broadcast %jit3A_1250 : i32 to vector<16xi32>
      %select_n3A_1252 = arith.select %eq3A_1249, %scan3A_1209, %broadcast_in_dim3A_1251 : vector<16xi1>, vector<16xi32>
      %reduce_sum3A_1253 = arith.constant true
      %reduce_sum3A_1254 = vector.broadcast %reduce_sum3A_1253 : i1 to vector<16xi1>
      %reduce_sum3A_1255 = tpu.scan <sum>, %select_n3A_1252 masked %reduce_sum3A_1254 : vector<16xi32>, vector<16xi1> -> vector<16xi32>
      %reduce_sum3A_1256 = vector.extract %reduce_sum3A_1255[15] : i32 from vector<16xi32>
      %sub3A_1257 = arith.subi %reduce_min3A_1246, %reduce_sum3A_1256 : i32
      %mul3A_1258 = arith.constant 256 : i32
      %mul3A_1259 = arith.muli %reduce_max3A_1180, %mul3A_1258 : i32
      %add3A_1260 = arith.constant 2048 : i32
      %add3A_1261 = arith.addi %add3A_1260, %mul3A_1259 : i32
      %mul3A_1262 = arith.constant 16 : i32
      %mul3A_1263 = arith.muli %reduce_max3A_1235, %mul3A_1262 : i32
      %add3A_1264 = arith.addi %add3A_1261, %mul3A_1263 : i32
      %get3A_1265 = arith.index_cast %add3A_1264 : i32 to index
      %get3A_1266 = tpu.vector_load %arg5[%get3A_1265] {strides = array<i32>} : memref<8192xi32, #tpu.memory_space<vmem>>, vector<16xi32>,
      %reduce_sum3A_1267 = arith.constant true
      %reduce_sum3A_1268 = vector.broadcast %reduce_sum3A_1267 : i1 to vector<16xi1>
      %reduce_sum3A_1269 = tpu.scan <sum>, %get3A_1266 masked %reduce_sum3A_1268 : vector<16xi32>, vector<16xi1> -> vector<16xi32>
      %reduce_sum3A_1270 = vector.extract %reduce_sum3A_1269[15] : i32 from vector<16xi32>
      %broadcast_in_dim3A_1271 = arith.constant true
      %broadcast_in_dim3A_1272 = vector.broadcast %broadcast_in_dim3A_1271 : i1 to vector<16xi1>
      %masked_cumsum3A_1273 = tpu.scan <sum>, %get3A_1266 masked %broadcast_in_dim3A_1272 : vector<16xi32>, vector<16xi1> -> vector<16xi32>
      %sub3A_1274 = vector.broadcast %reduce_sum3A_1270 : i32 to vector<16xi32>
      %sub3A_1275 = arith.subi %sub3A_1274, %masked_cumsum3A_1273 : vector<16xi32>
      %add3A_1276 = arith.addi %sub3A_1275, %get3A_1266 : vector<16xi32>
      %sub3A_1277 = arith.subi %sub3A_1221, %sub3A_1257 : i32
      %ge3A_1278 = vector.broadcast %sub3A_1277 : i32 to vector<16xi32>
      %ge3A_1279 = arith.cmpi sge, %add3A_1276, %ge3A_1278 : vector<16xi32>
      %iota3A_1280 = tpu.iota {dimensions = array<i32: 0>} : vector<16xi32>
      %jit3A_1281 = arith.constant 0 : i32
      %broadcast_in_dim3A_1282 = vector.broadcast %jit3A_1281 : i32 to vector<16xi32>
      %select_n3A_1283 = arith.select %ge3A_1279, %iota3A_1280, %broadcast_in_dim3A_1282 : vector<16xi1>, vector<16xi32>
      %reduce_max3A_1284 = arith.constant true
      %reduce_max3A_1285 = vector.broadcast %reduce_max3A_1284 : i1 to vector<16xi1>
      %reduce_max3A_1286 = arith.constant -2147483648 : i32
      %reduce_max3A_1287 = vector.broadcast %reduce_max3A_1286 : i32 to vector<16xi32>
      %reduce_max3A_1288 = arith.xori %select_n3A_1283, %reduce_max3A_1287 : vector<16xi32>
      %reduce_max3A_1289 = tpu.scan <max>, %reduce_max3A_1288 masked %reduce_max3A_1285 : vector<16xi32>, vector<16xi1> -> vector<16xi32>
      %reduce_max3A_1290 = arith.xori %reduce_max3A_1289, %reduce_max3A_1287 : vector<16xi32>
      %reduce_max3A_1291 = vector.extract %reduce_max3A_1290[15] : i32 from vector<16xi32>
      %jit3A_1292 = arith.constant 2147483647 : i32
      %broadcast_in_dim3A_1293 = vector.broadcast %jit3A_1292 : i32 to vector<16xi32>
      %select_n3A_1294 = arith.select %ge3A_1279, %add3A_1276, %broadcast_in_dim3A_1293 : vector<16xi1>, vector<16xi32>
      %reduce_min3A_1295 = arith.constant true
      %reduce_min3A_1296 = vector.broadcast %reduce_min3A_1295 : i1 to vector<16xi1>
      %reduce_min3A_1297 = arith.constant -2147483648 : i32
      %reduce_min3A_1298 = vector.broadcast %reduce_min3A_1297 : i32 to vector<16xi32>
      %reduce_min3A_1299 = arith.xori %select_n3A_1294, %reduce_min3A_1298 : vector<16xi32>
      %reduce_min3A_1300 = tpu.scan <min>, %reduce_min3A_1299 masked %reduce_min3A_1296 : vector<16xi32>, vector<16xi1> -> vector<16xi32>
      %reduce_min3A_1301 = arith.xori %reduce_min3A_1300, %reduce_min3A_1298 : vector<16xi32>
      %reduce_min3A_1302 = vector.extract %reduce_min3A_1301[15] : i32 from vector<16xi32>
      %iota3A_1303 = tpu.iota {dimensions = array<i32: 0>} : vector<16xi32>
      %eq3A_1304 = vector.broadcast %reduce_max3A_1291 : i32 to vector<16xi32>
      %eq3A_1305 = arith.cmpi eq, %iota3A_1303, %eq3A_1304 : vector<16xi32>
      %jit3A_1306 = arith.constant 0 : i32
      %broadcast_in_dim3A_1307 = vector.broadcast %jit3A_1306 : i32 to vector<16xi32>
      %select_n3A_1308 = arith.select %eq3A_1305, %get3A_1266, %broadcast_in_dim3A_1307 : vector<16xi1>, vector<16xi32>
      %reduce_sum3A_1309 = arith.constant true
      %reduce_sum3A_1310 = vector.broadcast %reduce_sum3A_1309 : i1 to vector<16xi1>
      %reduce_sum3A_1311 = tpu.scan <sum>, %select_n3A_1308 masked %reduce_sum3A_1310 : vector<16xi32>, vector<16xi1> -> vector<16xi32>
      %reduce_sum3A_1312 = vector.extract %reduce_sum3A_1311[15] : i32 from vector<16xi32>
      %sub3A_1313 = arith.subi %reduce_min3A_1302, %reduce_sum3A_1312 : i32
      %mul3A_1314 = arith.constant 256 : i32
      %mul3A_1315 = arith.muli %reduce_max3A_1180, %mul3A_1314 : i32
      %mul3A_1316 = arith.constant 16 : i32
      %mul3A_1317 = arith.muli %reduce_max3A_1235, %mul3A_1316 : i32
      %add3A_1318 = arith.addi %mul3A_1315, %mul3A_1317 : i32
      %add3A_1319 = arith.addi %add3A_1318, %reduce_max3A_1291 : i32
      %add3A_1320 = arith.addi %sub3A_1202, %sub3A_1257 : i32
      %add3A_1321 = arith.addi %add3A_1320, %sub3A_1313 : i32
      %broadcast_in_dim3A_1322 = arith.constant 0 : i32
      %broadcast_in_dim3A_1323 = vector.broadcast %broadcast_in_dim3A_1322 : i32 to vector<16xi32>
      %scan3A_1324 = arith.constant 0 : i32
      %scan3A_1325 = arith.constant 8 : i32
      %scan3A_1326 = arith.addi %scan3A_1324, %scan3A_1325 : i32
      %scan3A_1327 = arith.constant 1 : i32
      %scan3A_1328 = scf.for %scan3A_2145 = %scan3A_1324 to %scan3A_1326 step %scan3A_1327 iter_args(%scan3A_2146 = %broadcast_in_dim3A_1323) -> (vector<16xi32>)  : i32 {
        %broadcast_in_dim3A_2147 = arith.constant 0 : i32
        %broadcast_in_dim3A_2148 = vector.broadcast %broadcast_in_dim3A_2147 : i32 to vector<16xi32>
        %mul3A_2149 = arith.constant 256 : i32
        %mul3A_2150 = arith.muli %scan3A_2145, %mul3A_2149 : i32
        %add3A_2151 = arith.constant 4096 : i32
        %add3A_2152 = arith.addi %add3A_2151, %mul3A_2150 : i32
        %add3A_2153 = arith.constant 0 : i32
        %add3A_2154 = arith.addi %add3A_2152, %add3A_2153 : i32
        %get3A_2155 = arith.index_cast %add3A_2154 : i32 to index
        %get3A_2156 = tpu.vector_load %arg5[%get3A_2155] {strides = array<i32>} : memref<8192xi32, #tpu.memory_space<vmem>>, vector<16xi32>,
        %add3A_2157 = arith.addi %broadcast_in_dim3A_2148, %get3A_2156 : vector<16xi32>
        %mul3A_2158 = arith.constant 256 : i32
        %mul3A_2159 = arith.muli %scan3A_2145, %mul3A_2158 : i32
        %add3A_2160 = arith.constant 4096 : i32
        %add3A_2161 = arith.addi %add3A_2160, %mul3A_2159 : i32
        %add3A_2162 = arith.constant 16 : i32
        %add3A_2163 = arith.addi %add3A_2161, %add3A_2162 : i32
        %get3A_2164 = arith.index_cast %add3A_2163 : i32 to index
        %get3A_2165 = tpu.vector_load %arg5[%get3A_2164] {strides = array<i32>} : memref<8192xi32, #tpu.memory_space<vmem>>, vector<16xi32>,
        %add3A_2166 = arith.addi %add3A_2157, %get3A_2165 : vector<16xi32>
        %mul3A_2167 = arith.constant 256 : i32
        %mul3A_2168 = arith.muli %scan3A_2145, %mul3A_2167 : i32
        %add3A_2169 = arith.constant 4096 : i32
        %add3A_2170 = arith.addi %add3A_2169, %mul3A_2168 : i32
        %add3A_2171 = arith.constant 32 : i32
        %add3A_2172 = arith.addi %add3A_2170, %add3A_2171 : i32
        %get3A_2173 = arith.index_cast %add3A_2172 : i32 to index
        %get3A_2174 = tpu.vector_load %arg5[%get3A_2173] {strides = array<i32>} : memref<8192xi32, #tpu.memory_space<vmem>>, vector<16xi32>,
        %add3A_2175 = arith.addi %add3A_2166, %get3A_2174 : vector<16xi32>
        %mul3A_2176 = arith.constant 256 : i32
        %mul3A_2177 = arith.muli %scan3A_2145, %mul3A_2176 : i32
        %add3A_2178 = arith.constant 4096 : i32
        %add3A_2179 = arith.addi %add3A_2178, %mul3A_2177 : i32
        %add3A_2180 = arith.constant 48 : i32
        %add3A_2181 = arith.addi %add3A_2179, %add3A_2180 : i32
        %get3A_2182 = arith.index_cast %add3A_2181 : i32 to index
        %get3A_2183 = tpu.vector_load %arg5[%get3A_2182] {strides = array<i32>} : memref<8192xi32, #tpu.memory_space<vmem>>, vector<16xi32>,
        %add3A_2184 = arith.addi %add3A_2175, %get3A_2183 : vector<16xi32>
        %mul3A_2185 = arith.constant 256 : i32
        %mul3A_2186 = arith.muli %scan3A_2145, %mul3A_2185 : i32
        %add3A_2187 = arith.constant 4096 : i32
        %add3A_2188 = arith.addi %add3A_2187, %mul3A_2186 : i32
        %add3A_2189 = arith.constant 64 : i32
        %add3A_2190 = arith.addi %add3A_2188, %add3A_2189 : i32
        %get3A_2191 = arith.index_cast %add3A_2190 : i32 to index
        %get3A_2192 = tpu.vector_load %arg5[%get3A_2191] {strides = array<i32>} : memref<8192xi32, #tpu.memory_space<vmem>>, vector<16xi32>,
        %add3A_2193 = arith.addi %add3A_2184, %get3A_2192 : vector<16xi32>
        %mul3A_2194 = arith.constant 256 : i32
        %mul3A_2195 = arith.muli %scan3A_2145, %mul3A_2194 : i32
        %add3A_2196 = arith.constant 4096 : i32
        %add3A_2197 = arith.addi %add3A_2196, %mul3A_2195 : i32
        %add3A_2198 = arith.constant 80 : i32
        %add3A_2199 = arith.addi %add3A_2197, %add3A_2198 : i32
        %get3A_2200 = arith.index_cast %add3A_2199 : i32 to index
        %get3A_2201 = tpu.vector_load %arg5[%get3A_2200] {strides = array<i32>} : memref<8192xi32, #tpu.memory_space<vmem>>, vector<16xi32>,
        %add3A_2202 = arith.addi %add3A_2193, %get3A_2201 : vector<16xi32>
        %mul3A_2203 = arith.constant 256 : i32
        %mul3A_2204 = arith.muli %scan3A_2145, %mul3A_2203 : i32
        %add3A_2205 = arith.constant 4096 : i32
        %add3A_2206 = arith.addi %add3A_2205, %mul3A_2204 : i32
        %add3A_2207 = arith.constant 96 : i32
        %add3A_2208 = arith.addi %add3A_2206, %add3A_2207 : i32
        %get3A_2209 = arith.index_cast %add3A_2208 : i32 to index
        %get3A_2210 = tpu.vector_load %arg5[%get3A_2209] {strides = array<i32>} : memref<8192xi32, #tpu.memory_space<vmem>>, vector<16xi32>,
        %add3A_2211 = arith.addi %add3A_2202, %get3A_2210 : vector<16xi32>
        %mul3A_2212 = arith.constant 256 : i32
        %mul3A_2213 = arith.muli %scan3A_2145, %mul3A_2212 : i32
        %add3A_2214 = arith.constant 4096 : i32
        %add3A_2215 = arith.addi %add3A_2214, %mul3A_2213 : i32
        %add3A_2216 = arith.constant 112 : i32
        %add3A_2217 = arith.addi %add3A_2215, %add3A_2216 : i32
        %get3A_2218 = arith.index_cast %add3A_2217 : i32 to index
        %get3A_2219 = tpu.vector_load %arg5[%get3A_2218] {strides = array<i32>} : memref<8192xi32, #tpu.memory_space<vmem>>, vector<16xi32>,
        %add3A_2220 = arith.addi %add3A_2211, %get3A_2219 : vector<16xi32>
        %mul3A_2221 = arith.constant 256 : i32
        %mul3A_2222 = arith.muli %scan3A_2145, %mul3A_2221 : i32
        %add3A_2223 = arith.constant 4096 : i32
        %add3A_2224 = arith.addi %add3A_2223, %mul3A_2222 : i32
        %add3A_2225 = arith.constant 128 : i32
        %add3A_2226 = arith.addi %add3A_2224, %add3A_2225 : i32
        %get3A_2227 = arith.index_cast %add3A_2226 : i32 to index
        %get3A_2228 = tpu.vector_load %arg5[%get3A_2227] {strides = array<i32>} : memref<8192xi32, #tpu.memory_space<vmem>>, vector<16xi32>,
        %add3A_2229 = arith.addi %add3A_2220, %get3A_2228 : vector<16xi32>
        %mul3A_2230 = arith.constant 256 : i32
        %mul3A_2231 = arith.muli %scan3A_2145, %mul3A_2230 : i32
        %add3A_2232 = arith.constant 4096 : i32
        %add3A_2233 = arith.addi %add3A_2232, %mul3A_2231 : i32
        %add3A_2234 = arith.constant 144 : i32
        %add3A_2235 = arith.addi %add3A_2233, %add3A_2234 : i32
        %get3A_2236 = arith.index_cast %add3A_2235 : i32 to index
        %get3A_2237 = tpu.vector_load %arg5[%get3A_2236] {strides = array<i32>} : memref<8192xi32, #tpu.memory_space<vmem>>, vector<16xi32>,
        %add3A_2238 = arith.addi %add3A_2229, %get3A_2237 : vector<16xi32>
        %mul3A_2239 = arith.constant 256 : i32
        %mul3A_2240 = arith.muli %scan3A_2145, %mul3A_2239 : i32
        %add3A_2241 = arith.constant 4096 : i32
        %add3A_2242 = arith.addi %add3A_2241, %mul3A_2240 : i32
        %add3A_2243 = arith.constant 160 : i32
        %add3A_2244 = arith.addi %add3A_2242, %add3A_2243 : i32
        %get3A_2245 = arith.index_cast %add3A_2244 : i32 to index
        %get3A_2246 = tpu.vector_load %arg5[%get3A_2245] {strides = array<i32>} : memref<8192xi32, #tpu.memory_space<vmem>>, vector<16xi32>,
        %add3A_2247 = arith.addi %add3A_2238, %get3A_2246 : vector<16xi32>
        %mul3A_2248 = arith.constant 256 : i32
        %mul3A_2249 = arith.muli %scan3A_2145, %mul3A_2248 : i32
        %add3A_2250 = arith.constant 4096 : i32
        %add3A_2251 = arith.addi %add3A_2250, %mul3A_2249 : i32
        %add3A_2252 = arith.constant 176 : i32
        %add3A_2253 = arith.addi %add3A_2251, %add3A_2252 : i32
        %get3A_2254 = arith.index_cast %add3A_2253 : i32 to index
        %get3A_2255 = tpu.vector_load %arg5[%get3A_2254] {strides = array<i32>} : memref<8192xi32, #tpu.memory_space<vmem>>, vector<16xi32>,
        %add3A_2256 = arith.addi %add3A_2247, %get3A_2255 : vector<16xi32>
        %mul3A_2257 = arith.constant 256 : i32
        %mul3A_2258 = arith.muli %scan3A_2145, %mul3A_2257 : i32
        %add3A_2259 = arith.constant 4096 : i32
        %add3A_2260 = arith.addi %add3A_2259, %mul3A_2258 : i32
        %add3A_2261 = arith.constant 192 : i32
        %add3A_2262 = arith.addi %add3A_2260, %add3A_2261 : i32
        %get3A_2263 = arith.index_cast %add3A_2262 : i32 to index
        %get3A_2264 = tpu.vector_load %arg5[%get3A_2263] {strides = array<i32>} : memref<8192xi32, #tpu.memory_space<vmem>>, vector<16xi32>,
        %add3A_2265 = arith.addi %add3A_2256, %get3A_2264 : vector<16xi32>
        %mul3A_2266 = arith.constant 256 : i32
        %mul3A_2267 = arith.muli %scan3A_2145, %mul3A_2266 : i32
        %add3A_2268 = arith.constant 4096 : i32
        %add3A_2269 = arith.addi %add3A_2268, %mul3A_2267 : i32
        %add3A_2270 = arith.constant 208 : i32
        %add3A_2271 = arith.addi %add3A_2269, %add3A_2270 : i32
        %get3A_2272 = arith.index_cast %add3A_2271 : i32 to index
        %get3A_2273 = tpu.vector_load %arg5[%get3A_2272] {strides = array<i32>} : memref<8192xi32, #tpu.memory_space<vmem>>, vector<16xi32>,
        %add3A_2274 = arith.addi %add3A_2265, %get3A_2273 : vector<16xi32>
        %mul3A_2275 = arith.constant 256 : i32
        %mul3A_2276 = arith.muli %scan3A_2145, %mul3A_2275 : i32
        %add3A_2277 = arith.constant 4096 : i32
        %add3A_2278 = arith.addi %add3A_2277, %mul3A_2276 : i32
        %add3A_2279 = arith.constant 224 : i32
        %add3A_2280 = arith.addi %add3A_2278, %add3A_2279 : i32
        %get3A_2281 = arith.index_cast %add3A_2280 : i32 to index
        %get3A_2282 = tpu.vector_load %arg5[%get3A_2281] {strides = array<i32>} : memref<8192xi32, #tpu.memory_space<vmem>>, vector<16xi32>,
        %add3A_2283 = arith.addi %add3A_2274, %get3A_2282 : vector<16xi32>
        %mul3A_2284 = arith.constant 256 : i32
        %mul3A_2285 = arith.muli %scan3A_2145, %mul3A_2284 : i32
        %add3A_2286 = arith.constant 4096 : i32
        %add3A_2287 = arith.addi %add3A_2286, %mul3A_2285 : i32
        %add3A_2288 = arith.constant 240 : i32
        %add3A_2289 = arith.addi %add3A_2287, %add3A_2288 : i32
        %get3A_2290 = arith.index_cast %add3A_2289 : i32 to index
        %get3A_2291 = tpu.vector_load %arg5[%get3A_2290] {strides = array<i32>} : memref<8192xi32, #tpu.memory_space<vmem>>, vector<16xi32>,
        %add3A_2292 = arith.addi %add3A_2283, %get3A_2291 : vector<16xi32>
        %iota3A_2293 = tpu.iota {dimensions = array<i32: 0>} : vector<16xi32>
        %eq3A_2294 = vector.broadcast %scan3A_2145 : i32 to vector<16xi32>
        %eq3A_2295 = arith.cmpi eq, %iota3A_2293, %eq3A_2294 : vector<16xi32>
        %reduce_sum3A_2296 = arith.constant true
        %reduce_sum3A_2297 = vector.broadcast %reduce_sum3A_2296 : i1 to vector<16xi1>
        %reduce_sum3A_2298 = tpu.scan <sum>, %add3A_2292 masked %reduce_sum3A_2297 : vector<16xi32>, vector<16xi1> -> vector<16xi32>
        %reduce_sum3A_2299 = vector.extract %reduce_sum3A_2298[15] : i32 from vector<16xi32>
        %broadcast_in_dim3A_2300 = vector.broadcast %reduce_sum3A_2299 : i32 to vector<16xi32>
        %select_n3A_2301 = arith.select %eq3A_2295, %broadcast_in_dim3A_2300, %scan3A_2146 : vector<16xi1>, vector<16xi32>
        scf.yield %select_n3A_2301 : vector<16xi32>
      }
      %scan3A_1329 = arith.constant 8 : i32
      %reduce_sum3A_1330 = arith.constant true
      %reduce_sum3A_1331 = vector.broadcast %reduce_sum3A_1330 : i1 to vector<16xi1>
      %reduce_sum3A_1332 = tpu.scan <sum>, %scan3A_1328 masked %reduce_sum3A_1331 : vector<16xi32>, vector<16xi1> -> vector<16xi32>
      %reduce_sum3A_1333 = vector.extract %reduce_sum3A_1332[15] : i32 from vector<16xi32>
      %broadcast_in_dim3A_1334 = arith.constant true
      %broadcast_in_dim3A_1335 = vector.broadcast %broadcast_in_dim3A_1334 : i1 to vector<16xi1>
      %masked_cumsum3A_1336 = tpu.scan <sum>, %scan3A_1328 masked %broadcast_in_dim3A_1335 : vector<16xi32>, vector<16xi1> -> vector<16xi32>
      %sub3A_1337 = vector.broadcast %reduce_sum3A_1333 : i32 to vector<16xi32>
      %sub3A_1338 = arith.subi %sub3A_1337, %masked_cumsum3A_1336 : vector<16xi32>
      %add3A_1339 = arith.addi %sub3A_1338, %scan3A_1328 : vector<16xi32>
      %ge3A_1340 = vector.broadcast %sub3A_631 : i32 to vector<16xi32>
      %ge3A_1341 = arith.cmpi sge, %add3A_1339, %ge3A_1340 : vector<16xi32>
      %iota3A_1342 = tpu.iota {dimensions = array<i32: 0>} : vector<16xi32>
      %jit3A_1343 = arith.constant 0 : i32
      %broadcast_in_dim3A_1344 = vector.broadcast %jit3A_1343 : i32 to vector<16xi32>
      %select_n3A_1345 = arith.select %ge3A_1341, %iota3A_1342, %broadcast_in_dim3A_1344 : vector<16xi1>, vector<16xi32>
      %reduce_max3A_1346 = arith.constant true
      %reduce_max3A_1347 = vector.broadcast %reduce_max3A_1346 : i1 to vector<16xi1>
      %reduce_max3A_1348 = arith.constant -2147483648 : i32
      %reduce_max3A_1349 = vector.broadcast %reduce_max3A_1348 : i32 to vector<16xi32>
      %reduce_max3A_1350 = arith.xori %select_n3A_1345, %reduce_max3A_1349 : vector<16xi32>
      %reduce_max3A_1351 = tpu.scan <max>, %reduce_max3A_1350 masked %reduce_max3A_1347 : vector<16xi32>, vector<16xi1> -> vector<16xi32>
      %reduce_max3A_1352 = arith.xori %reduce_max3A_1351, %reduce_max3A_1349 : vector<16xi32>
      %reduce_max3A_1353 = vector.extract %reduce_max3A_1352[15] : i32 from vector<16xi32>
      %jit3A_1354 = arith.constant 2147483647 : i32
      %broadcast_in_dim3A_1355 = vector.broadcast %jit3A_1354 : i32 to vector<16xi32>
      %select_n3A_1356 = arith.select %ge3A_1341, %add3A_1339, %broadcast_in_dim3A_1355 : vector<16xi1>, vector<16xi32>
      %reduce_min3A_1357 = arith.constant true
      %reduce_min3A_1358 = vector.broadcast %reduce_min3A_1357 : i1 to vector<16xi1>
      %reduce_min3A_1359 = arith.constant -2147483648 : i32
      %reduce_min3A_1360 = vector.broadcast %reduce_min3A_1359 : i32 to vector<16xi32>
      %reduce_min3A_1361 = arith.xori %select_n3A_1356, %reduce_min3A_1360 : vector<16xi32>
      %reduce_min3A_1362 = tpu.scan <min>, %reduce_min3A_1361 masked %reduce_min3A_1358 : vector<16xi32>, vector<16xi1> -> vector<16xi32>
      %reduce_min3A_1363 = arith.xori %reduce_min3A_1362, %reduce_min3A_1360 : vector<16xi32>
      %reduce_min3A_1364 = vector.extract %reduce_min3A_1363[15] : i32 from vector<16xi32>
      %iota3A_1365 = tpu.iota {dimensions = array<i32: 0>} : vector<16xi32>
      %eq3A_1366 = vector.broadcast %reduce_max3A_1353 : i32 to vector<16xi32>
      %eq3A_1367 = arith.cmpi eq, %iota3A_1365, %eq3A_1366 : vector<16xi32>
      %jit3A_1368 = arith.constant 0 : i32
      %broadcast_in_dim3A_1369 = vector.broadcast %jit3A_1368 : i32 to vector<16xi32>
      %select_n3A_1370 = arith.select %eq3A_1367, %scan3A_1328, %broadcast_in_dim3A_1369 : vector<16xi1>, vector<16xi32>
      %reduce_sum3A_1371 = arith.constant true
      %reduce_sum3A_1372 = vector.broadcast %reduce_sum3A_1371 : i1 to vector<16xi1>
      %reduce_sum3A_1373 = tpu.scan <sum>, %select_n3A_1370 masked %reduce_sum3A_1372 : vector<16xi32>, vector<16xi1> -> vector<16xi32>
      %reduce_sum3A_1374 = vector.extract %reduce_sum3A_1373[15] : i32 from vector<16xi32>
      %sub3A_1375 = arith.subi %reduce_min3A_1364, %reduce_sum3A_1374 : i32
      %broadcast_in_dim3A_1376 = arith.constant 0 : i32
      %broadcast_in_dim3A_1377 = vector.broadcast %broadcast_in_dim3A_1376 : i32 to vector<16xi32>
      %scan3A_1378 = arith.constant 0 : i32
      %scan3A_1379 = arith.constant 16 : i32
      %scan3A_1380 = arith.addi %scan3A_1378, %scan3A_1379 : i32
      %scan3A_1381 = arith.constant 1 : i32
      %scan3A_1382 = scf.for %scan3A_2145 = %scan3A_1378 to %scan3A_1380 step %scan3A_1381 iter_args(%scan3A_2146 = %broadcast_in_dim3A_1377) -> (vector<16xi32>)  : i32 {
        %mul3A_2147 = arith.constant 256 : i32
        %mul3A_2148 = arith.muli %reduce_max3A_1353, %mul3A_2147 : i32
        %add3A_2149 = arith.constant 4096 : i32
        %add3A_2150 = arith.addi %add3A_2149, %mul3A_2148 : i32
        %mul3A_2151 = arith.constant 16 : i32
        %mul3A_2152 = arith.muli %scan3A_2145, %mul3A_2151 : i32
        %add3A_2153 = arith.addi %add3A_2150, %mul3A_2152 : i32
        %get3A_2154 = arith.index_cast %add3A_2153 : i32 to index
        %get3A_2155 = tpu.vector_load %arg5[%get3A_2154] {strides = array<i32>} : memref<8192xi32, #tpu.memory_space<vmem>>, vector<16xi32>,
        %iota3A_2156 = tpu.iota {dimensions = array<i32: 0>} : vector<16xi32>
        %eq3A_2157 = vector.broadcast %scan3A_2145 : i32 to vector<16xi32>
        %eq3A_2158 = arith.cmpi eq, %iota3A_2156, %eq3A_2157 : vector<16xi32>
        %reduce_sum3A_2159 = arith.constant true
        %reduce_sum3A_2160 = vector.broadcast %reduce_sum3A_2159 : i1 to vector<16xi1>
        %reduce_sum3A_2161 = tpu.scan <sum>, %get3A_2155 masked %reduce_sum3A_2160 : vector<16xi32>, vector<16xi1> -> vector<16xi32>
        %reduce_sum3A_2162 = vector.extract %reduce_sum3A_2161[15] : i32 from vector<16xi32>
        %broadcast_in_dim3A_2163 = vector.broadcast %reduce_sum3A_2162 : i32 to vector<16xi32>
        %select_n3A_2164 = arith.select %eq3A_2158, %broadcast_in_dim3A_2163, %scan3A_2146 : vector<16xi1>, vector<16xi32>
        scf.yield %select_n3A_2164 : vector<16xi32>
      }
      %scan3A_1383 = arith.constant 16 : i32
      %reduce_sum3A_1384 = arith.constant true
      %reduce_sum3A_1385 = vector.broadcast %reduce_sum3A_1384 : i1 to vector<16xi1>
      %reduce_sum3A_1386 = tpu.scan <sum>, %scan3A_1382 masked %reduce_sum3A_1385 : vector<16xi32>, vector<16xi1> -> vector<16xi32>
      %reduce_sum3A_1387 = vector.extract %reduce_sum3A_1386[15] : i32 from vector<16xi32>
      %broadcast_in_dim3A_1388 = arith.constant true
      %broadcast_in_dim3A_1389 = vector.broadcast %broadcast_in_dim3A_1388 : i1 to vector<16xi1>
      %masked_cumsum3A_1390 = tpu.scan <sum>, %scan3A_1382 masked %broadcast_in_dim3A_1389 : vector<16xi32>, vector<16xi1> -> vector<16xi32>
      %sub3A_1391 = vector.broadcast %reduce_sum3A_1387 : i32 to vector<16xi32>
      %sub3A_1392 = arith.subi %sub3A_1391, %masked_cumsum3A_1390 : vector<16xi32>
      %add3A_1393 = arith.addi %sub3A_1392, %scan3A_1382 : vector<16xi32>
      %sub3A_1394 = arith.subi %sub3A_631, %sub3A_1375 : i32
      %ge3A_1395 = vector.broadcast %sub3A_1394 : i32 to vector<16xi32>
      %ge3A_1396 = arith.cmpi sge, %add3A_1393, %ge3A_1395 : vector<16xi32>
      %iota3A_1397 = tpu.iota {dimensions = array<i32: 0>} : vector<16xi32>
      %jit3A_1398 = arith.constant 0 : i32
      %broadcast_in_dim3A_1399 = vector.broadcast %jit3A_1398 : i32 to vector<16xi32>
      %select_n3A_1400 = arith.select %ge3A_1396, %iota3A_1397, %broadcast_in_dim3A_1399 : vector<16xi1>, vector<16xi32>
      %reduce_max3A_1401 = arith.constant true
      %reduce_max3A_1402 = vector.broadcast %reduce_max3A_1401 : i1 to vector<16xi1>
      %reduce_max3A_1403 = arith.constant -2147483648 : i32
      %reduce_max3A_1404 = vector.broadcast %reduce_max3A_1403 : i32 to vector<16xi32>
      %reduce_max3A_1405 = arith.xori %select_n3A_1400, %reduce_max3A_1404 : vector<16xi32>
      %reduce_max3A_1406 = tpu.scan <max>, %reduce_max3A_1405 masked %reduce_max3A_1402 : vector<16xi32>, vector<16xi1> -> vector<16xi32>
      %reduce_max3A_1407 = arith.xori %reduce_max3A_1406, %reduce_max3A_1404 : vector<16xi32>
      %reduce_max3A_1408 = vector.extract %reduce_max3A_1407[15] : i32 from vector<16xi32>
      %jit3A_1409 = arith.constant 2147483647 : i32
      %broadcast_in_dim3A_1410 = vector.broadcast %jit3A_1409 : i32 to vector<16xi32>
      %select_n3A_1411 = arith.select %ge3A_1396, %add3A_1393, %broadcast_in_dim3A_1410 : vector<16xi1>, vector<16xi32>
      %reduce_min3A_1412 = arith.constant true
      %reduce_min3A_1413 = vector.broadcast %reduce_min3A_1412 : i1 to vector<16xi1>
      %reduce_min3A_1414 = arith.constant -2147483648 : i32
      %reduce_min3A_1415 = vector.broadcast %reduce_min3A_1414 : i32 to vector<16xi32>
      %reduce_min3A_1416 = arith.xori %select_n3A_1411, %reduce_min3A_1415 : vector<16xi32>
      %reduce_min3A_1417 = tpu.scan <min>, %reduce_min3A_1416 masked %reduce_min3A_1413 : vector<16xi32>, vector<16xi1> -> vector<16xi32>
      %reduce_min3A_1418 = arith.xori %reduce_min3A_1417, %reduce_min3A_1415 : vector<16xi32>
      %reduce_min3A_1419 = vector.extract %reduce_min3A_1418[15] : i32 from vector<16xi32>
      %iota3A_1420 = tpu.iota {dimensions = array<i32: 0>} : vector<16xi32>
      %eq3A_1421 = vector.broadcast %reduce_max3A_1408 : i32 to vector<16xi32>
      %eq3A_1422 = arith.cmpi eq, %iota3A_1420, %eq3A_1421 : vector<16xi32>
      %jit3A_1423 = arith.constant 0 : i32
      %broadcast_in_dim3A_1424 = vector.broadcast %jit3A_1423 : i32 to vector<16xi32>
      %select_n3A_1425 = arith.select %eq3A_1422, %scan3A_1382, %broadcast_in_dim3A_1424 : vector<16xi1>, vector<16xi32>
      %reduce_sum3A_1426 = arith.constant true
      %reduce_sum3A_1427 = vector.broadcast %reduce_sum3A_1426 : i1 to vector<16xi1>
      %reduce_sum3A_1428 = tpu.scan <sum>, %select_n3A_1425 masked %reduce_sum3A_1427 : vector<16xi32>, vector<16xi1> -> vector<16xi32>
      %reduce_sum3A_1429 = vector.extract %reduce_sum3A_1428[15] : i32 from vector<16xi32>
      %sub3A_1430 = arith.subi %reduce_min3A_1419, %reduce_sum3A_1429 : i32
      %mul3A_1431 = arith.constant 256 : i32
      %mul3A_1432 = arith.muli %reduce_max3A_1353, %mul3A_1431 : i32
      %add3A_1433 = arith.constant 4096 : i32
      %add3A_1434 = arith.addi %add3A_1433, %mul3A_1432 : i32
      %mul3A_1435 = arith.constant 16 : i32
      %mul3A_1436 = arith.muli %reduce_max3A_1408, %mul3A_1435 : i32
      %add3A_1437 = arith.addi %add3A_1434, %mul3A_1436 : i32
      %get3A_1438 = arith.index_cast %add3A_1437 : i32 to index
      %get3A_1439 = tpu.vector_load %arg5[%get3A_1438] {strides = array<i32>} : memref<8192xi32, #tpu.memory_space<vmem>>, vector<16xi32>,
      %reduce_sum3A_1440 = arith.constant true
      %reduce_sum3A_1441 = vector.broadcast %reduce_sum3A_1440 : i1 to vector<16xi1>
      %reduce_sum3A_1442 = tpu.scan <sum>, %get3A_1439 masked %reduce_sum3A_1441 : vector<16xi32>, vector<16xi1> -> vector<16xi32>
      %reduce_sum3A_1443 = vector.extract %reduce_sum3A_1442[15] : i32 from vector<16xi32>
      %broadcast_in_dim3A_1444 = arith.constant true
      %broadcast_in_dim3A_1445 = vector.broadcast %broadcast_in_dim3A_1444 : i1 to vector<16xi1>
      %masked_cumsum3A_1446 = tpu.scan <sum>, %get3A_1439 masked %broadcast_in_dim3A_1445 : vector<16xi32>, vector<16xi1> -> vector<16xi32>
      %sub3A_1447 = vector.broadcast %reduce_sum3A_1443 : i32 to vector<16xi32>
      %sub3A_1448 = arith.subi %sub3A_1447, %masked_cumsum3A_1446 : vector<16xi32>
      %add3A_1449 = arith.addi %sub3A_1448, %get3A_1439 : vector<16xi32>
      %sub3A_1450 = arith.subi %sub3A_1394, %sub3A_1430 : i32
      %ge3A_1451 = vector.broadcast %sub3A_1450 : i32 to vector<16xi32>
      %ge3A_1452 = arith.cmpi sge, %add3A_1449, %ge3A_1451 : vector<16xi32>
      %iota3A_1453 = tpu.iota {dimensions = array<i32: 0>} : vector<16xi32>
      %jit3A_1454 = arith.constant 0 : i32
      %broadcast_in_dim3A_1455 = vector.broadcast %jit3A_1454 : i32 to vector<16xi32>
      %select_n3A_1456 = arith.select %ge3A_1452, %iota3A_1453, %broadcast_in_dim3A_1455 : vector<16xi1>, vector<16xi32>
      %reduce_max3A_1457 = arith.constant true
      %reduce_max3A_1458 = vector.broadcast %reduce_max3A_1457 : i1 to vector<16xi1>
      %reduce_max3A_1459 = arith.constant -2147483648 : i32
      %reduce_max3A_1460 = vector.broadcast %reduce_max3A_1459 : i32 to vector<16xi32>
      %reduce_max3A_1461 = arith.xori %select_n3A_1456, %reduce_max3A_1460 : vector<16xi32>
      %reduce_max3A_1462 = tpu.scan <max>, %reduce_max3A_1461 masked %reduce_max3A_1458 : vector<16xi32>, vector<16xi1> -> vector<16xi32>
      %reduce_max3A_1463 = arith.xori %reduce_max3A_1462, %reduce_max3A_1460 : vector<16xi32>
      %reduce_max3A_1464 = vector.extract %reduce_max3A_1463[15] : i32 from vector<16xi32>
      %jit3A_1465 = arith.constant 2147483647 : i32
      %broadcast_in_dim3A_1466 = vector.broadcast %jit3A_1465 : i32 to vector<16xi32>
      %select_n3A_1467 = arith.select %ge3A_1452, %add3A_1449, %broadcast_in_dim3A_1466 : vector<16xi1>, vector<16xi32>
      %reduce_min3A_1468 = arith.constant true
      %reduce_min3A_1469 = vector.broadcast %reduce_min3A_1468 : i1 to vector<16xi1>
      %reduce_min3A_1470 = arith.constant -2147483648 : i32
      %reduce_min3A_1471 = vector.broadcast %reduce_min3A_1470 : i32 to vector<16xi32>
      %reduce_min3A_1472 = arith.xori %select_n3A_1467, %reduce_min3A_1471 : vector<16xi32>
      %reduce_min3A_1473 = tpu.scan <min>, %reduce_min3A_1472 masked %reduce_min3A_1469 : vector<16xi32>, vector<16xi1> -> vector<16xi32>
      %reduce_min3A_1474 = arith.xori %reduce_min3A_1473, %reduce_min3A_1471 : vector<16xi32>
      %reduce_min3A_1475 = vector.extract %reduce_min3A_1474[15] : i32 from vector<16xi32>
      %iota3A_1476 = tpu.iota {dimensions = array<i32: 0>} : vector<16xi32>
      %eq3A_1477 = vector.broadcast %reduce_max3A_1464 : i32 to vector<16xi32>
      %eq3A_1478 = arith.cmpi eq, %iota3A_1476, %eq3A_1477 : vector<16xi32>
      %jit3A_1479 = arith.constant 0 : i32
      %broadcast_in_dim3A_1480 = vector.broadcast %jit3A_1479 : i32 to vector<16xi32>
      %select_n3A_1481 = arith.select %eq3A_1478, %get3A_1439, %broadcast_in_dim3A_1480 : vector<16xi1>, vector<16xi32>
      %reduce_sum3A_1482 = arith.constant true
      %reduce_sum3A_1483 = vector.broadcast %reduce_sum3A_1482 : i1 to vector<16xi1>
      %reduce_sum3A_1484 = tpu.scan <sum>, %select_n3A_1481 masked %reduce_sum3A_1483 : vector<16xi32>, vector<16xi1> -> vector<16xi32>
      %reduce_sum3A_1485 = vector.extract %reduce_sum3A_1484[15] : i32 from vector<16xi32>
      %sub3A_1486 = arith.subi %reduce_min3A_1475, %reduce_sum3A_1485 : i32
      %mul3A_1487 = arith.constant 256 : i32
      %mul3A_1488 = arith.muli %reduce_max3A_1353, %mul3A_1487 : i32
      %mul3A_1489 = arith.constant 16 : i32
      %mul3A_1490 = arith.muli %reduce_max3A_1408, %mul3A_1489 : i32
      %add3A_1491 = arith.addi %mul3A_1488, %mul3A_1490 : i32
      %add3A_1492 = arith.addi %add3A_1491, %reduce_max3A_1464 : i32
      %add3A_1493 = arith.addi %sub3A_1375, %sub3A_1430 : i32
      %add3A_1494 = arith.addi %add3A_1493, %sub3A_1486 : i32
      %sub3A_1495 = arith.subi %sub3A_629, %add3A_1321 : i32
      %sub3A_1496 = arith.subi %sub3A_631, %add3A_1494 : i32
      %shift_left3A = arith.constant 11 : i32
      %shift_left3A_1497 = arith.shli %add3A_450, %shift_left3A : i32
      %or3A = arith.ori %shift_left3A_1497, %add3A_1319 : i32
      %shift_left3A_1498 = arith.constant 11 : i32
      %shift_left3A_1499 = arith.shli %add3A_625, %shift_left3A_1498 : i32
      %or3A_1500 = arith.ori %shift_left3A_1499, %add3A_1492 : i32
      %broadcast_in_dim3A_1501 = arith.constant 0 : i32
      %broadcast_in_dim3A_1502 = vector.broadcast %broadcast_in_dim3A_1501 : i32 to vector<16xi32>
      %swap3A_1503 = arith.constant 6144 : index
      %swap3A_1504 = tpu.vector_load %arg5[%swap3A_1503] {strides = array<i32>} : memref<8192xi32, #tpu.memory_space<vmem>>, vector<16xi32>,
      tpu.vector_store %arg5[%swap3A_1503], %broadcast_in_dim3A_1502 {strides = array<i32>} : memref<8192xi32, #tpu.memory_space<vmem>>, vector<16xi32>,
      %swap3A_1505 = arith.constant 6160 : index
      %swap3A_1506 = tpu.vector_load %arg5[%swap3A_1505] {strides = array<i32>} : memref<8192xi32, #tpu.memory_space<vmem>>, vector<16xi32>,
      tpu.vector_store %arg5[%swap3A_1505], %broadcast_in_dim3A_1502 {strides = array<i32>} : memref<8192xi32, #tpu.memory_space<vmem>>, vector<16xi32>,
      %swap3A_1507 = arith.constant 6176 : index
      %swap3A_1508 = tpu.vector_load %arg5[%swap3A_1507] {strides = array<i32>} : memref<8192xi32, #tpu.memory_space<vmem>>, vector<16xi32>,
      tpu.vector_store %arg5[%swap3A_1507], %broadcast_in_dim3A_1502 {strides = array<i32>} : memref<8192xi32, #tpu.memory_space<vmem>>, vector<16xi32>,
      %swap3A_1509 = arith.constant 6192 : index
      %swap3A_1510 = tpu.vector_load %arg5[%swap3A_1509] {strides = array<i32>} : memref<8192xi32, #tpu.memory_space<vmem>>, vector<16xi32>,
      tpu.vector_store %arg5[%swap3A_1509], %broadcast_in_dim3A_1502 {strides = array<i32>} : memref<8192xi32, #tpu.memory_space<vmem>>, vector<16xi32>,
      %swap3A_1511 = arith.constant 6208 : index
      %swap3A_1512 = tpu.vector_load %arg5[%swap3A_1511] {strides = array<i32>} : memref<8192xi32, #tpu.memory_space<vmem>>, vector<16xi32>,
      tpu.vector_store %arg5[%swap3A_1511], %broadcast_in_dim3A_1502 {strides = array<i32>} : memref<8192xi32, #tpu.memory_space<vmem>>, vector<16xi32>,
      %swap3A_1513 = arith.constant 6224 : index
      %swap3A_1514 = tpu.vector_load %arg5[%swap3A_1513] {strides = array<i32>} : memref<8192xi32, #tpu.memory_space<vmem>>, vector<16xi32>,
      tpu.vector_store %arg5[%swap3A_1513], %broadcast_in_dim3A_1502 {strides = array<i32>} : memref<8192xi32, #tpu.memory_space<vmem>>, vector<16xi32>,
      %swap3A_1515 = arith.constant 6240 : index
      %swap3A_1516 = tpu.vector_load %arg5[%swap3A_1515] {strides = array<i32>} : memref<8192xi32, #tpu.memory_space<vmem>>, vector<16xi32>,
      tpu.vector_store %arg5[%swap3A_1515], %broadcast_in_dim3A_1502 {strides = array<i32>} : memref<8192xi32, #tpu.memory_space<vmem>>, vector<16xi32>,
      %swap3A_1517 = arith.constant 6256 : index
      %swap3A_1518 = tpu.vector_load %arg5[%swap3A_1517] {strides = array<i32>} : memref<8192xi32, #tpu.memory_space<vmem>>, vector<16xi32>,
      tpu.vector_store %arg5[%swap3A_1517], %broadcast_in_dim3A_1502 {strides = array<i32>} : memref<8192xi32, #tpu.memory_space<vmem>>, vector<16xi32>,
      %swap3A_1519 = arith.constant 6272 : index
      %swap3A_1520 = tpu.vector_load %arg5[%swap3A_1519] {strides = array<i32>} : memref<8192xi32, #tpu.memory_space<vmem>>, vector<16xi32>,
      tpu.vector_store %arg5[%swap3A_1519], %broadcast_in_dim3A_1502 {strides = array<i32>} : memref<8192xi32, #tpu.memory_space<vmem>>, vector<16xi32>,
      %swap3A_1521 = arith.constant 6288 : index
      %swap3A_1522 = tpu.vector_load %arg5[%swap3A_1521] {strides = array<i32>} : memref<8192xi32, #tpu.memory_space<vmem>>, vector<16xi32>,
      tpu.vector_store %arg5[%swap3A_1521], %broadcast_in_dim3A_1502 {strides = array<i32>} : memref<8192xi32, #tpu.memory_space<vmem>>, vector<16xi32>,
      %swap3A_1523 = arith.constant 6304 : index
      %swap3A_1524 = tpu.vector_load %arg5[%swap3A_1523] {strides = array<i32>} : memref<8192xi32, #tpu.memory_space<vmem>>, vector<16xi32>,
      tpu.vector_store %arg5[%swap3A_1523], %broadcast_in_dim3A_1502 {strides = array<i32>} : memref<8192xi32, #tpu.memory_space<vmem>>, vector<16xi32>,
      %swap3A_1525 = arith.constant 6320 : index
      %swap3A_1526 = tpu.vector_load %arg5[%swap3A_1525] {strides = array<i32>} : memref<8192xi32, #tpu.memory_space<vmem>>, vector<16xi32>,
      tpu.vector_store %arg5[%swap3A_1525], %broadcast_in_dim3A_1502 {strides = array<i32>} : memref<8192xi32, #tpu.memory_space<vmem>>, vector<16xi32>,
      %swap3A_1527 = arith.constant 6336 : index
      %swap3A_1528 = tpu.vector_load %arg5[%swap3A_1527] {strides = array<i32>} : memref<8192xi32, #tpu.memory_space<vmem>>, vector<16xi32>,
      tpu.vector_store %arg5[%swap3A_1527], %broadcast_in_dim3A_1502 {strides = array<i32>} : memref<8192xi32, #tpu.memory_space<vmem>>, vector<16xi32>,
      %swap3A_1529 = arith.constant 6352 : index
      %swap3A_1530 = tpu.vector_load %arg5[%swap3A_1529] {strides = array<i32>} : memref<8192xi32, #tpu.memory_space<vmem>>, vector<16xi32>,
      tpu.vector_store %arg5[%swap3A_1529], %broadcast_in_dim3A_1502 {strides = array<i32>} : memref<8192xi32, #tpu.memory_space<vmem>>, vector<16xi32>,
      %swap3A_1531 = arith.constant 6368 : index
      %swap3A_1532 = tpu.vector_load %arg5[%swap3A_1531] {strides = array<i32>} : memref<8192xi32, #tpu.memory_space<vmem>>, vector<16xi32>,
      tpu.vector_store %arg5[%swap3A_1531], %broadcast_in_dim3A_1502 {strides = array<i32>} : memref<8192xi32, #tpu.memory_space<vmem>>, vector<16xi32>,
      %swap3A_1533 = arith.constant 6384 : index
      %swap3A_1534 = tpu.vector_load %arg5[%swap3A_1533] {strides = array<i32>} : memref<8192xi32, #tpu.memory_space<vmem>>, vector<16xi32>,
      tpu.vector_store %arg5[%swap3A_1533], %broadcast_in_dim3A_1502 {strides = array<i32>} : memref<8192xi32, #tpu.memory_space<vmem>>, vector<16xi32>,
      %swap3A_1535 = arith.constant 6400 : index
      %swap3A_1536 = tpu.vector_load %arg5[%swap3A_1535] {strides = array<i32>} : memref<8192xi32, #tpu.memory_space<vmem>>, vector<16xi32>,
      tpu.vector_store %arg5[%swap3A_1535], %broadcast_in_dim3A_1502 {strides = array<i32>} : memref<8192xi32, #tpu.memory_space<vmem>>, vector<16xi32>,
      %swap3A_1537 = arith.constant 6416 : index
      %swap3A_1538 = tpu.vector_load %arg5[%swap3A_1537] {strides = array<i32>} : memref<8192xi32, #tpu.memory_space<vmem>>, vector<16xi32>,
      tpu.vector_store %arg5[%swap3A_1537], %broadcast_in_dim3A_1502 {strides = array<i32>} : memref<8192xi32, #tpu.memory_space<vmem>>, vector<16xi32>,
      %swap3A_1539 = arith.constant 6432 : index
      %swap3A_1540 = tpu.vector_load %arg5[%swap3A_1539] {strides = array<i32>} : memref<8192xi32, #tpu.memory_space<vmem>>, vector<16xi32>,
      tpu.vector_store %arg5[%swap3A_1539], %broadcast_in_dim3A_1502 {strides = array<i32>} : memref<8192xi32, #tpu.memory_space<vmem>>, vector<16xi32>,
      %swap3A_1541 = arith.constant 6448 : index
      %swap3A_1542 = tpu.vector_load %arg5[%swap3A_1541] {strides = array<i32>} : memref<8192xi32, #tpu.memory_space<vmem>>, vector<16xi32>,
      tpu.vector_store %arg5[%swap3A_1541], %broadcast_in_dim3A_1502 {strides = array<i32>} : memref<8192xi32, #tpu.memory_space<vmem>>, vector<16xi32>,
      %swap3A_1543 = arith.constant 6464 : index
      %swap3A_1544 = tpu.vector_load %arg5[%swap3A_1543] {strides = array<i32>} : memref<8192xi32, #tpu.memory_space<vmem>>, vector<16xi32>,
      tpu.vector_store %arg5[%swap3A_1543], %broadcast_in_dim3A_1502 {strides = array<i32>} : memref<8192xi32, #tpu.memory_space<vmem>>, vector<16xi32>,
      %swap3A_1545 = arith.constant 6480 : index
      %swap3A_1546 = tpu.vector_load %arg5[%swap3A_1545] {strides = array<i32>} : memref<8192xi32, #tpu.memory_space<vmem>>, vector<16xi32>,
      tpu.vector_store %arg5[%swap3A_1545], %broadcast_in_dim3A_1502 {strides = array<i32>} : memref<8192xi32, #tpu.memory_space<vmem>>, vector<16xi32>,
      %swap3A_1547 = arith.constant 6496 : index
      %swap3A_1548 = tpu.vector_load %arg5[%swap3A_1547] {strides = array<i32>} : memref<8192xi32, #tpu.memory_space<vmem>>, vector<16xi32>,
      tpu.vector_store %arg5[%swap3A_1547], %broadcast_in_dim3A_1502 {strides = array<i32>} : memref<8192xi32, #tpu.memory_space<vmem>>, vector<16xi32>,
      %swap3A_1549 = arith.constant 6512 : index
      %swap3A_1550 = tpu.vector_load %arg5[%swap3A_1549] {strides = array<i32>} : memref<8192xi32, #tpu.memory_space<vmem>>, vector<16xi32>,
      tpu.vector_store %arg5[%swap3A_1549], %broadcast_in_dim3A_1502 {strides = array<i32>} : memref<8192xi32, #tpu.memory_space<vmem>>, vector<16xi32>,
      %swap3A_1551 = arith.constant 6528 : index
      %swap3A_1552 = tpu.vector_load %arg5[%swap3A_1551] {strides = array<i32>} : memref<8192xi32, #tpu.memory_space<vmem>>, vector<16xi32>,
      tpu.vector_store %arg5[%swap3A_1551], %broadcast_in_dim3A_1502 {strides = array<i32>} : memref<8192xi32, #tpu.memory_space<vmem>>, vector<16xi32>,
      %swap3A_1553 = arith.constant 6544 : index
      %swap3A_1554 = tpu.vector_load %arg5[%swap3A_1553] {strides = array<i32>} : memref<8192xi32, #tpu.memory_space<vmem>>, vector<16xi32>,
      tpu.vector_store %arg5[%swap3A_1553], %broadcast_in_dim3A_1502 {strides = array<i32>} : memref<8192xi32, #tpu.memory_space<vmem>>, vector<16xi32>,
      %swap3A_1555 = arith.constant 6560 : index
      %swap3A_1556 = tpu.vector_load %arg5[%swap3A_1555] {strides = array<i32>} : memref<8192xi32, #tpu.memory_space<vmem>>, vector<16xi32>,
      tpu.vector_store %arg5[%swap3A_1555], %broadcast_in_dim3A_1502 {strides = array<i32>} : memref<8192xi32, #tpu.memory_space<vmem>>, vector<16xi32>,
      %swap3A_1557 = arith.constant 6576 : index
      %swap3A_1558 = tpu.vector_load %arg5[%swap3A_1557] {strides = array<i32>} : memref<8192xi32, #tpu.memory_space<vmem>>, vector<16xi32>,
      tpu.vector_store %arg5[%swap3A_1557], %broadcast_in_dim3A_1502 {strides = array<i32>} : memref<8192xi32, #tpu.memory_space<vmem>>, vector<16xi32>,
      %swap3A_1559 = arith.constant 6592 : index
      %swap3A_1560 = tpu.vector_load %arg5[%swap3A_1559] {strides = array<i32>} : memref<8192xi32, #tpu.memory_space<vmem>>, vector<16xi32>,
      tpu.vector_store %arg5[%swap3A_1559], %broadcast_in_dim3A_1502 {strides = array<i32>} : memref<8192xi32, #tpu.memory_space<vmem>>, vector<16xi32>,
      %swap3A_1561 = arith.constant 6608 : index
      %swap3A_1562 = tpu.vector_load %arg5[%swap3A_1561] {strides = array<i32>} : memref<8192xi32, #tpu.memory_space<vmem>>, vector<16xi32>,
      tpu.vector_store %arg5[%swap3A_1561], %broadcast_in_dim3A_1502 {strides = array<i32>} : memref<8192xi32, #tpu.memory_space<vmem>>, vector<16xi32>,
      %swap3A_1563 = arith.constant 6624 : index
      %swap3A_1564 = tpu.vector_load %arg5[%swap3A_1563] {strides = array<i32>} : memref<8192xi32, #tpu.memory_space<vmem>>, vector<16xi32>,
      tpu.vector_store %arg5[%swap3A_1563], %broadcast_in_dim3A_1502 {strides = array<i32>} : memref<8192xi32, #tpu.memory_space<vmem>>, vector<16xi32>,
      %swap3A_1565 = arith.constant 6640 : index
      %swap3A_1566 = tpu.vector_load %arg5[%swap3A_1565] {strides = array<i32>} : memref<8192xi32, #tpu.memory_space<vmem>>, vector<16xi32>,
      tpu.vector_store %arg5[%swap3A_1565], %broadcast_in_dim3A_1502 {strides = array<i32>} : memref<8192xi32, #tpu.memory_space<vmem>>, vector<16xi32>,
      %swap3A_1567 = arith.constant 6656 : index
      %swap3A_1568 = tpu.vector_load %arg5[%swap3A_1567] {strides = array<i32>} : memref<8192xi32, #tpu.memory_space<vmem>>, vector<16xi32>,
      tpu.vector_store %arg5[%swap3A_1567], %broadcast_in_dim3A_1502 {strides = array<i32>} : memref<8192xi32, #tpu.memory_space<vmem>>, vector<16xi32>,
      %swap3A_1569 = arith.constant 6672 : index
      %swap3A_1570 = tpu.vector_load %arg5[%swap3A_1569] {strides = array<i32>} : memref<8192xi32, #tpu.memory_space<vmem>>, vector<16xi32>,
      tpu.vector_store %arg5[%swap3A_1569], %broadcast_in_dim3A_1502 {strides = array<i32>} : memref<8192xi32, #tpu.memory_space<vmem>>, vector<16xi32>,
      %swap3A_1571 = arith.constant 6688 : index
      %swap3A_1572 = tpu.vector_load %arg5[%swap3A_1571] {strides = array<i32>} : memref<8192xi32, #tpu.memory_space<vmem>>, vector<16xi32>,
      tpu.vector_store %arg5[%swap3A_1571], %broadcast_in_dim3A_1502 {strides = array<i32>} : memref<8192xi32, #tpu.memory_space<vmem>>, vector<16xi32>,
      %swap3A_1573 = arith.constant 6704 : index
      %swap3A_1574 = tpu.vector_load %arg5[%swap3A_1573] {strides = array<i32>} : memref<8192xi32, #tpu.memory_space<vmem>>, vector<16xi32>,
      tpu.vector_store %arg5[%swap3A_1573], %broadcast_in_dim3A_1502 {strides = array<i32>} : memref<8192xi32, #tpu.memory_space<vmem>>, vector<16xi32>,
      %swap3A_1575 = arith.constant 6720 : index
      %swap3A_1576 = tpu.vector_load %arg5[%swap3A_1575] {strides = array<i32>} : memref<8192xi32, #tpu.memory_space<vmem>>, vector<16xi32>,
      tpu.vector_store %arg5[%swap3A_1575], %broadcast_in_dim3A_1502 {strides = array<i32>} : memref<8192xi32, #tpu.memory_space<vmem>>, vector<16xi32>,
      %swap3A_1577 = arith.constant 6736 : index
      %swap3A_1578 = tpu.vector_load %arg5[%swap3A_1577] {strides = array<i32>} : memref<8192xi32, #tpu.memory_space<vmem>>, vector<16xi32>,
      tpu.vector_store %arg5[%swap3A_1577], %broadcast_in_dim3A_1502 {strides = array<i32>} : memref<8192xi32, #tpu.memory_space<vmem>>, vector<16xi32>,
      %swap3A_1579 = arith.constant 6752 : index
      %swap3A_1580 = tpu.vector_load %arg5[%swap3A_1579] {strides = array<i32>} : memref<8192xi32, #tpu.memory_space<vmem>>, vector<16xi32>,
      tpu.vector_store %arg5[%swap3A_1579], %broadcast_in_dim3A_1502 {strides = array<i32>} : memref<8192xi32, #tpu.memory_space<vmem>>, vector<16xi32>,
      %swap3A_1581 = arith.constant 6768 : index
      %swap3A_1582 = tpu.vector_load %arg5[%swap3A_1581] {strides = array<i32>} : memref<8192xi32, #tpu.memory_space<vmem>>, vector<16xi32>,
      tpu.vector_store %arg5[%swap3A_1581], %broadcast_in_dim3A_1502 {strides = array<i32>} : memref<8192xi32, #tpu.memory_space<vmem>>, vector<16xi32>,
      %swap3A_1583 = arith.constant 6784 : index
      %swap3A_1584 = tpu.vector_load %arg5[%swap3A_1583] {strides = array<i32>} : memref<8192xi32, #tpu.memory_space<vmem>>, vector<16xi32>,
      tpu.vector_store %arg5[%swap3A_1583], %broadcast_in_dim3A_1502 {strides = array<i32>} : memref<8192xi32, #tpu.memory_space<vmem>>, vector<16xi32>,
      %swap3A_1585 = arith.constant 6800 : index
      %swap3A_1586 = tpu.vector_load %arg5[%swap3A_1585] {strides = array<i32>} : memref<8192xi32, #tpu.memory_space<vmem>>, vector<16xi32>,
      tpu.vector_store %arg5[%swap3A_1585], %broadcast_in_dim3A_1502 {strides = array<i32>} : memref<8192xi32, #tpu.memory_space<vmem>>, vector<16xi32>,
      %swap3A_1587 = arith.constant 6816 : index
      %swap3A_1588 = tpu.vector_load %arg5[%swap3A_1587] {strides = array<i32>} : memref<8192xi32, #tpu.memory_space<vmem>>, vector<16xi32>,
      tpu.vector_store %arg5[%swap3A_1587], %broadcast_in_dim3A_1502 {strides = array<i32>} : memref<8192xi32, #tpu.memory_space<vmem>>, vector<16xi32>,
      %swap3A_1589 = arith.constant 6832 : index
      %swap3A_1590 = tpu.vector_load %arg5[%swap3A_1589] {strides = array<i32>} : memref<8192xi32, #tpu.memory_space<vmem>>, vector<16xi32>,
      tpu.vector_store %arg5[%swap3A_1589], %broadcast_in_dim3A_1502 {strides = array<i32>} : memref<8192xi32, #tpu.memory_space<vmem>>, vector<16xi32>,
      %swap3A_1591 = arith.constant 6848 : index
      %swap3A_1592 = tpu.vector_load %arg5[%swap3A_1591] {strides = array<i32>} : memref<8192xi32, #tpu.memory_space<vmem>>, vector<16xi32>,
      tpu.vector_store %arg5[%swap3A_1591], %broadcast_in_dim3A_1502 {strides = array<i32>} : memref<8192xi32, #tpu.memory_space<vmem>>, vector<16xi32>,
      %swap3A_1593 = arith.constant 6864 : index
      %swap3A_1594 = tpu.vector_load %arg5[%swap3A_1593] {strides = array<i32>} : memref<8192xi32, #tpu.memory_space<vmem>>, vector<16xi32>,
      tpu.vector_store %arg5[%swap3A_1593], %broadcast_in_dim3A_1502 {strides = array<i32>} : memref<8192xi32, #tpu.memory_space<vmem>>, vector<16xi32>,
      %swap3A_1595 = arith.constant 6880 : index
      %swap3A_1596 = tpu.vector_load %arg5[%swap3A_1595] {strides = array<i32>} : memref<8192xi32, #tpu.memory_space<vmem>>, vector<16xi32>,
      tpu.vector_store %arg5[%swap3A_1595], %broadcast_in_dim3A_1502 {strides = array<i32>} : memref<8192xi32, #tpu.memory_space<vmem>>, vector<16xi32>,
      %swap3A_1597 = arith.constant 6896 : index
      %swap3A_1598 = tpu.vector_load %arg5[%swap3A_1597] {strides = array<i32>} : memref<8192xi32, #tpu.memory_space<vmem>>, vector<16xi32>,
      tpu.vector_store %arg5[%swap3A_1597], %broadcast_in_dim3A_1502 {strides = array<i32>} : memref<8192xi32, #tpu.memory_space<vmem>>, vector<16xi32>,
      %swap3A_1599 = arith.constant 6912 : index
      %swap3A_1600 = tpu.vector_load %arg5[%swap3A_1599] {strides = array<i32>} : memref<8192xi32, #tpu.memory_space<vmem>>, vector<16xi32>,
      tpu.vector_store %arg5[%swap3A_1599], %broadcast_in_dim3A_1502 {strides = array<i32>} : memref<8192xi32, #tpu.memory_space<vmem>>, vector<16xi32>,
      %swap3A_1601 = arith.constant 6928 : index
      %swap3A_1602 = tpu.vector_load %arg5[%swap3A_1601] {strides = array<i32>} : memref<8192xi32, #tpu.memory_space<vmem>>, vector<16xi32>,
      tpu.vector_store %arg5[%swap3A_1601], %broadcast_in_dim3A_1502 {strides = array<i32>} : memref<8192xi32, #tpu.memory_space<vmem>>, vector<16xi32>,
      %swap3A_1603 = arith.constant 6944 : index
      %swap3A_1604 = tpu.vector_load %arg5[%swap3A_1603] {strides = array<i32>} : memref<8192xi32, #tpu.memory_space<vmem>>, vector<16xi32>,
      tpu.vector_store %arg5[%swap3A_1603], %broadcast_in_dim3A_1502 {strides = array<i32>} : memref<8192xi32, #tpu.memory_space<vmem>>, vector<16xi32>,
      %swap3A_1605 = arith.constant 6960 : index
      %swap3A_1606 = tpu.vector_load %arg5[%swap3A_1605] {strides = array<i32>} : memref<8192xi32, #tpu.memory_space<vmem>>, vector<16xi32>,
      tpu.vector_store %arg5[%swap3A_1605], %broadcast_in_dim3A_1502 {strides = array<i32>} : memref<8192xi32, #tpu.memory_space<vmem>>, vector<16xi32>,
      %swap3A_1607 = arith.constant 6976 : index
      %swap3A_1608 = tpu.vector_load %arg5[%swap3A_1607] {strides = array<i32>} : memref<8192xi32, #tpu.memory_space<vmem>>, vector<16xi32>,
      tpu.vector_store %arg5[%swap3A_1607], %broadcast_in_dim3A_1502 {strides = array<i32>} : memref<8192xi32, #tpu.memory_space<vmem>>, vector<16xi32>,
      %swap3A_1609 = arith.constant 6992 : index
      %swap3A_1610 = tpu.vector_load %arg5[%swap3A_1609] {strides = array<i32>} : memref<8192xi32, #tpu.memory_space<vmem>>, vector<16xi32>,
      tpu.vector_store %arg5[%swap3A_1609], %broadcast_in_dim3A_1502 {strides = array<i32>} : memref<8192xi32, #tpu.memory_space<vmem>>, vector<16xi32>,
      %swap3A_1611 = arith.constant 7008 : index
      %swap3A_1612 = tpu.vector_load %arg5[%swap3A_1611] {strides = array<i32>} : memref<8192xi32, #tpu.memory_space<vmem>>, vector<16xi32>,
      tpu.vector_store %arg5[%swap3A_1611], %broadcast_in_dim3A_1502 {strides = array<i32>} : memref<8192xi32, #tpu.memory_space<vmem>>, vector<16xi32>,
      %swap3A_1613 = arith.constant 7024 : index
      %swap3A_1614 = tpu.vector_load %arg5[%swap3A_1613] {strides = array<i32>} : memref<8192xi32, #tpu.memory_space<vmem>>, vector<16xi32>,
      tpu.vector_store %arg5[%swap3A_1613], %broadcast_in_dim3A_1502 {strides = array<i32>} : memref<8192xi32, #tpu.memory_space<vmem>>, vector<16xi32>,
      %swap3A_1615 = arith.constant 7040 : index
      %swap3A_1616 = tpu.vector_load %arg5[%swap3A_1615] {strides = array<i32>} : memref<8192xi32, #tpu.memory_space<vmem>>, vector<16xi32>,
      tpu.vector_store %arg5[%swap3A_1615], %broadcast_in_dim3A_1502 {strides = array<i32>} : memref<8192xi32, #tpu.memory_space<vmem>>, vector<16xi32>,
      %swap3A_1617 = arith.constant 7056 : index
      %swap3A_1618 = tpu.vector_load %arg5[%swap3A_1617] {strides = array<i32>} : memref<8192xi32, #tpu.memory_space<vmem>>, vector<16xi32>,
      tpu.vector_store %arg5[%swap3A_1617], %broadcast_in_dim3A_1502 {strides = array<i32>} : memref<8192xi32, #tpu.memory_space<vmem>>, vector<16xi32>,
      %swap3A_1619 = arith.constant 7072 : index
      %swap3A_1620 = tpu.vector_load %arg5[%swap3A_1619] {strides = array<i32>} : memref<8192xi32, #tpu.memory_space<vmem>>, vector<16xi32>,
      tpu.vector_store %arg5[%swap3A_1619], %broadcast_in_dim3A_1502 {strides = array<i32>} : memref<8192xi32, #tpu.memory_space<vmem>>, vector<16xi32>,
      %swap3A_1621 = arith.constant 7088 : index
      %swap3A_1622 = tpu.vector_load %arg5[%swap3A_1621] {strides = array<i32>} : memref<8192xi32, #tpu.memory_space<vmem>>, vector<16xi32>,
      tpu.vector_store %arg5[%swap3A_1621], %broadcast_in_dim3A_1502 {strides = array<i32>} : memref<8192xi32, #tpu.memory_space<vmem>>, vector<16xi32>,
      %swap3A_1623 = arith.constant 7104 : index
      %swap3A_1624 = tpu.vector_load %arg5[%swap3A_1623] {strides = array<i32>} : memref<8192xi32, #tpu.memory_space<vmem>>, vector<16xi32>,
      tpu.vector_store %arg5[%swap3A_1623], %broadcast_in_dim3A_1502 {strides = array<i32>} : memref<8192xi32, #tpu.memory_space<vmem>>, vector<16xi32>,
      %swap3A_1625 = arith.constant 7120 : index
      %swap3A_1626 = tpu.vector_load %arg5[%swap3A_1625] {strides = array<i32>} : memref<8192xi32, #tpu.memory_space<vmem>>, vector<16xi32>,
      tpu.vector_store %arg5[%swap3A_1625], %broadcast_in_dim3A_1502 {strides = array<i32>} : memref<8192xi32, #tpu.memory_space<vmem>>, vector<16xi32>,
      %swap3A_1627 = arith.constant 7136 : index
      %swap3A_1628 = tpu.vector_load %arg5[%swap3A_1627] {strides = array<i32>} : memref<8192xi32, #tpu.memory_space<vmem>>, vector<16xi32>,
      tpu.vector_store %arg5[%swap3A_1627], %broadcast_in_dim3A_1502 {strides = array<i32>} : memref<8192xi32, #tpu.memory_space<vmem>>, vector<16xi32>,
      %swap3A_1629 = arith.constant 7152 : index
      %swap3A_1630 = tpu.vector_load %arg5[%swap3A_1629] {strides = array<i32>} : memref<8192xi32, #tpu.memory_space<vmem>>, vector<16xi32>,
      tpu.vector_store %arg5[%swap3A_1629], %broadcast_in_dim3A_1502 {strides = array<i32>} : memref<8192xi32, #tpu.memory_space<vmem>>, vector<16xi32>,
      %swap3A_1631 = arith.constant 7168 : index
      %swap3A_1632 = tpu.vector_load %arg5[%swap3A_1631] {strides = array<i32>} : memref<8192xi32, #tpu.memory_space<vmem>>, vector<16xi32>,
      tpu.vector_store %arg5[%swap3A_1631], %broadcast_in_dim3A_1502 {strides = array<i32>} : memref<8192xi32, #tpu.memory_space<vmem>>, vector<16xi32>,
      %swap3A_1633 = arith.constant 7184 : index
      %swap3A_1634 = tpu.vector_load %arg5[%swap3A_1633] {strides = array<i32>} : memref<8192xi32, #tpu.memory_space<vmem>>, vector<16xi32>,
      tpu.vector_store %arg5[%swap3A_1633], %broadcast_in_dim3A_1502 {strides = array<i32>} : memref<8192xi32, #tpu.memory_space<vmem>>, vector<16xi32>,
      %swap3A_1635 = arith.constant 7200 : index
      %swap3A_1636 = tpu.vector_load %arg5[%swap3A_1635] {strides = array<i32>} : memref<8192xi32, #tpu.memory_space<vmem>>, vector<16xi32>,
      tpu.vector_store %arg5[%swap3A_1635], %broadcast_in_dim3A_1502 {strides = array<i32>} : memref<8192xi32, #tpu.memory_space<vmem>>, vector<16xi32>,
      %swap3A_1637 = arith.constant 7216 : index
      %swap3A_1638 = tpu.vector_load %arg5[%swap3A_1637] {strides = array<i32>} : memref<8192xi32, #tpu.memory_space<vmem>>, vector<16xi32>,
      tpu.vector_store %arg5[%swap3A_1637], %broadcast_in_dim3A_1502 {strides = array<i32>} : memref<8192xi32, #tpu.memory_space<vmem>>, vector<16xi32>,
      %swap3A_1639 = arith.constant 7232 : index
      %swap3A_1640 = tpu.vector_load %arg5[%swap3A_1639] {strides = array<i32>} : memref<8192xi32, #tpu.memory_space<vmem>>, vector<16xi32>,
      tpu.vector_store %arg5[%swap3A_1639], %broadcast_in_dim3A_1502 {strides = array<i32>} : memref<8192xi32, #tpu.memory_space<vmem>>, vector<16xi32>,
      %swap3A_1641 = arith.constant 7248 : index
      %swap3A_1642 = tpu.vector_load %arg5[%swap3A_1641] {strides = array<i32>} : memref<8192xi32, #tpu.memory_space<vmem>>, vector<16xi32>,
      tpu.vector_store %arg5[%swap3A_1641], %broadcast_in_dim3A_1502 {strides = array<i32>} : memref<8192xi32, #tpu.memory_space<vmem>>, vector<16xi32>,
      %swap3A_1643 = arith.constant 7264 : index
      %swap3A_1644 = tpu.vector_load %arg5[%swap3A_1643] {strides = array<i32>} : memref<8192xi32, #tpu.memory_space<vmem>>, vector<16xi32>,
      tpu.vector_store %arg5[%swap3A_1643], %broadcast_in_dim3A_1502 {strides = array<i32>} : memref<8192xi32, #tpu.memory_space<vmem>>, vector<16xi32>,
      %swap3A_1645 = arith.constant 7280 : index
      %swap3A_1646 = tpu.vector_load %arg5[%swap3A_1645] {strides = array<i32>} : memref<8192xi32, #tpu.memory_space<vmem>>, vector<16xi32>,
      tpu.vector_store %arg5[%swap3A_1645], %broadcast_in_dim3A_1502 {strides = array<i32>} : memref<8192xi32, #tpu.memory_space<vmem>>, vector<16xi32>,
      %swap3A_1647 = arith.constant 7296 : index
      %swap3A_1648 = tpu.vector_load %arg5[%swap3A_1647] {strides = array<i32>} : memref<8192xi32, #tpu.memory_space<vmem>>, vector<16xi32>,
      tpu.vector_store %arg5[%swap3A_1647], %broadcast_in_dim3A_1502 {strides = array<i32>} : memref<8192xi32, #tpu.memory_space<vmem>>, vector<16xi32>,
      %swap3A_1649 = arith.constant 7312 : index
      %swap3A_1650 = tpu.vector_load %arg5[%swap3A_1649] {strides = array<i32>} : memref<8192xi32, #tpu.memory_space<vmem>>, vector<16xi32>,
      tpu.vector_store %arg5[%swap3A_1649], %broadcast_in_dim3A_1502 {strides = array<i32>} : memref<8192xi32, #tpu.memory_space<vmem>>, vector<16xi32>,
      %swap3A_1651 = arith.constant 7328 : index
      %swap3A_1652 = tpu.vector_load %arg5[%swap3A_1651] {strides = array<i32>} : memref<8192xi32, #tpu.memory_space<vmem>>, vector<16xi32>,
      tpu.vector_store %arg5[%swap3A_1651], %broadcast_in_dim3A_1502 {strides = array<i32>} : memref<8192xi32, #tpu.memory_space<vmem>>, vector<16xi32>,
      %swap3A_1653 = arith.constant 7344 : index
      %swap3A_1654 = tpu.vector_load %arg5[%swap3A_1653] {strides = array<i32>} : memref<8192xi32, #tpu.memory_space<vmem>>, vector<16xi32>,
      tpu.vector_store %arg5[%swap3A_1653], %broadcast_in_dim3A_1502 {strides = array<i32>} : memref<8192xi32, #tpu.memory_space<vmem>>, vector<16xi32>,
      %swap3A_1655 = arith.constant 7360 : index
      %swap3A_1656 = tpu.vector_load %arg5[%swap3A_1655] {strides = array<i32>} : memref<8192xi32, #tpu.memory_space<vmem>>, vector<16xi32>,
      tpu.vector_store %arg5[%swap3A_1655], %broadcast_in_dim3A_1502 {strides = array<i32>} : memref<8192xi32, #tpu.memory_space<vmem>>, vector<16xi32>,
      %swap3A_1657 = arith.constant 7376 : index
      %swap3A_1658 = tpu.vector_load %arg5[%swap3A_1657] {strides = array<i32>} : memref<8192xi32, #tpu.memory_space<vmem>>, vector<16xi32>,
      tpu.vector_store %arg5[%swap3A_1657], %broadcast_in_dim3A_1502 {strides = array<i32>} : memref<8192xi32, #tpu.memory_space<vmem>>, vector<16xi32>,
      %swap3A_1659 = arith.constant 7392 : index
      %swap3A_1660 = tpu.vector_load %arg5[%swap3A_1659] {strides = array<i32>} : memref<8192xi32, #tpu.memory_space<vmem>>, vector<16xi32>,
      tpu.vector_store %arg5[%swap3A_1659], %broadcast_in_dim3A_1502 {strides = array<i32>} : memref<8192xi32, #tpu.memory_space<vmem>>, vector<16xi32>,
      %swap3A_1661 = arith.constant 7408 : index
      %swap3A_1662 = tpu.vector_load %arg5[%swap3A_1661] {strides = array<i32>} : memref<8192xi32, #tpu.memory_space<vmem>>, vector<16xi32>,
      tpu.vector_store %arg5[%swap3A_1661], %broadcast_in_dim3A_1502 {strides = array<i32>} : memref<8192xi32, #tpu.memory_space<vmem>>, vector<16xi32>,
      %swap3A_1663 = arith.constant 7424 : index
      %swap3A_1664 = tpu.vector_load %arg5[%swap3A_1663] {strides = array<i32>} : memref<8192xi32, #tpu.memory_space<vmem>>, vector<16xi32>,
      tpu.vector_store %arg5[%swap3A_1663], %broadcast_in_dim3A_1502 {strides = array<i32>} : memref<8192xi32, #tpu.memory_space<vmem>>, vector<16xi32>,
      %swap3A_1665 = arith.constant 7440 : index
      %swap3A_1666 = tpu.vector_load %arg5[%swap3A_1665] {strides = array<i32>} : memref<8192xi32, #tpu.memory_space<vmem>>, vector<16xi32>,
      tpu.vector_store %arg5[%swap3A_1665], %broadcast_in_dim3A_1502 {strides = array<i32>} : memref<8192xi32, #tpu.memory_space<vmem>>, vector<16xi32>,
      %swap3A_1667 = arith.constant 7456 : index
      %swap3A_1668 = tpu.vector_load %arg5[%swap3A_1667] {strides = array<i32>} : memref<8192xi32, #tpu.memory_space<vmem>>, vector<16xi32>,
      tpu.vector_store %arg5[%swap3A_1667], %broadcast_in_dim3A_1502 {strides = array<i32>} : memref<8192xi32, #tpu.memory_space<vmem>>, vector<16xi32>,
      %swap3A_1669 = arith.constant 7472 : index
      %swap3A_1670 = tpu.vector_load %arg5[%swap3A_1669] {strides = array<i32>} : memref<8192xi32, #tpu.memory_space<vmem>>, vector<16xi32>,
      tpu.vector_store %arg5[%swap3A_1669], %broadcast_in_dim3A_1502 {strides = array<i32>} : memref<8192xi32, #tpu.memory_space<vmem>>, vector<16xi32>,
      %swap3A_1671 = arith.constant 7488 : index
      %swap3A_1672 = tpu.vector_load %arg5[%swap3A_1671] {strides = array<i32>} : memref<8192xi32, #tpu.memory_space<vmem>>, vector<16xi32>,
      tpu.vector_store %arg5[%swap3A_1671], %broadcast_in_dim3A_1502 {strides = array<i32>} : memref<8192xi32, #tpu.memory_space<vmem>>, vector<16xi32>,
      %swap3A_1673 = arith.constant 7504 : index
      %swap3A_1674 = tpu.vector_load %arg5[%swap3A_1673] {strides = array<i32>} : memref<8192xi32, #tpu.memory_space<vmem>>, vector<16xi32>,
      tpu.vector_store %arg5[%swap3A_1673], %broadcast_in_dim3A_1502 {strides = array<i32>} : memref<8192xi32, #tpu.memory_space<vmem>>, vector<16xi32>,
      %swap3A_1675 = arith.constant 7520 : index
      %swap3A_1676 = tpu.vector_load %arg5[%swap3A_1675] {strides = array<i32>} : memref<8192xi32, #tpu.memory_space<vmem>>, vector<16xi32>,
      tpu.vector_store %arg5[%swap3A_1675], %broadcast_in_dim3A_1502 {strides = array<i32>} : memref<8192xi32, #tpu.memory_space<vmem>>, vector<16xi32>,
      %swap3A_1677 = arith.constant 7536 : index
      %swap3A_1678 = tpu.vector_load %arg5[%swap3A_1677] {strides = array<i32>} : memref<8192xi32, #tpu.memory_space<vmem>>, vector<16xi32>,
      tpu.vector_store %arg5[%swap3A_1677], %broadcast_in_dim3A_1502 {strides = array<i32>} : memref<8192xi32, #tpu.memory_space<vmem>>, vector<16xi32>,
      %swap3A_1679 = arith.constant 7552 : index
      %swap3A_1680 = tpu.vector_load %arg5[%swap3A_1679] {strides = array<i32>} : memref<8192xi32, #tpu.memory_space<vmem>>, vector<16xi32>,
      tpu.vector_store %arg5[%swap3A_1679], %broadcast_in_dim3A_1502 {strides = array<i32>} : memref<8192xi32, #tpu.memory_space<vmem>>, vector<16xi32>,
      %swap3A_1681 = arith.constant 7568 : index
      %swap3A_1682 = tpu.vector_load %arg5[%swap3A_1681] {strides = array<i32>} : memref<8192xi32, #tpu.memory_space<vmem>>, vector<16xi32>,
      tpu.vector_store %arg5[%swap3A_1681], %broadcast_in_dim3A_1502 {strides = array<i32>} : memref<8192xi32, #tpu.memory_space<vmem>>, vector<16xi32>,
      %swap3A_1683 = arith.constant 7584 : index
      %swap3A_1684 = tpu.vector_load %arg5[%swap3A_1683] {strides = array<i32>} : memref<8192xi32, #tpu.memory_space<vmem>>, vector<16xi32>,
      tpu.vector_store %arg5[%swap3A_1683], %broadcast_in_dim3A_1502 {strides = array<i32>} : memref<8192xi32, #tpu.memory_space<vmem>>, vector<16xi32>,
      %swap3A_1685 = arith.constant 7600 : index
      %swap3A_1686 = tpu.vector_load %arg5[%swap3A_1685] {strides = array<i32>} : memref<8192xi32, #tpu.memory_space<vmem>>, vector<16xi32>,
      tpu.vector_store %arg5[%swap3A_1685], %broadcast_in_dim3A_1502 {strides = array<i32>} : memref<8192xi32, #tpu.memory_space<vmem>>, vector<16xi32>,
      %swap3A_1687 = arith.constant 7616 : index
      %swap3A_1688 = tpu.vector_load %arg5[%swap3A_1687] {strides = array<i32>} : memref<8192xi32, #tpu.memory_space<vmem>>, vector<16xi32>,
      tpu.vector_store %arg5[%swap3A_1687], %broadcast_in_dim3A_1502 {strides = array<i32>} : memref<8192xi32, #tpu.memory_space<vmem>>, vector<16xi32>,
      %swap3A_1689 = arith.constant 7632 : index
      %swap3A_1690 = tpu.vector_load %arg5[%swap3A_1689] {strides = array<i32>} : memref<8192xi32, #tpu.memory_space<vmem>>, vector<16xi32>,
      tpu.vector_store %arg5[%swap3A_1689], %broadcast_in_dim3A_1502 {strides = array<i32>} : memref<8192xi32, #tpu.memory_space<vmem>>, vector<16xi32>,
      %swap3A_1691 = arith.constant 7648 : index
      %swap3A_1692 = tpu.vector_load %arg5[%swap3A_1691] {strides = array<i32>} : memref<8192xi32, #tpu.memory_space<vmem>>, vector<16xi32>,
      tpu.vector_store %arg5[%swap3A_1691], %broadcast_in_dim3A_1502 {strides = array<i32>} : memref<8192xi32, #tpu.memory_space<vmem>>, vector<16xi32>,
      %swap3A_1693 = arith.constant 7664 : index
      %swap3A_1694 = tpu.vector_load %arg5[%swap3A_1693] {strides = array<i32>} : memref<8192xi32, #tpu.memory_space<vmem>>, vector<16xi32>,
      tpu.vector_store %arg5[%swap3A_1693], %broadcast_in_dim3A_1502 {strides = array<i32>} : memref<8192xi32, #tpu.memory_space<vmem>>, vector<16xi32>,
      %swap3A_1695 = arith.constant 7680 : index
      %swap3A_1696 = tpu.vector_load %arg5[%swap3A_1695] {strides = array<i32>} : memref<8192xi32, #tpu.memory_space<vmem>>, vector<16xi32>,
      tpu.vector_store %arg5[%swap3A_1695], %broadcast_in_dim3A_1502 {strides = array<i32>} : memref<8192xi32, #tpu.memory_space<vmem>>, vector<16xi32>,
      %swap3A_1697 = arith.constant 7696 : index
      %swap3A_1698 = tpu.vector_load %arg5[%swap3A_1697] {strides = array<i32>} : memref<8192xi32, #tpu.memory_space<vmem>>, vector<16xi32>,
      tpu.vector_store %arg5[%swap3A_1697], %broadcast_in_dim3A_1502 {strides = array<i32>} : memref<8192xi32, #tpu.memory_space<vmem>>, vector<16xi32>,
      %swap3A_1699 = arith.constant 7712 : index
      %swap3A_1700 = tpu.vector_load %arg5[%swap3A_1699] {strides = array<i32>} : memref<8192xi32, #tpu.memory_space<vmem>>, vector<16xi32>,
      tpu.vector_store %arg5[%swap3A_1699], %broadcast_in_dim3A_1502 {strides = array<i32>} : memref<8192xi32, #tpu.memory_space<vmem>>, vector<16xi32>,
      %swap3A_1701 = arith.constant 7728 : index
      %swap3A_1702 = tpu.vector_load %arg5[%swap3A_1701] {strides = array<i32>} : memref<8192xi32, #tpu.memory_space<vmem>>, vector<16xi32>,
      tpu.vector_store %arg5[%swap3A_1701], %broadcast_in_dim3A_1502 {strides = array<i32>} : memref<8192xi32, #tpu.memory_space<vmem>>, vector<16xi32>,
      %swap3A_1703 = arith.constant 7744 : index
      %swap3A_1704 = tpu.vector_load %arg5[%swap3A_1703] {strides = array<i32>} : memref<8192xi32, #tpu.memory_space<vmem>>, vector<16xi32>,
      tpu.vector_store %arg5[%swap3A_1703], %broadcast_in_dim3A_1502 {strides = array<i32>} : memref<8192xi32, #tpu.memory_space<vmem>>, vector<16xi32>,
      %swap3A_1705 = arith.constant 7760 : index
      %swap3A_1706 = tpu.vector_load %arg5[%swap3A_1705] {strides = array<i32>} : memref<8192xi32, #tpu.memory_space<vmem>>, vector<16xi32>,
      tpu.vector_store %arg5[%swap3A_1705], %broadcast_in_dim3A_1502 {strides = array<i32>} : memref<8192xi32, #tpu.memory_space<vmem>>, vector<16xi32>,
      %swap3A_1707 = arith.constant 7776 : index
      %swap3A_1708 = tpu.vector_load %arg5[%swap3A_1707] {strides = array<i32>} : memref<8192xi32, #tpu.memory_space<vmem>>, vector<16xi32>,
      tpu.vector_store %arg5[%swap3A_1707], %broadcast_in_dim3A_1502 {strides = array<i32>} : memref<8192xi32, #tpu.memory_space<vmem>>, vector<16xi32>,
      %swap3A_1709 = arith.constant 7792 : index
      %swap3A_1710 = tpu.vector_load %arg5[%swap3A_1709] {strides = array<i32>} : memref<8192xi32, #tpu.memory_space<vmem>>, vector<16xi32>,
      tpu.vector_store %arg5[%swap3A_1709], %broadcast_in_dim3A_1502 {strides = array<i32>} : memref<8192xi32, #tpu.memory_space<vmem>>, vector<16xi32>,
      %swap3A_1711 = arith.constant 7808 : index
      %swap3A_1712 = tpu.vector_load %arg5[%swap3A_1711] {strides = array<i32>} : memref<8192xi32, #tpu.memory_space<vmem>>, vector<16xi32>,
      tpu.vector_store %arg5[%swap3A_1711], %broadcast_in_dim3A_1502 {strides = array<i32>} : memref<8192xi32, #tpu.memory_space<vmem>>, vector<16xi32>,
      %swap3A_1713 = arith.constant 7824 : index
      %swap3A_1714 = tpu.vector_load %arg5[%swap3A_1713] {strides = array<i32>} : memref<8192xi32, #tpu.memory_space<vmem>>, vector<16xi32>,
      tpu.vector_store %arg5[%swap3A_1713], %broadcast_in_dim3A_1502 {strides = array<i32>} : memref<8192xi32, #tpu.memory_space<vmem>>, vector<16xi32>,
      %swap3A_1715 = arith.constant 7840 : index
      %swap3A_1716 = tpu.vector_load %arg5[%swap3A_1715] {strides = array<i32>} : memref<8192xi32, #tpu.memory_space<vmem>>, vector<16xi32>,
      tpu.vector_store %arg5[%swap3A_1715], %broadcast_in_dim3A_1502 {strides = array<i32>} : memref<8192xi32, #tpu.memory_space<vmem>>, vector<16xi32>,
      %swap3A_1717 = arith.constant 7856 : index
      %swap3A_1718 = tpu.vector_load %arg5[%swap3A_1717] {strides = array<i32>} : memref<8192xi32, #tpu.memory_space<vmem>>, vector<16xi32>,
      tpu.vector_store %arg5[%swap3A_1717], %broadcast_in_dim3A_1502 {strides = array<i32>} : memref<8192xi32, #tpu.memory_space<vmem>>, vector<16xi32>,
      %swap3A_1719 = arith.constant 7872 : index
      %swap3A_1720 = tpu.vector_load %arg5[%swap3A_1719] {strides = array<i32>} : memref<8192xi32, #tpu.memory_space<vmem>>, vector<16xi32>,
      tpu.vector_store %arg5[%swap3A_1719], %broadcast_in_dim3A_1502 {strides = array<i32>} : memref<8192xi32, #tpu.memory_space<vmem>>, vector<16xi32>,
      %swap3A_1721 = arith.constant 7888 : index
      %swap3A_1722 = tpu.vector_load %arg5[%swap3A_1721] {strides = array<i32>} : memref<8192xi32, #tpu.memory_space<vmem>>, vector<16xi32>,
      tpu.vector_store %arg5[%swap3A_1721], %broadcast_in_dim3A_1502 {strides = array<i32>} : memref<8192xi32, #tpu.memory_space<vmem>>, vector<16xi32>,
      %swap3A_1723 = arith.constant 7904 : index
      %swap3A_1724 = tpu.vector_load %arg5[%swap3A_1723] {strides = array<i32>} : memref<8192xi32, #tpu.memory_space<vmem>>, vector<16xi32>,
      tpu.vector_store %arg5[%swap3A_1723], %broadcast_in_dim3A_1502 {strides = array<i32>} : memref<8192xi32, #tpu.memory_space<vmem>>, vector<16xi32>,
      %swap3A_1725 = arith.constant 7920 : index
      %swap3A_1726 = tpu.vector_load %arg5[%swap3A_1725] {strides = array<i32>} : memref<8192xi32, #tpu.memory_space<vmem>>, vector<16xi32>,
      tpu.vector_store %arg5[%swap3A_1725], %broadcast_in_dim3A_1502 {strides = array<i32>} : memref<8192xi32, #tpu.memory_space<vmem>>, vector<16xi32>,
      %swap3A_1727 = arith.constant 7936 : index
      %swap3A_1728 = tpu.vector_load %arg5[%swap3A_1727] {strides = array<i32>} : memref<8192xi32, #tpu.memory_space<vmem>>, vector<16xi32>,
      tpu.vector_store %arg5[%swap3A_1727], %broadcast_in_dim3A_1502 {strides = array<i32>} : memref<8192xi32, #tpu.memory_space<vmem>>, vector<16xi32>,
      %swap3A_1729 = arith.constant 7952 : index
      %swap3A_1730 = tpu.vector_load %arg5[%swap3A_1729] {strides = array<i32>} : memref<8192xi32, #tpu.memory_space<vmem>>, vector<16xi32>,
      tpu.vector_store %arg5[%swap3A_1729], %broadcast_in_dim3A_1502 {strides = array<i32>} : memref<8192xi32, #tpu.memory_space<vmem>>, vector<16xi32>,
      %swap3A_1731 = arith.constant 7968 : index
      %swap3A_1732 = tpu.vector_load %arg5[%swap3A_1731] {strides = array<i32>} : memref<8192xi32, #tpu.memory_space<vmem>>, vector<16xi32>,
      tpu.vector_store %arg5[%swap3A_1731], %broadcast_in_dim3A_1502 {strides = array<i32>} : memref<8192xi32, #tpu.memory_space<vmem>>, vector<16xi32>,
      %swap3A_1733 = arith.constant 7984 : index
      %swap3A_1734 = tpu.vector_load %arg5[%swap3A_1733] {strides = array<i32>} : memref<8192xi32, #tpu.memory_space<vmem>>, vector<16xi32>,
      tpu.vector_store %arg5[%swap3A_1733], %broadcast_in_dim3A_1502 {strides = array<i32>} : memref<8192xi32, #tpu.memory_space<vmem>>, vector<16xi32>,
      %swap3A_1735 = arith.constant 8000 : index
      %swap3A_1736 = tpu.vector_load %arg5[%swap3A_1735] {strides = array<i32>} : memref<8192xi32, #tpu.memory_space<vmem>>, vector<16xi32>,
      tpu.vector_store %arg5[%swap3A_1735], %broadcast_in_dim3A_1502 {strides = array<i32>} : memref<8192xi32, #tpu.memory_space<vmem>>, vector<16xi32>,
      %swap3A_1737 = arith.constant 8016 : index
      %swap3A_1738 = tpu.vector_load %arg5[%swap3A_1737] {strides = array<i32>} : memref<8192xi32, #tpu.memory_space<vmem>>, vector<16xi32>,
      tpu.vector_store %arg5[%swap3A_1737], %broadcast_in_dim3A_1502 {strides = array<i32>} : memref<8192xi32, #tpu.memory_space<vmem>>, vector<16xi32>,
      %swap3A_1739 = arith.constant 8032 : index
      %swap3A_1740 = tpu.vector_load %arg5[%swap3A_1739] {strides = array<i32>} : memref<8192xi32, #tpu.memory_space<vmem>>, vector<16xi32>,
      tpu.vector_store %arg5[%swap3A_1739], %broadcast_in_dim3A_1502 {strides = array<i32>} : memref<8192xi32, #tpu.memory_space<vmem>>, vector<16xi32>,
      %swap3A_1741 = arith.constant 8048 : index
      %swap3A_1742 = tpu.vector_load %arg5[%swap3A_1741] {strides = array<i32>} : memref<8192xi32, #tpu.memory_space<vmem>>, vector<16xi32>,
      tpu.vector_store %arg5[%swap3A_1741], %broadcast_in_dim3A_1502 {strides = array<i32>} : memref<8192xi32, #tpu.memory_space<vmem>>, vector<16xi32>,
      %swap3A_1743 = arith.constant 8064 : index
      %swap3A_1744 = tpu.vector_load %arg5[%swap3A_1743] {strides = array<i32>} : memref<8192xi32, #tpu.memory_space<vmem>>, vector<16xi32>,
      tpu.vector_store %arg5[%swap3A_1743], %broadcast_in_dim3A_1502 {strides = array<i32>} : memref<8192xi32, #tpu.memory_space<vmem>>, vector<16xi32>,
      %swap3A_1745 = arith.constant 8080 : index
      %swap3A_1746 = tpu.vector_load %arg5[%swap3A_1745] {strides = array<i32>} : memref<8192xi32, #tpu.memory_space<vmem>>, vector<16xi32>,
      tpu.vector_store %arg5[%swap3A_1745], %broadcast_in_dim3A_1502 {strides = array<i32>} : memref<8192xi32, #tpu.memory_space<vmem>>, vector<16xi32>,
      %swap3A_1747 = arith.constant 8096 : index
      %swap3A_1748 = tpu.vector_load %arg5[%swap3A_1747] {strides = array<i32>} : memref<8192xi32, #tpu.memory_space<vmem>>, vector<16xi32>,
      tpu.vector_store %arg5[%swap3A_1747], %broadcast_in_dim3A_1502 {strides = array<i32>} : memref<8192xi32, #tpu.memory_space<vmem>>, vector<16xi32>,
      %swap3A_1749 = arith.constant 8112 : index
      %swap3A_1750 = tpu.vector_load %arg5[%swap3A_1749] {strides = array<i32>} : memref<8192xi32, #tpu.memory_space<vmem>>, vector<16xi32>,
      tpu.vector_store %arg5[%swap3A_1749], %broadcast_in_dim3A_1502 {strides = array<i32>} : memref<8192xi32, #tpu.memory_space<vmem>>, vector<16xi32>,
      %swap3A_1751 = arith.constant 8128 : index
      %swap3A_1752 = tpu.vector_load %arg5[%swap3A_1751] {strides = array<i32>} : memref<8192xi32, #tpu.memory_space<vmem>>, vector<16xi32>,
      tpu.vector_store %arg5[%swap3A_1751], %broadcast_in_dim3A_1502 {strides = array<i32>} : memref<8192xi32, #tpu.memory_space<vmem>>, vector<16xi32>,
      %swap3A_1753 = arith.constant 8144 : index
      %swap3A_1754 = tpu.vector_load %arg5[%swap3A_1753] {strides = array<i32>} : memref<8192xi32, #tpu.memory_space<vmem>>, vector<16xi32>,
      tpu.vector_store %arg5[%swap3A_1753], %broadcast_in_dim3A_1502 {strides = array<i32>} : memref<8192xi32, #tpu.memory_space<vmem>>, vector<16xi32>,
      %swap3A_1755 = arith.constant 8160 : index
      %swap3A_1756 = tpu.vector_load %arg5[%swap3A_1755] {strides = array<i32>} : memref<8192xi32, #tpu.memory_space<vmem>>, vector<16xi32>,
      tpu.vector_store %arg5[%swap3A_1755], %broadcast_in_dim3A_1502 {strides = array<i32>} : memref<8192xi32, #tpu.memory_space<vmem>>, vector<16xi32>,
      %swap3A_1757 = arith.constant 8176 : index
      %swap3A_1758 = tpu.vector_load %arg5[%swap3A_1757] {strides = array<i32>} : memref<8192xi32, #tpu.memory_space<vmem>>, vector<16xi32>,
      tpu.vector_store %arg5[%swap3A_1757], %broadcast_in_dim3A_1502 {strides = array<i32>} : memref<8192xi32, #tpu.memory_space<vmem>>, vector<16xi32>,
      %parallel_loop3A_1759 = arith.constant 0 : i32
      %parallel_loop3A_1760 = arith.constant 6250 : i32
      %parallel_loop3A_1761 = arith.constant 1 : i32
      scf.for %parallel_loop3A_2145 = %parallel_loop3A_1759 to %parallel_loop3A_1760 step %parallel_loop3A_1761  : i32 {
        %parallel_loop3A_2146 = arith.constant 16 : i32
        %parallel_loop3A_2147 = arith.muli %parallel_loop3A_2145, %parallel_loop3A_2146 : i32
        %parallel_loop3A_2148 = arith.index_cast %parallel_loop3A_2147 : i32 to index
        %parallel_loop3A_2149 = tpu.vector_load %arg4[%parallel_loop3A_2148] {strides = array<i32>} : memref<100000xf32, #tpu.memory_space<vmem>>, vector<16xf32>,
        %parallel_loop3A_2150 = vector.bitcast %parallel_loop3A_2149 : vector<16xf32> to vector<16xi32>
        %parallel_loop3A_2151 = arith.constant 31 : i32
        %parallel_loop3A_2152 = vector.broadcast %parallel_loop3A_2151 : i32 to vector<16xi32>
        %parallel_loop3A_2153 = arith.shrsi %parallel_loop3A_2150, %parallel_loop3A_2152 : vector<16xi32>
        %parallel_loop3A_2154 = arith.constant -2147483648 : i32
        %parallel_loop3A_2155 = vector.broadcast %parallel_loop3A_2154 : i32 to vector<16xi32>
        %parallel_loop3A_2156 = arith.ori %parallel_loop3A_2153, %parallel_loop3A_2155 : vector<16xi32>
        %parallel_loop3A_2157 = arith.xori %parallel_loop3A_2150, %parallel_loop3A_2156 : vector<16xi32>
        %parallel_loop3A_2158 = arith.constant 10 : i32
        %parallel_loop3A_2159 = vector.broadcast %parallel_loop3A_2158 : i32 to vector<16xi32>
        %parallel_loop3A_2160 = arith.shrui %parallel_loop3A_2157, %parallel_loop3A_2159 : vector<16xi32>
        %parallel_loop3A_2161 = arith.constant 1023 : i32
        %parallel_loop3A_2162 = vector.broadcast %parallel_loop3A_2161 : i32 to vector<16xi32>
        %parallel_loop3A_2163 = arith.andi %parallel_loop3A_2157, %parallel_loop3A_2162 : vector<16xi32>
        %parallel_loop3A_2164 = arith.constant 6144 : i32
        %parallel_loop3A_2165 = vector.broadcast %parallel_loop3A_2164 : i32 to vector<16xi32>
        %parallel_loop3A_2166 = arith.addi %parallel_loop3A_2165, %parallel_loop3A_2163 : vector<16xi32>
        %parallel_loop3A_2167 = vector.broadcast %or3A : i32 to vector<16xi32>
        %parallel_loop3A_2168 = arith.cmpi eq, %parallel_loop3A_2160, %parallel_loop3A_2167 : vector<16xi32>
        tpu.vector_store_idx %arg5[%parallel_loop3A_2166], %broadcast_in_dim3A_1 masked %parallel_loop3A_2168 {add = true} : memref<8192xi32, #tpu.memory_space<vmem>>[vector<16xi32>], vector<16xi32>, vector<16xi1>
        %parallel_loop3A_2169 = arith.constant 7168 : i32
        %parallel_loop3A_2170 = vector.broadcast %parallel_loop3A_2169 : i32 to vector<16xi32>
        %parallel_loop3A_2171 = arith.addi %parallel_loop3A_2170, %parallel_loop3A_2163 : vector<16xi32>
        %parallel_loop3A_2172 = vector.broadcast %or3A_1500 : i32 to vector<16xi32>
        %parallel_loop3A_2173 = arith.cmpi eq, %parallel_loop3A_2160, %parallel_loop3A_2172 : vector<16xi32>
        tpu.vector_store_idx %arg5[%parallel_loop3A_2171], %broadcast_in_dim3A_1 masked %parallel_loop3A_2173 {add = true} : memref<8192xi32, #tpu.memory_space<vmem>>[vector<16xi32>], vector<16xi32>, vector<16xi1>
      } {sc.loop_unroll_factor = 5 : i64, sc.parallel_access}
      %lt3A = arith.constant 127 : i32
      %lt3A_1762 = arith.cmpi slt, %add3A_21, %lt3A : i32
      %convert_element_type3A = arith.extui %lt3A_1762 : i1 to i32
      %cond3A = arith.constant 0 : i32
      %cond3A_1763 = arith.cmpi ne, %convert_element_type3A, %cond3A : i32
      scf.if %cond3A_1763 {
        %add3A_2145 = arith.constant 1 : i32
        %add3A_2146 = arith.addi %add3A_24, %add3A_2145 : i32
        %dma_start3A_2147 = arith.constant 0 : i32
        %dma_start3A_2148 = tpu.memref_slice %arg2[%add3A_2146, %dma_start3A_2147] : memref<4096x100000xf32, #tpu.memory_space<hbm>> -> memref<1x100000xf32, #tpu.memory_space<hbm>>
        %dma_start3A_2149 = tpu.memref_squeeze %dma_start3A_2148 : memref<1x100000xf32, #tpu.memory_space<hbm>> -> memref<100000xf32, #tpu.memory_space<hbm>>
        %dma_start3A_2150 = arith.constant 0 : i32
        %dma_start3A_2151 = tpu.memref_slice %arg2[%add3A_2146, %dma_start3A_2150] : memref<4096x100000xf32, #tpu.memory_space<hbm>> -> memref<1x100000xf32, #tpu.memory_space<hbm>>
        %dma_start3A_2152 = tpu.memref_squeeze %dma_start3A_2151 : memref<1x100000xf32, #tpu.memory_space<hbm>> -> memref<100000xf32, #tpu.memory_space<hbm>>
        tpu.enqueue_dma source(%dma_start3A_2152 : memref<100000xf32, #tpu.memory_space<hbm>>) target(%arg4 : memref<100000xf32, #tpu.memory_space<vmem>>) target_semaphore(%arg7 : memref<!tpu.dma_semaphore, #tpu.memory_space<semaphore_mem>>)
      } else {
      }
      %broadcast_in_dim3A_1764 = arith.constant 0 : i32
      %broadcast_in_dim3A_1765 = vector.broadcast %broadcast_in_dim3A_1764 : i32 to vector<16xi32>
      %scan3A_1766 = arith.constant 0 : i32
      %scan3A_1767 = arith.constant 4 : i32
      %scan3A_1768 = arith.addi %scan3A_1766, %scan3A_1767 : i32
      %scan3A_1769 = arith.constant 1 : i32
      %scan3A_1770 = scf.for %scan3A_2145 = %scan3A_1766 to %scan3A_1768 step %scan3A_1769 iter_args(%scan3A_2146 = %broadcast_in_dim3A_1765) -> (vector<16xi32>)  : i32 {
        %broadcast_in_dim3A_2147 = arith.constant 0 : i32
        %broadcast_in_dim3A_2148 = vector.broadcast %broadcast_in_dim3A_2147 : i32 to vector<16xi32>
        %mul3A_2149 = arith.constant 256 : i32
        %mul3A_2150 = arith.muli %scan3A_2145, %mul3A_2149 : i32
        %add3A_2151 = arith.constant 6144 : i32
        %add3A_2152 = arith.addi %add3A_2151, %mul3A_2150 : i32
        %add3A_2153 = arith.constant 0 : i32
        %add3A_2154 = arith.addi %add3A_2152, %add3A_2153 : i32
        %get3A_2155 = arith.index_cast %add3A_2154 : i32 to index
        %get3A_2156 = tpu.vector_load %arg5[%get3A_2155] {strides = array<i32>} : memref<8192xi32, #tpu.memory_space<vmem>>, vector<16xi32>,
        %add3A_2157 = arith.addi %broadcast_in_dim3A_2148, %get3A_2156 : vector<16xi32>
        %mul3A_2158 = arith.constant 256 : i32
        %mul3A_2159 = arith.muli %scan3A_2145, %mul3A_2158 : i32
        %add3A_2160 = arith.constant 6144 : i32
        %add3A_2161 = arith.addi %add3A_2160, %mul3A_2159 : i32
        %add3A_2162 = arith.constant 16 : i32
        %add3A_2163 = arith.addi %add3A_2161, %add3A_2162 : i32
        %get3A_2164 = arith.index_cast %add3A_2163 : i32 to index
        %get3A_2165 = tpu.vector_load %arg5[%get3A_2164] {strides = array<i32>} : memref<8192xi32, #tpu.memory_space<vmem>>, vector<16xi32>,
        %add3A_2166 = arith.addi %add3A_2157, %get3A_2165 : vector<16xi32>
        %mul3A_2167 = arith.constant 256 : i32
        %mul3A_2168 = arith.muli %scan3A_2145, %mul3A_2167 : i32
        %add3A_2169 = arith.constant 6144 : i32
        %add3A_2170 = arith.addi %add3A_2169, %mul3A_2168 : i32
        %add3A_2171 = arith.constant 32 : i32
        %add3A_2172 = arith.addi %add3A_2170, %add3A_2171 : i32
        %get3A_2173 = arith.index_cast %add3A_2172 : i32 to index
        %get3A_2174 = tpu.vector_load %arg5[%get3A_2173] {strides = array<i32>} : memref<8192xi32, #tpu.memory_space<vmem>>, vector<16xi32>,
        %add3A_2175 = arith.addi %add3A_2166, %get3A_2174 : vector<16xi32>
        %mul3A_2176 = arith.constant 256 : i32
        %mul3A_2177 = arith.muli %scan3A_2145, %mul3A_2176 : i32
        %add3A_2178 = arith.constant 6144 : i32
        %add3A_2179 = arith.addi %add3A_2178, %mul3A_2177 : i32
        %add3A_2180 = arith.constant 48 : i32
        %add3A_2181 = arith.addi %add3A_2179, %add3A_2180 : i32
        %get3A_2182 = arith.index_cast %add3A_2181 : i32 to index
        %get3A_2183 = tpu.vector_load %arg5[%get3A_2182] {strides = array<i32>} : memref<8192xi32, #tpu.memory_space<vmem>>, vector<16xi32>,
        %add3A_2184 = arith.addi %add3A_2175, %get3A_2183 : vector<16xi32>
        %mul3A_2185 = arith.constant 256 : i32
        %mul3A_2186 = arith.muli %scan3A_2145, %mul3A_2185 : i32
        %add3A_2187 = arith.constant 6144 : i32
        %add3A_2188 = arith.addi %add3A_2187, %mul3A_2186 : i32
        %add3A_2189 = arith.constant 64 : i32
        %add3A_2190 = arith.addi %add3A_2188, %add3A_2189 : i32
        %get3A_2191 = arith.index_cast %add3A_2190 : i32 to index
        %get3A_2192 = tpu.vector_load %arg5[%get3A_2191] {strides = array<i32>} : memref<8192xi32, #tpu.memory_space<vmem>>, vector<16xi32>,
        %add3A_2193 = arith.addi %add3A_2184, %get3A_2192 : vector<16xi32>
        %mul3A_2194 = arith.constant 256 : i32
        %mul3A_2195 = arith.muli %scan3A_2145, %mul3A_2194 : i32
        %add3A_2196 = arith.constant 6144 : i32
        %add3A_2197 = arith.addi %add3A_2196, %mul3A_2195 : i32
        %add3A_2198 = arith.constant 80 : i32
        %add3A_2199 = arith.addi %add3A_2197, %add3A_2198 : i32
        %get3A_2200 = arith.index_cast %add3A_2199 : i32 to index
        %get3A_2201 = tpu.vector_load %arg5[%get3A_2200] {strides = array<i32>} : memref<8192xi32, #tpu.memory_space<vmem>>, vector<16xi32>,
        %add3A_2202 = arith.addi %add3A_2193, %get3A_2201 : vector<16xi32>
        %mul3A_2203 = arith.constant 256 : i32
        %mul3A_2204 = arith.muli %scan3A_2145, %mul3A_2203 : i32
        %add3A_2205 = arith.constant 6144 : i32
        %add3A_2206 = arith.addi %add3A_2205, %mul3A_2204 : i32
        %add3A_2207 = arith.constant 96 : i32
        %add3A_2208 = arith.addi %add3A_2206, %add3A_2207 : i32
        %get3A_2209 = arith.index_cast %add3A_2208 : i32 to index
        %get3A_2210 = tpu.vector_load %arg5[%get3A_2209] {strides = array<i32>} : memref<8192xi32, #tpu.memory_space<vmem>>, vector<16xi32>,
        %add3A_2211 = arith.addi %add3A_2202, %get3A_2210 : vector<16xi32>
        %mul3A_2212 = arith.constant 256 : i32
        %mul3A_2213 = arith.muli %scan3A_2145, %mul3A_2212 : i32
        %add3A_2214 = arith.constant 6144 : i32
        %add3A_2215 = arith.addi %add3A_2214, %mul3A_2213 : i32
        %add3A_2216 = arith.constant 112 : i32
        %add3A_2217 = arith.addi %add3A_2215, %add3A_2216 : i32
        %get3A_2218 = arith.index_cast %add3A_2217 : i32 to index
        %get3A_2219 = tpu.vector_load %arg5[%get3A_2218] {strides = array<i32>} : memref<8192xi32, #tpu.memory_space<vmem>>, vector<16xi32>,
        %add3A_2220 = arith.addi %add3A_2211, %get3A_2219 : vector<16xi32>
        %mul3A_2221 = arith.constant 256 : i32
        %mul3A_2222 = arith.muli %scan3A_2145, %mul3A_2221 : i32
        %add3A_2223 = arith.constant 6144 : i32
        %add3A_2224 = arith.addi %add3A_2223, %mul3A_2222 : i32
        %add3A_2225 = arith.constant 128 : i32
        %add3A_2226 = arith.addi %add3A_2224, %add3A_2225 : i32
        %get3A_2227 = arith.index_cast %add3A_2226 : i32 to index
        %get3A_2228 = tpu.vector_load %arg5[%get3A_2227] {strides = array<i32>} : memref<8192xi32, #tpu.memory_space<vmem>>, vector<16xi32>,
        %add3A_2229 = arith.addi %add3A_2220, %get3A_2228 : vector<16xi32>
        %mul3A_2230 = arith.constant 256 : i32
        %mul3A_2231 = arith.muli %scan3A_2145, %mul3A_2230 : i32
        %add3A_2232 = arith.constant 6144 : i32
        %add3A_2233 = arith.addi %add3A_2232, %mul3A_2231 : i32
        %add3A_2234 = arith.constant 144 : i32
        %add3A_2235 = arith.addi %add3A_2233, %add3A_2234 : i32
        %get3A_2236 = arith.index_cast %add3A_2235 : i32 to index
        %get3A_2237 = tpu.vector_load %arg5[%get3A_2236] {strides = array<i32>} : memref<8192xi32, #tpu.memory_space<vmem>>, vector<16xi32>,
        %add3A_2238 = arith.addi %add3A_2229, %get3A_2237 : vector<16xi32>
        %mul3A_2239 = arith.constant 256 : i32
        %mul3A_2240 = arith.muli %scan3A_2145, %mul3A_2239 : i32
        %add3A_2241 = arith.constant 6144 : i32
        %add3A_2242 = arith.addi %add3A_2241, %mul3A_2240 : i32
        %add3A_2243 = arith.constant 160 : i32
        %add3A_2244 = arith.addi %add3A_2242, %add3A_2243 : i32
        %get3A_2245 = arith.index_cast %add3A_2244 : i32 to index
        %get3A_2246 = tpu.vector_load %arg5[%get3A_2245] {strides = array<i32>} : memref<8192xi32, #tpu.memory_space<vmem>>, vector<16xi32>,
        %add3A_2247 = arith.addi %add3A_2238, %get3A_2246 : vector<16xi32>
        %mul3A_2248 = arith.constant 256 : i32
        %mul3A_2249 = arith.muli %scan3A_2145, %mul3A_2248 : i32
        %add3A_2250 = arith.constant 6144 : i32
        %add3A_2251 = arith.addi %add3A_2250, %mul3A_2249 : i32
        %add3A_2252 = arith.constant 176 : i32
        %add3A_2253 = arith.addi %add3A_2251, %add3A_2252 : i32
        %get3A_2254 = arith.index_cast %add3A_2253 : i32 to index
        %get3A_2255 = tpu.vector_load %arg5[%get3A_2254] {strides = array<i32>} : memref<8192xi32, #tpu.memory_space<vmem>>, vector<16xi32>,
        %add3A_2256 = arith.addi %add3A_2247, %get3A_2255 : vector<16xi32>
        %mul3A_2257 = arith.constant 256 : i32
        %mul3A_2258 = arith.muli %scan3A_2145, %mul3A_2257 : i32
        %add3A_2259 = arith.constant 6144 : i32
        %add3A_2260 = arith.addi %add3A_2259, %mul3A_2258 : i32
        %add3A_2261 = arith.constant 192 : i32
        %add3A_2262 = arith.addi %add3A_2260, %add3A_2261 : i32
        %get3A_2263 = arith.index_cast %add3A_2262 : i32 to index
        %get3A_2264 = tpu.vector_load %arg5[%get3A_2263] {strides = array<i32>} : memref<8192xi32, #tpu.memory_space<vmem>>, vector<16xi32>,
        %add3A_2265 = arith.addi %add3A_2256, %get3A_2264 : vector<16xi32>
        %mul3A_2266 = arith.constant 256 : i32
        %mul3A_2267 = arith.muli %scan3A_2145, %mul3A_2266 : i32
        %add3A_2268 = arith.constant 6144 : i32
        %add3A_2269 = arith.addi %add3A_2268, %mul3A_2267 : i32
        %add3A_2270 = arith.constant 208 : i32
        %add3A_2271 = arith.addi %add3A_2269, %add3A_2270 : i32
        %get3A_2272 = arith.index_cast %add3A_2271 : i32 to index
        %get3A_2273 = tpu.vector_load %arg5[%get3A_2272] {strides = array<i32>} : memref<8192xi32, #tpu.memory_space<vmem>>, vector<16xi32>,
        %add3A_2274 = arith.addi %add3A_2265, %get3A_2273 : vector<16xi32>
        %mul3A_2275 = arith.constant 256 : i32
        %mul3A_2276 = arith.muli %scan3A_2145, %mul3A_2275 : i32
        %add3A_2277 = arith.constant 6144 : i32
        %add3A_2278 = arith.addi %add3A_2277, %mul3A_2276 : i32
        %add3A_2279 = arith.constant 224 : i32
        %add3A_2280 = arith.addi %add3A_2278, %add3A_2279 : i32
        %get3A_2281 = arith.index_cast %add3A_2280 : i32 to index
        %get3A_2282 = tpu.vector_load %arg5[%get3A_2281] {strides = array<i32>} : memref<8192xi32, #tpu.memory_space<vmem>>, vector<16xi32>,
        %add3A_2283 = arith.addi %add3A_2274, %get3A_2282 : vector<16xi32>
        %mul3A_2284 = arith.constant 256 : i32
        %mul3A_2285 = arith.muli %scan3A_2145, %mul3A_2284 : i32
        %add3A_2286 = arith.constant 6144 : i32
        %add3A_2287 = arith.addi %add3A_2286, %mul3A_2285 : i32
        %add3A_2288 = arith.constant 240 : i32
        %add3A_2289 = arith.addi %add3A_2287, %add3A_2288 : i32
        %get3A_2290 = arith.index_cast %add3A_2289 : i32 to index
        %get3A_2291 = tpu.vector_load %arg5[%get3A_2290] {strides = array<i32>} : memref<8192xi32, #tpu.memory_space<vmem>>, vector<16xi32>,
        %add3A_2292 = arith.addi %add3A_2283, %get3A_2291 : vector<16xi32>
        %iota3A_2293 = tpu.iota {dimensions = array<i32: 0>} : vector<16xi32>
        %eq3A_2294 = vector.broadcast %scan3A_2145 : i32 to vector<16xi32>
        %eq3A_2295 = arith.cmpi eq, %iota3A_2293, %eq3A_2294 : vector<16xi32>
        %reduce_sum3A_2296 = arith.constant true
        %reduce_sum3A_2297 = vector.broadcast %reduce_sum3A_2296 : i1 to vector<16xi1>
        %reduce_sum3A_2298 = tpu.scan <sum>, %add3A_2292 masked %reduce_sum3A_2297 : vector<16xi32>, vector<16xi1> -> vector<16xi32>
        %reduce_sum3A_2299 = vector.extract %reduce_sum3A_2298[15] : i32 from vector<16xi32>
        %broadcast_in_dim3A_2300 = vector.broadcast %reduce_sum3A_2299 : i32 to vector<16xi32>
        %select_n3A_2301 = arith.select %eq3A_2295, %broadcast_in_dim3A_2300, %scan3A_2146 : vector<16xi1>, vector<16xi32>
        scf.yield %select_n3A_2301 : vector<16xi32>
      }
      %scan3A_1771 = arith.constant 4 : i32
      %reduce_sum3A_1772 = arith.constant true
      %reduce_sum3A_1773 = vector.broadcast %reduce_sum3A_1772 : i1 to vector<16xi1>
      %reduce_sum3A_1774 = tpu.scan <sum>, %scan3A_1770 masked %reduce_sum3A_1773 : vector<16xi32>, vector<16xi1> -> vector<16xi32>
      %reduce_sum3A_1775 = vector.extract %reduce_sum3A_1774[15] : i32 from vector<16xi32>
      %broadcast_in_dim3A_1776 = arith.constant true
      %broadcast_in_dim3A_1777 = vector.broadcast %broadcast_in_dim3A_1776 : i1 to vector<16xi1>
      %masked_cumsum3A_1778 = tpu.scan <sum>, %scan3A_1770 masked %broadcast_in_dim3A_1777 : vector<16xi32>, vector<16xi1> -> vector<16xi32>
      %sub3A_1779 = vector.broadcast %reduce_sum3A_1775 : i32 to vector<16xi32>
      %sub3A_1780 = arith.subi %sub3A_1779, %masked_cumsum3A_1778 : vector<16xi32>
      %add3A_1781 = arith.addi %sub3A_1780, %scan3A_1770 : vector<16xi32>
      %ge3A_1782 = vector.broadcast %sub3A_1495 : i32 to vector<16xi32>
      %ge3A_1783 = arith.cmpi sge, %add3A_1781, %ge3A_1782 : vector<16xi32>
      %iota3A_1784 = tpu.iota {dimensions = array<i32: 0>} : vector<16xi32>
      %jit3A_1785 = arith.constant 0 : i32
      %broadcast_in_dim3A_1786 = vector.broadcast %jit3A_1785 : i32 to vector<16xi32>
      %select_n3A_1787 = arith.select %ge3A_1783, %iota3A_1784, %broadcast_in_dim3A_1786 : vector<16xi1>, vector<16xi32>
      %reduce_max3A_1788 = arith.constant true
      %reduce_max3A_1789 = vector.broadcast %reduce_max3A_1788 : i1 to vector<16xi1>
      %reduce_max3A_1790 = arith.constant -2147483648 : i32
      %reduce_max3A_1791 = vector.broadcast %reduce_max3A_1790 : i32 to vector<16xi32>
      %reduce_max3A_1792 = arith.xori %select_n3A_1787, %reduce_max3A_1791 : vector<16xi32>
      %reduce_max3A_1793 = tpu.scan <max>, %reduce_max3A_1792 masked %reduce_max3A_1789 : vector<16xi32>, vector<16xi1> -> vector<16xi32>
      %reduce_max3A_1794 = arith.xori %reduce_max3A_1793, %reduce_max3A_1791 : vector<16xi32>
      %reduce_max3A_1795 = vector.extract %reduce_max3A_1794[15] : i32 from vector<16xi32>
      %jit3A_1796 = arith.constant 2147483647 : i32
      %broadcast_in_dim3A_1797 = vector.broadcast %jit3A_1796 : i32 to vector<16xi32>
      %select_n3A_1798 = arith.select %ge3A_1783, %add3A_1781, %broadcast_in_dim3A_1797 : vector<16xi1>, vector<16xi32>
      %reduce_min3A_1799 = arith.constant true
      %reduce_min3A_1800 = vector.broadcast %reduce_min3A_1799 : i1 to vector<16xi1>
      %reduce_min3A_1801 = arith.constant -2147483648 : i32
      %reduce_min3A_1802 = vector.broadcast %reduce_min3A_1801 : i32 to vector<16xi32>
      %reduce_min3A_1803 = arith.xori %select_n3A_1798, %reduce_min3A_1802 : vector<16xi32>
      %reduce_min3A_1804 = tpu.scan <min>, %reduce_min3A_1803 masked %reduce_min3A_1800 : vector<16xi32>, vector<16xi1> -> vector<16xi32>
      %reduce_min3A_1805 = arith.xori %reduce_min3A_1804, %reduce_min3A_1802 : vector<16xi32>
      %reduce_min3A_1806 = vector.extract %reduce_min3A_1805[15] : i32 from vector<16xi32>
      %iota3A_1807 = tpu.iota {dimensions = array<i32: 0>} : vector<16xi32>
      %eq3A_1808 = vector.broadcast %reduce_max3A_1795 : i32 to vector<16xi32>
      %eq3A_1809 = arith.cmpi eq, %iota3A_1807, %eq3A_1808 : vector<16xi32>
      %jit3A_1810 = arith.constant 0 : i32
      %broadcast_in_dim3A_1811 = vector.broadcast %jit3A_1810 : i32 to vector<16xi32>
      %select_n3A_1812 = arith.select %eq3A_1809, %scan3A_1770, %broadcast_in_dim3A_1811 : vector<16xi1>, vector<16xi32>
      %reduce_sum3A_1813 = arith.constant true
      %reduce_sum3A_1814 = vector.broadcast %reduce_sum3A_1813 : i1 to vector<16xi1>
      %reduce_sum3A_1815 = tpu.scan <sum>, %select_n3A_1812 masked %reduce_sum3A_1814 : vector<16xi32>, vector<16xi1> -> vector<16xi32>
      %reduce_sum3A_1816 = vector.extract %reduce_sum3A_1815[15] : i32 from vector<16xi32>
      %sub3A_1817 = arith.subi %reduce_min3A_1806, %reduce_sum3A_1816 : i32
      %broadcast_in_dim3A_1818 = arith.constant 0 : i32
      %broadcast_in_dim3A_1819 = vector.broadcast %broadcast_in_dim3A_1818 : i32 to vector<16xi32>
      %scan3A_1820 = arith.constant 0 : i32
      %scan3A_1821 = arith.constant 16 : i32
      %scan3A_1822 = arith.addi %scan3A_1820, %scan3A_1821 : i32
      %scan3A_1823 = arith.constant 1 : i32
      %scan3A_1824 = scf.for %scan3A_2145 = %scan3A_1820 to %scan3A_1822 step %scan3A_1823 iter_args(%scan3A_2146 = %broadcast_in_dim3A_1819) -> (vector<16xi32>)  : i32 {
        %mul3A_2147 = arith.constant 256 : i32
        %mul3A_2148 = arith.muli %reduce_max3A_1795, %mul3A_2147 : i32
        %add3A_2149 = arith.constant 6144 : i32
        %add3A_2150 = arith.addi %add3A_2149, %mul3A_2148 : i32
        %mul3A_2151 = arith.constant 16 : i32
        %mul3A_2152 = arith.muli %scan3A_2145, %mul3A_2151 : i32
        %add3A_2153 = arith.addi %add3A_2150, %mul3A_2152 : i32
        %get3A_2154 = arith.index_cast %add3A_2153 : i32 to index
        %get3A_2155 = tpu.vector_load %arg5[%get3A_2154] {strides = array<i32>} : memref<8192xi32, #tpu.memory_space<vmem>>, vector<16xi32>,
        %iota3A_2156 = tpu.iota {dimensions = array<i32: 0>} : vector<16xi32>
        %eq3A_2157 = vector.broadcast %scan3A_2145 : i32 to vector<16xi32>
        %eq3A_2158 = arith.cmpi eq, %iota3A_2156, %eq3A_2157 : vector<16xi32>
        %reduce_sum3A_2159 = arith.constant true
        %reduce_sum3A_2160 = vector.broadcast %reduce_sum3A_2159 : i1 to vector<16xi1>
        %reduce_sum3A_2161 = tpu.scan <sum>, %get3A_2155 masked %reduce_sum3A_2160 : vector<16xi32>, vector<16xi1> -> vector<16xi32>
        %reduce_sum3A_2162 = vector.extract %reduce_sum3A_2161[15] : i32 from vector<16xi32>
        %broadcast_in_dim3A_2163 = vector.broadcast %reduce_sum3A_2162 : i32 to vector<16xi32>
        %select_n3A_2164 = arith.select %eq3A_2158, %broadcast_in_dim3A_2163, %scan3A_2146 : vector<16xi1>, vector<16xi32>
        scf.yield %select_n3A_2164 : vector<16xi32>
      }
      %scan3A_1825 = arith.constant 16 : i32
      %reduce_sum3A_1826 = arith.constant true
      %reduce_sum3A_1827 = vector.broadcast %reduce_sum3A_1826 : i1 to vector<16xi1>
      %reduce_sum3A_1828 = tpu.scan <sum>, %scan3A_1824 masked %reduce_sum3A_1827 : vector<16xi32>, vector<16xi1> -> vector<16xi32>
      %reduce_sum3A_1829 = vector.extract %reduce_sum3A_1828[15] : i32 from vector<16xi32>
      %broadcast_in_dim3A_1830 = arith.constant true
      %broadcast_in_dim3A_1831 = vector.broadcast %broadcast_in_dim3A_1830 : i1 to vector<16xi1>
      %masked_cumsum3A_1832 = tpu.scan <sum>, %scan3A_1824 masked %broadcast_in_dim3A_1831 : vector<16xi32>, vector<16xi1> -> vector<16xi32>
      %sub3A_1833 = vector.broadcast %reduce_sum3A_1829 : i32 to vector<16xi32>
      %sub3A_1834 = arith.subi %sub3A_1833, %masked_cumsum3A_1832 : vector<16xi32>
      %add3A_1835 = arith.addi %sub3A_1834, %scan3A_1824 : vector<16xi32>
      %sub3A_1836 = arith.subi %sub3A_1495, %sub3A_1817 : i32
      %ge3A_1837 = vector.broadcast %sub3A_1836 : i32 to vector<16xi32>
      %ge3A_1838 = arith.cmpi sge, %add3A_1835, %ge3A_1837 : vector<16xi32>
      %iota3A_1839 = tpu.iota {dimensions = array<i32: 0>} : vector<16xi32>
      %jit3A_1840 = arith.constant 0 : i32
      %broadcast_in_dim3A_1841 = vector.broadcast %jit3A_1840 : i32 to vector<16xi32>
      %select_n3A_1842 = arith.select %ge3A_1838, %iota3A_1839, %broadcast_in_dim3A_1841 : vector<16xi1>, vector<16xi32>
      %reduce_max3A_1843 = arith.constant true
      %reduce_max3A_1844 = vector.broadcast %reduce_max3A_1843 : i1 to vector<16xi1>
      %reduce_max3A_1845 = arith.constant -2147483648 : i32
      %reduce_max3A_1846 = vector.broadcast %reduce_max3A_1845 : i32 to vector<16xi32>
      %reduce_max3A_1847 = arith.xori %select_n3A_1842, %reduce_max3A_1846 : vector<16xi32>
      %reduce_max3A_1848 = tpu.scan <max>, %reduce_max3A_1847 masked %reduce_max3A_1844 : vector<16xi32>, vector<16xi1> -> vector<16xi32>
      %reduce_max3A_1849 = arith.xori %reduce_max3A_1848, %reduce_max3A_1846 : vector<16xi32>
      %reduce_max3A_1850 = vector.extract %reduce_max3A_1849[15] : i32 from vector<16xi32>
      %jit3A_1851 = arith.constant 2147483647 : i32
      %broadcast_in_dim3A_1852 = vector.broadcast %jit3A_1851 : i32 to vector<16xi32>
      %select_n3A_1853 = arith.select %ge3A_1838, %add3A_1835, %broadcast_in_dim3A_1852 : vector<16xi1>, vector<16xi32>
      %reduce_min3A_1854 = arith.constant true
      %reduce_min3A_1855 = vector.broadcast %reduce_min3A_1854 : i1 to vector<16xi1>
      %reduce_min3A_1856 = arith.constant -2147483648 : i32
      %reduce_min3A_1857 = vector.broadcast %reduce_min3A_1856 : i32 to vector<16xi32>
      %reduce_min3A_1858 = arith.xori %select_n3A_1853, %reduce_min3A_1857 : vector<16xi32>
      %reduce_min3A_1859 = tpu.scan <min>, %reduce_min3A_1858 masked %reduce_min3A_1855 : vector<16xi32>, vector<16xi1> -> vector<16xi32>
      %reduce_min3A_1860 = arith.xori %reduce_min3A_1859, %reduce_min3A_1857 : vector<16xi32>
      %reduce_min3A_1861 = vector.extract %reduce_min3A_1860[15] : i32 from vector<16xi32>
      %iota3A_1862 = tpu.iota {dimensions = array<i32: 0>} : vector<16xi32>
      %eq3A_1863 = vector.broadcast %reduce_max3A_1850 : i32 to vector<16xi32>
      %eq3A_1864 = arith.cmpi eq, %iota3A_1862, %eq3A_1863 : vector<16xi32>
      %jit3A_1865 = arith.constant 0 : i32
      %broadcast_in_dim3A_1866 = vector.broadcast %jit3A_1865 : i32 to vector<16xi32>
      %select_n3A_1867 = arith.select %eq3A_1864, %scan3A_1824, %broadcast_in_dim3A_1866 : vector<16xi1>, vector<16xi32>
      %reduce_sum3A_1868 = arith.constant true
      %reduce_sum3A_1869 = vector.broadcast %reduce_sum3A_1868 : i1 to vector<16xi1>
      %reduce_sum3A_1870 = tpu.scan <sum>, %select_n3A_1867 masked %reduce_sum3A_1869 : vector<16xi32>, vector<16xi1> -> vector<16xi32>
      %reduce_sum3A_1871 = vector.extract %reduce_sum3A_1870[15] : i32 from vector<16xi32>
      %sub3A_1872 = arith.subi %reduce_min3A_1861, %reduce_sum3A_1871 : i32
      %mul3A_1873 = arith.constant 256 : i32
      %mul3A_1874 = arith.muli %reduce_max3A_1795, %mul3A_1873 : i32
      %add3A_1875 = arith.constant 6144 : i32
      %add3A_1876 = arith.addi %add3A_1875, %mul3A_1874 : i32
      %mul3A_1877 = arith.constant 16 : i32
      %mul3A_1878 = arith.muli %reduce_max3A_1850, %mul3A_1877 : i32
      %add3A_1879 = arith.addi %add3A_1876, %mul3A_1878 : i32
      %get3A_1880 = arith.index_cast %add3A_1879 : i32 to index
      %get3A_1881 = tpu.vector_load %arg5[%get3A_1880] {strides = array<i32>} : memref<8192xi32, #tpu.memory_space<vmem>>, vector<16xi32>,
      %reduce_sum3A_1882 = arith.constant true
      %reduce_sum3A_1883 = vector.broadcast %reduce_sum3A_1882 : i1 to vector<16xi1>
      %reduce_sum3A_1884 = tpu.scan <sum>, %get3A_1881 masked %reduce_sum3A_1883 : vector<16xi32>, vector<16xi1> -> vector<16xi32>
      %reduce_sum3A_1885 = vector.extract %reduce_sum3A_1884[15] : i32 from vector<16xi32>
      %broadcast_in_dim3A_1886 = arith.constant true
      %broadcast_in_dim3A_1887 = vector.broadcast %broadcast_in_dim3A_1886 : i1 to vector<16xi1>
      %masked_cumsum3A_1888 = tpu.scan <sum>, %get3A_1881 masked %broadcast_in_dim3A_1887 : vector<16xi32>, vector<16xi1> -> vector<16xi32>
      %sub3A_1889 = vector.broadcast %reduce_sum3A_1885 : i32 to vector<16xi32>
      %sub3A_1890 = arith.subi %sub3A_1889, %masked_cumsum3A_1888 : vector<16xi32>
      %add3A_1891 = arith.addi %sub3A_1890, %get3A_1881 : vector<16xi32>
      %sub3A_1892 = arith.subi %sub3A_1836, %sub3A_1872 : i32
      %ge3A_1893 = vector.broadcast %sub3A_1892 : i32 to vector<16xi32>
      %ge3A_1894 = arith.cmpi sge, %add3A_1891, %ge3A_1893 : vector<16xi32>
      %iota3A_1895 = tpu.iota {dimensions = array<i32: 0>} : vector<16xi32>
      %jit3A_1896 = arith.constant 0 : i32
      %broadcast_in_dim3A_1897 = vector.broadcast %jit3A_1896 : i32 to vector<16xi32>
      %select_n3A_1898 = arith.select %ge3A_1894, %iota3A_1895, %broadcast_in_dim3A_1897 : vector<16xi1>, vector<16xi32>
      %reduce_max3A_1899 = arith.constant true
      %reduce_max3A_1900 = vector.broadcast %reduce_max3A_1899 : i1 to vector<16xi1>
      %reduce_max3A_1901 = arith.constant -2147483648 : i32
      %reduce_max3A_1902 = vector.broadcast %reduce_max3A_1901 : i32 to vector<16xi32>
      %reduce_max3A_1903 = arith.xori %select_n3A_1898, %reduce_max3A_1902 : vector<16xi32>
      %reduce_max3A_1904 = tpu.scan <max>, %reduce_max3A_1903 masked %reduce_max3A_1900 : vector<16xi32>, vector<16xi1> -> vector<16xi32>
      %reduce_max3A_1905 = arith.xori %reduce_max3A_1904, %reduce_max3A_1902 : vector<16xi32>
      %reduce_max3A_1906 = vector.extract %reduce_max3A_1905[15] : i32 from vector<16xi32>
      %jit3A_1907 = arith.constant 2147483647 : i32
      %broadcast_in_dim3A_1908 = vector.broadcast %jit3A_1907 : i32 to vector<16xi32>
      %select_n3A_1909 = arith.select %ge3A_1894, %add3A_1891, %broadcast_in_dim3A_1908 : vector<16xi1>, vector<16xi32>
      %reduce_min3A_1910 = arith.constant true
      %reduce_min3A_1911 = vector.broadcast %reduce_min3A_1910 : i1 to vector<16xi1>
      %reduce_min3A_1912 = arith.constant -2147483648 : i32
      %reduce_min3A_1913 = vector.broadcast %reduce_min3A_1912 : i32 to vector<16xi32>
      %reduce_min3A_1914 = arith.xori %select_n3A_1909, %reduce_min3A_1913 : vector<16xi32>
      %reduce_min3A_1915 = tpu.scan <min>, %reduce_min3A_1914 masked %reduce_min3A_1911 : vector<16xi32>, vector<16xi1> -> vector<16xi32>
      %reduce_min3A_1916 = arith.xori %reduce_min3A_1915, %reduce_min3A_1913 : vector<16xi32>
      %reduce_min3A_1917 = vector.extract %reduce_min3A_1916[15] : i32 from vector<16xi32>
      %iota3A_1918 = tpu.iota {dimensions = array<i32: 0>} : vector<16xi32>
      %eq3A_1919 = vector.broadcast %reduce_max3A_1906 : i32 to vector<16xi32>
      %eq3A_1920 = arith.cmpi eq, %iota3A_1918, %eq3A_1919 : vector<16xi32>
      %jit3A_1921 = arith.constant 0 : i32
      %broadcast_in_dim3A_1922 = vector.broadcast %jit3A_1921 : i32 to vector<16xi32>
      %select_n3A_1923 = arith.select %eq3A_1920, %get3A_1881, %broadcast_in_dim3A_1922 : vector<16xi1>, vector<16xi32>
      %reduce_sum3A_1924 = arith.constant true
      %reduce_sum3A_1925 = vector.broadcast %reduce_sum3A_1924 : i1 to vector<16xi1>
      %reduce_sum3A_1926 = tpu.scan <sum>, %select_n3A_1923 masked %reduce_sum3A_1925 : vector<16xi32>, vector<16xi1> -> vector<16xi32>
      %reduce_sum3A_1927 = vector.extract %reduce_sum3A_1926[15] : i32 from vector<16xi32>
      %sub3A_1928 = arith.subi %reduce_min3A_1917, %reduce_sum3A_1927 : i32
      %mul3A_1929 = arith.constant 256 : i32
      %mul3A_1930 = arith.muli %reduce_max3A_1795, %mul3A_1929 : i32
      %mul3A_1931 = arith.constant 16 : i32
      %mul3A_1932 = arith.muli %reduce_max3A_1850, %mul3A_1931 : i32
      %add3A_1933 = arith.addi %mul3A_1930, %mul3A_1932 : i32
      %add3A_1934 = arith.addi %add3A_1933, %reduce_max3A_1906 : i32
      %add3A_1935 = arith.addi %sub3A_1817, %sub3A_1872 : i32
      %add3A_1936 = arith.addi %add3A_1935, %sub3A_1928 : i32
      %broadcast_in_dim3A_1937 = arith.constant 0 : i32
      %broadcast_in_dim3A_1938 = vector.broadcast %broadcast_in_dim3A_1937 : i32 to vector<16xi32>
      %scan3A_1939 = arith.constant 0 : i32
      %scan3A_1940 = arith.constant 4 : i32
      %scan3A_1941 = arith.addi %scan3A_1939, %scan3A_1940 : i32
      %scan3A_1942 = arith.constant 1 : i32
      %scan3A_1943 = scf.for %scan3A_2145 = %scan3A_1939 to %scan3A_1941 step %scan3A_1942 iter_args(%scan3A_2146 = %broadcast_in_dim3A_1938) -> (vector<16xi32>)  : i32 {
        %broadcast_in_dim3A_2147 = arith.constant 0 : i32
        %broadcast_in_dim3A_2148 = vector.broadcast %broadcast_in_dim3A_2147 : i32 to vector<16xi32>
        %mul3A_2149 = arith.constant 256 : i32
        %mul3A_2150 = arith.muli %scan3A_2145, %mul3A_2149 : i32
        %add3A_2151 = arith.constant 7168 : i32
        %add3A_2152 = arith.addi %add3A_2151, %mul3A_2150 : i32
        %add3A_2153 = arith.constant 0 : i32
        %add3A_2154 = arith.addi %add3A_2152, %add3A_2153 : i32
        %get3A_2155 = arith.index_cast %add3A_2154 : i32 to index
        %get3A_2156 = tpu.vector_load %arg5[%get3A_2155] {strides = array<i32>} : memref<8192xi32, #tpu.memory_space<vmem>>, vector<16xi32>,
        %add3A_2157 = arith.addi %broadcast_in_dim3A_2148, %get3A_2156 : vector<16xi32>
        %mul3A_2158 = arith.constant 256 : i32
        %mul3A_2159 = arith.muli %scan3A_2145, %mul3A_2158 : i32
        %add3A_2160 = arith.constant 7168 : i32
        %add3A_2161 = arith.addi %add3A_2160, %mul3A_2159 : i32
        %add3A_2162 = arith.constant 16 : i32
        %add3A_2163 = arith.addi %add3A_2161, %add3A_2162 : i32
        %get3A_2164 = arith.index_cast %add3A_2163 : i32 to index
        %get3A_2165 = tpu.vector_load %arg5[%get3A_2164] {strides = array<i32>} : memref<8192xi32, #tpu.memory_space<vmem>>, vector<16xi32>,
        %add3A_2166 = arith.addi %add3A_2157, %get3A_2165 : vector<16xi32>
        %mul3A_2167 = arith.constant 256 : i32
        %mul3A_2168 = arith.muli %scan3A_2145, %mul3A_2167 : i32
        %add3A_2169 = arith.constant 7168 : i32
        %add3A_2170 = arith.addi %add3A_2169, %mul3A_2168 : i32
        %add3A_2171 = arith.constant 32 : i32
        %add3A_2172 = arith.addi %add3A_2170, %add3A_2171 : i32
        %get3A_2173 = arith.index_cast %add3A_2172 : i32 to index
        %get3A_2174 = tpu.vector_load %arg5[%get3A_2173] {strides = array<i32>} : memref<8192xi32, #tpu.memory_space<vmem>>, vector<16xi32>,
        %add3A_2175 = arith.addi %add3A_2166, %get3A_2174 : vector<16xi32>
        %mul3A_2176 = arith.constant 256 : i32
        %mul3A_2177 = arith.muli %scan3A_2145, %mul3A_2176 : i32
        %add3A_2178 = arith.constant 7168 : i32
        %add3A_2179 = arith.addi %add3A_2178, %mul3A_2177 : i32
        %add3A_2180 = arith.constant 48 : i32
        %add3A_2181 = arith.addi %add3A_2179, %add3A_2180 : i32
        %get3A_2182 = arith.index_cast %add3A_2181 : i32 to index
        %get3A_2183 = tpu.vector_load %arg5[%get3A_2182] {strides = array<i32>} : memref<8192xi32, #tpu.memory_space<vmem>>, vector<16xi32>,
        %add3A_2184 = arith.addi %add3A_2175, %get3A_2183 : vector<16xi32>
        %mul3A_2185 = arith.constant 256 : i32
        %mul3A_2186 = arith.muli %scan3A_2145, %mul3A_2185 : i32
        %add3A_2187 = arith.constant 7168 : i32
        %add3A_2188 = arith.addi %add3A_2187, %mul3A_2186 : i32
        %add3A_2189 = arith.constant 64 : i32
        %add3A_2190 = arith.addi %add3A_2188, %add3A_2189 : i32
        %get3A_2191 = arith.index_cast %add3A_2190 : i32 to index
        %get3A_2192 = tpu.vector_load %arg5[%get3A_2191] {strides = array<i32>} : memref<8192xi32, #tpu.memory_space<vmem>>, vector<16xi32>,
        %add3A_2193 = arith.addi %add3A_2184, %get3A_2192 : vector<16xi32>
        %mul3A_2194 = arith.constant 256 : i32
        %mul3A_2195 = arith.muli %scan3A_2145, %mul3A_2194 : i32
        %add3A_2196 = arith.constant 7168 : i32
        %add3A_2197 = arith.addi %add3A_2196, %mul3A_2195 : i32
        %add3A_2198 = arith.constant 80 : i32
        %add3A_2199 = arith.addi %add3A_2197, %add3A_2198 : i32
        %get3A_2200 = arith.index_cast %add3A_2199 : i32 to index
        %get3A_2201 = tpu.vector_load %arg5[%get3A_2200] {strides = array<i32>} : memref<8192xi32, #tpu.memory_space<vmem>>, vector<16xi32>,
        %add3A_2202 = arith.addi %add3A_2193, %get3A_2201 : vector<16xi32>
        %mul3A_2203 = arith.constant 256 : i32
        %mul3A_2204 = arith.muli %scan3A_2145, %mul3A_2203 : i32
        %add3A_2205 = arith.constant 7168 : i32
        %add3A_2206 = arith.addi %add3A_2205, %mul3A_2204 : i32
        %add3A_2207 = arith.constant 96 : i32
        %add3A_2208 = arith.addi %add3A_2206, %add3A_2207 : i32
        %get3A_2209 = arith.index_cast %add3A_2208 : i32 to index
        %get3A_2210 = tpu.vector_load %arg5[%get3A_2209] {strides = array<i32>} : memref<8192xi32, #tpu.memory_space<vmem>>, vector<16xi32>,
        %add3A_2211 = arith.addi %add3A_2202, %get3A_2210 : vector<16xi32>
        %mul3A_2212 = arith.constant 256 : i32
        %mul3A_2213 = arith.muli %scan3A_2145, %mul3A_2212 : i32
        %add3A_2214 = arith.constant 7168 : i32
        %add3A_2215 = arith.addi %add3A_2214, %mul3A_2213 : i32
        %add3A_2216 = arith.constant 112 : i32
        %add3A_2217 = arith.addi %add3A_2215, %add3A_2216 : i32
        %get3A_2218 = arith.index_cast %add3A_2217 : i32 to index
        %get3A_2219 = tpu.vector_load %arg5[%get3A_2218] {strides = array<i32>} : memref<8192xi32, #tpu.memory_space<vmem>>, vector<16xi32>,
        %add3A_2220 = arith.addi %add3A_2211, %get3A_2219 : vector<16xi32>
        %mul3A_2221 = arith.constant 256 : i32
        %mul3A_2222 = arith.muli %scan3A_2145, %mul3A_2221 : i32
        %add3A_2223 = arith.constant 7168 : i32
        %add3A_2224 = arith.addi %add3A_2223, %mul3A_2222 : i32
        %add3A_2225 = arith.constant 128 : i32
        %add3A_2226 = arith.addi %add3A_2224, %add3A_2225 : i32
        %get3A_2227 = arith.index_cast %add3A_2226 : i32 to index
        %get3A_2228 = tpu.vector_load %arg5[%get3A_2227] {strides = array<i32>} : memref<8192xi32, #tpu.memory_space<vmem>>, vector<16xi32>,
        %add3A_2229 = arith.addi %add3A_2220, %get3A_2228 : vector<16xi32>
        %mul3A_2230 = arith.constant 256 : i32
        %mul3A_2231 = arith.muli %scan3A_2145, %mul3A_2230 : i32
        %add3A_2232 = arith.constant 7168 : i32
        %add3A_2233 = arith.addi %add3A_2232, %mul3A_2231 : i32
        %add3A_2234 = arith.constant 144 : i32
        %add3A_2235 = arith.addi %add3A_2233, %add3A_2234 : i32
        %get3A_2236 = arith.index_cast %add3A_2235 : i32 to index
        %get3A_2237 = tpu.vector_load %arg5[%get3A_2236] {strides = array<i32>} : memref<8192xi32, #tpu.memory_space<vmem>>, vector<16xi32>,
        %add3A_2238 = arith.addi %add3A_2229, %get3A_2237 : vector<16xi32>
        %mul3A_2239 = arith.constant 256 : i32
        %mul3A_2240 = arith.muli %scan3A_2145, %mul3A_2239 : i32
        %add3A_2241 = arith.constant 7168 : i32
        %add3A_2242 = arith.addi %add3A_2241, %mul3A_2240 : i32
        %add3A_2243 = arith.constant 160 : i32
        %add3A_2244 = arith.addi %add3A_2242, %add3A_2243 : i32
        %get3A_2245 = arith.index_cast %add3A_2244 : i32 to index
        %get3A_2246 = tpu.vector_load %arg5[%get3A_2245] {strides = array<i32>} : memref<8192xi32, #tpu.memory_space<vmem>>, vector<16xi32>,
        %add3A_2247 = arith.addi %add3A_2238, %get3A_2246 : vector<16xi32>
        %mul3A_2248 = arith.constant 256 : i32
        %mul3A_2249 = arith.muli %scan3A_2145, %mul3A_2248 : i32
        %add3A_2250 = arith.constant 7168 : i32
        %add3A_2251 = arith.addi %add3A_2250, %mul3A_2249 : i32
        %add3A_2252 = arith.constant 176 : i32
        %add3A_2253 = arith.addi %add3A_2251, %add3A_2252 : i32
        %get3A_2254 = arith.index_cast %add3A_2253 : i32 to index
        %get3A_2255 = tpu.vector_load %arg5[%get3A_2254] {strides = array<i32>} : memref<8192xi32, #tpu.memory_space<vmem>>, vector<16xi32>,
        %add3A_2256 = arith.addi %add3A_2247, %get3A_2255 : vector<16xi32>
        %mul3A_2257 = arith.constant 256 : i32
        %mul3A_2258 = arith.muli %scan3A_2145, %mul3A_2257 : i32
        %add3A_2259 = arith.constant 7168 : i32
        %add3A_2260 = arith.addi %add3A_2259, %mul3A_2258 : i32
        %add3A_2261 = arith.constant 192 : i32
        %add3A_2262 = arith.addi %add3A_2260, %add3A_2261 : i32
        %get3A_2263 = arith.index_cast %add3A_2262 : i32 to index
        %get3A_2264 = tpu.vector_load %arg5[%get3A_2263] {strides = array<i32>} : memref<8192xi32, #tpu.memory_space<vmem>>, vector<16xi32>,
        %add3A_2265 = arith.addi %add3A_2256, %get3A_2264 : vector<16xi32>
        %mul3A_2266 = arith.constant 256 : i32
        %mul3A_2267 = arith.muli %scan3A_2145, %mul3A_2266 : i32
        %add3A_2268 = arith.constant 7168 : i32
        %add3A_2269 = arith.addi %add3A_2268, %mul3A_2267 : i32
        %add3A_2270 = arith.constant 208 : i32
        %add3A_2271 = arith.addi %add3A_2269, %add3A_2270 : i32
        %get3A_2272 = arith.index_cast %add3A_2271 : i32 to index
        %get3A_2273 = tpu.vector_load %arg5[%get3A_2272] {strides = array<i32>} : memref<8192xi32, #tpu.memory_space<vmem>>, vector<16xi32>,
        %add3A_2274 = arith.addi %add3A_2265, %get3A_2273 : vector<16xi32>
        %mul3A_2275 = arith.constant 256 : i32
        %mul3A_2276 = arith.muli %scan3A_2145, %mul3A_2275 : i32
        %add3A_2277 = arith.constant 7168 : i32
        %add3A_2278 = arith.addi %add3A_2277, %mul3A_2276 : i32
        %add3A_2279 = arith.constant 224 : i32
        %add3A_2280 = arith.addi %add3A_2278, %add3A_2279 : i32
        %get3A_2281 = arith.index_cast %add3A_2280 : i32 to index
        %get3A_2282 = tpu.vector_load %arg5[%get3A_2281] {strides = array<i32>} : memref<8192xi32, #tpu.memory_space<vmem>>, vector<16xi32>,
        %add3A_2283 = arith.addi %add3A_2274, %get3A_2282 : vector<16xi32>
        %mul3A_2284 = arith.constant 256 : i32
        %mul3A_2285 = arith.muli %scan3A_2145, %mul3A_2284 : i32
        %add3A_2286 = arith.constant 7168 : i32
        %add3A_2287 = arith.addi %add3A_2286, %mul3A_2285 : i32
        %add3A_2288 = arith.constant 240 : i32
        %add3A_2289 = arith.addi %add3A_2287, %add3A_2288 : i32
        %get3A_2290 = arith.index_cast %add3A_2289 : i32 to index
        %get3A_2291 = tpu.vector_load %arg5[%get3A_2290] {strides = array<i32>} : memref<8192xi32, #tpu.memory_space<vmem>>, vector<16xi32>,
        %add3A_2292 = arith.addi %add3A_2283, %get3A_2291 : vector<16xi32>
        %iota3A_2293 = tpu.iota {dimensions = array<i32: 0>} : vector<16xi32>
        %eq3A_2294 = vector.broadcast %scan3A_2145 : i32 to vector<16xi32>
        %eq3A_2295 = arith.cmpi eq, %iota3A_2293, %eq3A_2294 : vector<16xi32>
        %reduce_sum3A_2296 = arith.constant true
        %reduce_sum3A_2297 = vector.broadcast %reduce_sum3A_2296 : i1 to vector<16xi1>
        %reduce_sum3A_2298 = tpu.scan <sum>, %add3A_2292 masked %reduce_sum3A_2297 : vector<16xi32>, vector<16xi1> -> vector<16xi32>
        %reduce_sum3A_2299 = vector.extract %reduce_sum3A_2298[15] : i32 from vector<16xi32>
        %broadcast_in_dim3A_2300 = vector.broadcast %reduce_sum3A_2299 : i32 to vector<16xi32>
        %select_n3A_2301 = arith.select %eq3A_2295, %broadcast_in_dim3A_2300, %scan3A_2146 : vector<16xi1>, vector<16xi32>
        scf.yield %select_n3A_2301 : vector<16xi32>
      }
      %scan3A_1944 = arith.constant 4 : i32
      %reduce_sum3A_1945 = arith.constant true
      %reduce_sum3A_1946 = vector.broadcast %reduce_sum3A_1945 : i1 to vector<16xi1>
      %reduce_sum3A_1947 = tpu.scan <sum>, %scan3A_1943 masked %reduce_sum3A_1946 : vector<16xi32>, vector<16xi1> -> vector<16xi32>
      %reduce_sum3A_1948 = vector.extract %reduce_sum3A_1947[15] : i32 from vector<16xi32>
      %broadcast_in_dim3A_1949 = arith.constant true
      %broadcast_in_dim3A_1950 = vector.broadcast %broadcast_in_dim3A_1949 : i1 to vector<16xi1>
      %masked_cumsum3A_1951 = tpu.scan <sum>, %scan3A_1943 masked %broadcast_in_dim3A_1950 : vector<16xi32>, vector<16xi1> -> vector<16xi32>
      %sub3A_1952 = vector.broadcast %reduce_sum3A_1948 : i32 to vector<16xi32>
      %sub3A_1953 = arith.subi %sub3A_1952, %masked_cumsum3A_1951 : vector<16xi32>
      %add3A_1954 = arith.addi %sub3A_1953, %scan3A_1943 : vector<16xi32>
      %ge3A_1955 = vector.broadcast %sub3A_1496 : i32 to vector<16xi32>
      %ge3A_1956 = arith.cmpi sge, %add3A_1954, %ge3A_1955 : vector<16xi32>
      %iota3A_1957 = tpu.iota {dimensions = array<i32: 0>} : vector<16xi32>
      %jit3A_1958 = arith.constant 0 : i32
      %broadcast_in_dim3A_1959 = vector.broadcast %jit3A_1958 : i32 to vector<16xi32>
      %select_n3A_1960 = arith.select %ge3A_1956, %iota3A_1957, %broadcast_in_dim3A_1959 : vector<16xi1>, vector<16xi32>
      %reduce_max3A_1961 = arith.constant true
      %reduce_max3A_1962 = vector.broadcast %reduce_max3A_1961 : i1 to vector<16xi1>
      %reduce_max3A_1963 = arith.constant -2147483648 : i32
      %reduce_max3A_1964 = vector.broadcast %reduce_max3A_1963 : i32 to vector<16xi32>
      %reduce_max3A_1965 = arith.xori %select_n3A_1960, %reduce_max3A_1964 : vector<16xi32>
      %reduce_max3A_1966 = tpu.scan <max>, %reduce_max3A_1965 masked %reduce_max3A_1962 : vector<16xi32>, vector<16xi1> -> vector<16xi32>
      %reduce_max3A_1967 = arith.xori %reduce_max3A_1966, %reduce_max3A_1964 : vector<16xi32>
      %reduce_max3A_1968 = vector.extract %reduce_max3A_1967[15] : i32 from vector<16xi32>
      %jit3A_1969 = arith.constant 2147483647 : i32
      %broadcast_in_dim3A_1970 = vector.broadcast %jit3A_1969 : i32 to vector<16xi32>
      %select_n3A_1971 = arith.select %ge3A_1956, %add3A_1954, %broadcast_in_dim3A_1970 : vector<16xi1>, vector<16xi32>
      %reduce_min3A_1972 = arith.constant true
      %reduce_min3A_1973 = vector.broadcast %reduce_min3A_1972 : i1 to vector<16xi1>
      %reduce_min3A_1974 = arith.constant -2147483648 : i32
      %reduce_min3A_1975 = vector.broadcast %reduce_min3A_1974 : i32 to vector<16xi32>
      %reduce_min3A_1976 = arith.xori %select_n3A_1971, %reduce_min3A_1975 : vector<16xi32>
      %reduce_min3A_1977 = tpu.scan <min>, %reduce_min3A_1976 masked %reduce_min3A_1973 : vector<16xi32>, vector<16xi1> -> vector<16xi32>
      %reduce_min3A_1978 = arith.xori %reduce_min3A_1977, %reduce_min3A_1975 : vector<16xi32>
      %reduce_min3A_1979 = vector.extract %reduce_min3A_1978[15] : i32 from vector<16xi32>
      %iota3A_1980 = tpu.iota {dimensions = array<i32: 0>} : vector<16xi32>
      %eq3A_1981 = vector.broadcast %reduce_max3A_1968 : i32 to vector<16xi32>
      %eq3A_1982 = arith.cmpi eq, %iota3A_1980, %eq3A_1981 : vector<16xi32>
      %jit3A_1983 = arith.constant 0 : i32
      %broadcast_in_dim3A_1984 = vector.broadcast %jit3A_1983 : i32 to vector<16xi32>
      %select_n3A_1985 = arith.select %eq3A_1982, %scan3A_1943, %broadcast_in_dim3A_1984 : vector<16xi1>, vector<16xi32>
      %reduce_sum3A_1986 = arith.constant true
      %reduce_sum3A_1987 = vector.broadcast %reduce_sum3A_1986 : i1 to vector<16xi1>
      %reduce_sum3A_1988 = tpu.scan <sum>, %select_n3A_1985 masked %reduce_sum3A_1987 : vector<16xi32>, vector<16xi1> -> vector<16xi32>
      %reduce_sum3A_1989 = vector.extract %reduce_sum3A_1988[15] : i32 from vector<16xi32>
      %sub3A_1990 = arith.subi %reduce_min3A_1979, %reduce_sum3A_1989 : i32
      %broadcast_in_dim3A_1991 = arith.constant 0 : i32
      %broadcast_in_dim3A_1992 = vector.broadcast %broadcast_in_dim3A_1991 : i32 to vector<16xi32>
      %scan3A_1993 = arith.constant 0 : i32
      %scan3A_1994 = arith.constant 16 : i32
      %scan3A_1995 = arith.addi %scan3A_1993, %scan3A_1994 : i32
      %scan3A_1996 = arith.constant 1 : i32
      %scan3A_1997 = scf.for %scan3A_2145 = %scan3A_1993 to %scan3A_1995 step %scan3A_1996 iter_args(%scan3A_2146 = %broadcast_in_dim3A_1992) -> (vector<16xi32>)  : i32 {
        %mul3A_2147 = arith.constant 256 : i32
        %mul3A_2148 = arith.muli %reduce_max3A_1968, %mul3A_2147 : i32
        %add3A_2149 = arith.constant 7168 : i32
        %add3A_2150 = arith.addi %add3A_2149, %mul3A_2148 : i32
        %mul3A_2151 = arith.constant 16 : i32
        %mul3A_2152 = arith.muli %scan3A_2145, %mul3A_2151 : i32
        %add3A_2153 = arith.addi %add3A_2150, %mul3A_2152 : i32
        %get3A_2154 = arith.index_cast %add3A_2153 : i32 to index
        %get3A_2155 = tpu.vector_load %arg5[%get3A_2154] {strides = array<i32>} : memref<8192xi32, #tpu.memory_space<vmem>>, vector<16xi32>,
        %iota3A_2156 = tpu.iota {dimensions = array<i32: 0>} : vector<16xi32>
        %eq3A_2157 = vector.broadcast %scan3A_2145 : i32 to vector<16xi32>
        %eq3A_2158 = arith.cmpi eq, %iota3A_2156, %eq3A_2157 : vector<16xi32>
        %reduce_sum3A_2159 = arith.constant true
        %reduce_sum3A_2160 = vector.broadcast %reduce_sum3A_2159 : i1 to vector<16xi1>
        %reduce_sum3A_2161 = tpu.scan <sum>, %get3A_2155 masked %reduce_sum3A_2160 : vector<16xi32>, vector<16xi1> -> vector<16xi32>
        %reduce_sum3A_2162 = vector.extract %reduce_sum3A_2161[15] : i32 from vector<16xi32>
        %broadcast_in_dim3A_2163 = vector.broadcast %reduce_sum3A_2162 : i32 to vector<16xi32>
        %select_n3A_2164 = arith.select %eq3A_2158, %broadcast_in_dim3A_2163, %scan3A_2146 : vector<16xi1>, vector<16xi32>
        scf.yield %select_n3A_2164 : vector<16xi32>
      }
      %scan3A_1998 = arith.constant 16 : i32
      %reduce_sum3A_1999 = arith.constant true
      %reduce_sum3A_2000 = vector.broadcast %reduce_sum3A_1999 : i1 to vector<16xi1>
      %reduce_sum3A_2001 = tpu.scan <sum>, %scan3A_1997 masked %reduce_sum3A_2000 : vector<16xi32>, vector<16xi1> -> vector<16xi32>
      %reduce_sum3A_2002 = vector.extract %reduce_sum3A_2001[15] : i32 from vector<16xi32>
      %broadcast_in_dim3A_2003 = arith.constant true
      %broadcast_in_dim3A_2004 = vector.broadcast %broadcast_in_dim3A_2003 : i1 to vector<16xi1>
      %masked_cumsum3A_2005 = tpu.scan <sum>, %scan3A_1997 masked %broadcast_in_dim3A_2004 : vector<16xi32>, vector<16xi1> -> vector<16xi32>
      %sub3A_2006 = vector.broadcast %reduce_sum3A_2002 : i32 to vector<16xi32>
      %sub3A_2007 = arith.subi %sub3A_2006, %masked_cumsum3A_2005 : vector<16xi32>
      %add3A_2008 = arith.addi %sub3A_2007, %scan3A_1997 : vector<16xi32>
      %sub3A_2009 = arith.subi %sub3A_1496, %sub3A_1990 : i32
      %ge3A_2010 = vector.broadcast %sub3A_2009 : i32 to vector<16xi32>
      %ge3A_2011 = arith.cmpi sge, %add3A_2008, %ge3A_2010 : vector<16xi32>
      %iota3A_2012 = tpu.iota {dimensions = array<i32: 0>} : vector<16xi32>
      %jit3A_2013 = arith.constant 0 : i32
      %broadcast_in_dim3A_2014 = vector.broadcast %jit3A_2013 : i32 to vector<16xi32>
      %select_n3A_2015 = arith.select %ge3A_2011, %iota3A_2012, %broadcast_in_dim3A_2014 : vector<16xi1>, vector<16xi32>
      %reduce_max3A_2016 = arith.constant true
      %reduce_max3A_2017 = vector.broadcast %reduce_max3A_2016 : i1 to vector<16xi1>
      %reduce_max3A_2018 = arith.constant -2147483648 : i32
      %reduce_max3A_2019 = vector.broadcast %reduce_max3A_2018 : i32 to vector<16xi32>
      %reduce_max3A_2020 = arith.xori %select_n3A_2015, %reduce_max3A_2019 : vector<16xi32>
      %reduce_max3A_2021 = tpu.scan <max>, %reduce_max3A_2020 masked %reduce_max3A_2017 : vector<16xi32>, vector<16xi1> -> vector<16xi32>
      %reduce_max3A_2022 = arith.xori %reduce_max3A_2021, %reduce_max3A_2019 : vector<16xi32>
      %reduce_max3A_2023 = vector.extract %reduce_max3A_2022[15] : i32 from vector<16xi32>
      %jit3A_2024 = arith.constant 2147483647 : i32
      %broadcast_in_dim3A_2025 = vector.broadcast %jit3A_2024 : i32 to vector<16xi32>
      %select_n3A_2026 = arith.select %ge3A_2011, %add3A_2008, %broadcast_in_dim3A_2025 : vector<16xi1>, vector<16xi32>
      %reduce_min3A_2027 = arith.constant true
      %reduce_min3A_2028 = vector.broadcast %reduce_min3A_2027 : i1 to vector<16xi1>
      %reduce_min3A_2029 = arith.constant -2147483648 : i32
      %reduce_min3A_2030 = vector.broadcast %reduce_min3A_2029 : i32 to vector<16xi32>
      %reduce_min3A_2031 = arith.xori %select_n3A_2026, %reduce_min3A_2030 : vector<16xi32>
      %reduce_min3A_2032 = tpu.scan <min>, %reduce_min3A_2031 masked %reduce_min3A_2028 : vector<16xi32>, vector<16xi1> -> vector<16xi32>
      %reduce_min3A_2033 = arith.xori %reduce_min3A_2032, %reduce_min3A_2030 : vector<16xi32>
      %reduce_min3A_2034 = vector.extract %reduce_min3A_2033[15] : i32 from vector<16xi32>
      %iota3A_2035 = tpu.iota {dimensions = array<i32: 0>} : vector<16xi32>
      %eq3A_2036 = vector.broadcast %reduce_max3A_2023 : i32 to vector<16xi32>
      %eq3A_2037 = arith.cmpi eq, %iota3A_2035, %eq3A_2036 : vector<16xi32>
      %jit3A_2038 = arith.constant 0 : i32
      %broadcast_in_dim3A_2039 = vector.broadcast %jit3A_2038 : i32 to vector<16xi32>
      %select_n3A_2040 = arith.select %eq3A_2037, %scan3A_1997, %broadcast_in_dim3A_2039 : vector<16xi1>, vector<16xi32>
      %reduce_sum3A_2041 = arith.constant true
      %reduce_sum3A_2042 = vector.broadcast %reduce_sum3A_2041 : i1 to vector<16xi1>
      %reduce_sum3A_2043 = tpu.scan <sum>, %select_n3A_2040 masked %reduce_sum3A_2042 : vector<16xi32>, vector<16xi1> -> vector<16xi32>
      %reduce_sum3A_2044 = vector.extract %reduce_sum3A_2043[15] : i32 from vector<16xi32>
      %sub3A_2045 = arith.subi %reduce_min3A_2034, %reduce_sum3A_2044 : i32
      %mul3A_2046 = arith.constant 256 : i32
      %mul3A_2047 = arith.muli %reduce_max3A_1968, %mul3A_2046 : i32
      %add3A_2048 = arith.constant 7168 : i32
      %add3A_2049 = arith.addi %add3A_2048, %mul3A_2047 : i32
      %mul3A_2050 = arith.constant 16 : i32
      %mul3A_2051 = arith.muli %reduce_max3A_2023, %mul3A_2050 : i32
      %add3A_2052 = arith.addi %add3A_2049, %mul3A_2051 : i32
      %get3A_2053 = arith.index_cast %add3A_2052 : i32 to index
      %get3A_2054 = tpu.vector_load %arg5[%get3A_2053] {strides = array<i32>} : memref<8192xi32, #tpu.memory_space<vmem>>, vector<16xi32>,
      %reduce_sum3A_2055 = arith.constant true
      %reduce_sum3A_2056 = vector.broadcast %reduce_sum3A_2055 : i1 to vector<16xi1>
      %reduce_sum3A_2057 = tpu.scan <sum>, %get3A_2054 masked %reduce_sum3A_2056 : vector<16xi32>, vector<16xi1> -> vector<16xi32>
      %reduce_sum3A_2058 = vector.extract %reduce_sum3A_2057[15] : i32 from vector<16xi32>
      %broadcast_in_dim3A_2059 = arith.constant true
      %broadcast_in_dim3A_2060 = vector.broadcast %broadcast_in_dim3A_2059 : i1 to vector<16xi1>
      %masked_cumsum3A_2061 = tpu.scan <sum>, %get3A_2054 masked %broadcast_in_dim3A_2060 : vector<16xi32>, vector<16xi1> -> vector<16xi32>
      %sub3A_2062 = vector.broadcast %reduce_sum3A_2058 : i32 to vector<16xi32>
      %sub3A_2063 = arith.subi %sub3A_2062, %masked_cumsum3A_2061 : vector<16xi32>
      %add3A_2064 = arith.addi %sub3A_2063, %get3A_2054 : vector<16xi32>
      %sub3A_2065 = arith.subi %sub3A_2009, %sub3A_2045 : i32
      %ge3A_2066 = vector.broadcast %sub3A_2065 : i32 to vector<16xi32>
      %ge3A_2067 = arith.cmpi sge, %add3A_2064, %ge3A_2066 : vector<16xi32>
      %iota3A_2068 = tpu.iota {dimensions = array<i32: 0>} : vector<16xi32>
      %jit3A_2069 = arith.constant 0 : i32
      %broadcast_in_dim3A_2070 = vector.broadcast %jit3A_2069 : i32 to vector<16xi32>
      %select_n3A_2071 = arith.select %ge3A_2067, %iota3A_2068, %broadcast_in_dim3A_2070 : vector<16xi1>, vector<16xi32>
      %reduce_max3A_2072 = arith.constant true
      %reduce_max3A_2073 = vector.broadcast %reduce_max3A_2072 : i1 to vector<16xi1>
      %reduce_max3A_2074 = arith.constant -2147483648 : i32
      %reduce_max3A_2075 = vector.broadcast %reduce_max3A_2074 : i32 to vector<16xi32>
      %reduce_max3A_2076 = arith.xori %select_n3A_2071, %reduce_max3A_2075 : vector<16xi32>
      %reduce_max3A_2077 = tpu.scan <max>, %reduce_max3A_2076 masked %reduce_max3A_2073 : vector<16xi32>, vector<16xi1> -> vector<16xi32>
      %reduce_max3A_2078 = arith.xori %reduce_max3A_2077, %reduce_max3A_2075 : vector<16xi32>
      %reduce_max3A_2079 = vector.extract %reduce_max3A_2078[15] : i32 from vector<16xi32>
      %jit3A_2080 = arith.constant 2147483647 : i32
      %broadcast_in_dim3A_2081 = vector.broadcast %jit3A_2080 : i32 to vector<16xi32>
      %select_n3A_2082 = arith.select %ge3A_2067, %add3A_2064, %broadcast_in_dim3A_2081 : vector<16xi1>, vector<16xi32>
      %reduce_min3A_2083 = arith.constant true
      %reduce_min3A_2084 = vector.broadcast %reduce_min3A_2083 : i1 to vector<16xi1>
      %reduce_min3A_2085 = arith.constant -2147483648 : i32
      %reduce_min3A_2086 = vector.broadcast %reduce_min3A_2085 : i32 to vector<16xi32>
      %reduce_min3A_2087 = arith.xori %select_n3A_2082, %reduce_min3A_2086 : vector<16xi32>
      %reduce_min3A_2088 = tpu.scan <min>, %reduce_min3A_2087 masked %reduce_min3A_2084 : vector<16xi32>, vector<16xi1> -> vector<16xi32>
      %reduce_min3A_2089 = arith.xori %reduce_min3A_2088, %reduce_min3A_2086 : vector<16xi32>
      %reduce_min3A_2090 = vector.extract %reduce_min3A_2089[15] : i32 from vector<16xi32>
      %iota3A_2091 = tpu.iota {dimensions = array<i32: 0>} : vector<16xi32>
      %eq3A_2092 = vector.broadcast %reduce_max3A_2079 : i32 to vector<16xi32>
      %eq3A_2093 = arith.cmpi eq, %iota3A_2091, %eq3A_2092 : vector<16xi32>
      %jit3A_2094 = arith.constant 0 : i32
      %broadcast_in_dim3A_2095 = vector.broadcast %jit3A_2094 : i32 to vector<16xi32>
      %select_n3A_2096 = arith.select %eq3A_2093, %get3A_2054, %broadcast_in_dim3A_2095 : vector<16xi1>, vector<16xi32>
      %reduce_sum3A_2097 = arith.constant true
      %reduce_sum3A_2098 = vector.broadcast %reduce_sum3A_2097 : i1 to vector<16xi1>
      %reduce_sum3A_2099 = tpu.scan <sum>, %select_n3A_2096 masked %reduce_sum3A_2098 : vector<16xi32>, vector<16xi1> -> vector<16xi32>
      %reduce_sum3A_2100 = vector.extract %reduce_sum3A_2099[15] : i32 from vector<16xi32>
      %sub3A_2101 = arith.subi %reduce_min3A_2090, %reduce_sum3A_2100 : i32
      %mul3A_2102 = arith.constant 256 : i32
      %mul3A_2103 = arith.muli %reduce_max3A_1968, %mul3A_2102 : i32
      %mul3A_2104 = arith.constant 16 : i32
      %mul3A_2105 = arith.muli %reduce_max3A_2023, %mul3A_2104 : i32
      %add3A_2106 = arith.addi %mul3A_2103, %mul3A_2105 : i32
      %add3A_2107 = arith.addi %add3A_2106, %reduce_max3A_2079 : i32
      %add3A_2108 = arith.addi %sub3A_1990, %sub3A_2045 : i32
      %add3A_2109 = arith.addi %add3A_2108, %sub3A_2101 : i32
      %shift_left3A_2110 = arith.constant 10 : i32
      %shift_left3A_2111 = arith.shli %or3A, %shift_left3A_2110 : i32
      %or3A_2112 = arith.ori %shift_left3A_2111, %add3A_1934 : i32
      %shift_left3A_2113 = arith.constant 10 : i32
      %shift_left3A_2114 = arith.shli %or3A_1500, %shift_left3A_2113 : i32
      %or3A_2115 = arith.ori %shift_left3A_2114, %add3A_2107 : i32
      %sub3A_2116 = arith.subi %sub3A_1495, %add3A_1936 : i32
      %sub3A_2117 = arith.subi %sub3A_1496, %add3A_2109 : i32
      %iota3A_2118 = tpu.iota {dimensions = array<i32: 0>} : vector<16xi32>
      %eq3A_2119 = arith.constant 0 : i32
      %eq3A_2120 = vector.broadcast %eq3A_2119 : i32 to vector<16xi32>
      %eq3A_2121 = arith.cmpi eq, %iota3A_2118, %eq3A_2120 : vector<16xi32>
      %eq3A_2122 = arith.constant 1 : i32
      %eq3A_2123 = vector.broadcast %eq3A_2122 : i32 to vector<16xi32>
      %eq3A_2124 = arith.cmpi eq, %iota3A_2118, %eq3A_2123 : vector<16xi32>
      %eq3A_2125 = arith.constant 2 : i32
      %eq3A_2126 = vector.broadcast %eq3A_2125 : i32 to vector<16xi32>
      %eq3A_2127 = arith.cmpi eq, %iota3A_2118, %eq3A_2126 : vector<16xi32>
      %eq3A_2128 = arith.constant 3 : i32
      %eq3A_2129 = vector.broadcast %eq3A_2128 : i32 to vector<16xi32>
      %eq3A_2130 = arith.cmpi eq, %iota3A_2118, %eq3A_2129 : vector<16xi32>
      %jit3A_2131 = arith.constant 0 : i32
      %broadcast_in_dim3A_2132 = vector.broadcast %sub3A_2117 : i32 to vector<16xi32>
      %broadcast_in_dim3A_2133 = vector.broadcast %jit3A_2131 : i32 to vector<16xi32>
      %select_n3A_2134 = arith.select %eq3A_2130, %broadcast_in_dim3A_2132, %broadcast_in_dim3A_2133 : vector<16xi1>, vector<16xi32>
      %broadcast_in_dim3A_2135 = vector.broadcast %or3A_2115 : i32 to vector<16xi32>
      %select_n3A_2136 = arith.select %eq3A_2127, %broadcast_in_dim3A_2135, %select_n3A_2134 : vector<16xi1>, vector<16xi32>
      %broadcast_in_dim3A_2137 = vector.broadcast %sub3A_2116 : i32 to vector<16xi32>
      %select_n3A_2138 = arith.select %eq3A_2124, %broadcast_in_dim3A_2137, %select_n3A_2136 : vector<16xi1>, vector<16xi32>
      %broadcast_in_dim3A_2139 = vector.broadcast %or3A_2112 : i32 to vector<16xi32>
      %select_n3A_2140 = arith.select %eq3A_2121, %broadcast_in_dim3A_2139, %select_n3A_2138 : vector<16xi1>, vector<16xi32>
      %mul3A_2141 = arith.constant 16 : i32
      %mul3A_2142 = arith.muli %add3A_21, %mul3A_2141 : i32
      %swap3A_2143 = arith.index_cast %mul3A_2142 : i32 to index
      %swap3A_2144 = tpu.vector_load %arg6[%swap3A_2143] {strides = array<i32>} : memref<2048xi32, #tpu.memory_space<vmem>>, vector<16xi32>,
      tpu.vector_store %arg6[%swap3A_2143], %select_n3A_2140 {strides = array<i32>} : memref<2048xi32, #tpu.memory_space<vmem>>, vector<16xi32>,
    }
    %scan3A_12 = arith.constant 128 : i32
    %mul3A_13 = arith.constant 128 : i32
    %mul3A_14 = arith.muli %add3A, %mul3A_13 : i32
    %mul3A_15 = arith.constant 16 : i32
    %mul3A_16 = arith.muli %mul3A_14, %mul3A_15 : i32
    "tpu.region"() ({
      %run_scoped3A = tpu.sem_alloc : memref<!tpu.dma_semaphore, #tpu.memory_space<semaphore_mem>>
      %dma_start3A_17 = tpu.memref_slice %arg3[%mul3A_16] : memref<65536xi32, #tpu.memory_space<hbm>> -> memref<2048xi32, #tpu.memory_space<hbm>>
      %dma_start3A_18 = tpu.memref_slice %arg3[%mul3A_16] : memref<65536xi32, #tpu.memory_space<hbm>> -> memref<2048xi32, #tpu.memory_space<hbm>>
      tpu.enqueue_dma source(%arg6 : memref<2048xi32, #tpu.memory_space<vmem>>) target(%dma_start3A_18 : memref<2048xi32, #tpu.memory_space<hbm>>) target_semaphore(%run_scoped3A : memref<!tpu.dma_semaphore, #tpu.memory_space<semaphore_mem>>)
      %dma_wait3A = tpu.memref_slice %arg3[%mul3A_16] : memref<65536xi32, #tpu.memory_space<hbm>> -> memref<2048xi32, #tpu.memory_space<hbm>>
      %dma_wait3A_19 = tpu.memref_slice %arg3[%mul3A_16] : memref<65536xi32, #tpu.memory_space<hbm>> -> memref<2048xi32, #tpu.memory_space<hbm>>
      tpu.wait_dma2 semaphore(%run_scoped3A : memref<!tpu.dma_semaphore, #tpu.memory_space<semaphore_mem>>) src(%arg6 : memref<2048xi32, #tpu.memory_space<vmem>>) dst(%dma_wait3A_19 : memref<2048xi32, #tpu.memory_space<hbm>>)
      tpu.yield
    }) : () -> ()
    return
  }
}

module attributes {stable_mosaic.version = 14 : i64} {
  func.func @_matmul_body(%arg0: i32, %arg1: i32, %arg2: memref<512x128xf32, #tpu.memory_space<vmem>>, %arg3: memref<2048x128xf32, #tpu.memory_space<vmem>>, %arg4: memref<512x2048xf32, #tpu.memory_space<vmem>>) attributes {dimension_semantics = [#tpu.dimension_semantics<arbitrary>, #tpu.dimension_semantics<arbitrary>], iteration_bounds = array<i64: 8, 49>, scalar_prefetch = 0 : i64, scratch_operands = 0 : i64, tpu.core_type = #tpu.core_type<tc>, window_params = [{transform_indices = @transform_0, window_bounds = array<i64: 512, 128>}, {transform_indices = @transform_1, window_bounds = array<i64: 2048, 128>}, {transform_indices = @transform_2, window_bounds = array<i64: 512, 2048>}]} {
    %get3A = arith.constant 0 : index
    %get3A_0 = arith.constant 0 : index
    %get3A_1 = vector.load %arg2[%get3A, %get3A_0] : memref<512x128xf32, #tpu.memory_space<vmem>>, vector<512x128xf32>
    %get3A_2 = arith.constant 0 : index
    %get3A_3 = arith.constant 0 : index
    %get3A_4 = vector.load %arg3[%get3A_2, %get3A_3] : memref<2048x128xf32, #tpu.memory_space<vmem>>, vector<2048x128xf32>
    %dot_general3A = arith.constant dense<0.000000e+00> : vector<512x2048xf32>
    %dot_general3A_5 = tpu.matmul %get3A_1, %get3A_4, %dot_general3A {dimension_numbers = #tpu.dot_dimension_numbers<[1], [1], [0], [0], [0, 0, 1, 0], [], []>, transpose_lhs_hint = false} : vector<512x128xf32>, vector<2048x128xf32>, vector<512x2048xf32> -> vector<512x2048xf32>
    %swap3A = arith.constant 0 : index
    %swap3A_6 = arith.constant 0 : index
    %swap3A_7 = vector.load %arg4[%swap3A, %swap3A_6] : memref<512x2048xf32, #tpu.memory_space<vmem>>, vector<512x2048xf32>
    tpu.vector_store %arg4[%swap3A, %swap3A_6], %dot_general3A_5 {strides = array<i32>} : memref<512x2048xf32, #tpu.memory_space<vmem>>, vector<512x2048xf32>,
    return
  }
  func.func @transform_0(%arg0: i32, %arg1: i32) -> (i32, i32) {
    %c0_i32 = arith.constant 0 : i32
    %c0_i32_0 = arith.constant 0 : i32
    return %arg0, %c0_i32 : i32, i32
  }
  func.func @transform_1(%arg0: i32, %arg1: i32) -> (i32, i32) {
    %c0_i32 = arith.constant 0 : i32
    %c0_i32_0 = arith.constant 0 : i32
    return %arg1, %c0_i32 : i32, i32
  }
  func.func @transform_2(%arg0: i32, %arg1: i32) -> (i32, i32) {
    %c0_i32 = arith.constant 0 : i32
    return %arg0, %arg1 : i32, i32
  }
}

module attributes {stable_mosaic.version = 14 : i64} {
  func.func @_norm_body(%arg0: memref<4096x128xf32, #tpu.memory_space<vmem>>, %arg1: memref<4096x128xf32, #tpu.memory_space<vmem>>) attributes {dimension_semantics = [], scalar_prefetch = 0 : i64, scratch_operands = 0 : i64, tpu.core_type = #tpu.core_type<tc>} {
    %get3A = arith.constant 0 : index
    %get3A_0 = arith.constant 0 : index
    %get3A_1 = vector.load %arg0[%get3A, %get3A_0] : memref<4096x128xf32, #tpu.memory_space<vmem>>, vector<4096x128xf32>
    %mul3A = arith.mulf %get3A_1, %get3A_1 : vector<4096x128xf32>
    %reduce_sum3A = arith.constant dense<0.000000e+00> : vector<4096xf32>
    %reduce_sum3A_2 = vector.multi_reduction <add>, %mul3A, %reduce_sum3A [1] : vector<4096x128xf32> to vector<4096xf32>
    %broadcast_in_dim3A = vector.shape_cast %reduce_sum3A_2 : vector<4096xf32> to vector<4096x1xf32>
    %sqrt3A = math.sqrt %broadcast_in_dim3A : vector<4096x1xf32>
    %div3A = vector.broadcast %sqrt3A : vector<4096x1xf32> to vector<4096x128xf32>
    %div3A_3 = arith.divf %get3A_1, %div3A : vector<4096x128xf32>
    %swap3A = arith.constant 0 : index
    %swap3A_4 = arith.constant 0 : index
    %swap3A_5 = vector.load %arg1[%swap3A, %swap3A_4] : memref<4096x128xf32, #tpu.memory_space<vmem>>, vector<4096x128xf32>
    tpu.vector_store %arg1[%swap3A, %swap3A_4], %div3A_3 {strides = array<i32>} : memref<4096x128xf32, #tpu.memory_space<vmem>>, vector<4096x128xf32>,
    return
  }
}

module attributes {stable_mosaic.version = 14 : i64} {
  func.func @_sums_body(%arg0: i32, %arg1: i32, %arg2: memref<512x2048xf32, #tpu.memory_space<vmem>>, %arg3: memref<512x1xf32, #tpu.memory_space<vmem>>, %arg4: memref<512x1xf32, #tpu.memory_space<vmem>>, %arg5: memref<512x1xi32, #tpu.memory_space<vmem>>, %arg6: memref<512x1xf32, #tpu.memory_space<vmem>>, %arg7: memref<512x1xf32, #tpu.memory_space<vmem>>, %arg8: memref<512x1xf32, #tpu.memory_space<vmem>>) attributes {dimension_semantics = [#tpu.dimension_semantics<arbitrary>, #tpu.dimension_semantics<arbitrary>], iteration_bounds = array<i64: 8, 49>, scalar_prefetch = 0 : i64, scratch_operands = 0 : i64, tpu.core_type = #tpu.core_type<tc>, window_params = [{transform_indices = @transform_0, window_bounds = array<i64: 512, 2048>}, {transform_indices = @transform_1, window_bounds = array<i64: 512, 1>}, {transform_indices = @transform_2, window_bounds = array<i64: 512, 1>}, {transform_indices = @transform_3, window_bounds = array<i64: 512, 1>}, {transform_indices = @transform_4, window_bounds = array<i64: 512, 1>}, {transform_indices = @transform_5, window_bounds = array<i64: 512, 1>}, {transform_indices = @transform_6, window_bounds = array<i64: 512, 1>}]} {
    %eq3A = arith.constant 0 : i32
    %eq3A_0 = arith.cmpi eq, %arg1, %eq3A : i32
    %convert_element_type3A = arith.extui %eq3A_0 : i1 to i32
    %cond3A = arith.constant 0 : i32
    %cond3A_1 = arith.cmpi ne, %convert_element_type3A, %cond3A : i32
    scf.if %cond3A_1 {
      %broadcast_in_dim3A_60 = arith.constant 0.000000e+00 : f32
      %broadcast_in_dim3A_61 = vector.broadcast %broadcast_in_dim3A_60 : f32 to vector<512x1xf32>
      %swap3A_62 = arith.constant 0 : index
      %swap3A_63 = arith.constant 0 : index
      %swap3A_64 = vector.load %arg6[%swap3A_62, %swap3A_63] : memref<512x1xf32, #tpu.memory_space<vmem>>, vector<512x1xf32>
      tpu.vector_store %arg6[%swap3A_62, %swap3A_63], %broadcast_in_dim3A_61 {strides = array<i32>} : memref<512x1xf32, #tpu.memory_space<vmem>>, vector<512x1xf32>,
      %broadcast_in_dim3A_65 = arith.constant 0.000000e+00 : f32
      %broadcast_in_dim3A_66 = vector.broadcast %broadcast_in_dim3A_65 : f32 to vector<512x1xf32>
      %swap3A_67 = arith.constant 0 : index
      %swap3A_68 = arith.constant 0 : index
      %swap3A_69 = vector.load %arg7[%swap3A_67, %swap3A_68] : memref<512x1xf32, #tpu.memory_space<vmem>>, vector<512x1xf32>
      tpu.vector_store %arg7[%swap3A_67, %swap3A_68], %broadcast_in_dim3A_66 {strides = array<i32>} : memref<512x1xf32, #tpu.memory_space<vmem>>, vector<512x1xf32>,
      %broadcast_in_dim3A_70 = arith.constant 0.000000e+00 : f32
      %broadcast_in_dim3A_71 = vector.broadcast %broadcast_in_dim3A_70 : f32 to vector<512x1xf32>
      %swap3A_72 = arith.constant 0 : index
      %swap3A_73 = arith.constant 0 : index
      %swap3A_74 = vector.load %arg8[%swap3A_72, %swap3A_73] : memref<512x1xf32, #tpu.memory_space<vmem>>, vector<512x1xf32>
      tpu.vector_store %arg8[%swap3A_72, %swap3A_73], %broadcast_in_dim3A_71 {strides = array<i32>} : memref<512x1xf32, #tpu.memory_space<vmem>>, vector<512x1xf32>,
    } else {
    }
    %get3A = arith.constant 0 : index
    %get3A_2 = arith.constant 0 : index
    %get3A_3 = vector.load %arg2[%get3A, %get3A_2] : memref<512x2048xf32, #tpu.memory_space<vmem>>, vector<512x2048xf32>
    %mul3A = arith.constant 2048 : i32
    %mul3A_4 = arith.muli %arg1, %mul3A : i32
    %iota3A = tpu.iota {dimensions = array<i32: 1>} : vector<512x2048xi32>
    %add3A = vector.broadcast %mul3A_4 : i32 to vector<512x2048xi32>
    %add3A_5 = arith.addi %add3A, %iota3A : vector<512x2048xi32>
    %lt3A = arith.constant 100000 : i32
    %lt3A_6 = vector.broadcast %lt3A : i32 to vector<512x2048xi32>
    %lt3A_7 = arith.cmpi slt, %add3A_5, %lt3A_6 : vector<512x2048xi32>
    %mul3A_8 = arith.constant 14.2857141 : f32
    %mul3A_9 = vector.broadcast %mul3A_8 : f32 to vector<512x2048xf32>
    %mul3A_10 = arith.mulf %get3A_3, %mul3A_9 : vector<512x2048xf32>
    %exp3A = math.exp %mul3A_10 : vector<512x2048xf32>
    %get3A_11 = arith.constant 0 : index
    %get3A_12 = arith.constant 0 : index
    %get3A_13 = vector.load %arg3[%get3A_11, %get3A_12] : memref<512x1xf32, #tpu.memory_space<vmem>>, vector<512x1xf32>
    %gt3A = vector.broadcast %get3A_13 : vector<512x1xf32> to vector<512x2048xf32>
    %gt3A_14 = arith.cmpf ogt, %get3A_3, %gt3A : vector<512x2048xf32>
    %and3A = arith.andi %lt3A_7, %gt3A_14 : vector<512x2048xi1>
    %jit3A = arith.constant 0.000000e+00 : f32
    %broadcast_in_dim3A = vector.broadcast %jit3A : f32 to vector<512x2048xf32>
    %select_n3A = arith.select %and3A, %exp3A, %broadcast_in_dim3A : vector<512x2048xi1>, vector<512x2048xf32>
    %get3A_15 = arith.constant 0 : index
    %get3A_16 = arith.constant 0 : index
    %get3A_17 = vector.load %arg4[%get3A_15, %get3A_16] : memref<512x1xf32, #tpu.memory_space<vmem>>, vector<512x1xf32>
    %gt3A_18 = vector.broadcast %get3A_17 : vector<512x1xf32> to vector<512x2048xf32>
    %gt3A_19 = arith.cmpf ogt, %get3A_3, %gt3A_18 : vector<512x2048xf32>
    %and3A_20 = arith.andi %lt3A_7, %gt3A_19 : vector<512x2048xi1>
    %jit3A_21 = arith.constant 0.000000e+00 : f32
    %broadcast_in_dim3A_22 = vector.broadcast %jit3A_21 : f32 to vector<512x2048xf32>
    %select_n3A_23 = arith.select %and3A_20, %exp3A, %broadcast_in_dim3A_22 : vector<512x2048xi1>, vector<512x2048xf32>
    %get3A_24 = arith.constant 0 : index
    %get3A_25 = arith.constant 0 : index
    %get3A_26 = vector.load %arg5[%get3A_24, %get3A_25] : memref<512x1xi32, #tpu.memory_space<vmem>>, vector<512x1xi32>
    %eq3A_27 = vector.broadcast %get3A_26 : vector<512x1xi32> to vector<512x2048xi32>
    %eq3A_28 = arith.cmpi eq, %add3A_5, %eq3A_27 : vector<512x2048xi32>
    %jit3A_29 = arith.constant 0.000000e+00 : f32
    %broadcast_in_dim3A_30 = vector.broadcast %jit3A_29 : f32 to vector<512x2048xf32>
    %select_n3A_31 = arith.select %eq3A_28, %get3A_3, %broadcast_in_dim3A_30 : vector<512x2048xi1>, vector<512x2048xf32>
    %get3A_32 = arith.constant 0 : index
    %get3A_33 = arith.constant 0 : index
    %get3A_34 = vector.load %arg6[%get3A_32, %get3A_33] : memref<512x1xf32, #tpu.memory_space<vmem>>, vector<512x1xf32>
    %reduce_sum3A = arith.constant dense<0.000000e+00> : vector<512xf32>
    %reduce_sum3A_35 = vector.multi_reduction <add>, %select_n3A, %reduce_sum3A [1] : vector<512x2048xf32> to vector<512xf32>
    %broadcast_in_dim3A_36 = vector.shape_cast %reduce_sum3A_35 : vector<512xf32> to vector<512x1xf32>
    %add3A_37 = arith.addf %get3A_34, %broadcast_in_dim3A_36 : vector<512x1xf32>
    %swap3A = arith.constant 0 : index
    %swap3A_38 = arith.constant 0 : index
    %swap3A_39 = vector.load %arg6[%swap3A, %swap3A_38] : memref<512x1xf32, #tpu.memory_space<vmem>>, vector<512x1xf32>
    tpu.vector_store %arg6[%swap3A, %swap3A_38], %add3A_37 {strides = array<i32>} : memref<512x1xf32, #tpu.memory_space<vmem>>, vector<512x1xf32>,
    %get3A_40 = arith.constant 0 : index
    %get3A_41 = arith.constant 0 : index
    %get3A_42 = vector.load %arg7[%get3A_40, %get3A_41] : memref<512x1xf32, #tpu.memory_space<vmem>>, vector<512x1xf32>
    %reduce_sum3A_43 = arith.constant dense<0.000000e+00> : vector<512xf32>
    %reduce_sum3A_44 = vector.multi_reduction <add>, %select_n3A_23, %reduce_sum3A_43 [1] : vector<512x2048xf32> to vector<512xf32>
    %broadcast_in_dim3A_45 = vector.shape_cast %reduce_sum3A_44 : vector<512xf32> to vector<512x1xf32>
    %add3A_46 = arith.addf %get3A_42, %broadcast_in_dim3A_45 : vector<512x1xf32>
    %swap3A_47 = arith.constant 0 : index
    %swap3A_48 = arith.constant 0 : index
    %swap3A_49 = vector.load %arg7[%swap3A_47, %swap3A_48] : memref<512x1xf32, #tpu.memory_space<vmem>>, vector<512x1xf32>
    tpu.vector_store %arg7[%swap3A_47, %swap3A_48], %add3A_46 {strides = array<i32>} : memref<512x1xf32, #tpu.memory_space<vmem>>, vector<512x1xf32>,
    %get3A_50 = arith.constant 0 : index
    %get3A_51 = arith.constant 0 : index
    %get3A_52 = vector.load %arg8[%get3A_50, %get3A_51] : memref<512x1xf32, #tpu.memory_space<vmem>>, vector<512x1xf32>
    %reduce_sum3A_53 = arith.constant dense<0.000000e+00> : vector<512xf32>
    %reduce_sum3A_54 = vector.multi_reduction <add>, %select_n3A_31, %reduce_sum3A_53 [1] : vector<512x2048xf32> to vector<512xf32>
    %broadcast_in_dim3A_55 = vector.shape_cast %reduce_sum3A_54 : vector<512xf32> to vector<512x1xf32>
    %add3A_56 = arith.addf %get3A_52, %broadcast_in_dim3A_55 : vector<512x1xf32>
    %swap3A_57 = arith.constant 0 : index
    %swap3A_58 = arith.constant 0 : index
    %swap3A_59 = vector.load %arg8[%swap3A_57, %swap3A_58] : memref<512x1xf32, #tpu.memory_space<vmem>>, vector<512x1xf32>
    tpu.vector_store %arg8[%swap3A_57, %swap3A_58], %add3A_56 {strides = array<i32>} : memref<512x1xf32, #tpu.memory_space<vmem>>, vector<512x1xf32>,
    return
  }
  func.func @transform_0(%arg0: i32, %arg1: i32) -> (i32, i32) {
    %c0_i32 = arith.constant 0 : i32
    return %arg0, %arg1 : i32, i32
  }
  func.func @transform_1(%arg0: i32, %arg1: i32) -> (i32, i32) {
    %c0_i32 = arith.constant 0 : i32
    %c0_i32_0 = arith.constant 0 : i32
    return %arg0, %c0_i32 : i32, i32
  }
  func.func @transform_2(%arg0: i32, %arg1: i32) -> (i32, i32) {
    %c0_i32 = arith.constant 0 : i32
    %c0_i32_0 = arith.constant 0 : i32
    return %arg0, %c0_i32 : i32, i32
  }
  func.func @transform_3(%arg0: i32, %arg1: i32) -> (i32, i32) {
    %c0_i32 = arith.constant 0 : i32
    %c0_i32_0 = arith.constant 0 : i32
    return %arg0, %c0_i32 : i32, i32
  }
  func.func @transform_4(%arg0: i32, %arg1: i32) -> (i32, i32) {
    %c0_i32 = arith.constant 0 : i32
    %c0_i32_0 = arith.constant 0 : i32
    return %arg0, %c0_i32 : i32, i32
  }
  func.func @transform_5(%arg0: i32, %arg1: i32) -> (i32, i32) {
    %c0_i32 = arith.constant 0 : i32
    %c0_i32_0 = arith.constant 0 : i32
    return %arg0, %c0_i32 : i32, i32
  }
  func.func @transform_6(%arg0: i32, %arg1: i32) -> (i32, i32) {
    %c0_i32 = arith.constant 0 : i32
    %c0_i32_0 = arith.constant 0 : i32
    return %arg0, %c0_i32 : i32, i32
  }
}

module attributes {stable_mosaic.version = 14 : i64} {
  func.func @_combine_body(%arg0: memref<4096x1xf32, #tpu.memory_space<vmem>>, %arg1: memref<4096x1xf32, #tpu.memory_space<vmem>>, %arg2: memref<4096x1xf32, #tpu.memory_space<vmem>>, %arg3: memref<4096x1xi32, #tpu.memory_space<vmem>>, %arg4: memref<4096x1xi32, #tpu.memory_space<vmem>>, %arg5: memref<4096x1xi32, #tpu.memory_space<vmem>>, %arg6: memref<4096x1xi32, #tpu.memory_space<vmem>>, %arg7: memref<1x1xf32, #tpu.memory_space<vmem>>) attributes {dimension_semantics = [], scalar_prefetch = 0 : i64, scratch_operands = 0 : i64, tpu.core_type = #tpu.core_type<tc>} {
    %get3A = arith.constant 0 : index
    %get3A_0 = arith.constant 0 : index
    %get3A_1 = vector.load %arg3[%get3A, %get3A_0] : memref<4096x1xi32, #tpu.memory_space<vmem>>, vector<4096x1xi32>
    %lt3A = arith.constant 0 : i32
    %lt3A_2 = vector.broadcast %lt3A : i32 to vector<4096x1xi32>
    %lt3A_3 = arith.cmpi slt, %get3A_1, %lt3A_2 : vector<4096x1xi32>
    %xor3A = arith.constant -2147483648 : i32
    %xor3A_4 = vector.broadcast %xor3A : i32 to vector<4096x1xi32>
    %xor3A_5 = arith.xori %get3A_1, %xor3A_4 : vector<4096x1xi32>
    %not3A = arith.constant dense<-1> : vector<4096x1xi32>
    %not3A_6 = arith.xori %get3A_1, %not3A : vector<4096x1xi32>
    %select_n3A = arith.select %lt3A_3, %xor3A_5, %not3A_6 : vector<4096x1xi1>, vector<4096x1xi32>
    %bitcast_convert_type3A = tpu.bitcast %select_n3A : vector<4096x1xi32> -> vector<4096x1xf32>
    %get3A_7 = arith.constant 0 : index
    %get3A_8 = arith.constant 0 : index
    %get3A_9 = vector.load %arg5[%get3A_7, %get3A_8] : memref<4096x1xi32, #tpu.memory_space<vmem>>, vector<4096x1xi32>
    %lt3A_10 = arith.constant 0 : i32
    %lt3A_11 = vector.broadcast %lt3A_10 : i32 to vector<4096x1xi32>
    %lt3A_12 = arith.cmpi slt, %get3A_9, %lt3A_11 : vector<4096x1xi32>
    %xor3A_13 = arith.constant -2147483648 : i32
    %xor3A_14 = vector.broadcast %xor3A_13 : i32 to vector<4096x1xi32>
    %xor3A_15 = arith.xori %get3A_9, %xor3A_14 : vector<4096x1xi32>
    %not3A_16 = arith.constant dense<-1> : vector<4096x1xi32>
    %not3A_17 = arith.xori %get3A_9, %not3A_16 : vector<4096x1xi32>
    %select_n3A_18 = arith.select %lt3A_12, %xor3A_15, %not3A_17 : vector<4096x1xi1>, vector<4096x1xi32>
    %bitcast_convert_type3A_19 = tpu.bitcast %select_n3A_18 : vector<4096x1xi32> -> vector<4096x1xf32>
    %get3A_20 = arith.constant 0 : index
    %get3A_21 = arith.constant 0 : index
    %get3A_22 = vector.load %arg1[%get3A_20, %get3A_21] : memref<4096x1xf32, #tpu.memory_space<vmem>>, vector<4096x1xf32>
    %get3A_23 = arith.constant 0 : index
    %get3A_24 = arith.constant 0 : index
    %get3A_25 = vector.load %arg4[%get3A_23, %get3A_24] : memref<4096x1xi32, #tpu.memory_space<vmem>>, vector<4096x1xi32>
    %convert_element_type3A = arith.sitofp %get3A_25 : vector<4096x1xi32> to vector<4096x1xf32>
    %mul3A = arith.constant 14.2857141 : f32
    %mul3A_26 = vector.broadcast %mul3A : f32 to vector<4096x1xf32>
    %mul3A_27 = arith.mulf %bitcast_convert_type3A, %mul3A_26 : vector<4096x1xf32>
    %exp3A = math.exp %mul3A_27 : vector<4096x1xf32>
    %mul3A_28 = arith.mulf %convert_element_type3A, %exp3A : vector<4096x1xf32>
    %add3A = arith.addf %get3A_22, %mul3A_28 : vector<4096x1xf32>
    %get3A_29 = arith.constant 0 : index
    %get3A_30 = arith.constant 0 : index
    %get3A_31 = vector.load %arg0[%get3A_29, %get3A_30] : memref<4096x1xf32, #tpu.memory_space<vmem>>, vector<4096x1xf32>
    %mul3A_32 = arith.constant 14.2857141 : f32
    %mul3A_33 = vector.broadcast %mul3A_32 : f32 to vector<4096x1xf32>
    %mul3A_34 = arith.mulf %get3A_31, %mul3A_33 : vector<4096x1xf32>
    %exp3A_35 = math.exp %mul3A_34 : vector<4096x1xf32>
    %get3A_36 = arith.constant 0 : index
    %get3A_37 = arith.constant 0 : index
    %get3A_38 = vector.load %arg2[%get3A_36, %get3A_37] : memref<4096x1xf32, #tpu.memory_space<vmem>>, vector<4096x1xf32>
    %add3A_39 = arith.addf %exp3A_35, %get3A_38 : vector<4096x1xf32>
    %get3A_40 = arith.constant 0 : index
    %get3A_41 = arith.constant 0 : index
    %get3A_42 = vector.load %arg6[%get3A_40, %get3A_41] : memref<4096x1xi32, #tpu.memory_space<vmem>>, vector<4096x1xi32>
    %convert_element_type3A_43 = arith.sitofp %get3A_42 : vector<4096x1xi32> to vector<4096x1xf32>
    %mul3A_44 = arith.constant 14.2857141 : f32
    %mul3A_45 = vector.broadcast %mul3A_44 : f32 to vector<4096x1xf32>
    %mul3A_46 = arith.mulf %bitcast_convert_type3A_19, %mul3A_45 : vector<4096x1xf32>
    %exp3A_47 = math.exp %mul3A_46 : vector<4096x1xf32>
    %mul3A_48 = arith.mulf %convert_element_type3A_43, %exp3A_47 : vector<4096x1xf32>
    %add3A_49 = arith.addf %add3A_39, %mul3A_48 : vector<4096x1xf32>
    %div3A = arith.divf %add3A_49, %add3A : vector<4096x1xf32>
    %add3A_50 = arith.constant 1.000000e-07 : f32
    %add3A_51 = vector.broadcast %add3A_50 : f32 to vector<4096x1xf32>
    %add3A_52 = arith.addf %div3A, %add3A_51 : vector<4096x1xf32>
    %log3A = math.log %add3A_52 : vector<4096x1xf32>
    %neg3A = arith.constant 0.000000e+00 : f32
    %neg3A_53 = vector.broadcast %neg3A : f32 to vector<4096x1xf32>
    %neg3A_54 = arith.subf %neg3A_53, %log3A : vector<4096x1xf32>
    %reduce_sum3A = arith.constant dense<0.000000e+00> : vector<1xf32>
    %reduce_sum3A_55 = vector.multi_reduction <add>, %neg3A_54, %reduce_sum3A [0] : vector<4096x1xf32> to vector<1xf32>
    %broadcast_in_dim3A = vector.shape_cast %reduce_sum3A_55 : vector<1xf32> to vector<1x1xf32>
    %mul3A_56 = arith.constant 2.44140625E-4 : f32
    %mul3A_57 = vector.broadcast %mul3A_56 : f32 to vector<1x1xf32>
    %mul3A_58 = arith.mulf %broadcast_in_dim3A, %mul3A_57 : vector<1x1xf32>
    %swap3A = arith.constant 0 : index
    %swap3A_59 = arith.constant 0 : index
    %swap3A_60 = vector.load %arg7[%swap3A, %swap3A_59] : memref<1x1xf32, #tpu.memory_space<vmem>>, vector<1x1xf32>
    tpu.vector_store %arg7[%swap3A, %swap3A_59], %mul3A_58 {strides = array<i32>} : memref<1x1xf32, #tpu.memory_space<vmem>>, vector<1x1xf32>,
    return
  }
}

</mosaic_0001>

<sc_bundles>
// kernel: kernel.7.cloned.1.call-start
scs
__scs_entry_jumppad:
0x0: {  	(pc) =	sbr.rel $0x88, $3  }
0x1: {  	(tag) =	ssettag $0x0;
	lr =	simm.s32 $0x1  }
0x2: {  	[smem:$0x3F9E] =	sst lr;
	_ =	strace $0xD0000000  }
0x3: {  	_ = 	snop  }
0x4: {  	_ = 	snop  }
0x5: {  	_ = 	snop  }
0x6: {  	_ = 	snop  }
0x7: {  	_ = 	snop  }
__scs_overlays_trampoline_lowered:
0x8: {  	[smem:$0x3FAD] =	sst s0  }
0x9: {  	[smem:$0x3FAE] =	sst s1  }
0xa: {  	[smem:$0x3FAF] =	sst s2  }
0xb: {  	[smem:$0x3FB0] =	sst s3  }
0xc: {  	[smem:$0x3FB1] =	sst s4  }
0xd: {  	[smem:$0x3FB2] =	sst s5  }
0xe: {  	[smem:$0x3FB3] =	sst s6  }
0xf: {  	[smem:$0x3FB4] =	sst s7  }
0x10: {  	[smem:$0x3FB5] =	sst s8  }
0x11: {  	[smem:$0x3FB6] =	sst s9;
	s0 =	simm.s32 @!p0 $0x0  }
0x12: {  	s1 =	sld [smem:$0x3F9C];
	s0 =	simm.s32 @p0 $0x1  }
0x13: {  	[smem:$0x3FB7] =	sst s0;
	s0 =	simm.s32 @!p1 $0x0  }
0x14: {  	s2 =	sld [smem:$0x3F9B];
	s0 =	simm.s32 @p1 $0x1  }
0x15: {  	[smem:$0x3FB8] =	sst s0;
	s0 =	simm.s32 @!p2 $0x0  }
0x16: {  	s3 =	sld [smem:$0x3FDB];
	s0 =	simm.s32 @p2 $0x1  }
0x17: {  	s4 =	simm.s32 $0x1BF5;
	[smem:$0x3FBA] =	sst s0  }
0x18: {  	s0 =	sld [smem:$0x3F9D];
	_ =	swait.ge [sflag:s4], $0x0  }
0x19: {  	s7 =	sld [smem:$0x3F9E]  }
0x1a: {  	s8 =	sadd.s32 $0xFFFFE003, lr  }
0x1b: {  	s9 =	sadd.s32 $0xFFFFFEF7, lr;
	s5 =	simm.s32 $0xFFFFFFFF;
	p2 =	slt.u32 s8, $0xFFFFF086  }
0x1c: {  	p1 =	slt.u32 s9, $0xF7A;
	s5 =	simm.s32 @!p2 $0x0  }
0x1d: {  	s5 =	simm.s32 @p1 $0x1;
	p0 =	seq.s32 s7, s2  }
0x1e: {  	s7 =	smul.u32 @!p0 $0xF7A, s2;
	p2 =	seq.s32 @!p0 s5, $0x0  }
0x1f: {  	s9 =	smul.u32 $0xF7A, s1;
	s8 =	simm.s32 @!p0 $0x1BF5;
	p2 =	por !p2, p0  }
0x20: {  	[sflag:s8] =	ssyncset.s32 @!p0 $0xFFFFF086;
	s6 =	sadd.s32 @!p0 s3, s7;
	s7 =	simm.s32 @!p0 $0x108  }
0x21: {  	s3 =	sadd.s32 s3, s9;
	s6 =	sadd.s32 @!p0 $0x88, s6;
	s7 =	simm.s32 @p2 $0x1082  }
0x22: {  	[simem:s7], [sflag:s8] =	dma.local @!p0 [hbm:s6], $0xF7A  }
0x23: {  	s9 =	sor.u32 $0xD0000000, s2;
	s6 =	simm.s32 $0x108;
	_ =	swait.ge @!p0 [sflag:s8], $0x0  }
0x24: {  	s3 =	sadd.s32 $0x88, s3;
	s6 =	simm.s32 @!p1 $0x1082;
	[sflag:s4] =	ssyncset.s32 $0xFFFFF086  }
0x25: {  	[simem:s6], [sflag:s4] =	dma.local [hbm:s3], $0xF7A  }
0x26: {  	[smem:$0x3F9E] =	sst s1;
	(tag) =	ssettag s2;
	_ =	strace s9  }
0x27: {  	s1 =	sld [smem:$0x3FAE]  }
0x28: {  	s2 =	sld [smem:$0x3FAF]  }
0x29: {  	s4 =	sld [smem:$0x3FB1]  }
0x2a: {  	p0 =	seq.s32 s5, $0x0;
	s5 =	sld [smem:$0x3FB2]  }
0x2b: {  	s6 =	sld [smem:$0x3FB3]  }
0x2c: {  	s7 =	sld [smem:$0x3FB4]  }
0x2d: {  	s3 =	simm.s32 $0x108;
	s8 =	sld [smem:$0x3FB5]  }
0x2e: {  	s3 =	simm.s32 @!p0 $0x1082;
	s9 =	sld [smem:$0x3FB6]  }
0x2f: {  	lr =	sadd.s32 s0, s3;
	s0 =	sld [smem:$0x3FAD]  }
0x30: {  	s3 =	sld [smem:$0x3FB0]  }
0x31: {  	[smem:$0x3FB9] =	sst s10  }
0x32: {  	s10 =	sld [smem:$0x3FB7];
	_ =	sdelay $0x3  }
0x33: {  	p0 =	seq.s32 s10, $0x1;
	s10 =	sld [smem:$0x3FB9];
	_ =	sdelay $0x3  }
0x34: {  	[smem:$0x3FB9] =	sst s10  }
0x35: {  	s10 =	sld [smem:$0x3FB8];
	_ =	sdelay $0x3  }
0x36: {  	p1 =	seq.s32 s10, $0x1;
	s10 =	sld [smem:$0x3FB9];
	_ =	sdelay $0x3  }
0x37: {  	[smem:$0x3FB9] =	sst s10  }
0x38: {  	s10 =	sld [smem:$0x3FBA]  }
0x39: {  	_ = 	snop;
	(pc) =	sbr.ind lr, $3  }
0x3a: {  	_ = 	snop  }
0x3b: {  	_ = 	snop  }
0x3c: {  	p2 =	seq.s32 s10, $0x1;
	s10 =	sld [smem:$0x3FB9]  }
0x3d: {  	_ =	shalt  }
0x3e: {  	_ =	shalt  }
0x3f: {  	_ =	shalt  }
0x40: {  	_ =	shalt  }
0x41: {  	_ =	shalt  }
0x42: {  	_ =	shalt  }
0x43: {  	_ =	shalt  }
0x44: {  	_ =	shalt  }
0x45: {  	_ =	shalt  }
0x46: {  	_ =	shalt  }
0x47: {  	_ =	shalt  }
0x48: {  	_ =	shalt  }
0x49: {  	_ =	shalt  }
0x4a: {  	_ =	shalt  }
0x4b: {  	_ =	shalt  }
0x4c: {  	_ =	shalt  }
0x4d: {  	_ =	shalt  }
0x4e: {  	_ =	shalt  }
0x4f: {  	_ =	shalt  }
0x50: {  	_ =	shalt  }
0x51: {  	_ =	shalt  }
0x52: {  	_ =	shalt  }
0x53: {  	_ =	shalt  }
0x54: {  	_ =	shalt  }
0x55: {  	_ =	shalt  }
0x56: {  	_ =	shalt  }
0x57: {  	_ =	shalt  }
0x58: {  	_ =	shalt  }
0x59: {  	_ =	shalt  }
0x5a: {  	_ =	shalt  }
0x5b: {  	_ =	shalt  }
0x5c: {  	_ =	shalt  }
0x5d: {  	_ =	shalt  }
0x5e: {  	_ =	shalt  }
0x5f: {  	_ =	shalt  }
0x60: {  	_ =	shalt  }
0x61: {  	_ =	shalt  }
0x62: {  	_ =	shalt  }
0x63: {  	_ =	shalt  }
0x64: {  	_ =	shalt  }
0x65: {  	_ =	shalt  }
0x66: {  	_ =	shalt  }
0x67: {  	_ =	shalt  }
0x68: {  	_ =	shalt  }
0x69: {  	_ =	shalt  }
0x6a: {  	_ =	shalt  }
0x6b: {  	_ =	shalt  }
0x6c: {  	_ =	shalt  }
0x6d: {  	_ =	shalt  }
0x6e: {  	_ =	shalt  }
0x6f: {  	_ =	shalt  }
0x70: {  	_ =	shalt  }
0x71: {  	_ =	shalt  }
0x72: {  	_ =	shalt  }
0x73: {  	_ =	shalt  }
0x74: {  	_ =	shalt  }
0x75: {  	_ =	shalt  }
0x76: {  	_ =	shalt  }
0x77: {  	_ =	shalt  }
0x78: {  	_ =	shalt  }
0x79: {  	_ =	shalt  }
0x7a: {  	_ =	shalt  }
0x7b: {  	_ =	shalt  }
0x7c: {  	_ =	shalt  }
0x7d: {  	_ =	shalt  }
0x7e: {  	_ =	shalt  }
0x7f: {  	_ =	shalt  }
0x80: {  	_ =	shalt  }
0x81: {  	_ =	shalt  }
0x82: {  	_ =	shalt  }
0x83: {  	_ =	shalt  }
0x84: {  	_ =	shalt  }
0x85: {  	_ =	shalt  }
0x86: {  	_ =	shalt  }
0x87: {  	_ =	shalt  }
.Lfunc_end0:
.L_simem_size_0:
called_computation_lowered:
.L_overlay_start_0:
0x88: {  	s2 =	sld [smem:$0x3FD9]  }
0x89: {  	s3 =	sld [smem:$0x3FFE];
	_ =	sdelay $0x1  }
0x8a: {  	s1 =	srdreg.scid  }
0x8b: {  	s0 =	sand.u32 $0x1, s1  }
0x8c: {  	s16 =	sshll.u32 s0, $0xA;
	s2 =	sadd.s32 s3, s2  }
0x8d: {  	s2 =	sadd.s32 s2, s16  }
0x8e: {  	[smem:$0x3FC5] =	sst s2  }
0x8f: {  	_ = 	snop  }
0x90: {  	(tm) =	ssettm $0x1  }
0x91: {  	s17 =	sld [smem:$0x3FFB];
	_ =	sdelay $0x3  }
0x92: {  	_ =	strace s17  }
0x93: {  	s2 =	sld [smem:$0x3FFC];
	_ =	sdelay $0x3  }
0x94: {  	_ =	strace s2  }
0x95: {  	s2 =	sld [smem:$0x3FFD];
	_ =	sdelay $0x3  }
0x96: {  	_ =	strace s2  }
0x97: {  	_ =	strace $0x8FFFFFFF  }
0x98: {  	s18 =	sld [smem:$0x3FDB];
	_ =	sdelay $0x1  }
0x99: {  	s19 =	simm.s32 $_scs_section_size  }
0x9a: {  	s4 =	simm.s32 $_size__tile_overlayer_lowered;
	s5 =	simm.s32 $_tile_overlayer_lowered  }
0x9b: {  	s22 =	simm.s32 $0x1BFF;
	s21 =	sshll.u32 s5, $0x1;
	s2 =	sadd.s32 s19, s18  }
0x9c: {  	s6 =	simm.s32 $0x0;
	s20 =	sshll.u32 s4, $0x1;
	s4 =	sadd.s32 s21, s2  }
0x9d: {  	[timem:s6], [sflag:s22] =	dma.local [hbm:s4], s20  }
0x9e: {  	_ =	swait.ge [sflag:s22], s20  }
0x9f: {  	s3 =	ssub.s32 $0x0, s20;
	[sflag:s22] =	ssyncset.done $0x0  }
0xa0: {  	[sflag:s22] =	ssyncadd.s32 s3;
	_ =	sdelay $0x1  }
0xa1: {  	s23 =	simm.s32 $0x1B8B  }
0xa2: {  	_ =	swait.ge [sflag:s23], $0x1  }
0xa3: {  	[sflag:s23] =	ssyncset.done $0x0  }
0xa4: {  	s25 =	simm.s32 $0x1B8E;
	s24 =	sld [smem:$0x3FFE];
	[sflag:s23] =	ssyncadd.s32 $0xFFFFFFFF  }
0xa5: {  	s26 =	simm.s32 $execute0_lowered;
	[smem:$0x3FD2] =	sst s25  }
0xa6: {  	s4 =	sshll.u32 s26, $0x1;
	_ =	strace $0x80000046;
	[dreg:$0x1] =	wrdreg $0xFFFFFFFF  }
0xa7: {  	s28 =	simm.s32 $_size_execute0_lowered;
	s2 =	sadd.s32 s2, s4;
	[dreg:$0x0] =	wrdreg $0x0  }
0xa8: {  	s4 =	sshll.u32 s28, $0x1;
	[dreg:$0x2] =	wrdreg s2  }
0xa9: {  	[dreg:$0x3] =	wrdreg s4  }
0xaa: {  	[dreg:$0x4] =	wrdreg $0xC0  }
0xab: {  	_ =	task [dreg:s6], $0x5FFFF  }
0xac: {  	[dreg:$0x1] =	wrdreg $0xFFFFFFFF  }
0xad: {  	[dreg:$0x0] =	wrdreg $0x60  }
0xae: {  	[dreg:$0x2] =	wrdreg s24  }
0xaf: {  	[dreg:$0x3] =	wrdreg $0x9  }
0xb0: {  	_ =	task.clear_ibuf [dreg:s6], $0x4FFFF;
	_ =	strace $0x90000046  }
0xb1: {  	s29 =	simm.s32 $0x9;
	_ =	strace $0x80000048  }
0xb2: {  	_ =	swait.ge [sflag:s29], $0x1  }
0xb3: {  	[sflag:s29] =	ssyncadd.s32 $0xFFFFFFFF  }
0xb4: {  	_ =	strace $0x90000048  }
0xb5: {  	_ =	sfence  }
0xb6: {  	s30 =	sld [smem:$0x0];
	_ =	sdelay $0x2  }
0xb7: {  	s31 =	sshll.u32 s1, $0xD;
	s1 =	sshrl.u32 s1, $0x2  }
0xb8: {  	s3 =	sand.u32 $0x4000, s31;
	s1 =	sadd.s32 s1, s30  }
0xb9: {  	s0 =	sor.u32 s3, s0;
	s1 =	sshll.u32 s1, $0x11  }
0xba: {  	s0 =	sor.u32 s1, s0  }
0xbb: {  	s0 =	sadd.s32 $0x8F2B, s0  }
0xbc: {  	[sflag:s0] =	ssyncadd.remote.s32 $0x1  }
0xbd: {  	_ =	sfence.sel $0xFFFF  }
0xbe: {  	[dreg:$0x0] =	wrdreg $0xFFFFFFFF;
	(pc) =	sbr.abs _section_cstart, $3  }
0xbf: {  	[dreg:$0x1] =	wrdreg $0xFFFFFFFF  }
0xc0: {  	_ =	task.clear_ibuf [dreg:s6], $0x2FFFF;
	_ =	strace $0x9FFFFFFF  }
0xc1: {  	(tm) =	ssettm $0x7FFFFFFF  }
tec
execute0_lowered:
.L_overlay_start_1:
0x0: {  	(tag) =	ssettag $0x1  }
0x1: {  	s4 =	rddreg [dreg:$0x0]  }
0x2: {  	s2 =	simm.s32 $0x0;
	s3 =	srdreg.scid;
	s0 =	stileid.u32  }
0x3: {  	s10 =	simm.s32 $0x1;
	s11 =	simm.s32 $0x18700;
	s12 =	simm.s32 $0x1A700  }
0x4: {  	s13 =	simm.s32 $0x2;
	s14 =	simm.s32 $0x0;
	[smem:$0x7FF] =	sst s2  }
0x5: {  	s5 =	sand.u32 $0x1, s3;
	s6 =	sshll.u32 s0, $0x1;
	s3 =	sadd.s32 $0x1600, s4  }
0x6: {  	_ =	strace $0x80000047;
	s6 =	sor.u32 s5, s6;
	s5 =	ssub.s32 $0x2, s5  }
0x7: {  	s7 =	sshll.u32 s6, $0x8;
	s8 =	smul.u32 $0x187000, s6;
	s31 =	sshrl.u32 s5, $0x1  }
0x8: {  	v0 =	vimm.s32 $0x0;
	s6 =	sshll.u32 s6, $0x7;
	s7 =	sadd.s32 s7, s4;
	s9 =	ssub.s32 s5, s31  }
0x9: {  	v1 =	vlaneseq.u32;
	v2 =	vimm.s32 $0x1;
	vm1 =	vcmask $0x704;
	s5 =	sor.u32 $0x1, s6;
	s4 =	sadd.s32 s3, s8;
	s6 =	sadd.s32 $0x30E1600, s7  }
0xa: {  	vm2 =	vcmask $0xB08;
	vm3 =	vcmask $0xF0C;
	v3 =	vor.u32 $0x80000000, v1;
	s7 =	smax.u32 s9, $0x1;
	s8 =	simm.s32 $0x80;
	s9 =	simm.s32 $0x400  }
.LBB2_1:
0xb: {  	[tilespmem:s2], [sflag:$0x1] =	stream.strided.gather [hbm4b:s4+s8], $0x18700, s9, s8, $0x38;
	[tilespmem:$0x1AF00] =	vst v63  }
0xc: {  	s15 =	simm.s32 $0x0  }
.LBB2_2:
0xd: {  	_ =	swait.ge [sflag:s10], $0x18700  }
0xe: {  	[sflag:s10] =	ssyncset.done $0x0  }
0xf: {  	[sflag:s10] =	ssyncadd.s32 $0xFFFE7900  }
0x10: {  	[tilespmem:$0x18700] =	vst v0  }
0x11: {  	[tilespmem:$0x18710] =	vst v0  }
0x12: {  	[tilespmem:$0x18720] =	vst v0  }
0x13: {  	[tilespmem:$0x18730] =	vst v0  }
0x14: {  	[tilespmem:$0x18740] =	vst v0  }
0x15: {  	[tilespmem:$0x18750] =	vst v0  }
0x16: {  	[tilespmem:$0x18760] =	vst v0  }
0x17: {  	[tilespmem:$0x18770] =	vst v0  }
0x18: {  	[tilespmem:$0x18780] =	vst v0  }
0x19: {  	[tilespmem:$0x18790] =	vst v0  }
0x1a: {  	[tilespmem:$0x187A0] =	vst v0  }
0x1b: {  	[tilespmem:$0x187B0] =	vst v0  }
0x1c: {  	[tilespmem:$0x187C0] =	vst v0  }
0x1d: {  	[tilespmem:$0x187D0] =	vst v0  }
0x1e: {  	[tilespmem:$0x187E0] =	vst v0  }
0x1f: {  	[tilespmem:$0x187F0] =	vst v0  }
0x20: {  	[tilespmem:$0x18800] =	vst v0  }
0x21: {  	[tilespmem:$0x18810] =	vst v0  }
0x22: {  	[tilespmem:$0x18820] =	vst v0  }
0x23: {  	[tilespmem:$0x18830] =	vst v0  }
0x24: {  	[tilespmem:$0x18840] =	vst v0  }
0x25: {  	[tilespmem:$0x18850] =	vst v0  }
0x26: {  	[tilespmem:$0x18860] =	vst v0  }
0x27: {  	[tilespmem:$0x18870] =	vst v0  }
0x28: {  	[tilespmem:$0x18880] =	vst v0  }
0x29: {  	[tilespmem:$0x18890] =	vst v0  }
0x2a: {  	[tilespmem:$0x188A0] =	vst v0  }
0x2b: {  	[tilespmem:$0x188B0] =	vst v0  }
0x2c: {  	[tilespmem:$0x188C0] =	vst v0  }
0x2d: {  	[tilespmem:$0x188D0] =	vst v0  }
0x2e: {  	[tilespmem:$0x188E0] =	vst v0  }
0x2f: {  	[tilespmem:$0x188F0] =	vst v0  }
0x30: {  	[tilespmem:$0x18900] =	vst v0  }
0x31: {  	[tilespmem:$0x18910] =	vst v0  }
0x32: {  	[tilespmem:$0x18920] =	vst v0  }
0x33: {  	[tilespmem:$0x18930] =	vst v0  }
0x34: {  	[tilespmem:$0x18940] =	vst v0  }
0x35: {  	[tilespmem:$0x18950] =	vst v0  }
0x36: {  	[tilespmem:$0x18960] =	vst v0  }
0x37: {  	[tilespmem:$0x18970] =	vst v0  }
0x38: {  	[tilespmem:$0x18980] =	vst v0  }
0x39: {  	[tilespmem:$0x18990] =	vst v0  }
0x3a: {  	[tilespmem:$0x189A0] =	vst v0  }
0x3b: {  	[tilespmem:$0x189B0] =	vst v0  }
0x3c: {  	[tilespmem:$0x189C0] =	vst v0  }
0x3d: {  	[tilespmem:$0x189D0] =	vst v0  }
0x3e: {  	[tilespmem:$0x189E0] =	vst v0  }
0x3f: {  	[tilespmem:$0x189F0] =	vst v0  }
0x40: {  	[tilespmem:$0x18A00] =	vst v0  }
0x41: {  	[tilespmem:$0x18A10] =	vst v0  }
0x42: {  	[tilespmem:$0x18A20] =	vst v0  }
0x43: {  	[tilespmem:$0x18A30] =	vst v0  }
0x44: {  	[tilespmem:$0x18A40] =	vst v0  }
0x45: {  	[tilespmem:$0x18A50] =	vst v0  }
0x46: {  	[tilespmem:$0x18A60] =	vst v0  }
0x47: {  	[tilespmem:$0x18A70] =	vst v0  }
0x48: {  	[tilespmem:$0x18A80] =	vst v0  }
0x49: {  	[tilespmem:$0x18A90] =	vst v0  }
0x4a: {  	[tilespmem:$0x18AA0] =	vst v0  }
0x4b: {  	[tilespmem:$0x18AB0] =	vst v0  }
0x4c: {  	[tilespmem:$0x18AC0] =	vst v0  }
0x4d: {  	[tilespmem:$0x18AD0] =	vst v0  }
0x4e: {  	[tilespmem:$0x18AE0] =	vst v0  }
0x4f: {  	[tilespmem:$0x18AF0] =	vst v0  }
0x50: {  	[tilespmem:$0x18B00] =	vst v0  }
0x51: {  	[tilespmem:$0x18B10] =	vst v0  }
0x52: {  	[tilespmem:$0x18B20] =	vst v0  }
0x53: {  	[tilespmem:$0x18B30] =	vst v0  }
0x54: {  	[tilespmem:$0x18B40] =	vst v0  }
0x55: {  	[tilespmem:$0x18B50] =	vst v0  }
0x56: {  	[tilespmem:$0x18B60] =	vst v0  }
0x57: {  	[tilespmem:$0x18B70] =	vst v0  }
0x58: {  	[tilespmem:$0x18B80] =	vst v0  }
0x59: {  	[tilespmem:$0x18B90] =	vst v0  }
0x5a: {  	[tilespmem:$0x18BA0] =	vst v0  }
0x5b: {  	[tilespmem:$0x18BB0] =	vst v0  }
0x5c: {  	[tilespmem:$0x18BC0] =	vst v0  }
0x5d: {  	[tilespmem:$0x18BD0] =	vst v0  }
0x5e: {  	[tilespmem:$0x18BE0] =	vst v0  }
0x5f: {  	[tilespmem:$0x18BF0] =	vst v0  }
0x60: {  	[tilespmem:$0x18C00] =	vst v0  }
0x61: {  	[tilespmem:$0x18C10] =	vst v0  }
0x62: {  	[tilespmem:$0x18C20] =	vst v0  }
0x63: {  	[tilespmem:$0x18C30] =	vst v0  }
0x64: {  	[tilespmem:$0x18C40] =	vst v0  }
0x65: {  	[tilespmem:$0x18C50] =	vst v0  }
0x66: {  	[tilespmem:$0x18C60] =	vst v0  }
0x67: {  	[tilespmem:$0x18C70] =	vst v0  }
0x68: {  	[tilespmem:$0x18C80] =	vst v0  }
0x69: {  	[tilespmem:$0x18C90] =	vst v0  }
0x6a: {  	[tilespmem:$0x18CA0] =	vst v0  }
0x6b: {  	[tilespmem:$0x18CB0] =	vst v0  }
0x6c: {  	[tilespmem:$0x18CC0] =	vst v0  }
0x6d: {  	[tilespmem:$0x18CD0] =	vst v0  }
0x6e: {  	[tilespmem:$0x18CE0] =	vst v0  }
0x6f: {  	[tilespmem:$0x18CF0] =	vst v0  }
0x70: {  	[tilespmem:$0x18D00] =	vst v0  }
0x71: {  	[tilespmem:$0x18D10] =	vst v0  }
0x72: {  	[tilespmem:$0x18D20] =	vst v0  }
0x73: {  	[tilespmem:$0x18D30] =	vst v0  }
0x74: {  	[tilespmem:$0x18D40] =	vst v0  }
0x75: {  	[tilespmem:$0x18D50] =	vst v0  }
0x76: {  	[tilespmem:$0x18D60] =	vst v0  }
0x77: {  	[tilespmem:$0x18D70] =	vst v0  }
0x78: {  	[tilespmem:$0x18D80] =	vst v0  }
0x79: {  	[tilespmem:$0x18D90] =	vst v0  }
0x7a: {  	[tilespmem:$0x18DA0] =	vst v0  }
0x7b: {  	[tilespmem:$0x18DB0] =	vst v0  }
0x7c: {  	[tilespmem:$0x18DC0] =	vst v0  }
0x7d: {  	[tilespmem:$0x18DD0] =	vst v0  }
0x7e: {  	[tilespmem:$0x18DE0] =	vst v0  }
0x7f: {  	[tilespmem:$0x18DF0] =	vst v0  }
0x80: {  	[tilespmem:$0x18E00] =	vst v0  }
0x81: {  	[tilespmem:$0x18E10] =	vst v0  }
0x82: {  	[tilespmem:$0x18E20] =	vst v0  }
0x83: {  	[tilespmem:$0x18E30] =	vst v0  }
0x84: {  	[tilespmem:$0x18E40] =	vst v0  }
0x85: {  	[tilespmem:$0x18E50] =	vst v0  }
0x86: {  	[tilespmem:$0x18E60] =	vst v0  }
0x87: {  	[tilespmem:$0x18E70] =	vst v0  }
0x88: {  	[tilespmem:$0x18E80] =	vst v0  }
0x89: {  	[tilespmem:$0x18E90] =	vst v0  }
0x8a: {  	[tilespmem:$0x18EA0] =	vst v0  }
0x8b: {  	[tilespmem:$0x18EB0] =	vst v0  }
0x8c: {  	[tilespmem:$0x18EC0] =	vst v0  }
0x8d: {  	[tilespmem:$0x18ED0] =	vst v0  }
0x8e: {  	[tilespmem:$0x18EE0] =	vst v0  }
0x8f: {  	s16 =	simm.s32 $0x20;
	[tilespmem:$0x18EF0] =	vst v0  }
0x90: {  	v6 =	vld [tilespmem:s16+$0xFFFFFFF0];
	_ =	sdelay $0x1  }
0x91: {  	v5 =	vld [tilespmem:s16+$0x20];
	_ =	sdelay $0x1  }
0x92: {  	v8 =	vld [tilespmem:s16+$0x0]  }
0x93: {  	v9 =	vshra.s32 v6, $0x1F  }
0x94: {  	v4 =	vld [tilespmem:s16+$0x10];
	v9 =	vor.u32 $0x80000000, v9  }
0x95: {  	v7 =	vshra.s32 v5, $0x1F;
	v9 =	vxor.u32 v6, v9;
	v6 =	vld [tilespmem:s16+$0xFFFFFFE0]  }
0x96: {  	v7 =	vor.u32 $0x80000000, v7  }
0x97: {  	v10 =	vshra.s32 v8, $0x1F;
	v5 =	vxor.u32 v5, v7  }
0x98: {  	v10 =	vor.u32 $0x80000000, v10;
	v7 =	vshrl.u32 v5, $0x15  }
0x99: {  	s17 =	simm.s32 $0x0;
	s18 =	simm.s32 $0x70;
	v8 =	vxor.u32 v8, v10;
	v5 =	vshrl.u32 v9, $0x15;
	v9 =	vshra.s32 v4, $0x1F  }
.LBB2_3:
0x9a: {  	v10 =	vld [tilespmem:s18+$0x20];
	s17 =	sadd.s32 $0x5, s17;
	v11 =	vshra.s32 v6, $0x1F;
	v8 =	vshrl.u32 v8, $0x15;
	v9 =	vor.u32 $0x80000000, v9  }
0x9b: {  	v12 =	vld [tilespmem:s18+$0xFFFFFFF0];
	p0 =	slt.u32 s17, $0x1865;
	v11 =	vor.u32 $0x80000000, v11;
	v4 =	vxor.u32 v4, v9  }
0x9c: {  	v9 =	vld [tilespmem:s18+$0x0];
	v6 =	vxor.u32 v6, v11;
	v11 =	vshrl.u32 v4, $0x15  }
0x9d: {  	s16 =	simm.s32 $0x18780;
	v13 =	vshrl.u32 v6, $0x15;
	[tilespmem:v7+s11+$0x0] =	vst.idx.add.s32.msk $0xffff, v2  }
0x9e: {  	v4 =	vld [tilespmem:s18+$0x10]  }
.Ltmp0:
0x9f: {  	v6 =	vld [tilespmem:s18+$0xFFFFFFE0];
	v7 =	vshra.s32 v10, $0x1F;
	(pc) =	sbr.rel @p0 .LBB2_3-.Ltmp0, $4  }
0xa0: {  	v14 =	vshra.s32 v12, $0x1F;
	v7 =	vor.u32 $0x80000000, v7;
	[tilespmem:v5+s11+$0x0] =	vst.idx.add.s32.msk $0xffff, v2  }
0xa1: {  	v5 =	vor.u32 $0x80000000, v14;
	v14 =	vshra.s32 v9, $0x1F;
	v7 =	vxor.u32 v10, v7;
	[tilespmem:v8+s11+$0x0] =	vst.idx.add.s32.msk $0xffff, v2  }
0xa2: {  	v5 =	vxor.u32 v12, v5;
	v8 =	vor.u32 $0x80000000, v14;
	v7 =	vshrl.u32 v7, $0x15;
	[tilespmem:v13+s11+$0x0] =	vst.idx.add.s32.msk $0xffff, v2  }
0xa3: {  	s18 =	sadd.s32 $0x50, s18;
	v5 =	vshrl.u32 v5, $0x15;
	v8 =	vxor.u32 v9, v8;
	v9 =	vshra.s32 v4, $0x1F;
	[tilespmem:v11+s11+$0x0] =	vst.idx.add.s32.msk $0xffff, v2  }
0xa4: {  	v10 =	vshra.s32 v6, $0x1F;
	v9 =	vor.u32 $0x80000000, v9  }
0xa5: {  	v8 =	vshrl.u32 v8, $0x15;
	v10 =	vor.u32 $0x80000000, v10;
	v4 =	vxor.u32 v4, v9  }
0xa6: {  	v6 =	vxor.u32 v6, v10;
	v4 =	vshrl.u32 v4, $0x15  }
0xa7: {  	v6 =	vshrl.u32 v6, $0x15  }
0xa8: {  	[tilespmem:v7+s11+$0x0] =	vst.idx.add.s32.msk $0xffff, v2  }
0xa9: {  	[tilespmem:v5+s11+$0x0] =	vst.idx.add.s32.msk $0xffff, v2  }
0xaa: {  	[tilespmem:v8+s11+$0x0] =	vst.idx.add.s32.msk $0xffff, v2  }
0xab: {  	[tilespmem:v4+s11+$0x0] =	vst.idx.add.s32.msk $0xffff, v2  }
0xac: {  	[tilespmem:v6+s11+$0x0] =	vst.idx.add.s32.msk $0xffff, v2  }
0xad: {  	v4 =	vld [tilespmem:s16+$0xFFFFFF80]  }
0xae: {  	v5 =	vld [tilespmem:s16+$0xFFFFFF90]  }
0xaf: {  	v6 =	vld [tilespmem:s16+$0xFFFFFFA0]  }
0xb0: {  	v7 =	vld [tilespmem:s16+$0xFFFFFFB0]  }
0xb1: {  	v8 =	vld [tilespmem:s16+$0xFFFFFFC0]  }
0xb2: {  	v9 =	vld [tilespmem:s16+$0xFFFFFFD0]  }
0xb3: {  	v4 =	vadd.s32 v4, v5;
	v5 =	vld [tilespmem:s16+$0xFFFFFFE0]  }
0xb4: {  	v4 =	vadd.s32 v6, v4;
	v6 =	vld [tilespmem:s16+$0xFFFFFFF0]  }
0xb5: {  	v4 =	vadd.s32 v7, v4;
	v7 =	vld [tilespmem:s16+$0x0]  }
0xb6: {  	v4 =	vadd.s32 v8, v4;
	v8 =	vld [tilespmem:s16+$0x10]  }
0xb7: {  	v4 =	vadd.s32 v9, v4;
	v9 =	vld [tilespmem:s16+$0x20]  }
0xb8: {  	v10 =	vld [tilespmem:s16+$0x30];
	v4 =	vadd.s32 v5, v4  }
0xb9: {  	v11 =	vld [tilespmem:s16+$0x40];
	v4 =	vadd.s32 v6, v4  }
0xba: {  	v5 =	vld [tilespmem:s16+$0x50];
	v4 =	vadd.s32 v7, v4  }
0xbb: {  	v6 =	vld [tilespmem:s16+$0x60];
	v4 =	vadd.s32 v8, v4  }
0xbc: {  	s18 =	simm.s32 $0x18880;
	v7 =	vld [tilespmem:s16+$0x70];
	v4 =	vadd.s32 v9, v4  }
0xbd: {  	v8 =	vld [tilespmem:s18+$0xFFFFFF80];
	v9 =	vadd.s32 v10, v4  }
0xbe: {  	s17 =	simm.s32 $0x0;
	s19 =	simm.s32 $0x2;
	s16 =	simm.s32 $0x1;
	v4 =	vimm.s32 $0x0;
	v10 =	vld [tilespmem:s18+$0xFFFFFF90];
	v9 =	vadd.s32 v11, v9  }
.LBB2_5:
0xbf: {  	p0 =	sne.s32 s19, $0x7;
	v11 =	vld [tilespmem:s18+$0xFFFFFFA0];
	v5 =	vadd.s32 v5, v9  }
0xc0: {  	v9 =	vld [tilespmem:s18+$0xFFFFFFB0];
	v5 =	vadd.s32 v6, v5  }
0xc1: {  	v6 =	vld [tilespmem:s18+$0xFFFFFFC0];
	v5 =	vadd.s32 v7, v5  }
0xc2: {  	v7 =	vld [tilespmem:s18+$0xFFFFFFD0];
	(xrf0) =	vadd.scan.msk.s32 $0xffff, v5  }
0xc3: {  	v5 =	vadd.s32 v8, v10;
	v8 =	vld [tilespmem:s18+$0xFFFFFFE0]  }
0xc4: {  	v5 =	vadd.s32 v11, v5;
	v10 =	vld [tilespmem:s18+$0xFFFFFFF0]  }
0xc5: {  	v5 =	vadd.s32 v9, v5;
	v9 =	vld [tilespmem:s18+$0x0]  }
0xc6: {  	v5 =	vadd.s32 v6, v5;
	v6 =	vld [tilespmem:s18+$0x10]  }
0xc7: {  	v5 =	vadd.s32 v7, v5;
	v7 =	vld [tilespmem:s18+$0x20]  }
0xc8: {  	v5 =	vadd.s32 v8, v5;
	v11 =	vld [tilespmem:s18+$0x30];
	v8, _, _ =	vpop (xrf0)  }
0xc9: {  	v5 =	vadd.s32 v10, v5;
	v12 =	vld [tilespmem:s18+$0x40];
	v10 =	vmov s17;
	v8 =	vbroadcast v8, $0xF;
	s17 =	smov.u32 s16;
	s16 =	smov.u32 s19  }
.Ltmp1:
0xca: {  	v9 =	vadd.s32 v9, v5;
	v5 =	vld [tilespmem:s18+$0x50];
	vm0 =	veq.s32 v10, v1;
	(pc) =	sbr.rel @p0 .LBB2_5-.Ltmp1, $4  }
0xcb: {  	v9 =	vadd.s32 v6, v9;
	v6 =	vld [tilespmem:s18+$0x60];
	v4 =	vsel vm0, v8, v4  }
0xcc: {  	v9 =	vadd.s32 v7, v9;
	v7 =	vld [tilespmem:s18+$0x70];
	s18 =	sadd.s32 $0x100, s18  }
0xcd: {  	v8 =	vld [tilespmem:s18+$0xFFFFFF80];
	v9 =	vadd.s32 v11, v9  }
0xce: {  	s19 =	sadd.s32 $0x1, s19;
	v10 =	vld [tilespmem:s18+$0xFFFFFF90];
	v9 =	vadd.s32 v12, v9  }
0xcf: {  	v11 =	vld [tilespmem:s18+$0xFFFFFFA0]  }
0xd0: {  	v12 =	vld [tilespmem:s18+$0xFFFFFFB0]  }
0xd1: {  	v13 =	vld [tilespmem:s18+$0xFFFFFFC0]  }
0xd2: {  	v14 =	vld [tilespmem:s18+$0xFFFFFFD0]  }
0xd3: {  	v54 =	vld [tilespmem:s18+$0xFFFFFFE0];
	v8 =	vadd.s32 v8, v10  }
0xd4: {  	v55 =	vld [tilespmem:s18+$0xFFFFFFF0];
	v8 =	vadd.s32 v11, v8  }
0xd5: {  	v56 =	vld [tilespmem:s18+$0x0];
	v8 =	vadd.s32 v12, v8  }
0xd6: {  	v57 =	vld [tilespmem:s18+$0x10];
	v8 =	vadd.s32 v13, v8  }
0xd7: {  	v58 =	vld [tilespmem:s18+$0x20];
	v8 =	vadd.s32 v14, v8  }
0xd8: {  	v59 =	vld [tilespmem:s18+$0x30];
	v8 =	vadd.s32 v54, v8  }
0xd9: {  	v60 =	vld [tilespmem:s18+$0x40];
	v8 =	vadd.s32 v55, v8  }
0xda: {  	v61 =	vld [tilespmem:s18+$0x50];
	v8 =	vadd.s32 v56, v8  }
0xdb: {  	v62 =	vld [tilespmem:s18+$0x60];
	v8 =	vadd.s32 v57, v8  }
0xdc: {  	v63 =	vld [tilespmem:s18+$0x70];
	v8 =	vadd.s32 v58, v8  }
0xdd: {  	v8 =	vadd.s32 v59, v8  }
0xde: {  	v5 =	vadd.s32 v5, v9;
	v8 =	vadd.s32 v60, v8  }
0xdf: {  	v5 =	vadd.s32 v6, v5;
	v6 =	vadd.s32 v61, v8  }
0xe0: {  	v5 =	vadd.s32 v7, v5;
	v6 =	vadd.s32 v62, v6  }
0xe1: {  	(xrf0) =	vadd.scan.msk.s32 $0xffff, v5;
	v5 =	vadd.s32 v63, v6  }
0xe2: {  	(xrf0) =	vadd.scan.msk.s32 $0xffff, v5;
	_ =	sdelay $0x4  }
0xe3: {  	v5, _, _ =	vpop (xrf0)  }
0xe4: {  	v6 =	vmov s17;
	v5 =	vbroadcast v5, $0xF;
	v7, _, _ =	vpop (xrf0)  }
0xe5: {  	vm0 =	veq.s32 v6, v1;
	v6 =	vmov s16;
	v7 =	vbroadcast v7, $0xF  }
0xe6: {  	v4 =	vsel vm0, v5, v4;
	vm0 =	veq.s32 v6, v1  }
0xe7: {  	v4 =	vsel vm0, v7, v4  }
0xe8: {  	(xrf0) =	vadd.scan.msk.s32 $0xffff, v4;
	_ =	sdelay $0x5  }
0xe9: {  	v5, _, _ =	vpop (xrf0)  }
0xea: {  	v6 =	vbroadcast v5, $0xF;
	_ =	sdelay $0x1  }
0xeb: {  	v5 =	vsub.s32 v6, v5  }
0xec: {  	v5 =	vadd.s32 v4, v5  }
0xed: {  	vm4 =	vgt.s32 v5, $0xFFF  }
0xee: {  	v6 =	vnsel vm4, $0x80000000, v3  }
0xef: {  	(xrf0) =	vmax.scan.msk.u32 $0xffff, v6;
	_ =	sdelay $0x5  }
0xf0: {  	v6, _, _ =	vpop (xrf0)  }
0xf1: {  	(v2sf) =	vpush v6, $0xF;
	_ =	sdelay $0xe  }
0xf2: {  	s18 =	spop (v2sf)  }
0xf3: {  	s26 =	sshll.u32 s18, $0xA  }
0xf4: {  	s16 =	simm.s32 $0x0;
	s28 =	sshra.s32 s26, $0x2  }
0xf5: {  	s29 =	sand.u32 $0x80, s16;
	s19 =	sadd.s32 $0x18700, s28  }
0xf6: {  	s20 =	sand.u32 $0x70, s16;
	s17 =	sadd.s32 s29, s19  }
0xf7: {  	s17 =	sadd.s32 s20, s17  }
0xf8: {  	v7 =	vld [tilespmem:s17+$0x0];
	_ =	sdelay $0x1  }
0xf9: {  	s30 =	simm.s32 $0x10  }
0xfa: {  	s31 =	sand.u32 $0x80, s30  }
0xfb: {  	s20 =	sadd.s32 s31, s19;
	s17 =	sand.u32 $0x70, s30  }
0xfc: {  	s21 =	sadd.s32 s17, s20;
	(xrf0) =	vadd.scan.msk.s32 $0xffff, v7  }
0xfd: {  	v7 =	vld [tilespmem:s21+$0x0]  }
0xfe: {  	v6 =	vimm.s32 $0x0;
	s17 =	simm.s32 $0x1;
	s20 =	simm.s32 $0x2;
	s21 =	simm.s32 $0x20  }
.LBB2_7:
0xff: {  	s22 =	sand.u32 $0x80, s21  }
0x100: {  	p0 =	sne.s32 s20, $0xF;
	s23 =	smov.u32 s20;
	s20 =	sadd.s32 $0x1, s20  }
.Ltmp2:
0x101: {  	s24 =	sand.u32 $0x70, s21;
	s22 =	sadd.s32 s22, s19;
	(pc) =	sbr.rel @p0 .LBB2_7-.Ltmp2, $4  }
0x102: {  	s22 =	sadd.s32 s24, s22;
	(xrf0) =	vadd.scan.msk.s32 $0xffff, v7;
	v8, _, _ =	vpop (xrf0)  }
0x103: {  	v9 =	vmov s16;
	s16 =	smov.u32 s17;
	s17 =	smov.u32 s23;
	v7 =	vld [tilespmem:s22+$0x0];
	v8 =	vbroadcast v8, $0xF  }
0x104: {  	vm0 =	veq.s32 v9, v1  }
0x105: {  	s21 =	sadd.s32 $0x10, s21;
	v6 =	vsel vm0, v8, v6  }
0x106: {  	s19 =	sxor.u32 $0x80000000, s18  }
0x107: {  	v5 =	vxor.u32 $0x80000000, v5;
	v8 =	vmov s19  }
0x108: {  	v5 =	vnsel vm4, $0xFFFFFFFF, v5;
	(xrf0) =	vadd.scan.msk.s32 $0xffff, v7;
	vm0 =	veq.s32 v8, v1  }
0x109: {  	(xrf0) =	vmin.scan.msk.u32 $0xffff, v5;
	v4 =	vnsel vm0, $0x0, v4  }
0x10a: {  	(xrf0) =	vadd.scan.msk.s32 $0xffff, v4;
	_ =	sdelay $0x2  }
0x10b: {  	v4, _, _ =	vpop (xrf0)  }
0x10c: {  	v5, _, _ =	vpop (xrf0)  }
0x10d: {  	v7, _, _ =	vpop (xrf0)  }
0x10e: {  	(v2sf) =	vpush v7, $0xF;
	v7, _, _ =	vpop (xrf0)  }
0x10f: {  	(v2sf) =	vpush v7, $0xF;
	_ =	sdelay $0x2  }
0x110: {  	v4 =	vbroadcast v4, $0xF;
	v7 =	vmov s16  }
0x111: {  	v5 =	vbroadcast v5, $0xF;
	vm0 =	veq.s32 v7, v1;
	v7 =	vmov s17  }
0x112: {  	v4 =	vsel vm0, v4, v6;
	vm0 =	veq.s32 v7, v1  }
0x113: {  	v5 =	vsel vm0, v5, v4  }
0x114: {  	(xrf0) =	vadd.scan.msk.s32 $0xffff, v5;
	_ =	sdelay $0x5  }
0x115: {  	v4, _, _ =	vpop (xrf0)  }
0x116: {  	v6 =	vbroadcast v4, $0xF;
	s28 =	spop (v2sf)  }
0x117: {  	s16 =	sxor.u32 $0x80000000, s28;
	s29 =	spop (v2sf)  }
0x118: {  	v4 =	vsub.s32 v6, v4;
	s16 =	ssub.s32 s16, s29  }
0x119: {  	v6 =	vadd.s32 v5, v4;
	s17 =	ssub.s32 $0x1000, s16  }
0x11a: {  	vm0 =	vlt.s32 v6, s17  }
0x11b: {  	v4 =	vsel vm0, $0x80000000, v3  }
0x11c: {  	(xrf0) =	vmax.scan.msk.u32 $0xffff, v4;
	_ =	sdelay $0x5  }
0x11d: {  	v4, _, _ =	vpop (xrf0)  }
0x11e: {  	(v2sf) =	vpush v4, $0xF  }
0x11f: {  	s31 =	simm.s32 $0x18780  }
0x120: {  	v9 =	vld [tilespmem:s31+$0xFFFFFFA0]  }
0x121: {  	v8 =	vld [tilespmem:s31+$0xFFFFFF90]  }
0x122: {  	v7 =	vld [tilespmem:s31+$0xFFFFFF80]  }
0x123: {  	v10 =	vld [tilespmem:s31+$0xFFFFFFB0]  }
0x124: {  	v11 =	vld [tilespmem:s31+$0xFFFFFFC0]  }
0x125: {  	v12 =	vld [tilespmem:s31+$0xFFFFFFD0]  }
0x126: {  	v13 =	vld [tilespmem:s31+$0x40]  }
0x127: {  	v7 =	vadd.s32 v7, v8;
	v8 =	vld [tilespmem:s31+$0xFFFFFFE0]  }
0x128: {  	v7 =	vadd.s32 v9, v7;
	v9 =	vld [tilespmem:s31+$0xFFFFFFF0]  }
0x129: {  	v7 =	vadd.s32 v10, v7;
	v10 =	vld [tilespmem:s31+$0x0]  }
0x12a: {  	v7 =	vadd.s32 v11, v7;
	v11 =	vld [tilespmem:s31+$0x10]  }
0x12b: {  	v7 =	vadd.s32 v12, v7;
	v12 =	vld [tilespmem:s31+$0x20]  }
0x12c: {  	s22 =	simm.s32 $0x18880;
	v7 =	vadd.s32 v8, v7;
	v8 =	vld [tilespmem:s31+$0x30]  }
0x12d: {  	v14 =	vld [tilespmem:s22+$0xFFFFFF90];
	v7 =	vadd.s32 v9, v7;
	s19 =	spop (v2sf)  }
0x12e: {  	s30 =	sshll.u32 s18, $0x8;
	v9 =	vld [tilespmem:s31+$0x50];
	v7 =	vadd.s32 v10, v7;
	s20 =	sshll.u32 s19, $0x4  }
0x12f: {  	v10 =	vld [tilespmem:s31+$0x60];
	v7 =	vadd.s32 v11, v7;
	s18 =	sadd.s32 s30, s20  }
0x130: {  	v11 =	vld [tilespmem:s31+$0x70];
	v7 =	vadd.s32 v12, v7;
	s20 =	sand.u32 $0x70, s20;
	s21 =	sand.u32 $0xFFFFFF80, s18  }
0x131: {  	v12 =	vld [tilespmem:s22+$0xFFFFFF80];
	v15 =	vadd.s32 v8, v7;
	s20 =	sor.u32 s20, s21  }
0x132: {  	s23 =	simm.s32 $0x2;
	v8 =	vimm.s32 $0x0;
	v7 =	vmov s17;
	v13 =	vadd.s32 v13, v15;
	s21 =	simm.s32 $0x0;
	v4 =	vld [tilespmem:s20+$0x18700];
	s20 =	simm.s32 $0x1  }
.LBB2_9:
0x133: {  	p0 =	sne.s32 s23, $0x7;
	v15 =	vld [tilespmem:s22+$0xFFFFFFA0];
	v9 =	vadd.s32 v9, v13  }
0x134: {  	v13 =	vld [tilespmem:s22+$0xFFFFFFB0];
	v9 =	vadd.s32 v10, v9  }
0x135: {  	v10 =	vld [tilespmem:s22+$0xFFFFFFC0];
	v9 =	vadd.s32 v11, v9  }
0x136: {  	v11 =	vld [tilespmem:s22+$0xFFFFFFD0];
	(xrf0) =	vadd.scan.msk.s32 $0xffff, v9  }
0x137: {  	v9 =	vadd.s32 v12, v14;
	v12 =	vld [tilespmem:s22+$0xFFFFFFE0]  }
0x138: {  	v9 =	vadd.s32 v15, v9;
	v14 =	vld [tilespmem:s22+$0xFFFFFFF0]  }
0x139: {  	v9 =	vadd.s32 v13, v9;
	v13 =	vld [tilespmem:s22+$0x0]  }
0x13a: {  	v9 =	vadd.s32 v10, v9;
	v10 =	vld [tilespmem:s22+$0x10]  }
0x13b: {  	v9 =	vadd.s32 v11, v9;
	v11 =	vld [tilespmem:s22+$0x20]  }
0x13c: {  	v9 =	vadd.s32 v12, v9;
	v15 =	vld [tilespmem:s22+$0x30];
	v12, _, _ =	vpop (xrf0)  }
0x13d: {  	v9 =	vadd.s32 v14, v9;
	v16 =	vld [tilespmem:s22+$0x40];
	v14 =	vmov s21;
	v12 =	vbroadcast v12, $0xF;
	s21 =	smov.u32 s20;
	s20 =	smov.u32 s23  }
.Ltmp3:
0x13e: {  	v13 =	vadd.s32 v13, v9;
	v9 =	vld [tilespmem:s22+$0x50];
	vm0 =	veq.s32 v14, v1;
	(pc) =	sbr.rel @p0 .LBB2_9-.Ltmp3, $4  }
0x13f: {  	v13 =	vadd.s32 v10, v13;
	v10 =	vld [tilespmem:s22+$0x60];
	v8 =	vsel vm0, v12, v8  }
0x140: {  	v13 =	vadd.s32 v11, v13;
	v11 =	vld [tilespmem:s22+$0x70];
	s22 =	sadd.s32 $0x100, s22  }
0x141: {  	v12 =	vld [tilespmem:s22+$0xFFFFFF80];
	v13 =	vadd.s32 v15, v13  }
0x142: {  	s23 =	sadd.s32 $0x1, s23;
	v14 =	vld [tilespmem:s22+$0xFFFFFF90];
	v13 =	vadd.s32 v16, v13  }
0x143: {  	v15 =	vld [tilespmem:s22+$0xFFFFFFA0]  }
0x144: {  	v16 =	vld [tilespmem:s22+$0xFFFFFFB0]  }
0x145: {  	v17 =	vld [tilespmem:s22+$0xFFFFFFC0]  }
0x146: {  	v18 =	vld [tilespmem:s22+$0xFFFFFFD0]  }
0x147: {  	v54 =	vld [tilespmem:s22+$0xFFFFFFE0];
	v12 =	vadd.s32 v12, v14  }
0x148: {  	v55 =	vld [tilespmem:s22+$0xFFFFFFF0];
	v12 =	vadd.s32 v15, v12  }
0x149: {  	v56 =	vld [tilespmem:s22+$0x0];
	v12 =	vadd.s32 v16, v12  }
0x14a: {  	v57 =	vld [tilespmem:s22+$0x10];
	v12 =	vadd.s32 v17, v12  }
0x14b: {  	v58 =	vld [tilespmem:s22+$0x20];
	v12 =	vadd.s32 v18, v12  }
0x14c: {  	v59 =	vld [tilespmem:s22+$0x30];
	v12 =	vadd.s32 v54, v12  }
0x14d: {  	v60 =	vld [tilespmem:s22+$0x40];
	v12 =	vadd.s32 v55, v12  }
0x14e: {  	v61 =	vld [tilespmem:s22+$0x50];
	v12 =	vadd.s32 v56, v12  }
0x14f: {  	v62 =	vld [tilespmem:s22+$0x60];
	v12 =	vadd.s32 v57, v12  }
0x150: {  	v63 =	vld [tilespmem:s22+$0x70];
	v12 =	vadd.s32 v58, v12  }
0x151: {  	v12 =	vadd.s32 v59, v12  }
0x152: {  	v9 =	vadd.s32 v9, v13;
	v12 =	vadd.s32 v60, v12  }
0x153: {  	v9 =	vadd.s32 v10, v9;
	v10 =	vadd.s32 v61, v12  }
0x154: {  	v9 =	vadd.s32 v11, v9;
	v10 =	vadd.s32 v62, v10  }
0x155: {  	(xrf0) =	vadd.scan.msk.s32 $0xffff, v9;
	v9 =	vadd.s32 v63, v10  }
0x156: {  	(xrf0) =	vadd.scan.msk.s32 $0xffff, v9;
	_ =	sdelay $0x4  }
0x157: {  	v9, _, _ =	vpop (xrf0)  }
0x158: {  	v10 =	vmov s21;
	v9 =	vbroadcast v9, $0xF;
	v11, _, _ =	vpop (xrf0)  }
0x159: {  	vm0 =	veq.s32 v10, v1;
	v10 =	vmov s20;
	v11 =	vbroadcast v11, $0xF  }
0x15a: {  	v8 =	vsel vm0, v9, v8;
	vm0 =	veq.s32 v10, v1  }
0x15b: {  	v8 =	vsel vm0, v11, v8  }
0x15c: {  	(xrf0) =	vadd.scan.msk.s32 $0xffff, v8;
	_ =	sdelay $0x5  }
0x15d: {  	v9, _, _ =	vpop (xrf0)  }
0x15e: {  	v10 =	vbroadcast v9, $0xF;
	_ =	sdelay $0x1  }
0x15f: {  	v9 =	vsub.s32 v10, v9  }
0x160: {  	v9 =	vadd.s32 v8, v9  }
0x161: {  	vm4 =	vgt.s32 v9, $0x63  }
0x162: {  	v10 =	vnsel vm4, $0x80000000, v3  }
0x163: {  	(xrf0) =	vmax.scan.msk.u32 $0xffff, v10;
	_ =	sdelay $0x5  }
0x164: {  	v10, _, _ =	vpop (xrf0)  }
0x165: {  	(v2sf) =	vpush v10, $0xF;
	_ =	sdelay $0xe  }
0x166: {  	s24 =	spop (v2sf)  }
0x167: {  	s28 =	sshll.u32 s24, $0xA  }
0x168: {  	s21 =	simm.s32 $0x0;
	s20 =	sshra.s32 s28, $0x2  }
0x169: {  	s29 =	sand.u32 $0x80, s21;
	s20 =	sadd.s32 $0x18700, s20  }
0x16a: {  	s23 =	sand.u32 $0x70, s21;
	s22 =	sadd.s32 s29, s20  }
0x16b: {  	s22 =	sadd.s32 s23, s22  }
0x16c: {  	v11 =	vld [tilespmem:s22+$0x0];
	_ =	sdelay $0x1  }
0x16d: {  	s30 =	simm.s32 $0x10  }
0x16e: {  	s31 =	sand.u32 $0x80, s30  }
0x16f: {  	s23 =	sadd.s32 s31, s20;
	s22 =	sand.u32 $0x70, s30  }
0x170: {  	s25 =	sadd.s32 s22, s23;
	(xrf0) =	vadd.scan.msk.s32 $0xffff, v11  }
0x171: {  	v11 =	vld [tilespmem:s25+$0x0]  }
0x172: {  	v10 =	vimm.s32 $0x0;
	s22 =	simm.s32 $0x1;
	s23 =	simm.s32 $0x2;
	s25 =	simm.s32 $0x20  }
.LBB2_11:
0x173: {  	s26 =	sand.u32 $0x80, s25  }
0x174: {  	p0 =	sne.s32 s23, $0xF;
	s28 =	smov.u32 s23;
	s23 =	sadd.s32 $0x1, s23  }
.Ltmp4:
0x175: {  	s29 =	sand.u32 $0x70, s25;
	s26 =	sadd.s32 s26, s20;
	(pc) =	sbr.rel @p0 .LBB2_11-.Ltmp4, $4  }
0x176: {  	s26 =	sadd.s32 s29, s26;
	(xrf0) =	vadd.scan.msk.s32 $0xffff, v11;
	v12, _, _ =	vpop (xrf0)  }
0x177: {  	v13 =	vmov s21;
	s21 =	smov.u32 s22;
	s22 =	smov.u32 s28;
	v11 =	vld [tilespmem:s26+$0x0];
	v12 =	vbroadcast v12, $0xF  }
0x178: {  	vm0 =	veq.s32 v13, v1  }
0x179: {  	s25 =	sadd.s32 $0x10, s25;
	v10 =	vsel vm0, v12, v10  }
0x17a: {  	s19 =	sxor.u32 $0x80000000, s19  }
0x17b: {  	vm0 =	vlt.s32 v6, v7;
	v6 =	vxor.u32 $0x80000000, v6;
	v7 =	vmov s19  }
0x17c: {  	v6 =	vsel vm0, $0xFFFFFFFF, v6;
	(xrf0) =	vadd.scan.msk.s32 $0xffff, v11;
	vm0 =	veq.s32 v7, v1  }
0x17d: {  	(xrf0) =	vmin.scan.msk.u32 $0xffff, v6;
	v5 =	vnsel vm0, $0x0, v5  }
0x17e: {  	(xrf0) =	vadd.scan.msk.s32 $0xffff, v5;
	_ =	sdelay $0x2  }
0x17f: {  	v5, _, _ =	vpop (xrf0)  }
0x180: {  	v7, _, _ =	vpop (xrf0)  }
0x181: {  	v6, _, _ =	vpop (xrf0)  }
0x182: {  	(v2sf) =	vpush v6, $0xF;
	v6, _, _ =	vpop (xrf0)  }
0x183: {  	(v2sf) =	vpush v6, $0xF;
	_ =	sdelay $0x6  }
0x184: {  	(xrf0) =	vadd.scan.msk.s32 $0xffff, v4;
	_ =	sdelay $0x5  }
0x185: {  	v6, _, _ =	vpop (xrf0)  }
0x186: {  	v11 =	vbroadcast v6, $0xF;
	s26 =	spop (v2sf)  }
0x187: {  	s19 =	sxor.u32 $0x80000000, s26;
	s20 =	spop (v2sf)  }
0x188: {  	v6 =	vsub.s32 v11, v6;
	s20 =	ssub.s32 s19, s20  }
0x189: {  	v6 =	vadd.s32 v4, v6;
	s19 =	ssub.s32 s17, s20  }
0x18a: {  	s29 =	sxor.u32 $0x80000000, s24;
	vm0 =	vlt.s32 v6, s19  }
0x18b: {  	v9 =	vxor.u32 $0x80000000, v9;
	v12 =	vmov s29;
	v11 =	vsel vm0, $0x80000000, v3  }
0x18c: {  	v9 =	vnsel vm4, $0xFFFFFFFF, v9;
	vm0 =	veq.s32 v12, v1;
	(xrf0) =	vmax.scan.msk.u32 $0xffff, v11  }
0x18d: {  	v8 =	vnsel vm0, $0x0, v8;
	(xrf0) =	vmin.scan.msk.u32 $0xffff, v9  }
0x18e: {  	(xrf0) =	vadd.scan.msk.s32 $0xffff, v8;
	_ =	sdelay $0x3  }
0x18f: {  	v8, _, _ =	vpop (xrf0)  }
0x190: {  	(v2sf) =	vpush v8, $0xF;
	v8, _, _ =	vpop (xrf0)  }
0x191: {  	(v2sf) =	vpush v8, $0xF;
	v8, _, _ =	vpop (xrf0)  }
0x192: {  	(v2sf) =	vpush v8, $0xF;
	_ =	sdelay $0x2  }
0x193: {  	v5 =	vbroadcast v5, $0xF;
	v8 =	vmov s21  }
0x194: {  	v7 =	vbroadcast v7, $0xF;
	vm0 =	veq.s32 v8, v1;
	v8 =	vmov s22  }
0x195: {  	v5 =	vsel vm0, v5, v10;
	vm0 =	veq.s32 v8, v1  }
0x196: {  	v7 =	vsel vm0, v7, v5  }
0x197: {  	(xrf0) =	vadd.scan.msk.s32 $0xffff, v7;
	_ =	sdelay $0x5  }
0x198: {  	v5, _, _ =	vpop (xrf0);
	s21 =	spop (v2sf)  }
0x199: {  	v8 =	vbroadcast v5, $0xF;
	s30 =	spop (v2sf)  }
0x19a: {  	s17 =	sxor.u32 $0x80000000, s30;
	s31 =	spop (v2sf)  }
0x19b: {  	v5 =	vsub.s32 v8, v5;
	s17 =	ssub.s32 s17, s31  }
0x19c: {  	v8 =	vadd.s32 v7, v5;
	s23 =	ssub.s32 $0x64, s17  }
0x19d: {  	vm4 =	vlt.s32 v8, s23  }
0x19e: {  	v5 =	vsel vm4, $0x80000000, v3  }
0x19f: {  	(xrf0) =	vmax.scan.msk.u32 $0xffff, v5;
	_ =	sdelay $0x5  }
0x1a0: {  	v5, _, _ =	vpop (xrf0)  }
0x1a1: {  	(v2sf) =	vpush v5, $0xF;
	_ =	sdelay $0xe  }
0x1a2: {  	s0 =	spop (v2sf)  }
0x1a3: {  	s1 =	sshll.u32 s24, $0x8;
	s25 =	sshll.u32 s0, $0x4  }
0x1a4: {  	s24 =	sadd.s32 s1, s25  }
0x1a5: {  	s25 =	sand.u32 $0x70, s25;
	s26 =	sand.u32 $0xFFFFFF80, s24  }
0x1a6: {  	s25 =	sor.u32 s25, s26  }
0x1a7: {  	v5 =	vld [tilespmem:s25+$0x18700];
	[tilespmem:$0x18F00] =	vst v0  }
0x1a8: {  	[tilespmem:$0x18F10] =	vst v0  }
0x1a9: {  	[tilespmem:$0x18F20] =	vst v0  }
0x1aa: {  	[tilespmem:$0x18F30] =	vst v0  }
0x1ab: {  	[tilespmem:$0x18F40] =	vst v0  }
0x1ac: {  	[tilespmem:$0x18F50] =	vst v0  }
0x1ad: {  	[tilespmem:$0x18F60] =	vst v0  }
0x1ae: {  	[tilespmem:$0x18F70] =	vst v0  }
0x1af: {  	[tilespmem:$0x18F80] =	vst v0  }
0x1b0: {  	[tilespmem:$0x18F90] =	vst v0  }
0x1b1: {  	[tilespmem:$0x18FA0] =	vst v0  }
0x1b2: {  	[tilespmem:$0x18FB0] =	vst v0  }
0x1b3: {  	[tilespmem:$0x18FC0] =	vst v0  }
0x1b4: {  	[tilespmem:$0x18FD0] =	vst v0  }
0x1b5: {  	[tilespmem:$0x18FE0] =	vst v0  }
0x1b6: {  	[tilespmem:$0x18FF0] =	vst v0  }
0x1b7: {  	[tilespmem:$0x19000] =	vst v0  }
0x1b8: {  	[tilespmem:$0x19010] =	vst v0  }
0x1b9: {  	[tilespmem:$0x19020] =	vst v0  }
0x1ba: {  	[tilespmem:$0x19030] =	vst v0  }
0x1bb: {  	[tilespmem:$0x19040] =	vst v0  }
0x1bc: {  	[tilespmem:$0x19050] =	vst v0  }
0x1bd: {  	[tilespmem:$0x19060] =	vst v0  }
0x1be: {  	[tilespmem:$0x19070] =	vst v0  }
0x1bf: {  	[tilespmem:$0x19080] =	vst v0  }
0x1c0: {  	[tilespmem:$0x19090] =	vst v0  }
0x1c1: {  	[tilespmem:$0x190A0] =	vst v0  }
0x1c2: {  	[tilespmem:$0x190B0] =	vst v0  }
0x1c3: {  	[tilespmem:$0x190C0] =	vst v0  }
0x1c4: {  	[tilespmem:$0x190D0] =	vst v0  }
0x1c5: {  	[tilespmem:$0x190E0] =	vst v0  }
0x1c6: {  	[tilespmem:$0x190F0] =	vst v0  }
0x1c7: {  	[tilespmem:$0x19100] =	vst v0  }
0x1c8: {  	[tilespmem:$0x19110] =	vst v0  }
0x1c9: {  	[tilespmem:$0x19120] =	vst v0  }
0x1ca: {  	[tilespmem:$0x19130] =	vst v0  }
0x1cb: {  	[tilespmem:$0x19140] =	vst v0  }
0x1cc: {  	[tilespmem:$0x19150] =	vst v0  }
0x1cd: {  	[tilespmem:$0x19160] =	vst v0  }
0x1ce: {  	[tilespmem:$0x19170] =	vst v0  }
0x1cf: {  	[tilespmem:$0x19180] =	vst v0  }
0x1d0: {  	[tilespmem:$0x19190] =	vst v0  }
0x1d1: {  	[tilespmem:$0x191A0] =	vst v0  }
0x1d2: {  	[tilespmem:$0x191B0] =	vst v0  }
0x1d3: {  	[tilespmem:$0x191C0] =	vst v0  }
0x1d4: {  	[tilespmem:$0x191D0] =	vst v0  }
0x1d5: {  	[tilespmem:$0x191E0] =	vst v0  }
0x1d6: {  	[tilespmem:$0x191F0] =	vst v0  }
0x1d7: {  	[tilespmem:$0x19200] =	vst v0  }
0x1d8: {  	[tilespmem:$0x19210] =	vst v0  }
0x1d9: {  	[tilespmem:$0x19220] =	vst v0  }
0x1da: {  	[tilespmem:$0x19230] =	vst v0  }
0x1db: {  	[tilespmem:$0x19240] =	vst v0  }
0x1dc: {  	[tilespmem:$0x19250] =	vst v0  }
0x1dd: {  	[tilespmem:$0x19260] =	vst v0  }
0x1de: {  	[tilespmem:$0x19270] =	vst v0  }
0x1df: {  	[tilespmem:$0x19280] =	vst v0  }
0x1e0: {  	[tilespmem:$0x19290] =	vst v0  }
0x1e1: {  	[tilespmem:$0x192A0] =	vst v0  }
0x1e2: {  	[tilespmem:$0x192B0] =	vst v0  }
0x1e3: {  	[tilespmem:$0x192C0] =	vst v0  }
0x1e4: {  	[tilespmem:$0x192D0] =	vst v0  }
0x1e5: {  	[tilespmem:$0x192E0] =	vst v0  }
0x1e6: {  	[tilespmem:$0x192F0] =	vst v0  }
0x1e7: {  	[tilespmem:$0x19300] =	vst v0  }
0x1e8: {  	[tilespmem:$0x19310] =	vst v0  }
0x1e9: {  	[tilespmem:$0x19320] =	vst v0  }
0x1ea: {  	[tilespmem:$0x19330] =	vst v0  }
0x1eb: {  	[tilespmem:$0x19340] =	vst v0  }
0x1ec: {  	[tilespmem:$0x19350] =	vst v0  }
0x1ed: {  	[tilespmem:$0x19360] =	vst v0  }
0x1ee: {  	[tilespmem:$0x19370] =	vst v0  }
0x1ef: {  	[tilespmem:$0x19380] =	vst v0  }
0x1f0: {  	[tilespmem:$0x19390] =	vst v0  }
0x1f1: {  	[tilespmem:$0x193A0] =	vst v0  }
0x1f2: {  	[tilespmem:$0x193B0] =	vst v0  }
0x1f3: {  	[tilespmem:$0x193C0] =	vst v0  }
0x1f4: {  	[tilespmem:$0x193D0] =	vst v0  }
0x1f5: {  	[tilespmem:$0x193E0] =	vst v0  }
0x1f6: {  	[tilespmem:$0x193F0] =	vst v0  }
0x1f7: {  	[tilespmem:$0x19400] =	vst v0  }
0x1f8: {  	[tilespmem:$0x19410] =	vst v0  }
0x1f9: {  	[tilespmem:$0x19420] =	vst v0  }
0x1fa: {  	[tilespmem:$0x19430] =	vst v0  }
0x1fb: {  	[tilespmem:$0x19440] =	vst v0  }
0x1fc: {  	[tilespmem:$0x19450] =	vst v0  }
0x1fd: {  	[tilespmem:$0x19460] =	vst v0  }
0x1fe: {  	[tilespmem:$0x19470] =	vst v0  }
0x1ff: {  	[tilespmem:$0x19480] =	vst v0  }
0x200: {  	[tilespmem:$0x19490] =	vst v0  }
0x201: {  	[tilespmem:$0x194A0] =	vst v0  }
0x202: {  	[tilespmem:$0x194B0] =	vst v0  }
0x203: {  	[tilespmem:$0x194C0] =	vst v0  }
0x204: {  	[tilespmem:$0x194D0] =	vst v0  }
0x205: {  	[tilespmem:$0x194E0] =	vst v0  }
0x206: {  	[tilespmem:$0x194F0] =	vst v0  }
0x207: {  	[tilespmem:$0x19500] =	vst v0  }
0x208: {  	[tilespmem:$0x19510] =	vst v0  }
0x209: {  	[tilespmem:$0x19520] =	vst v0  }
0x20a: {  	[tilespmem:$0x19530] =	vst v0  }
0x20b: {  	[tilespmem:$0x19540] =	vst v0  }
0x20c: {  	[tilespmem:$0x19550] =	vst v0  }
0x20d: {  	[tilespmem:$0x19560] =	vst v0  }
0x20e: {  	[tilespmem:$0x19570] =	vst v0  }
0x20f: {  	[tilespmem:$0x19580] =	vst v0  }
0x210: {  	[tilespmem:$0x19590] =	vst v0  }
0x211: {  	[tilespmem:$0x195A0] =	vst v0  }
0x212: {  	[tilespmem:$0x195B0] =	vst v0  }
0x213: {  	[tilespmem:$0x195C0] =	vst v0  }
0x214: {  	[tilespmem:$0x195D0] =	vst v0  }
0x215: {  	[tilespmem:$0x195E0] =	vst v0  }
0x216: {  	[tilespmem:$0x195F0] =	vst v0  }
0x217: {  	[tilespmem:$0x19600] =	vst v0  }
0x218: {  	[tilespmem:$0x19610] =	vst v0  }
0x219: {  	[tilespmem:$0x19620] =	vst v0  }
0x21a: {  	[tilespmem:$0x19630] =	vst v0  }
0x21b: {  	[tilespmem:$0x19640] =	vst v0  }
0x21c: {  	[tilespmem:$0x19650] =	vst v0  }
0x21d: {  	[tilespmem:$0x19660] =	vst v0  }
0x21e: {  	[tilespmem:$0x19670] =	vst v0  }
0x21f: {  	[tilespmem:$0x19680] =	vst v0  }
0x220: {  	[tilespmem:$0x19690] =	vst v0  }
0x221: {  	[tilespmem:$0x196A0] =	vst v0  }
0x222: {  	[tilespmem:$0x196B0] =	vst v0  }
0x223: {  	[tilespmem:$0x196C0] =	vst v0  }
0x224: {  	[tilespmem:$0x196D0] =	vst v0  }
0x225: {  	[tilespmem:$0x196E0] =	vst v0  }
0x226: {  	[tilespmem:$0x196F0] =	vst v0  }
0x227: {  	[tilespmem:$0x19700] =	vst v0  }
0x228: {  	[tilespmem:$0x19710] =	vst v0  }
0x229: {  	[tilespmem:$0x19720] =	vst v0  }
0x22a: {  	[tilespmem:$0x19730] =	vst v0  }
0x22b: {  	[tilespmem:$0x19740] =	vst v0  }
0x22c: {  	[tilespmem:$0x19750] =	vst v0  }
0x22d: {  	[tilespmem:$0x19760] =	vst v0  }
0x22e: {  	[tilespmem:$0x19770] =	vst v0  }
0x22f: {  	[tilespmem:$0x19780] =	vst v0  }
0x230: {  	[tilespmem:$0x19790] =	vst v0  }
0x231: {  	[tilespmem:$0x197A0] =	vst v0  }
0x232: {  	[tilespmem:$0x197B0] =	vst v0  }
0x233: {  	[tilespmem:$0x197C0] =	vst v0  }
0x234: {  	[tilespmem:$0x197D0] =	vst v0  }
0x235: {  	[tilespmem:$0x197E0] =	vst v0  }
0x236: {  	[tilespmem:$0x197F0] =	vst v0  }
0x237: {  	[tilespmem:$0x19800] =	vst v0  }
0x238: {  	[tilespmem:$0x19810] =	vst v0  }
0x239: {  	[tilespmem:$0x19820] =	vst v0  }
0x23a: {  	[tilespmem:$0x19830] =	vst v0  }
0x23b: {  	[tilespmem:$0x19840] =	vst v0  }
0x23c: {  	[tilespmem:$0x19850] =	vst v0  }
0x23d: {  	[tilespmem:$0x19860] =	vst v0  }
0x23e: {  	[tilespmem:$0x19870] =	vst v0  }
0x23f: {  	[tilespmem:$0x19880] =	vst v0  }
0x240: {  	[tilespmem:$0x19890] =	vst v0  }
0x241: {  	[tilespmem:$0x198A0] =	vst v0  }
0x242: {  	[tilespmem:$0x198B0] =	vst v0  }
0x243: {  	[tilespmem:$0x198C0] =	vst v0  }
0x244: {  	[tilespmem:$0x198D0] =	vst v0  }
0x245: {  	[tilespmem:$0x198E0] =	vst v0  }
0x246: {  	[tilespmem:$0x198F0] =	vst v0  }
0x247: {  	[tilespmem:$0x19900] =	vst v0  }
0x248: {  	[tilespmem:$0x19910] =	vst v0  }
0x249: {  	[tilespmem:$0x19920] =	vst v0  }
0x24a: {  	[tilespmem:$0x19930] =	vst v0  }
0x24b: {  	[tilespmem:$0x19940] =	vst v0  }
0x24c: {  	[tilespmem:$0x19950] =	vst v0  }
0x24d: {  	[tilespmem:$0x19960] =	vst v0  }
0x24e: {  	[tilespmem:$0x19970] =	vst v0  }
0x24f: {  	[tilespmem:$0x19980] =	vst v0  }
0x250: {  	[tilespmem:$0x19990] =	vst v0  }
0x251: {  	[tilespmem:$0x199A0] =	vst v0  }
0x252: {  	[tilespmem:$0x199B0] =	vst v0  }
0x253: {  	[tilespmem:$0x199C0] =	vst v0  }
0x254: {  	[tilespmem:$0x199D0] =	vst v0  }
0x255: {  	[tilespmem:$0x199E0] =	vst v0  }
0x256: {  	[tilespmem:$0x199F0] =	vst v0  }
0x257: {  	[tilespmem:$0x19A00] =	vst v0  }
0x258: {  	[tilespmem:$0x19A10] =	vst v0  }
0x259: {  	[tilespmem:$0x19A20] =	vst v0  }
0x25a: {  	[tilespmem:$0x19A30] =	vst v0  }
0x25b: {  	[tilespmem:$0x19A40] =	vst v0  }
0x25c: {  	[tilespmem:$0x19A50] =	vst v0  }
0x25d: {  	[tilespmem:$0x19A60] =	vst v0  }
0x25e: {  	[tilespmem:$0x19A70] =	vst v0  }
0x25f: {  	[tilespmem:$0x19A80] =	vst v0  }
0x260: {  	[tilespmem:$0x19A90] =	vst v0  }
0x261: {  	[tilespmem:$0x19AA0] =	vst v0  }
0x262: {  	[tilespmem:$0x19AB0] =	vst v0  }
0x263: {  	[tilespmem:$0x19AC0] =	vst v0  }
0x264: {  	[tilespmem:$0x19AD0] =	vst v0  }
0x265: {  	[tilespmem:$0x19AE0] =	vst v0  }
0x266: {  	[tilespmem:$0x19AF0] =	vst v0  }
0x267: {  	[tilespmem:$0x19B00] =	vst v0  }
0x268: {  	[tilespmem:$0x19B10] =	vst v0  }
0x269: {  	[tilespmem:$0x19B20] =	vst v0  }
0x26a: {  	[tilespmem:$0x19B30] =	vst v0  }
0x26b: {  	[tilespmem:$0x19B40] =	vst v0  }
0x26c: {  	[tilespmem:$0x19B50] =	vst v0  }
0x26d: {  	[tilespmem:$0x19B60] =	vst v0  }
0x26e: {  	[tilespmem:$0x19B70] =	vst v0  }
0x26f: {  	[tilespmem:$0x19B80] =	vst v0  }
0x270: {  	[tilespmem:$0x19B90] =	vst v0  }
0x271: {  	[tilespmem:$0x19BA0] =	vst v0  }
0x272: {  	[tilespmem:$0x19BB0] =	vst v0  }
0x273: {  	[tilespmem:$0x19BC0] =	vst v0  }
0x274: {  	[tilespmem:$0x19BD0] =	vst v0  }
0x275: {  	[tilespmem:$0x19BE0] =	vst v0  }
0x276: {  	[tilespmem:$0x19BF0] =	vst v0  }
0x277: {  	[tilespmem:$0x19C00] =	vst v0  }
0x278: {  	[tilespmem:$0x19C10] =	vst v0  }
0x279: {  	[tilespmem:$0x19C20] =	vst v0  }
0x27a: {  	s22 =	sxor.u32 $0x80000000, s0;
	[tilespmem:$0x19C30] =	vst v0  }
0x27b: {  	v8 =	vxor.u32 $0x80000000, v8;
	v9 =	vmov s22;
	[tilespmem:$0x19C40] =	vst v0  }
0x27c: {  	v8 =	vsel vm4, $0xFFFFFFFF, v8;
	vm0 =	veq.s32 v9, v1;
	[tilespmem:$0x19C50] =	vst v0  }
0x27d: {  	(xrf0) =	vmin.scan.msk.u32 $0xffff, v8;
	v7 =	vnsel vm0, $0x0, v7;
	[tilespmem:$0x19C60] =	vst v0  }
0x27e: {  	(xrf0) =	vadd.scan.msk.s32 $0xffff, v7;
	[tilespmem:$0x19C70] =	vst v0  }
0x27f: {  	[tilespmem:$0x19C80] =	vst v0  }
0x280: {  	[tilespmem:$0x19C90] =	vst v0  }
0x281: {  	[tilespmem:$0x19CA0] =	vst v0  }
0x282: {  	[tilespmem:$0x19CB0] =	vst v0  }
0x283: {  	[tilespmem:$0x19CC0] =	vst v0;
	v7, _, _ =	vpop (xrf0)  }
0x284: {  	[tilespmem:$0x19CD0] =	vst v0;
	(v2sf) =	vpush v7, $0xF;
	v7, _, _ =	vpop (xrf0)  }
0x285: {  	[tilespmem:$0x19CE0] =	vst v0;
	(v2sf) =	vpush v7, $0xF  }
0x286: {  	[tilespmem:$0x19CF0] =	vst v0  }
0x287: {  	[tilespmem:$0x19D00] =	vst v0  }
0x288: {  	[tilespmem:$0x19D10] =	vst v0  }
0x289: {  	[tilespmem:$0x19D20] =	vst v0  }
0x28a: {  	[tilespmem:$0x19D30] =	vst v0  }
0x28b: {  	[tilespmem:$0x19D40] =	vst v0  }
0x28c: {  	[tilespmem:$0x19D50] =	vst v0;
	(xrf0) =	vadd.scan.msk.s32 $0xffff, v5  }
0x28d: {  	[tilespmem:$0x19D60] =	vst v0  }
0x28e: {  	[tilespmem:$0x19D70] =	vst v0  }
0x28f: {  	[tilespmem:$0x19D80] =	vst v0  }
0x290: {  	[tilespmem:$0x19D90] =	vst v0  }
0x291: {  	[tilespmem:$0x19DA0] =	vst v0  }
0x292: {  	[tilespmem:$0x19DB0] =	vst v0;
	v7, _, _ =	vpop (xrf0)  }
0x293: {  	[tilespmem:$0x19DC0] =	vst v0;
	v8 =	vbroadcast v7, $0xF;
	s26 =	spop (v2sf)  }
0x294: {  	[tilespmem:$0x19DD0] =	vst v0;
	s22 =	sxor.u32 $0x80000000, s26;
	s29 =	spop (v2sf)  }
0x295: {  	[tilespmem:$0x19DE0] =	vst v0;
	v7 =	vsub.s32 v8, v7;
	s22 =	ssub.s32 s22, s29  }
0x296: {  	[tilespmem:$0x19DF0] =	vst v0;
	v7 =	vadd.s32 v5, v7;
	s25 =	ssub.s32 s23, s22  }
0x297: {  	[tilespmem:$0x19E00] =	vst v0;
	vm0 =	vlt.s32 v7, s25  }
0x298: {  	[tilespmem:$0x19E10] =	vst v0;
	v8 =	vsel vm0, $0x80000000, v3  }
0x299: {  	[tilespmem:$0x19E20] =	vst v0;
	(xrf0) =	vmax.scan.msk.u32 $0xffff, v8  }
0x29a: {  	[tilespmem:$0x19E30] =	vst v0  }
0x29b: {  	[tilespmem:$0x19E40] =	vst v0  }
0x29c: {  	[tilespmem:$0x19E50] =	vst v0  }
0x29d: {  	[tilespmem:$0x19E60] =	vst v0  }
0x29e: {  	[tilespmem:$0x19E70] =	vst v0  }
0x29f: {  	[tilespmem:$0x19E80] =	vst v0;
	v8, _, _ =	vpop (xrf0)  }
0x2a0: {  	[tilespmem:$0x19E90] =	vst v0;
	(v2sf) =	vpush v8, $0xF  }
0x2a1: {  	[tilespmem:$0x19EA0] =	vst v0  }
0x2a2: {  	[tilespmem:$0x19EB0] =	vst v0  }
0x2a3: {  	[tilespmem:$0x19EC0] =	vst v0  }
0x2a4: {  	[tilespmem:$0x19ED0] =	vst v0  }
0x2a5: {  	[tilespmem:$0x19EF0] =	vst v0  }
0x2a6: {  	s30 =	simm.s32 $0x20;
	[tilespmem:$0x19EE0] =	vst v0  }
0x2a7: {  	v10 =	vld [tilespmem:s30+$0x20]  }
0x2a8: {  	v13 =	vld [tilespmem:s30+$0xFFFFFFF0]  }
0x2a9: {  	v14 =	vld [tilespmem:s30+$0x0]  }
0x2aa: {  	v16 =	vld [tilespmem:s30+$0xFFFFFFE0];
	_ =	sdelay $0x1  }
0x2ab: {  	s21 =	sxor.u32 $0x80000000, s21  }
0x2ac: {  	v9 =	vmov s19;
	s19 =	sadd.s32 s18, s21  }
0x2ad: {  	v12 =	vmov s19;
	v15 =	vld [tilespmem:s30+$0x10];
	v17 =	vshra.s32 v10, $0x1F;
	v18 =	vshra.s32 v13, $0x1F  }
0x2ae: {  	v19 =	vshra.s32 v14, $0x1F;
	v21 =	vshra.s32 v16, $0x1F;
	v17 =	vor.u32 $0x80000000, v17;
	s31 =	spop (v2sf)  }
0x2af: {  	v18 =	vor.u32 $0x80000000, v18;
	v21 =	vor.u32 $0x80000000, v21;
	v10 =	vxor.u32 v10, v17;
	s23 =	sxor.u32 $0x80000000, s31  }
0x2b0: {  	v19 =	vor.u32 $0x80000000, v19;
	v20 =	vshrl.u32 v10, $0x15;
	v10 =	vshrl.u32 v10, $0xA;
	s18 =	sadd.s32 s24, s23  }
0x2b1: {  	v10 =	vand.u32 $0x7FF, v10;
	vm0 =	veq.s32 v20, v12;
	v11 =	vmov s18  }
0x2b2: {  	v17 =	vshra.s32 v15, $0x1F;
	v22 =	vor.u32 $0x800, v10;
	vm4 =	veq.s32 v20, v11  }
0x2b3: {  	v16 =	vxor.u32 v16, v21;
	v13 =	vxor.u32 v13, v18;
	v10 =	vor.u32 $0x1000, v10  }
0x2b4: {  	v14 =	vxor.u32 v14, v19;
	v17 =	vor.u32 $0x80000000, v17;
	v18 =	vshrl.u32 v16, $0xA  }
0x2b5: {  	v21 =	vshrl.u32 v13, $0xA;
	v19 =	vshrl.u32 v16, $0x15;
	v24 =	vshrl.u32 v14, $0xA  }
0x2b6: {  	v23 =	vxor.u32 v15, v17;
	v17 =	vshrl.u32 v13, $0x15;
	v15 =	vshrl.u32 v14, $0x15  }
0x2b7: {  	v14 =	vand.u32 $0x7FF, v24;
	v16 =	vshrl.u32 v23, $0xA;
	v13 =	vshrl.u32 v23, $0x15;
	[tilespmem:v22+s11+$0x0] =	vst.idx.add.s32.msk vm0, v2  }
0x2b8: {  	s28 =	simm.s32 $0x70;
	s26 =	simm.s32 $0x0;
	v8 =	vmov s25;
	s25 =	simm.s32 $0x18FF0;
	v20 =	vand.u32 $0x7FF, v18;
	v18 =	vand.u32 $0x7FF, v21;
	[tilespmem:v10+s11+$0x0] =	vst.idx.add.s32.msk vm4, v2  }
.LBB2_13:
0x2b9: {  	v21 =	vld [tilespmem:s28+$0x20];
	vm9 =	veq.s32 v19, v12;
	v22 =	vor.u32 $0x800, v20;
	v10 =	vand.u32 $0x7FF, v16  }
0x2ba: {  	s26 =	sadd.s32 $0x5, s26;
	vm10 =	veq.s32 v19, v11;
	v19 =	vor.u32 $0x1000, v20;
	vm7 =	veq.s32 v17, v12;
	v16 =	vld [tilespmem:s28+$0xFFFFFFF0]  }
0x2bb: {  	v23 =	vor.u32 $0x800, v18;
	vm8 =	veq.s32 v17, v11;
	v17 =	vor.u32 $0x1000, v18;
	p0 =	slt.u32 s26, $0x1865;
	v20 =	vld [tilespmem:s28+$0x0]  }
0x2bc: {  	vm0 =	veq.s32 v15, v12;
	v24 =	vor.u32 $0x800, v14;
	vm6 =	veq.s32 v15, v11;
	v18 =	vld [tilespmem:s28+$0x10]  }
0x2bd: {  	v14 =	vor.u32 $0x1000, v14;
	vm5 =	veq.s32 v13, v12;
	v25 =	vor.u32 $0x800, v10;
	v15 =	vld [tilespmem:s28+$0xFFFFFFE0]  }
0x2be: {  	vm4 =	veq.s32 v13, v11;
	v13 =	vor.u32 $0x1000, v10;
	v26 =	vshra.s32 v21, $0x1F  }
0x2bf: {  	v10 =	vimm.s32 $0x0;
	v27 =	vshra.s32 v16, $0x1F;
	v26 =	vor.u32 $0x80000000, v26;
	[tilespmem:v22+s11+$0x0] =	vst.idx.add.s32.msk vm9, v2  }
0x2c0: {  	v22 =	vor.u32 $0x80000000, v27;
	v27 =	vshra.s32 v20, $0x1F;
	v21 =	vxor.u32 v21, v26;
	[tilespmem:v19+s11+$0x0] =	vst.idx.add.s32.msk vm10, v2  }
0x2c1: {  	v19 =	vshra.s32 v18, $0x1F;
	v26 =	vshrl.u32 v21, $0x15;
	v21 =	vshrl.u32 v21, $0xA;
	[tilespmem:v23+s11+$0x0] =	vst.idx.add.s32.msk vm7, v2  }
0x2c2: {  	v23 =	vshra.s32 v15, $0x1F;
	vm7 =	veq.s32 v26, v12;
	v21 =	vand.u32 $0x7FF, v21;
	[tilespmem:v17+s11+$0x0] =	vst.idx.add.s32.msk vm8, v2  }
0x2c3: {  	vm8 =	veq.s32 v26, v11;
	v17 =	vor.u32 $0x80000000, v23;
	v23 =	vor.u32 $0x800, v21;
	[tilespmem:v24+s11+$0x0] =	vst.idx.add.s32.msk vm0, v2  }
0x2c4: {  	v19 =	vor.u32 $0x80000000, v19;
	v24 =	vor.u32 $0x80000000, v27;
	v21 =	vor.u32 $0x1000, v21;
	[tilespmem:v14+s11+$0x0] =	vst.idx.add.s32.msk vm6, v2  }
.Ltmp5:
0x2c5: {  	v14 =	vxor.u32 v15, v17;
	v15 =	vxor.u32 v16, v22;
	v22 =	vxor.u32 v20, v24;
	(pc) =	sbr.rel @p0 .LBB2_13-.Ltmp5, $4  }
0x2c6: {  	v26 =	vxor.u32 v18, v19;
	v17 =	vshrl.u32 v14, $0xA;
	v24 =	vshrl.u32 v15, $0xA;
	[tilespmem:v25+s11+$0x0] =	vst.idx.add.s32.msk vm5, v2  }
0x2c7: {  	v16 =	vshrl.u32 v26, $0xA;
	v19 =	vshrl.u32 v14, $0x15;
	v14 =	vshrl.u32 v22, $0xA;
	[tilespmem:v13+s11+$0x0] =	vst.idx.add.s32.msk vm4, v2  }
0x2c8: {  	v20 =	vand.u32 $0x7FF, v17;
	v17 =	vshrl.u32 v15, $0x15;
	v18 =	vand.u32 $0x7FF, v24;
	[tilespmem:v23+s11+$0x0] =	vst.idx.add.s32.msk vm7, v2  }
0x2c9: {  	s24 =	simm.s32 $0x0;
	s28 =	sadd.s32 $0x50, s28;
	v15 =	vshrl.u32 v22, $0x15;
	v14 =	vand.u32 $0x7FF, v14;
	v13 =	vshrl.u32 v26, $0x15;
	[tilespmem:v21+s11+$0x0] =	vst.idx.add.s32.msk vm8, v2  }
0x2ca: {  	vm0 =	veq.s32 v19, v12;
	v21 =	vor.u32 $0x800, v20  }
0x2cb: {  	vm5 =	veq.s32 v17, v12;
	v63 =	vor.u32 $0x800, v18;
	vm6 =	veq.s32 v17, v11  }
0x2cc: {  	v17 =	vor.u32 $0x1000, v18;
	vm7 =	veq.s32 v15, v12;
	v18 =	vor.u32 $0x800, v14  }
0x2cd: {  	vm8 =	veq.s32 v15, v11;
	v15 =	vand.u32 $0x7FF, v16;
	vm9 =	veq.s32 v13, v12  }
0x2ce: {  	vm4 =	veq.s32 v19, v11;
	v12 =	vor.u32 $0x800, v15  }
0x2cf: {  	v19 =	vor.u32 $0x1000, v20  }
0x2d0: {  	[tilespmem:v21+s11+$0x0] =	vst.idx.add.s32.msk vm0, v2  }
0x2d1: {  	v14 =	vor.u32 $0x1000, v14;
	vm0 =	veq.s32 v13, v11;
	[tilespmem:v63+s11+$0x0] =	vst.idx.add.s32.msk vm5, v2  }
0x2d2: {  	v11 =	vor.u32 $0x1000, v15;
	[tilespmem:v18+s11+$0x0] =	vst.idx.add.s32.msk vm7, v2  }
0x2d3: {  	[tilespmem:v12+s11+$0x0] =	vst.idx.add.s32.msk vm9, v2  }
0x2d4: {  	[tilespmem:v19+s11+$0x0] =	vst.idx.add.s32.msk vm4, v2  }
0x2d5: {  	[tilespmem:v17+s11+$0x0] =	vst.idx.add.s32.msk vm6, v2  }
0x2d6: {  	[tilespmem:v14+s11+$0x0] =	vst.idx.add.s32.msk vm8, v2  }
0x2d7: {  	[tilespmem:v11+s11+$0x0] =	vst.idx.add.s32.msk vm0, v2  }
0x2d8: {  	v11 =	vld [tilespmem:s25+$0xFFFFFF10]  }
0x2d9: {  	v12 =	vld [tilespmem:s25+$0xFFFFFF20]  }
0x2da: {  	v13 =	vld [tilespmem:s25+$0xFFFFFF30]  }
0x2db: {  	v14 =	vld [tilespmem:s25+$0xFFFFFF40]  }
0x2dc: {  	v15 =	vld [tilespmem:s25+$0xFFFFFF50]  }
0x2dd: {  	v16 =	vld [tilespmem:s25+$0xFFFFFF60]  }
0x2de: {  	v11 =	vadd.s32 v11, v12;
	v12 =	vld [tilespmem:s25+$0xFFFFFF70]  }
0x2df: {  	v11 =	vadd.s32 v13, v11;
	v13 =	vld [tilespmem:s25+$0xFFFFFF80]  }
0x2e0: {  	v11 =	vadd.s32 v14, v11;
	v14 =	vld [tilespmem:s25+$0xFFFFFF90]  }
0x2e1: {  	v11 =	vadd.s32 v15, v11;
	v15 =	vld [tilespmem:s25+$0xFFFFFFA0]  }
0x2e2: {  	v11 =	vadd.s32 v16, v11;
	v16 =	vld [tilespmem:s25+$0xFFFFFFB0]  }
0x2e3: {  	v17 =	vld [tilespmem:s25+$0xFFFFFFC0];
	v11 =	vadd.s32 v12, v11  }
0x2e4: {  	v18 =	vld [tilespmem:s25+$0xFFFFFFD0];
	v11 =	vadd.s32 v13, v11  }
0x2e5: {  	v12 =	vadd.s32 v14, v11;
	v11 =	vld [tilespmem:s25+$0xFFFFFFE0]  }
0x2e6: {  	v13 =	vadd.s32 v15, v12;
	v12 =	vld [tilespmem:s25+$0xFFFFFFF0]  }
0x2e7: {  	s26 =	simm.s32 $0x190F0;
	v14 =	vadd.s32 v16, v13;
	v13 =	vld [tilespmem:s25+$0x0]  }
0x2e8: {  	v15 =	vld [tilespmem:s26+$0xFFFFFF10];
	v14 =	vadd.s32 v17, v14  }
0x2e9: {  	s28 =	simm.s32 $0x2;
	s25 =	simm.s32 $0x1;
	v16 =	vld [tilespmem:s26+$0xFFFFFF20];
	v14 =	vadd.s32 v18, v14  }
.LBB2_15:
0x2ea: {  	p0 =	sne.s32 s28, $0x7;
	v17 =	vld [tilespmem:s26+$0xFFFFFF30];
	v11 =	vadd.s32 v11, v14  }
0x2eb: {  	v14 =	vld [tilespmem:s26+$0xFFFFFF40];
	v11 =	vadd.s32 v12, v11  }
0x2ec: {  	v12 =	vld [tilespmem:s26+$0xFFFFFF50];
	v11 =	vadd.s32 v13, v11  }
0x2ed: {  	v13 =	vld [tilespmem:s26+$0xFFFFFF60];
	(xrf0) =	vadd.scan.msk.s32 $0xffff, v11  }
0x2ee: {  	v11 =	vadd.s32 v15, v16;
	v15 =	vld [tilespmem:s26+$0xFFFFFF70]  }
0x2ef: {  	v11 =	vadd.s32 v17, v11;
	v16 =	vld [tilespmem:s26+$0xFFFFFF80]  }
0x2f0: {  	v11 =	vadd.s32 v14, v11;
	v14 =	vld [tilespmem:s26+$0xFFFFFF90]  }
0x2f1: {  	v11 =	vadd.s32 v12, v11;
	v12 =	vld [tilespmem:s26+$0xFFFFFFA0]  }
0x2f2: {  	v11 =	vadd.s32 v13, v11;
	v13 =	vld [tilespmem:s26+$0xFFFFFFB0]  }
0x2f3: {  	v11 =	vadd.s32 v15, v11;
	v17 =	vld [tilespmem:s26+$0xFFFFFFC0];
	v15, _, _ =	vpop (xrf0)  }
0x2f4: {  	v11 =	vadd.s32 v16, v11;
	v18 =	vld [tilespmem:s26+$0xFFFFFFD0];
	v16 =	vmov s24;
	v15 =	vbroadcast v15, $0xF;
	s24 =	smov.u32 s25;
	s25 =	smov.u32 s28  }
.Ltmp6:
0x2f5: {  	v14 =	vadd.s32 v14, v11;
	v11 =	vld [tilespmem:s26+$0xFFFFFFE0];
	vm0 =	veq.s32 v16, v1;
	(pc) =	sbr.rel @p0 .LBB2_15-.Ltmp6, $4  }
0x2f6: {  	v14 =	vadd.s32 v12, v14;
	v12 =	vld [tilespmem:s26+$0xFFFFFFF0];
	v10 =	vsel vm0, v15, v10  }
0x2f7: {  	v14 =	vadd.s32 v13, v14;
	v13 =	vld [tilespmem:s26+$0x0];
	s26 =	sadd.s32 $0x100, s26  }
0x2f8: {  	v15 =	vld [tilespmem:s26+$0xFFFFFF10];
	v14 =	vadd.s32 v17, v14  }
0x2f9: {  	s28 =	sadd.s32 $0x1, s28;
	v16 =	vld [tilespmem:s26+$0xFFFFFF20];
	v14 =	vadd.s32 v18, v14  }
0x2fa: {  	v17 =	vld [tilespmem:s26+$0xFFFFFF30]  }
0x2fb: {  	v18 =	vld [tilespmem:s26+$0xFFFFFF40]  }
0x2fc: {  	v19 =	vld [tilespmem:s26+$0xFFFFFF50]  }
0x2fd: {  	v20 =	vld [tilespmem:s26+$0xFFFFFF60]  }
0x2fe: {  	v52 =	vld [tilespmem:s26+$0xFFFFFF70];
	v15 =	vadd.s32 v15, v16  }
0x2ff: {  	v53 =	vld [tilespmem:s26+$0xFFFFFF80];
	v15 =	vadd.s32 v17, v15  }
0x300: {  	v54 =	vld [tilespmem:s26+$0xFFFFFF90];
	v15 =	vadd.s32 v18, v15  }
0x301: {  	v55 =	vld [tilespmem:s26+$0xFFFFFFA0];
	v15 =	vadd.s32 v19, v15  }
0x302: {  	v56 =	vld [tilespmem:s26+$0xFFFFFFB0];
	v15 =	vadd.s32 v20, v15  }
0x303: {  	v57 =	vld [tilespmem:s26+$0xFFFFFFC0];
	v15 =	vadd.s32 v52, v15  }
0x304: {  	v58 =	vld [tilespmem:s26+$0xFFFFFFD0];
	v15 =	vadd.s32 v53, v15  }
0x305: {  	v59 =	vld [tilespmem:s26+$0xFFFFFFE0];
	v15 =	vadd.s32 v54, v15  }
0x306: {  	v60 =	vld [tilespmem:s26+$0xFFFFFFF0];
	v15 =	vadd.s32 v55, v15  }
0x307: {  	v61 =	vld [tilespmem:s26+$0x0];
	v15 =	vadd.s32 v56, v15  }
0x308: {  	v15 =	vadd.s32 v57, v15  }
0x309: {  	v11 =	vadd.s32 v11, v14;
	v62 =	vadd.s32 v58, v15  }
0x30a: {  	v11 =	vadd.s32 v12, v11;
	v63 =	vadd.s32 v59, v62  }
0x30b: {  	v11 =	vadd.s32 v13, v11;
	v12 =	vadd.s32 v60, v63  }
0x30c: {  	vm0 =	vlt.s32 v6, v9;
	v6 =	vxor.u32 $0x80000000, v6;
	(xrf0) =	vadd.scan.msk.s32 $0xffff, v11;
	v11 =	vadd.s32 v61, v12  }
0x30d: {  	v9 =	vmov s21;
	v6 =	vsel vm0, $0xFFFFFFFF, v6;
	(xrf0) =	vadd.scan.msk.s32 $0xffff, v11  }
0x30e: {  	vm0 =	veq.s32 v9, v1;
	(xrf0) =	vmin.scan.msk.u32 $0xffff, v6  }
0x30f: {  	v4 =	vnsel vm0, $0x0, v4  }
0x310: {  	(xrf0) =	vadd.scan.msk.s32 $0xffff, v4;
	_ =	sdelay $0x1  }
0x311: {  	v4, _, _ =	vpop (xrf0)  }
0x312: {  	v6, _, _ =	vpop (xrf0)  }
0x313: {  	v9, _, _ =	vpop (xrf0)  }
0x314: {  	(v2sf) =	vpush v9, $0xF  }
0x315: {  	v9, _, _ =	vpop (xrf0)  }
0x316: {  	(v2sf) =	vpush v9, $0xF;
	_ =	sdelay $0x2  }
0x317: {  	v4 =	vbroadcast v4, $0xF;
	v9 =	vmov s24  }
0x318: {  	v6 =	vbroadcast v6, $0xF;
	vm0 =	veq.s32 v9, v1;
	v9 =	vmov s25  }
0x319: {  	v4 =	vsel vm0, v4, v10;
	vm0 =	veq.s32 v9, v1  }
0x31a: {  	v4 =	vsel vm0, v6, v4  }
0x31b: {  	(xrf0) =	vadd.scan.msk.s32 $0xffff, v4;
	_ =	sdelay $0x5  }
0x31c: {  	v6, _, _ =	vpop (xrf0);
	s0 =	spop (v2sf)  }
0x31d: {  	s16 =	sadd.s32 s20, s16;
	v9 =	vbroadcast v6, $0xF;
	s21 =	sxor.u32 $0x7FFFFFFF, s0  }
0x31e: {  	s1 =	spop (v2sf);
	s16 =	ssub.s32 s21, s16  }
0x31f: {  	v6 =	vsub.s32 v9, v6;
	s16 =	sadd.s32 s1, s16  }
0x320: {  	v6 =	vadd.s32 v4, v6;
	s20 =	sadd.s32 $0x1001, s16  }
0x321: {  	vm0 =	vlt.s32 v6, s20  }
0x322: {  	v9 =	vsel vm0, $0x80000000, v3  }
0x323: {  	(xrf0) =	vmax.scan.msk.u32 $0xffff, v9;
	_ =	sdelay $0x5  }
0x324: {  	v9, _, _ =	vpop (xrf0)  }
0x325: {  	(v2sf) =	vpush v9, $0xF;
	_ =	sdelay $0xe  }
0x326: {  	s16 =	spop (v2sf)  }
0x327: {  	s24 =	sshll.u32 s16, $0xA  }
0x328: {  	s21 =	simm.s32 $0x0;
	s25 =	sshra.s32 s24, $0x2  }
0x329: {  	s26 =	sand.u32 $0x80, s21;
	s25 =	sadd.s32 $0x18F00, s25  }
0x32a: {  	s29 =	sand.u32 $0x70, s21;
	s24 =	sadd.s32 s26, s25  }
0x32b: {  	s24 =	sadd.s32 s29, s24  }
0x32c: {  	v11 =	vld [tilespmem:s24+$0x0];
	_ =	sdelay $0x1  }
0x32d: {  	s30 =	simm.s32 $0x10  }
0x32e: {  	s31 =	sand.u32 $0x80, s30  }
0x32f: {  	s26 =	sadd.s32 s31, s25;
	s24 =	sand.u32 $0x70, s30  }
0x330: {  	s28 =	sadd.s32 s24, s26;
	(xrf0) =	vadd.scan.msk.s32 $0xffff, v11  }
0x331: {  	v11 =	vld [tilespmem:s28+$0x0]  }
0x332: {  	v10 =	vmov s20;
	v9 =	vimm.s32 $0x0;
	s24 =	simm.s32 $0x1;
	s26 =	simm.s32 $0x2;
	s28 =	simm.s32 $0x20  }
.LBB2_17:
0x333: {  	s29 =	sand.u32 $0x80, s28  }
0x334: {  	p0 =	sne.s32 s26, $0xF;
	s30 =	smov.u32 s26;
	s26 =	sadd.s32 $0x1, s26  }
.Ltmp7:
0x335: {  	s31 =	sand.u32 $0x70, s28;
	s29 =	sadd.s32 s29, s25;
	(pc) =	sbr.rel @p0 .LBB2_17-.Ltmp7, $4  }
0x336: {  	s29 =	sadd.s32 s31, s29;
	(xrf0) =	vadd.scan.msk.s32 $0xffff, v11;
	v12, _, _ =	vpop (xrf0)  }
0x337: {  	v13 =	vmov s21;
	s21 =	smov.u32 s24;
	s24 =	smov.u32 s30;
	v11 =	vld [tilespmem:s29+$0x0];
	v12 =	vbroadcast v12, $0xF  }
0x338: {  	vm0 =	veq.s32 v13, v1  }
0x339: {  	s28 =	sadd.s32 $0x10, s28;
	v9 =	vsel vm0, v12, v9  }
0x33a: {  	s25 =	sxor.u32 $0x80000000, s16  }
0x33b: {  	vm0 =	vlt.s32 v6, v10;
	v6 =	vxor.u32 $0x80000000, v6;
	v10 =	vmov s25  }
0x33c: {  	v6 =	vsel vm0, $0xFFFFFFFF, v6;
	(xrf0) =	vadd.scan.msk.s32 $0xffff, v11;
	vm0 =	veq.s32 v10, v1  }
0x33d: {  	(xrf0) =	vmin.scan.msk.u32 $0xffff, v6;
	v4 =	vnsel vm0, $0x0, v4  }
0x33e: {  	(xrf0) =	vadd.scan.msk.s32 $0xffff, v4;
	_ =	sdelay $0x2  }
0x33f: {  	v4, _, _ =	vpop (xrf0)  }
0x340: {  	v6, _, _ =	vpop (xrf0)  }
0x341: {  	v10, _, _ =	vpop (xrf0)  }
0x342: {  	(v2sf) =	vpush v10, $0xF;
	v10, _, _ =	vpop (xrf0)  }
0x343: {  	(v2sf) =	vpush v10, $0xF;
	_ =	sdelay $0x2  }
0x344: {  	v4 =	vbroadcast v4, $0xF;
	v10 =	vmov s21  }
0x345: {  	v6 =	vbroadcast v6, $0xF;
	vm0 =	veq.s32 v10, v1;
	v10 =	vmov s24  }
0x346: {  	v4 =	vsel vm0, v4, v9;
	vm0 =	veq.s32 v10, v1  }
0x347: {  	v6 =	vsel vm0, v6, v4  }
0x348: {  	(xrf0) =	vadd.scan.msk.s32 $0xffff, v6;
	_ =	sdelay $0x5  }
0x349: {  	v4, _, _ =	vpop (xrf0)  }
0x34a: {  	v9 =	vbroadcast v4, $0xF;
	s31 =	spop (v2sf)  }
0x34b: {  	s21 =	sxor.u32 $0x80000000, s31;
	s0 =	spop (v2sf)  }
0x34c: {  	v4 =	vsub.s32 v9, v4;
	s21 =	ssub.s32 s21, s0  }
0x34d: {  	v9 =	vadd.s32 v6, v4;
	s24 =	ssub.s32 s20, s21  }
0x34e: {  	vm0 =	vlt.s32 v9, s24  }
0x34f: {  	v4 =	vsel vm0, $0x80000000, v3  }
0x350: {  	(xrf0) =	vmax.scan.msk.u32 $0xffff, v4;
	_ =	sdelay $0x5  }
0x351: {  	v4, _, _ =	vpop (xrf0)  }
0x352: {  	(v2sf) =	vpush v4, $0xF  }
0x353: {  	s29 =	simm.s32 $0x198F0  }
0x354: {  	v17 =	vld [tilespmem:s29+$0xFFFFFF20];
	s31 =	simm.s32 $0x197F0  }
0x355: {  	v10 =	vld [tilespmem:s31+$0xFFFFFF10]  }
0x356: {  	v11 =	vld [tilespmem:s31+$0xFFFFFF20]  }
0x357: {  	v12 =	vld [tilespmem:s31+$0xFFFFFF30]  }
0x358: {  	v13 =	vld [tilespmem:s31+$0xFFFFFF40]  }
0x359: {  	v14 =	vld [tilespmem:s31+$0xFFFFFF50]  }
0x35a: {  	v15 =	vld [tilespmem:s31+$0xFFFFFF60]  }
0x35b: {  	v10 =	vadd.s32 v10, v11;
	v11 =	vld [tilespmem:s31+$0xFFFFFF70]  }
0x35c: {  	v10 =	vadd.s32 v12, v10;
	v12 =	vld [tilespmem:s31+$0xFFFFFF80]  }
0x35d: {  	v10 =	vadd.s32 v13, v10;
	v13 =	vld [tilespmem:s31+$0xFFFFFF90]  }
0x35e: {  	v10 =	vadd.s32 v14, v10;
	v14 =	vld [tilespmem:s31+$0xFFFFFFA0]  }
0x35f: {  	v10 =	vadd.s32 v15, v10;
	v15 =	vld [tilespmem:s31+$0xFFFFFFB0]  }
0x360: {  	v10 =	vadd.s32 v11, v10;
	v11 =	vld [tilespmem:s31+$0xFFFFFFC0]  }
0x361: {  	v16 =	vld [tilespmem:s31+$0xFFFFFFD0];
	v10 =	vadd.s32 v12, v10;
	s25 =	spop (v2sf)  }
0x362: {  	s1 =	sshll.u32 s16, $0x8;
	v12 =	vld [tilespmem:s31+$0xFFFFFFE0];
	v10 =	vadd.s32 v13, v10;
	s26 =	sshll.u32 s25, $0x4  }
0x363: {  	v13 =	vld [tilespmem:s31+$0xFFFFFFF0];
	v10 =	vadd.s32 v14, v10;
	s16 =	sadd.s32 s1, s26  }
0x364: {  	v14 =	vld [tilespmem:s31+$0x0];
	v10 =	vadd.s32 v15, v10;
	s26 =	sand.u32 $0x70, s26;
	s28 =	sand.u32 $0xFFFFFF80, s16  }
0x365: {  	v15 =	vld [tilespmem:s29+$0xFFFFFF10];
	v18 =	vadd.s32 v11, v10;
	s26 =	sor.u32 s26, s28  }
0x366: {  	s30 =	simm.s32 $0x2;
	v11 =	vimm.s32 $0x0;
	v10 =	vmov s24;
	v16 =	vadd.s32 v16, v18;
	s28 =	simm.s32 $0x0;
	v4 =	vld [tilespmem:s26+$0x18F00];
	s26 =	simm.s32 $0x1  }
.LBB2_19:
0x367: {  	p0 =	sne.s32 s30, $0x7;
	v18 =	vld [tilespmem:s29+$0xFFFFFF30];
	v12 =	vadd.s32 v12, v16  }
0x368: {  	v16 =	vld [tilespmem:s29+$0xFFFFFF40];
	v12 =	vadd.s32 v13, v12  }
0x369: {  	v13 =	vld [tilespmem:s29+$0xFFFFFF50];
	v12 =	vadd.s32 v14, v12  }
0x36a: {  	v14 =	vld [tilespmem:s29+$0xFFFFFF60];
	(xrf0) =	vadd.scan.msk.s32 $0xffff, v12  }
0x36b: {  	v12 =	vadd.s32 v15, v17;
	v15 =	vld [tilespmem:s29+$0xFFFFFF70]  }
0x36c: {  	v12 =	vadd.s32 v18, v12;
	v17 =	vld [tilespmem:s29+$0xFFFFFF80]  }
0x36d: {  	v12 =	vadd.s32 v16, v12;
	v16 =	vld [tilespmem:s29+$0xFFFFFF90]  }
0x36e: {  	v12 =	vadd.s32 v13, v12;
	v13 =	vld [tilespmem:s29+$0xFFFFFFA0]  }
0x36f: {  	v12 =	vadd.s32 v14, v12;
	v14 =	vld [tilespmem:s29+$0xFFFFFFB0]  }
0x370: {  	v12 =	vadd.s32 v15, v12;
	v18 =	vld [tilespmem:s29+$0xFFFFFFC0];
	v15, _, _ =	vpop (xrf0)  }
0x371: {  	v12 =	vadd.s32 v17, v12;
	v19 =	vld [tilespmem:s29+$0xFFFFFFD0];
	v17 =	vmov s28;
	v15 =	vbroadcast v15, $0xF;
	s28 =	smov.u32 s26;
	s26 =	smov.u32 s30  }
.Ltmp8:
0x372: {  	v16 =	vadd.s32 v16, v12;
	v12 =	vld [tilespmem:s29+$0xFFFFFFE0];
	vm0 =	veq.s32 v17, v1;
	(pc) =	sbr.rel @p0 .LBB2_19-.Ltmp8, $4  }
0x373: {  	v16 =	vadd.s32 v13, v16;
	v13 =	vld [tilespmem:s29+$0xFFFFFFF0];
	v11 =	vsel vm0, v15, v11  }
0x374: {  	v16 =	vadd.s32 v14, v16;
	v14 =	vld [tilespmem:s29+$0x0];
	s29 =	sadd.s32 $0x100, s29  }
0x375: {  	v15 =	vld [tilespmem:s29+$0xFFFFFF10];
	v16 =	vadd.s32 v18, v16  }
0x376: {  	s30 =	sadd.s32 $0x1, s30;
	v17 =	vld [tilespmem:s29+$0xFFFFFF20];
	v16 =	vadd.s32 v19, v16  }
0x377: {  	v18 =	vld [tilespmem:s29+$0xFFFFFF30]  }
0x378: {  	v19 =	vld [tilespmem:s29+$0xFFFFFF40]  }
0x379: {  	v20 =	vld [tilespmem:s29+$0xFFFFFF50]  }
0x37a: {  	v21 =	vld [tilespmem:s29+$0xFFFFFF60]  }
0x37b: {  	v54 =	vld [tilespmem:s29+$0xFFFFFF70];
	v15 =	vadd.s32 v15, v17  }
0x37c: {  	v55 =	vld [tilespmem:s29+$0xFFFFFF80];
	v15 =	vadd.s32 v18, v15  }
0x37d: {  	v56 =	vld [tilespmem:s29+$0xFFFFFF90];
	v15 =	vadd.s32 v19, v15  }
0x37e: {  	v57 =	vld [tilespmem:s29+$0xFFFFFFA0];
	v15 =	vadd.s32 v20, v15  }
0x37f: {  	v58 =	vld [tilespmem:s29+$0xFFFFFFB0];
	v15 =	vadd.s32 v21, v15  }
0x380: {  	v59 =	vld [tilespmem:s29+$0xFFFFFFC0];
	v15 =	vadd.s32 v54, v15  }
0x381: {  	v60 =	vld [tilespmem:s29+$0xFFFFFFD0];
	v15 =	vadd.s32 v55, v15  }
0x382: {  	v61 =	vld [tilespmem:s29+$0xFFFFFFE0];
	v15 =	vadd.s32 v56, v15  }
0x383: {  	v62 =	vld [tilespmem:s29+$0xFFFFFFF0];
	v15 =	vadd.s32 v57, v15  }
0x384: {  	v63 =	vld [tilespmem:s29+$0x0];
	v15 =	vadd.s32 v58, v15  }
0x385: {  	v15 =	vadd.s32 v59, v15  }
0x386: {  	v12 =	vadd.s32 v12, v16;
	v15 =	vadd.s32 v60, v15  }
0x387: {  	v12 =	vadd.s32 v13, v12;
	v13 =	vadd.s32 v61, v15  }
0x388: {  	v12 =	vadd.s32 v14, v12;
	v13 =	vadd.s32 v62, v13  }
0x389: {  	vm0 =	vlt.s32 v7, v8;
	v7 =	vxor.u32 $0x80000000, v7;
	(xrf0) =	vadd.scan.msk.s32 $0xffff, v12;
	v12 =	vadd.s32 v63, v13  }
0x38a: {  	v8 =	vmov s23;
	v7 =	vsel vm0, $0xFFFFFFFF, v7;
	(xrf0) =	vadd.scan.msk.s32 $0xffff, v12  }
0x38b: {  	vm0 =	veq.s32 v8, v1;
	(xrf0) =	vmin.scan.msk.u32 $0xffff, v7  }
0x38c: {  	v5 =	vnsel vm0, $0x0, v5  }
0x38d: {  	(xrf0) =	vadd.scan.msk.s32 $0xffff, v5;
	_ =	sdelay $0x1  }
0x38e: {  	v5, _, _ =	vpop (xrf0)  }
0x38f: {  	v7, _, _ =	vpop (xrf0)  }
0x390: {  	v8, _, _ =	vpop (xrf0)  }
0x391: {  	(v2sf) =	vpush v8, $0xF  }
0x392: {  	v8, _, _ =	vpop (xrf0)  }
0x393: {  	(v2sf) =	vpush v8, $0xF;
	_ =	sdelay $0x2  }
0x394: {  	v5 =	vbroadcast v5, $0xF;
	v8 =	vmov s28  }
0x395: {  	v7 =	vbroadcast v7, $0xF;
	vm0 =	veq.s32 v8, v1;
	v8 =	vmov s26  }
0x396: {  	v5 =	vsel vm0, v5, v11;
	vm0 =	veq.s32 v8, v1  }
0x397: {  	v7 =	vsel vm0, v7, v5  }
0x398: {  	(xrf0) =	vadd.scan.msk.s32 $0xffff, v7;
	_ =	sdelay $0x5  }
0x399: {  	v5, _, _ =	vpop (xrf0);
	s26 =	spop (v2sf)  }
0x39a: {  	s17 =	sadd.s32 s22, s17;
	v8 =	vbroadcast v5, $0xF;
	s23 =	sxor.u32 $0x7FFFFFFF, s26  }
0x39b: {  	s31 =	spop (v2sf);
	s17 =	ssub.s32 s23, s17  }
0x39c: {  	v5 =	vsub.s32 v8, v5;
	s17 =	sadd.s32 s31, s17  }
0x39d: {  	v8 =	vadd.s32 v7, v5;
	s22 =	sadd.s32 $0x65, s17  }
0x39e: {  	vm0 =	vlt.s32 v8, s22  }
0x39f: {  	v5 =	vsel vm0, $0x80000000, v3  }
0x3a0: {  	(xrf0) =	vmax.scan.msk.u32 $0xffff, v5;
	_ =	sdelay $0x5  }
0x3a1: {  	v5, _, _ =	vpop (xrf0)  }
0x3a2: {  	(v2sf) =	vpush v5, $0xF;
	_ =	sdelay $0xe  }
0x3a3: {  	s29 =	spop (v2sf)  }
0x3a4: {  	s0 =	sshll.u32 s29, $0xA  }
0x3a5: {  	s26 =	simm.s32 $0x0;
	s17 =	sshra.s32 s0, $0x2  }
0x3a6: {  	s1 =	sand.u32 $0x80, s26;
	s17 =	sadd.s32 $0x19700, s17  }
0x3a7: {  	s28 =	sand.u32 $0x70, s26;
	s23 =	sadd.s32 s1, s17  }
0x3a8: {  	s23 =	sadd.s32 s28, s23  }
0x3a9: {  	v5 =	vld [tilespmem:s23+$0x0];
	_ =	sdelay $0x1  }
0x3aa: {  	s31 =	simm.s32 $0x10  }
0x3ab: {  	s28 =	sand.u32 $0x80, s31  }
0x3ac: {  	s23 =	sand.u32 $0x70, s31;
	s28 =	sadd.s32 s28, s17  }
0x3ad: {  	s30 =	sadd.s32 s23, s28;
	(xrf0) =	vadd.scan.msk.s32 $0xffff, v5  }
0x3ae: {  	v5 =	vld [tilespmem:s30+$0x0]  }
0x3af: {  	v11 =	vimm.s32 $0x0;
	v12 =	vmov s22;
	s28 =	simm.s32 $0x1;
	s23 =	simm.s32 $0x2;
	s30 =	simm.s32 $0x20  }
.LBB2_21:
0x3b0: {  	s31 =	sand.u32 $0x80, s30  }
0x3b1: {  	p0 =	sne.s32 s23, $0xF;
	s0 =	smov.u32 s23;
	s23 =	sadd.s32 $0x1, s23  }
.Ltmp9:
0x3b2: {  	s1 =	sand.u32 $0x70, s30;
	s31 =	sadd.s32 s31, s17;
	(pc) =	sbr.rel @p0 .LBB2_21-.Ltmp9, $4  }
0x3b3: {  	s1 =	sadd.s32 s1, s31;
	(xrf0) =	vadd.scan.msk.s32 $0xffff, v5;
	v13, _, _ =	vpop (xrf0)  }
0x3b4: {  	v14 =	vmov s26;
	s26 =	smov.u32 s28;
	s28 =	smov.u32 s0;
	v5 =	vld [tilespmem:s1+$0x0];
	v13 =	vbroadcast v13, $0xF  }
0x3b5: {  	vm0 =	veq.s32 v14, v1  }
0x3b6: {  	s30 =	sadd.s32 $0x10, s30;
	v11 =	vsel vm0, v13, v11  }
0x3b7: {  	s0 =	sxor.u32 $0x80000000, s25  }
0x3b8: {  	vm0 =	vlt.s32 v9, v10;
	v9 =	vxor.u32 $0x80000000, v9;
	v10 =	vmov s0  }
0x3b9: {  	(xrf0) =	vadd.scan.msk.s32 $0xffff, v5;
	v5 =	vsel vm0, $0xFFFFFFFF, v9;
	vm0 =	veq.s32 v10, v1  }
0x3ba: {  	(xrf0) =	vmin.scan.msk.u32 $0xffff, v5;
	v5 =	vnsel vm0, $0x0, v6  }
0x3bb: {  	(xrf0) =	vadd.scan.msk.s32 $0xffff, v5;
	_ =	sdelay $0x2  }
0x3bc: {  	v6, _, _ =	vpop (xrf0)  }
0x3bd: {  	v9, _, _ =	vpop (xrf0)  }
0x3be: {  	v5, _, _ =	vpop (xrf0)  }
0x3bf: {  	(v2sf) =	vpush v5, $0xF;
	v5, _, _ =	vpop (xrf0)  }
0x3c0: {  	(v2sf) =	vpush v5, $0xF;
	_ =	sdelay $0x6  }
0x3c1: {  	(xrf0) =	vadd.scan.msk.s32 $0xffff, v4;
	_ =	sdelay $0x5  }
0x3c2: {  	v5, _, _ =	vpop (xrf0)  }
0x3c3: {  	v10 =	vbroadcast v5, $0xF;
	s31 =	spop (v2sf)  }
0x3c4: {  	s0 =	sxor.u32 $0x80000000, s31;
	s1 =	spop (v2sf)  }
0x3c5: {  	v5 =	vsub.s32 v10, v5;
	s23 =	ssub.s32 s0, s1  }
0x3c6: {  	v5 =	vadd.s32 v4, v5;
	s17 =	ssub.s32 s24, s23  }
0x3c7: {  	vm0 =	vlt.s32 v8, v12;
	s1 =	sxor.u32 $0x80000000, s29;
	vm4 =	vlt.s32 v5, s17  }
0x3c8: {  	v8 =	vxor.u32 $0x80000000, v8;
	v12 =	vmov s1;
	v10 =	vsel vm4, $0x80000000, v3  }
0x3c9: {  	v8 =	vsel vm0, $0xFFFFFFFF, v8;
	vm0 =	veq.s32 v12, v1;
	(xrf0) =	vmax.scan.msk.u32 $0xffff, v10  }
0x3ca: {  	v7 =	vnsel vm0, $0x0, v7;
	(xrf0) =	vmin.scan.msk.u32 $0xffff, v8  }
0x3cb: {  	(xrf0) =	vadd.scan.msk.s32 $0xffff, v7;
	_ =	sdelay $0x3  }
0x3cc: {  	v7, _, _ =	vpop (xrf0)  }
0x3cd: {  	(v2sf) =	vpush v7, $0xF;
	v7, _, _ =	vpop (xrf0)  }
0x3ce: {  	(v2sf) =	vpush v7, $0xF;
	v7, _, _ =	vpop (xrf0)  }
0x3cf: {  	(v2sf) =	vpush v7, $0xF;
	_ =	sdelay $0x2  }
0x3d0: {  	v6 =	vbroadcast v6, $0xF;
	v7 =	vmov s26  }
0x3d1: {  	v8 =	vbroadcast v9, $0xF;
	vm0 =	veq.s32 v7, v1;
	v7 =	vmov s28  }
0x3d2: {  	v6 =	vsel vm0, v6, v11;
	vm0 =	veq.s32 v7, v1  }
0x3d3: {  	v7 =	vsel vm0, v8, v6  }
0x3d4: {  	(xrf0) =	vadd.scan.msk.s32 $0xffff, v7;
	_ =	sdelay $0x5  }
0x3d5: {  	v6, _, _ =	vpop (xrf0);
	s26 =	spop (v2sf)  }
0x3d6: {  	v8 =	vbroadcast v6, $0xF;
	s24 =	spop (v2sf)  }
0x3d7: {  	s0 =	sxor.u32 $0x80000000, s24;
	s25 =	spop (v2sf)  }
0x3d8: {  	v6 =	vsub.s32 v8, v6;
	s24 =	ssub.s32 s0, s25  }
0x3d9: {  	v8 =	vadd.s32 v7, v6;
	s28 =	ssub.s32 s22, s24  }
0x3da: {  	vm4 =	vlt.s32 v8, s28  }
0x3db: {  	v6 =	vsel vm4, $0x80000000, v3  }
0x3dc: {  	(xrf0) =	vmax.scan.msk.u32 $0xffff, v6;
	_ =	sdelay $0x5  }
0x3dd: {  	v6, _, _ =	vpop (xrf0)  }
0x3de: {  	(v2sf) =	vpush v6, $0xF;
	_ =	sdelay $0xe  }
0x3df: {  	s25 =	spop (v2sf)  }
0x3e0: {  	s30 =	sshll.u32 s29, $0x8;
	s31 =	sshll.u32 s25, $0x4  }
0x3e1: {  	s29 =	sadd.s32 s30, s31  }
0x3e2: {  	s1 =	sand.u32 $0x70, s31;
	s0 =	sand.u32 $0xFFFFFF80, s29  }
0x3e3: {  	s0 =	sor.u32 s1, s0  }
0x3e4: {  	v6 =	vld [tilespmem:s0+$0x19700];
	[tilespmem:$0x19F00] =	vst v0  }
0x3e5: {  	[tilespmem:$0x19F10] =	vst v0  }
0x3e6: {  	[tilespmem:$0x19F20] =	vst v0  }
0x3e7: {  	[tilespmem:$0x19F30] =	vst v0  }
0x3e8: {  	[tilespmem:$0x19F40] =	vst v0  }
0x3e9: {  	[tilespmem:$0x19F50] =	vst v0  }
0x3ea: {  	[tilespmem:$0x19F60] =	vst v0  }
0x3eb: {  	[tilespmem:$0x19F70] =	vst v0  }
0x3ec: {  	[tilespmem:$0x19F80] =	vst v0  }
0x3ed: {  	[tilespmem:$0x19F90] =	vst v0  }
0x3ee: {  	[tilespmem:$0x19FA0] =	vst v0  }
0x3ef: {  	[tilespmem:$0x19FB0] =	vst v0  }
0x3f0: {  	[tilespmem:$0x19FC0] =	vst v0  }
0x3f1: {  	[tilespmem:$0x19FD0] =	vst v0  }
0x3f2: {  	[tilespmem:$0x19FE0] =	vst v0  }
0x3f3: {  	[tilespmem:$0x19FF0] =	vst v0  }
0x3f4: {  	[tilespmem:$0x1A000] =	vst v0  }
0x3f5: {  	[tilespmem:$0x1A010] =	vst v0  }
0x3f6: {  	[tilespmem:$0x1A020] =	vst v0  }
0x3f7: {  	[tilespmem:$0x1A030] =	vst v0  }
0x3f8: {  	[tilespmem:$0x1A040] =	vst v0  }
0x3f9: {  	[tilespmem:$0x1A050] =	vst v0  }
0x3fa: {  	[tilespmem:$0x1A060] =	vst v0  }
0x3fb: {  	[tilespmem:$0x1A070] =	vst v0  }
0x3fc: {  	[tilespmem:$0x1A080] =	vst v0  }
0x3fd: {  	[tilespmem:$0x1A090] =	vst v0  }
0x3fe: {  	[tilespmem:$0x1A0A0] =	vst v0  }
0x3ff: {  	[tilespmem:$0x1A0B0] =	vst v0  }
0x400: {  	[tilespmem:$0x1A0C0] =	vst v0  }
0x401: {  	[tilespmem:$0x1A0D0] =	vst v0  }
0x402: {  	[tilespmem:$0x1A0E0] =	vst v0  }
0x403: {  	[tilespmem:$0x1A0F0] =	vst v0  }
0x404: {  	[tilespmem:$0x1A100] =	vst v0  }
0x405: {  	[tilespmem:$0x1A110] =	vst v0  }
0x406: {  	[tilespmem:$0x1A120] =	vst v0  }
0x407: {  	[tilespmem:$0x1A130] =	vst v0  }
0x408: {  	[tilespmem:$0x1A140] =	vst v0  }
0x409: {  	[tilespmem:$0x1A150] =	vst v0  }
0x40a: {  	[tilespmem:$0x1A160] =	vst v0  }
0x40b: {  	[tilespmem:$0x1A170] =	vst v0  }
0x40c: {  	[tilespmem:$0x1A180] =	vst v0  }
0x40d: {  	[tilespmem:$0x1A190] =	vst v0  }
0x40e: {  	[tilespmem:$0x1A1A0] =	vst v0  }
0x40f: {  	[tilespmem:$0x1A1B0] =	vst v0  }
0x410: {  	[tilespmem:$0x1A1C0] =	vst v0  }
0x411: {  	[tilespmem:$0x1A1D0] =	vst v0  }
0x412: {  	[tilespmem:$0x1A1E0] =	vst v0  }
0x413: {  	[tilespmem:$0x1A1F0] =	vst v0  }
0x414: {  	[tilespmem:$0x1A200] =	vst v0  }
0x415: {  	[tilespmem:$0x1A210] =	vst v0  }
0x416: {  	[tilespmem:$0x1A220] =	vst v0  }
0x417: {  	[tilespmem:$0x1A230] =	vst v0  }
0x418: {  	[tilespmem:$0x1A240] =	vst v0  }
0x419: {  	[tilespmem:$0x1A250] =	vst v0  }
0x41a: {  	[tilespmem:$0x1A260] =	vst v0  }
0x41b: {  	[tilespmem:$0x1A270] =	vst v0  }
0x41c: {  	[tilespmem:$0x1A280] =	vst v0  }
0x41d: {  	[tilespmem:$0x1A290] =	vst v0  }
0x41e: {  	[tilespmem:$0x1A2A0] =	vst v0  }
0x41f: {  	[tilespmem:$0x1A2B0] =	vst v0  }
0x420: {  	[tilespmem:$0x1A2C0] =	vst v0  }
0x421: {  	[tilespmem:$0x1A2D0] =	vst v0  }
0x422: {  	[tilespmem:$0x1A2E0] =	vst v0  }
0x423: {  	[tilespmem:$0x1A2F0] =	vst v0  }
0x424: {  	[tilespmem:$0x1A300] =	vst v0  }
0x425: {  	[tilespmem:$0x1A310] =	vst v0  }
0x426: {  	[tilespmem:$0x1A320] =	vst v0  }
0x427: {  	[tilespmem:$0x1A330] =	vst v0  }
0x428: {  	[tilespmem:$0x1A340] =	vst v0  }
0x429: {  	[tilespmem:$0x1A350] =	vst v0  }
0x42a: {  	[tilespmem:$0x1A360] =	vst v0  }
0x42b: {  	[tilespmem:$0x1A370] =	vst v0  }
0x42c: {  	[tilespmem:$0x1A380] =	vst v0  }
0x42d: {  	[tilespmem:$0x1A390] =	vst v0  }
0x42e: {  	[tilespmem:$0x1A3A0] =	vst v0  }
0x42f: {  	[tilespmem:$0x1A3B0] =	vst v0  }
0x430: {  	[tilespmem:$0x1A3C0] =	vst v0  }
0x431: {  	[tilespmem:$0x1A3D0] =	vst v0  }
0x432: {  	[tilespmem:$0x1A3E0] =	vst v0  }
0x433: {  	[tilespmem:$0x1A3F0] =	vst v0  }
0x434: {  	[tilespmem:$0x1A400] =	vst v0  }
0x435: {  	[tilespmem:$0x1A410] =	vst v0  }
0x436: {  	[tilespmem:$0x1A420] =	vst v0  }
0x437: {  	[tilespmem:$0x1A430] =	vst v0  }
0x438: {  	s1 =	sxor.u32 $0x80000000, s25;
	[tilespmem:$0x1A440] =	vst v0  }
0x439: {  	v8 =	vxor.u32 $0x80000000, v8;
	v9 =	vmov s1;
	[tilespmem:$0x1A450] =	vst v0  }
0x43a: {  	v8 =	vsel vm4, $0xFFFFFFFF, v8;
	[tilespmem:$0x1A460] =	vst v0;
	vm0 =	veq.s32 v9, v1  }
0x43b: {  	(xrf0) =	vmin.scan.msk.u32 $0xffff, v8;
	[tilespmem:$0x1A470] =	vst v0;
	v7 =	vnsel vm0, $0x0, v7  }
0x43c: {  	[tilespmem:$0x1A480] =	vst v0;
	(xrf0) =	vadd.scan.msk.s32 $0xffff, v7  }
0x43d: {  	[tilespmem:$0x1A490] =	vst v0  }
0x43e: {  	[tilespmem:$0x1A4A0] =	vst v0  }
0x43f: {  	[tilespmem:$0x1A4B0] =	vst v0  }
0x440: {  	[tilespmem:$0x1A4C0] =	vst v0  }
0x441: {  	[tilespmem:$0x1A4D0] =	vst v0;
	v7, _, _ =	vpop (xrf0)  }
0x442: {  	[tilespmem:$0x1A4E0] =	vst v0;
	(v2sf) =	vpush v7, $0xF;
	v7, _, _ =	vpop (xrf0)  }
0x443: {  	[tilespmem:$0x1A4F0] =	vst v0;
	(v2sf) =	vpush v7, $0xF  }
0x444: {  	[tilespmem:$0x1A500] =	vst v0  }
0x445: {  	[tilespmem:$0x1A510] =	vst v0  }
0x446: {  	[tilespmem:$0x1A520] =	vst v0  }
0x447: {  	[tilespmem:$0x1A530] =	vst v0  }
0x448: {  	[tilespmem:$0x1A540] =	vst v0  }
0x449: {  	[tilespmem:$0x1A550] =	vst v0  }
0x44a: {  	[tilespmem:$0x1A560] =	vst v0;
	(xrf0) =	vadd.scan.msk.s32 $0xffff, v6  }
0x44b: {  	[tilespmem:$0x1A570] =	vst v0  }
0x44c: {  	[tilespmem:$0x1A580] =	vst v0  }
0x44d: {  	[tilespmem:$0x1A590] =	vst v0  }
0x44e: {  	[tilespmem:$0x1A5A0] =	vst v0  }
0x44f: {  	[tilespmem:$0x1A5B0] =	vst v0  }
0x450: {  	[tilespmem:$0x1A5C0] =	vst v0;
	v7, _, _ =	vpop (xrf0)  }
0x451: {  	[tilespmem:$0x1A5D0] =	vst v0;
	v8 =	vbroadcast v7, $0xF;
	s25 =	spop (v2sf)  }
0x452: {  	[tilespmem:$0x1A5E0] =	vst v0;
	s0 =	sxor.u32 $0x80000000, s25;
	s30 =	spop (v2sf)  }
0x453: {  	[tilespmem:$0x1A5F0] =	vst v0;
	v7 =	vsub.s32 v8, v7;
	s25 =	ssub.s32 s0, s30  }
0x454: {  	[tilespmem:$0x1A600] =	vst v0;
	v7 =	vadd.s32 v6, v7;
	s0 =	ssub.s32 s28, s25  }
0x455: {  	[tilespmem:$0x1A610] =	vst v0;
	vm0 =	vlt.s32 v7, s0  }
0x456: {  	[tilespmem:$0x1A620] =	vst v0;
	v8 =	vsel vm0, $0x80000000, v3  }
0x457: {  	[tilespmem:$0x1A630] =	vst v0;
	(xrf0) =	vmax.scan.msk.u32 $0xffff, v8  }
0x458: {  	[tilespmem:$0x1A640] =	vst v0  }
0x459: {  	[tilespmem:$0x1A650] =	vst v0  }
0x45a: {  	[tilespmem:$0x1A660] =	vst v0  }
0x45b: {  	[tilespmem:$0x1A670] =	vst v0  }
0x45c: {  	[tilespmem:$0x1A680] =	vst v0  }
0x45d: {  	[tilespmem:$0x1A690] =	vst v0;
	v8, _, _ =	vpop (xrf0)  }
0x45e: {  	[tilespmem:$0x1A6A0] =	vst v0;
	(v2sf) =	vpush v8, $0xF  }
0x45f: {  	[tilespmem:$0x1A6B0] =	vst v0  }
0x460: {  	[tilespmem:$0x1A6C0] =	vst v0  }
0x461: {  	[tilespmem:$0x1A6D0] =	vst v0  }
0x462: {  	[tilespmem:$0x1A6E0] =	vst v0  }
0x463: {  	[tilespmem:$0x1A6F0] =	vst v0;
	s1 =	simm.s32 $0x20  }
0x464: {  	v12 =	vld [tilespmem:s1+$0x20]  }
0x465: {  	v13 =	vld [tilespmem:s1+$0xFFFFFFF0]  }
0x466: {  	v15 =	vld [tilespmem:s1+$0x10]  }
0x467: {  	v14 =	vld [tilespmem:s1+$0x0]  }
0x468: {  	v16 =	vld [tilespmem:s1+$0xFFFFFFE0];
	_ =	sdelay $0x1  }
0x469: {  	v9 =	vmov s17;
	v11 =	vshra.s32 v12, $0x1F  }
0x46a: {  	v18 =	vshra.s32 v13, $0x1F;
	v20 =	vshra.s32 v15, $0x1F;
	v17 =	vor.u32 $0x80000000, v11  }
0x46b: {  	v12 =	vxor.u32 v12, v17;
	v17 =	vor.u32 $0x80000000, v18;
	v18 =	vshra.s32 v14, $0x1F  }
0x46c: {  	v21 =	vshra.s32 v16, $0x1F;
	v19 =	vshrl.u32 v12, $0xA;
	v18 =	vor.u32 $0x80000000, v18;
	s28 =	sxor.u32 $0x80000000, s26;
	s31 =	spop (v2sf)  }
0x46d: {  	s19 =	sshll.u32 s19, $0xB;
	v12 =	vand.u32 $0x3FF, v12;
	v13 =	vxor.u32 v13, v17;
	v14 =	vxor.u32 v14, v18;
	s16 =	sadd.s32 s28, s16;
	s26 =	sxor.u32 $0x80000000, s31  }
0x46e: {  	v22 =	vor.u32 $0x1800, v12;
	v18 =	vshrl.u32 v14, $0xA;
	v14 =	vand.u32 $0x3FF, v14;
	s30 =	sshll.u32 s18, $0xB;
	s17 =	sor.u32 s19, s16;
	s29 =	sadd.s32 s26, s29  }
0x46f: {  	v27 =	vor.u32 $0x1800, v14;
	v14 =	vor.u32 $0x1C00, v14;
	v10 =	vmov s17;
	s31 =	simm.s32 $0x70;
	s16 =	sor.u32 s30, s29  }
0x470: {  	vm7 =	veq.s32 v19, v10;
	vm9 =	veq.s32 v18, v10;
	v25 =	vld [tilespmem:s31+$0xFFFFFFE0];
	v11 =	vmov s16  }
0x471: {  	v8 =	vmov s0;
	vm8 =	veq.s32 v19, v11;
	v19 =	vor.u32 $0x80000000, v21  }
0x472: {  	v21 =	vor.u32 $0x1C00, v12;
	v12 =	vxor.u32 v16, v19;
	v16 =	vor.u32 $0x80000000, v20  }
0x473: {  	vm4 =	veq.s32 v18, v11;
	v20 =	vld [tilespmem:s31+$0x20];
	v17 =	vshrl.u32 v12, $0xA;
	v15 =	vxor.u32 v15, v16  }
0x474: {  	v16 =	vshrl.u32 v13, $0xA;
	v12 =	vand.u32 $0x3FF, v12;
	v13 =	vand.u32 $0x3FF, v13  }
0x475: {  	v29 =	vshra.s32 v25, $0x1F;
	vm12 =	veq.s32 v17, v10;
	vm11 =	veq.s32 v17, v11;
	v17 =	vld [tilespmem:s31+$0xFFFFFFF0]  }
0x476: {  	v23 =	vld [tilespmem:s31+$0x0];
	v19 =	vshrl.u32 v15, $0xA;
	v15 =	vand.u32 $0x3FF, v15;
	vm0 =	veq.s32 v16, v10  }
0x477: {  	vm10 =	veq.s32 v16, v11;
	vm5 =	veq.s32 v19, v10;
	vm6 =	veq.s32 v19, v11;
	v19 =	vld [tilespmem:s31+$0x10]  }
0x478: {  	v16 =	vor.u32 $0x1800, v12;
	v18 =	vor.u32 $0x1C00, v12;
	v12 =	vshra.s32 v20, $0x1F  }
0x479: {  	v24 =	vor.u32 $0x1800, v13;
	v26 =	vor.u32 $0x1C00, v13;
	v12 =	vor.u32 $0x80000000, v12  }
0x47a: {  	[tilespmem:v22+s11+$0x0] =	vst.idx.add.s32.msk vm7, v2;
	v13 =	vor.u32 $0x1800, v15;
	v22 =	vshra.s32 v17, $0x1F;
	v20 =	vxor.u32 v20, v12  }
0x47b: {  	[tilespmem:v21+s11+$0x0] =	vst.idx.add.s32.msk vm8, v2;
	v12 =	vor.u32 $0x1C00, v15;
	v15 =	vshra.s32 v23, $0x1F;
	v21 =	vor.u32 $0x80000000, v22  }
0x47c: {  	[tilespmem:v27+s11+$0x0] =	vst.idx.add.s32.msk vm9, v2;
	v22 =	vshrl.u32 v20, $0xA;
	v28 =	vshra.s32 v19, $0x1F;
	v20 =	vand.u32 $0x3FF, v20  }
0x47d: {  	[tilespmem:v16+s11+$0x0] =	vst.idx.add.s32.msk vm12, v2;
	vm8 =	veq.s32 v22, v10;
	v16 =	vor.u32 $0x1800, v20;
	vm7 =	veq.s32 v22, v11  }
0x47e: {  	[tilespmem:v18+s11+$0x0] =	vst.idx.add.s32.msk vm11, v2;
	v18 =	vor.u32 $0x80000000, v29;
	v22 =	vor.u32 $0x80000000, v15;
	v15 =	vor.u32 $0x1C00, v20  }
0x47f: {  	[tilespmem:v24+s11+$0x0] =	vst.idx.add.s32.msk vm0, v2;
	v63 =	vor.u32 $0x80000000, v28;
	v20 =	vxor.u32 v25, v18;
	v18 =	vxor.u32 v17, v21  }
0x480: {  	s18 =	simm.s32 $0x5;
	s19 =	simm.s32 $0xC0;
	[tilespmem:v26+s11+$0x0] =	vst.idx.add.s32.msk vm10, v2;
	v21 =	vxor.u32 v23, v22;
	v19 =	vxor.u32 v19, v63;
	v17 =	vshrl.u32 v20, $0xA  }
.LBB2_23:
0x481: {  	v23 =	vshrl.u32 v18, $0xA;
	v24 =	vshrl.u32 v21, $0xA;
	v25 =	vshrl.u32 v19, $0xA  }
0x482: {  	v22 =	vld [tilespmem:s19+$0x20];
	vm0 =	vmmov vm4;
	vm15 =	vmmov vm5;
	vm13 =	vmmov vm6  }
0x483: {  	v20 =	vand.u32 $0x3FF, v20;
	v18 =	vand.u32 $0x3FF, v18;
	v21 =	vand.u32 $0x3FF, v21;
	[tilespmem:v16+s11+$0x0] =	vst.idx.add.s32.msk vm8, v2  }
0x484: {  	s18 =	sadd.s32 $0x5, s18;
	vm14 =	veq.s32 v17, v10;
	vm11 =	veq.s32 v17, v11;
	v16 =	vand.u32 $0x3FF, v19;
	[tilespmem:v15+s11+$0x0] =	vst.idx.add.s32.msk vm7, v2  }
0x485: {  	p0 =	slt.u32 s18, $0x1865;
	vm12 =	veq.s32 v23, v10;
	vm10 =	veq.s32 v23, v11;
	vm9 =	veq.s32 v24, v10;
	v17 =	vld [tilespmem:s19+$0xFFFFFFF0]  }
0x486: {  	vm4 =	veq.s32 v24, v11;
	vm5 =	veq.s32 v25, v10;
	vm6 =	veq.s32 v25, v11;
	v19 =	vld [tilespmem:s19+$0x0]  }
0x487: {  	v24 =	vor.u32 $0x1800, v18;
	v15 =	vor.u32 $0x1800, v20;
	v20 =	vor.u32 $0x1C00, v20;
	v23 =	vld [tilespmem:s19+$0x10]  }
0x488: {  	v27 =	vor.u32 $0x1C00, v18;
	v28 =	vor.u32 $0x1800, v21;
	v26 =	vshra.s32 v22, $0x1F;
	v25 =	vld [tilespmem:s19+$0xFFFFFFE0]  }
0x489: {  	v18 =	vor.u32 $0x80000000, v26;
	v26 =	vor.u32 $0x1800, v16;
	[tilespmem:v14+s11+$0x0] =	vst.idx.add.s32.msk vm0, v2;
	v14 =	vor.u32 $0x1C00, v21  }
0x48a: {  	v16 =	vor.u32 $0x1C00, v16;
	v18 =	vxor.u32 v22, v18;
	v21 =	vshra.s32 v17, $0x1F;
	[tilespmem:v13+s11+$0x0] =	vst.idx.add.s32.msk vm15, v2;
	v13 =	vmovc v26  }
0x48b: {  	v26 =	vshrl.u32 v18, $0xA;
	v21 =	vor.u32 $0x80000000, v21;
	v22 =	vshra.s32 v19, $0x1F;
	[tilespmem:v12+s11+$0x0] =	vst.idx.add.s32.msk vm13, v2;
	v12 =	vmovc v16  }
.Ltmp10:
0x48c: {  	v18 =	vand.u32 $0x3FF, v18;
	vm8 =	veq.s32 v26, v10;
	v29 =	vshra.s32 v23, $0x1F;
	[tilespmem:v15+s11+$0x0] =	vst.idx.add.s32.msk vm14, v2;
	(pc) =	sbr.rel @p0 .LBB2_23-.Ltmp10, $4  }
0x48d: {  	v16 =	vor.u32 $0x1800, v18;
	vm7 =	veq.s32 v26, v11;
	v15 =	vshra.s32 v25, $0x1F;
	[tilespmem:v20+s11+$0x0] =	vst.idx.add.s32.msk vm11, v2  }
0x48e: {  	v22 =	vor.u32 $0x80000000, v22;
	v20 =	vor.u32 $0x80000000, v15;
	v15 =	vor.u32 $0x1C00, v18;
	[tilespmem:v24+s11+$0x0] =	vst.idx.add.s32.msk vm12, v2  }
0x48f: {  	v18 =	vxor.u32 v17, v21;
	v24 =	vor.u32 $0x80000000, v29;
	v20 =	vxor.u32 v25, v20;
	[tilespmem:v27+s11+$0x0] =	vst.idx.add.s32.msk vm10, v2  }
0x490: {  	s19 =	sadd.s32 $0x50, s19;
	v21 =	vxor.u32 v19, v22;
	v19 =	vxor.u32 v23, v24;
	v17 =	vshrl.u32 v20, $0xA;
	[tilespmem:v28+s11+$0x0] =	vst.idx.add.s32.msk vm9, v2  }
0x491: {  	v22 =	vshrl.u32 v18, $0xA;
	v23 =	vshrl.u32 v21, $0xA  }
0x492: {  	v24 =	vshrl.u32 v19, $0xA;
	vm10 =	vmmov vm4;
	vm11 =	vmmov vm5  }
0x493: {  	vm12 =	vmmov vm6;
	v20 =	vand.u32 $0x3FF, v20;
	v57 =	vand.u32 $0x3FF, v18  }
0x494: {  	v58 =	vand.u32 $0x3FF, v21;
	vm0 =	veq.s32 v17, v10;
	vm9 =	veq.s32 v17, v11  }
0x495: {  	v59 =	vand.u32 $0x3FF, v19;
	vm15 =	vlt.s32 v5, v9;
	v5 =	vxor.u32 $0x80000000, v5  }
0x496: {  	[tilespmem:v16+s11+$0x0] =	vst.idx.add.s32.msk vm8, v2;
	v9 =	vmov s28;
	vm14 =	vlt.s32 v7, v8;
	vm6 =	veq.s32 v22, v10  }
0x497: {  	vm5 =	veq.s32 v22, v11;
	vm4 =	veq.s32 v23, v10;
	vm8 =	veq.s32 v23, v11  }
0x498: {  	vm13 =	veq.s32 v24, v10;
	[tilespmem:v15+s11+$0x0] =	vst.idx.add.s32.msk vm7, v2;
	vm7 =	veq.s32 v24, v11;
	v10 =	vor.u32 $0x1800, v20  }
0x499: {  	v11 =	vor.u32 $0x1C00, v20;
	v60 =	vor.u32 $0x1800, v57;
	v61 =	vor.u32 $0x1C00, v57  }
0x49a: {  	v62 =	vor.u32 $0x1800, v58;
	v63 =	vor.u32 $0x1C00, v58;
	v5 =	vsel vm15, $0xFFFFFFFF, v5;
	[tilespmem:v13+s11+$0x0] =	vst.idx.add.s32.msk vm11, v2  }
0x49b: {  	(xrf0) =	vmin.scan.msk.u32 $0xffff, v5;
	v5 =	vxor.u32 $0x80000000, v7;
	[tilespmem:v12+s11+$0x0] =	vst.idx.add.s32.msk vm12, v2;
	vm12 =	veq.s32 v9, v1  }
0x49c: {  	vm8 =	vmmov vm8;
	vm7 =	vmmov vm7;
	[tilespmem:v14+s11+$0x0] =	vst.idx.add.s32.msk vm10, v2;
	v4 =	vnsel vm12, $0x0, v4  }
0x49d: {  	p0 =	seq.s32 s15, $0x7F;
	[tilespmem:v10+s11+$0x0] =	vst.idx.add.s32.msk vm0, v2;
	(xrf0) =	vadd.scan.msk.s32 $0xffff, v4;
	v4 =	vsel vm14, $0xFFFFFFFF, v5;
	v5 =	vmov s26  }
0x49e: {  	s0 =	sadd.s32 @!p0 s15, s5;
	[tilespmem:v11+s11+$0x0] =	vst.idx.add.s32.msk vm9, v2;
	(xrf0) =	vmin.scan.msk.u32 $0xffff, v4;
	vm15 =	veq.s32 v5, v1;
	v4 =	vor.u32 $0x1800, v59  }
0x49f: {  	s1 =	sshrl.u32 @!p0 s0, $0x3;
	[tilespmem:v60+s11+$0x0] =	vst.idx.add.s32.msk vm6, v2;
	v5 =	vnsel vm15, $0x0, v6;
	v6 =	vor.u32 $0x1C00, v59  }
0x4a0: {  	s0 =	sshll.u32 @!p0 s0, $0x7;
	s1 =	smul.u32 @!p0 $0xC3800, s1;
	[tilespmem:v62+s11+$0x0] =	vst.idx.add.s32.msk vm4, v2;
	(xrf0) =	vadd.scan.msk.s32 $0xffff, v5  }
0x4a1: {  	s0 =	sand.u32 @!p0 $0x380, s0;
	[tilespmem:v61+s11+$0x0] =	vst.idx.add.s32.msk vm5, v2  }
0x4a2: {  	s0 =	sor.u32 @!p0 s0, s1;
	[tilespmem:v63+s11+$0x0] =	vst.idx.add.s32.msk vm8, v2;
	v5, _, _ =	vpop (xrf0)  }
0x4a3: {  	s18 =	simm.s32 @!p0 $0x400;
	s0 =	sshrl.u32 @!p0 s0, $0x3;
	v7, _, _ =	vpop (xrf0);
	(v2sf) =	vpush v5, $0xF;
	[tilespmem:v4+s11+$0x0] =	vst.idx.add.s32.msk vm13, v2  }
0x4a4: {  	s19 =	simm.s32 @!p0 $0x0;
	s1 =	simm.s32 @!p0 $0x80;
	s0 =	sadd.s32 @!p0 s3, s0;
	v5, _, _ =	vpop (xrf0);
	(v2sf) =	vpush v7, $0xF;
	[tilespmem:v6+s11+$0x0] =	vst.idx.add.s32.msk vm7, v2  }
0x4a5: {  	(v2sf) =	vpush v5, $0xF;
	[tilespmem:s19], [sflag:$0x1] =	stream.strided.gather @!p0 [hbm4b:s0+s1], $0x18700, s18, s1, $0x38;
	[tilespmem:$0x1AF00] =	vst v63  }
0x4a6: {  	s0 =	simm.s32 $0x19FF0;
	v4, _, _ =	vpop (xrf0)  }
0x4a7: {  	v5 =	vld [tilespmem:s0+$0xFFFFFF20];
	(v2sf) =	vpush v4, $0xF  }
0x4a8: {  	v4 =	vld [tilespmem:s0+$0xFFFFFF10]  }
0x4a9: {  	v6 =	vld [tilespmem:s0+$0xFFFFFF30]  }
0x4aa: {  	v7 =	vld [tilespmem:s0+$0xFFFFFF40]  }
0x4ab: {  	v8 =	vld [tilespmem:s0+$0xFFFFFF50]  }
0x4ac: {  	v9 =	vld [tilespmem:s0+$0xFFFFFF60]  }
0x4ad: {  	v4 =	vadd.s32 v4, v5;
	v5 =	vld [tilespmem:s0+$0xFFFFFF70]  }
0x4ae: {  	v4 =	vadd.s32 v6, v4;
	v6 =	vld [tilespmem:s0+$0xFFFFFF80]  }
0x4af: {  	v4 =	vadd.s32 v7, v4;
	v7 =	vld [tilespmem:s0+$0xFFFFFF90]  }
0x4b0: {  	v4 =	vadd.s32 v8, v4;
	v8 =	vld [tilespmem:s0+$0xFFFFFFA0]  }
0x4b1: {  	v4 =	vadd.s32 v9, v4;
	v9 =	vld [tilespmem:s0+$0xFFFFFFB0]  }
0x4b2: {  	s25 =	sadd.s32 s25, s24;
	v10 =	vld [tilespmem:s0+$0xFFFFFFC0];
	v4 =	vadd.s32 v5, v4;
	s30 =	spop (v2sf)  }
0x4b3: {  	s21 =	sadd.s32 s23, s21;
	s28 =	ssub.s32 s22, s25;
	v11 =	vld [tilespmem:s0+$0xFFFFFFD0];
	v4 =	vadd.s32 v6, v4;
	s31 =	spop (v2sf)  }
0x4b4: {  	s22 =	simm.s32 $0x1A0F0;
	s19 =	ssub.s32 s20, s21;
	v5 =	vld [tilespmem:s0+$0xFFFFFFE0];
	v4 =	vadd.s32 v7, v4;
	s23 =	spop (v2sf)  }
0x4b5: {  	s21 =	simm.s32 $0x0;
	v6 =	vld [tilespmem:s0+$0xFFFFFFF0];
	s1 =	sxor.u32 $0x7FFFFFFF, s30;
	v4 =	vadd.s32 v8, v4;
	s26 =	sxor.u32 $0x7FFFFFFF, s23  }
0x4b6: {  	v7 =	vld [tilespmem:s0+$0x0];
	s1 =	sadd.s32 s19, s1;
	v4 =	vadd.s32 v9, v4;
	s29 =	sadd.s32 s28, s26;
	s30 =	spop (v2sf)  }
0x4b7: {  	s20 =	simm.s32 $0x1;
	v8 =	vld [tilespmem:s22+$0xFFFFFF10];
	s1 =	sadd.s32 s31, s1;
	v9 =	vadd.s32 v10, v4;
	s31 =	sadd.s32 s30, s29  }
0x4b8: {  	vm0 =	vmmov vm13;
	s23 =	simm.s32 $0x2;
	s19 =	sadd.s32 $0x1, s1;
	v4 =	vimm.s32 $0x0;
	v10 =	vld [tilespmem:s22+$0xFFFFFF20];
	v9 =	vadd.s32 v11, v9;
	s18 =	sadd.s32 $0x1, s31  }
.LBB2_25:
0x4b9: {  	p0 =	sne.s32 s23, $0x3;
	v11 =	vld [tilespmem:s22+$0xFFFFFF30];
	v5 =	vadd.s32 v5, v9  }
0x4ba: {  	v9 =	vld [tilespmem:s22+$0xFFFFFF40];
	v5 =	vadd.s32 v6, v5  }
0x4bb: {  	v6 =	vld [tilespmem:s22+$0xFFFFFF50];
	v5 =	vadd.s32 v7, v5  }
0x4bc: {  	v7 =	vld [tilespmem:s22+$0xFFFFFF60];
	(xrf0) =	vadd.scan.msk.s32 $0xffff, v5  }
0x4bd: {  	v5 =	vadd.s32 v8, v10;
	v8 =	vld [tilespmem:s22+$0xFFFFFF70]  }
0x4be: {  	v5 =	vadd.s32 v11, v5;
	v10 =	vld [tilespmem:s22+$0xFFFFFF80]  }
0x4bf: {  	v5 =	vadd.s32 v9, v5;
	v9 =	vld [tilespmem:s22+$0xFFFFFF90]  }
0x4c0: {  	v5 =	vadd.s32 v6, v5;
	v6 =	vld [tilespmem:s22+$0xFFFFFFA0]  }
0x4c1: {  	v5 =	vadd.s32 v7, v5;
	v7 =	vld [tilespmem:s22+$0xFFFFFFB0]  }
0x4c2: {  	v5 =	vadd.s32 v8, v5;
	v11 =	vld [tilespmem:s22+$0xFFFFFFC0];
	v8, _, _ =	vpop (xrf0)  }
0x4c3: {  	v5 =	vadd.s32 v10, v5;
	v12 =	vld [tilespmem:s22+$0xFFFFFFD0];
	v10 =	vmov s21;
	v8 =	vbroadcast v8, $0xF;
	s21 =	smov.u32 s20;
	s20 =	smov.u32 s23  }
.Ltmp11:
0x4c4: {  	v9 =	vadd.s32 v9, v5;
	v5 =	vld [tilespmem:s22+$0xFFFFFFE0];
	vm0 =	veq.s32 v10, v1;
	(pc) =	sbr.rel @p0 .LBB2_25-.Ltmp11, $4  }
0x4c5: {  	v9 =	vadd.s32 v6, v9;
	v6 =	vld [tilespmem:s22+$0xFFFFFFF0];
	v4 =	vsel vm0, v8, v4  }
0x4c6: {  	v9 =	vadd.s32 v7, v9;
	v7 =	vld [tilespmem:s22+$0x0];
	s22 =	sadd.s32 $0x100, s22  }
0x4c7: {  	v8 =	vld [tilespmem:s22+$0xFFFFFF10];
	v9 =	vadd.s32 v11, v9  }
0x4c8: {  	s23 =	sadd.s32 $0x1, s23;
	v10 =	vld [tilespmem:s22+$0xFFFFFF20];
	v9 =	vadd.s32 v12, v9  }
0x4c9: {  	v11 =	vld [tilespmem:s22+$0xFFFFFF30]  }
0x4ca: {  	v12 =	vld [tilespmem:s22+$0xFFFFFF40]  }
0x4cb: {  	v13 =	vld [tilespmem:s22+$0xFFFFFF50]  }
0x4cc: {  	v14 =	vld [tilespmem:s22+$0xFFFFFF60]  }
0x4cd: {  	v8 =	vadd.s32 v8, v10;
	v10 =	vld [tilespmem:s22+$0xFFFFFF70]  }
0x4ce: {  	v8 =	vadd.s32 v11, v8;
	v11 =	vld [tilespmem:s22+$0xFFFFFF80]  }
0x4cf: {  	v58 =	vld [tilespmem:s22+$0xFFFFFF90];
	v8 =	vadd.s32 v12, v8  }
0x4d0: {  	v59 =	vld [tilespmem:s22+$0xFFFFFFA0];
	v8 =	vadd.s32 v13, v8  }
0x4d1: {  	v60 =	vld [tilespmem:s22+$0xFFFFFFB0];
	v8 =	vadd.s32 v14, v8  }
0x4d2: {  	v8 =	vadd.s32 v10, v8;
	v10 =	vld [tilespmem:s22+$0xFFFFFFC0]  }
0x4d3: {  	v8 =	vadd.s32 v11, v8;
	v11 =	vld [tilespmem:s22+$0xFFFFFFD0]  }
0x4d4: {  	v61 =	vld [tilespmem:s22+$0xFFFFFFE0];
	v8 =	vadd.s32 v58, v8  }
0x4d5: {  	v62 =	vld [tilespmem:s22+$0xFFFFFFF0];
	v8 =	vadd.s32 v59, v8  }
0x4d6: {  	v63 =	vld [tilespmem:s22+$0x0];
	v8 =	vadd.s32 v60, v8  }
0x4d7: {  	v8 =	vadd.s32 v10, v8  }
0x4d8: {  	v5 =	vadd.s32 v5, v9;
	v8 =	vadd.s32 v11, v8  }
0x4d9: {  	v5 =	vadd.s32 v6, v5;
	v6 =	vadd.s32 v61, v8  }
0x4da: {  	v5 =	vadd.s32 v7, v5;
	v6 =	vadd.s32 v62, v6  }
0x4db: {  	(xrf0) =	vadd.scan.msk.s32 $0xffff, v5;
	v5 =	vadd.s32 v63, v6  }
0x4dc: {  	(xrf0) =	vadd.scan.msk.s32 $0xffff, v5;
	_ =	sdelay $0x4  }
0x4dd: {  	v5, _, _ =	vpop (xrf0)  }
0x4de: {  	v6 =	vmov s21;
	v5 =	vbroadcast v5, $0xF;
	v7, _, _ =	vpop (xrf0)  }
0x4df: {  	vm0 =	veq.s32 v6, v1;
	v6 =	vmov s20;
	v7 =	vbroadcast v7, $0xF  }
0x4e0: {  	v4 =	vsel vm0, v5, v4;
	vm0 =	veq.s32 v6, v1  }
0x4e1: {  	v4 =	vsel vm0, v7, v4  }
0x4e2: {  	(xrf0) =	vadd.scan.msk.s32 $0xffff, v4;
	_ =	sdelay $0x5  }
0x4e3: {  	v5, _, _ =	vpop (xrf0)  }
0x4e4: {  	v6 =	vbroadcast v5, $0xF;
	_ =	sdelay $0x1  }
0x4e5: {  	v5 =	vsub.s32 v6, v5  }
0x4e6: {  	v5 =	vadd.s32 v4, v5  }
0x4e7: {  	vm0 =	vlt.s32 v5, s19  }
0x4e8: {  	v6 =	vsel vm0, $0x80000000, v3  }
0x4e9: {  	(xrf0) =	vmax.scan.msk.u32 $0xffff, v6;
	_ =	sdelay $0x5  }
0x4ea: {  	v6, _, _ =	vpop (xrf0)  }
0x4eb: {  	(v2sf) =	vpush v6, $0xF;
	_ =	sdelay $0xe  }
0x4ec: {  	s21 =	spop (v2sf)  }
0x4ed: {  	s0 =	sshll.u32 s21, $0xA  }
0x4ee: {  	s20 =	simm.s32 $0x0;
	s0 =	sshra.s32 s0, $0x2  }
0x4ef: {  	s29 =	sand.u32 $0x80, s20;
	s23 =	sadd.s32 $0x19F00, s0  }
0x4f0: {  	s1 =	sand.u32 $0x70, s20;
	s0 =	sadd.s32 s29, s23  }
0x4f1: {  	s0 =	sadd.s32 s1, s0  }
0x4f2: {  	v8 =	vld [tilespmem:s0+$0x0];
	_ =	sdelay $0x1  }
0x4f3: {  	s30 =	simm.s32 $0x10  }
0x4f4: {  	s31 =	sand.u32 $0x80, s30  }
0x4f5: {  	s1 =	sadd.s32 s31, s23;
	s0 =	sand.u32 $0x70, s30  }
0x4f6: {  	s0 =	sadd.s32 s0, s1;
	(xrf0) =	vadd.scan.msk.s32 $0xffff, v8  }
0x4f7: {  	v8 =	vld [tilespmem:s0+$0x0]  }
0x4f8: {  	s24 =	simm.s32 $0x2;
	s25 =	simm.s32 $0x20;
	s22 =	simm.s32 $0x1;
	v7 =	vmov s19;
	v6 =	vimm.s32 $0x0  }
.LBB2_27:
0x4f9: {  	s0 =	sand.u32 $0x80, s25  }
0x4fa: {  	p0 =	sne.s32 s24, $0xF;
	s1 =	smov.u32 s24;
	s24 =	sadd.s32 $0x1, s24  }
.Ltmp12:
0x4fb: {  	s26 =	sand.u32 $0x70, s25;
	s0 =	sadd.s32 s0, s23;
	(pc) =	sbr.rel @p0 .LBB2_27-.Ltmp12, $4  }
0x4fc: {  	s0 =	sadd.s32 s26, s0;
	(xrf0) =	vadd.scan.msk.s32 $0xffff, v8;
	v9, _, _ =	vpop (xrf0)  }
0x4fd: {  	v10 =	vmov s20;
	s20 =	smov.u32 s22;
	s22 =	smov.u32 s1;
	v8 =	vld [tilespmem:s0+$0x0];
	v9 =	vbroadcast v9, $0xF  }
0x4fe: {  	vm0 =	veq.s32 v10, v1  }
0x4ff: {  	s25 =	sadd.s32 $0x10, s25;
	v6 =	vsel vm0, v9, v6  }
0x500: {  	s0 =	sxor.u32 $0x80000000, s21  }
0x501: {  	vm0 =	vlt.s32 v5, v7;
	v5 =	vxor.u32 $0x80000000, v5;
	v7 =	vmov s0  }
0x502: {  	v5 =	vsel vm0, $0xFFFFFFFF, v5;
	(xrf0) =	vadd.scan.msk.s32 $0xffff, v8;
	vm0 =	veq.s32 v7, v1  }
0x503: {  	(xrf0) =	vmin.scan.msk.u32 $0xffff, v5;
	v4 =	vnsel vm0, $0x0, v4  }
0x504: {  	(xrf0) =	vadd.scan.msk.s32 $0xffff, v4;
	_ =	sdelay $0x2  }
0x505: {  	v4, _, _ =	vpop (xrf0)  }
0x506: {  	v5, _, _ =	vpop (xrf0)  }
0x507: {  	v7, _, _ =	vpop (xrf0)  }
0x508: {  	(v2sf) =	vpush v7, $0xF;
	v7, _, _ =	vpop (xrf0)  }
0x509: {  	(v2sf) =	vpush v7, $0xF;
	_ =	sdelay $0x2  }
0x50a: {  	v4 =	vbroadcast v4, $0xF;
	v7 =	vmov s20  }
0x50b: {  	v5 =	vbroadcast v5, $0xF;
	vm0 =	veq.s32 v7, v1;
	v7 =	vmov s22  }
0x50c: {  	v4 =	vsel vm0, v4, v6;
	vm0 =	veq.s32 v7, v1  }
0x50d: {  	v5 =	vsel vm0, v5, v4  }
0x50e: {  	(xrf0) =	vadd.scan.msk.s32 $0xffff, v5;
	_ =	sdelay $0x5  }
0x50f: {  	v4, _, _ =	vpop (xrf0)  }
0x510: {  	v6 =	vbroadcast v4, $0xF;
	s26 =	spop (v2sf)  }
0x511: {  	s0 =	sxor.u32 $0x80000000, s26;
	s1 =	spop (v2sf)  }
0x512: {  	v4 =	vsub.s32 v6, v4;
	s20 =	ssub.s32 s0, s1  }
0x513: {  	v6 =	vadd.s32 v5, v4;
	s22 =	ssub.s32 s19, s20  }
0x514: {  	vm0 =	vlt.s32 v6, s22  }
0x515: {  	v4 =	vsel vm0, $0x80000000, v3  }
0x516: {  	(xrf0) =	vmax.scan.msk.u32 $0xffff, v4;
	_ =	sdelay $0x5  }
0x517: {  	v4, _, _ =	vpop (xrf0)  }
0x518: {  	(v2sf) =	vpush v4, $0xF  }
0x519: {  	s31 =	simm.s32 $0x1A3F0  }
0x51a: {  	v9 =	vld [tilespmem:s31+$0xFFFFFF30]  }
0x51b: {  	v8 =	vld [tilespmem:s31+$0xFFFFFF20]  }
0x51c: {  	v7 =	vld [tilespmem:s31+$0xFFFFFF10]  }
0x51d: {  	v10 =	vld [tilespmem:s31+$0xFFFFFF40]  }
0x51e: {  	v11 =	vld [tilespmem:s31+$0xFFFFFF50]  }
0x51f: {  	v12 =	vld [tilespmem:s31+$0xFFFFFF60]  }
0x520: {  	v13 =	vld [tilespmem:s31+$0xFFFFFFD0]  }
0x521: {  	v7 =	vadd.s32 v7, v8;
	v8 =	vld [tilespmem:s31+$0xFFFFFF70]  }
0x522: {  	v7 =	vadd.s32 v9, v7;
	v9 =	vld [tilespmem:s31+$0xFFFFFF80]  }
0x523: {  	v7 =	vadd.s32 v10, v7;
	v10 =	vld [tilespmem:s31+$0xFFFFFF90]  }
0x524: {  	v7 =	vadd.s32 v11, v7;
	v11 =	vld [tilespmem:s31+$0xFFFFFFA0]  }
0x525: {  	v7 =	vadd.s32 v12, v7;
	v12 =	vld [tilespmem:s31+$0xFFFFFFB0]  }
0x526: {  	v7 =	vadd.s32 v8, v7;
	v8 =	vld [tilespmem:s31+$0xFFFFFFC0]  }
0x527: {  	v7 =	vadd.s32 v9, v7;
	v9 =	vld [tilespmem:s31+$0xFFFFFFE0];
	s23 =	spop (v2sf)  }
0x528: {  	s29 =	sshll.u32 s21, $0x8;
	v7 =	vadd.s32 v10, v7;
	v10 =	vld [tilespmem:s31+$0xFFFFFFF0];
	s30 =	sshll.u32 s23, $0x4  }
0x529: {  	v7 =	vadd.s32 v11, v7;
	v11 =	vld [tilespmem:s31+$0x0];
	s26 =	simm.s32 $0x1A4F0;
	s21 =	sadd.s32 s29, s30  }
0x52a: {  	v7 =	vadd.s32 v12, v7;
	v12 =	vld [tilespmem:s26+$0xFFFFFF10];
	s1 =	sand.u32 $0x70, s30;
	s0 =	sand.u32 $0xFFFFFF80, s21  }
0x52b: {  	v14 =	vld [tilespmem:s26+$0xFFFFFF20];
	v15 =	vadd.s32 v8, v7;
	s0 =	sor.u32 s1, s0  }
0x52c: {  	s25 =	simm.s32 $0x0;
	s24 =	simm.s32 $0x1;
	s28 =	simm.s32 $0x2;
	v8 =	vimm.s32 $0x0;
	v7 =	vmov s22;
	v13 =	vadd.s32 v13, v15;
	v4 =	vld [tilespmem:s0+$0x19F00]  }
.LBB2_29:
0x52d: {  	p0 =	sne.s32 s28, $0x3;
	v15 =	vld [tilespmem:s26+$0xFFFFFF30];
	v9 =	vadd.s32 v9, v13  }
0x52e: {  	v13 =	vld [tilespmem:s26+$0xFFFFFF40];
	v9 =	vadd.s32 v10, v9  }
0x52f: {  	v10 =	vld [tilespmem:s26+$0xFFFFFF50];
	v9 =	vadd.s32 v11, v9  }
0x530: {  	v11 =	vld [tilespmem:s26+$0xFFFFFF60];
	(xrf0) =	vadd.scan.msk.s32 $0xffff, v9  }
0x531: {  	v9 =	vadd.s32 v12, v14;
	v12 =	vld [tilespmem:s26+$0xFFFFFF70]  }
0x532: {  	v9 =	vadd.s32 v15, v9;
	v14 =	vld [tilespmem:s26+$0xFFFFFF80]  }
0x533: {  	v9 =	vadd.s32 v13, v9;
	v13 =	vld [tilespmem:s26+$0xFFFFFF90]  }
0x534: {  	v9 =	vadd.s32 v10, v9;
	v10 =	vld [tilespmem:s26+$0xFFFFFFA0]  }
0x535: {  	v9 =	vadd.s32 v11, v9;
	v11 =	vld [tilespmem:s26+$0xFFFFFFB0]  }
0x536: {  	v9 =	vadd.s32 v12, v9;
	v15 =	vld [tilespmem:s26+$0xFFFFFFC0];
	v12, _, _ =	vpop (xrf0)  }
0x537: {  	v9 =	vadd.s32 v14, v9;
	v16 =	vld [tilespmem:s26+$0xFFFFFFD0];
	v14 =	vmov s25;
	v12 =	vbroadcast v12, $0xF;
	s25 =	smov.u32 s24;
	s24 =	smov.u32 s28  }
.Ltmp13:
0x538: {  	v13 =	vadd.s32 v13, v9;
	v9 =	vld [tilespmem:s26+$0xFFFFFFE0];
	vm0 =	veq.s32 v14, v1;
	(pc) =	sbr.rel @p0 .LBB2_29-.Ltmp13, $4  }
0x539: {  	v13 =	vadd.s32 v10, v13;
	v10 =	vld [tilespmem:s26+$0xFFFFFFF0];
	v8 =	vsel vm0, v12, v8  }
0x53a: {  	v13 =	vadd.s32 v11, v13;
	v11 =	vld [tilespmem:s26+$0x0];
	s26 =	sadd.s32 $0x100, s26  }
0x53b: {  	v12 =	vld [tilespmem:s26+$0xFFFFFF10];
	v13 =	vadd.s32 v15, v13  }
0x53c: {  	s28 =	sadd.s32 $0x1, s28;
	v14 =	vld [tilespmem:s26+$0xFFFFFF20];
	v13 =	vadd.s32 v16, v13  }
0x53d: {  	v15 =	vld [tilespmem:s26+$0xFFFFFF30]  }
0x53e: {  	v16 =	vld [tilespmem:s26+$0xFFFFFF40]  }
0x53f: {  	v17 =	vld [tilespmem:s26+$0xFFFFFF50]  }
0x540: {  	v18 =	vld [tilespmem:s26+$0xFFFFFF60]  }
0x541: {  	v12 =	vadd.s32 v12, v14;
	v14 =	vld [tilespmem:s26+$0xFFFFFF70]  }
0x542: {  	v12 =	vadd.s32 v15, v12;
	v15 =	vld [tilespmem:s26+$0xFFFFFF80]  }
0x543: {  	v58 =	vld [tilespmem:s26+$0xFFFFFF90];
	v12 =	vadd.s32 v16, v12  }
0x544: {  	v59 =	vld [tilespmem:s26+$0xFFFFFFA0];
	v12 =	vadd.s32 v17, v12  }
0x545: {  	v60 =	vld [tilespmem:s26+$0xFFFFFFB0];
	v12 =	vadd.s32 v18, v12  }
0x546: {  	v12 =	vadd.s32 v14, v12;
	v14 =	vld [tilespmem:s26+$0xFFFFFFC0]  }
0x547: {  	v12 =	vadd.s32 v15, v12;
	v15 =	vld [tilespmem:s26+$0xFFFFFFD0]  }
0x548: {  	v61 =	vld [tilespmem:s26+$0xFFFFFFE0];
	v12 =	vadd.s32 v58, v12  }
0x549: {  	v62 =	vld [tilespmem:s26+$0xFFFFFFF0];
	v12 =	vadd.s32 v59, v12  }
0x54a: {  	v63 =	vld [tilespmem:s26+$0x0];
	v12 =	vadd.s32 v60, v12  }
0x54b: {  	v12 =	vadd.s32 v14, v12  }
0x54c: {  	v9 =	vadd.s32 v9, v13;
	v12 =	vadd.s32 v15, v12  }
0x54d: {  	v9 =	vadd.s32 v10, v9;
	v10 =	vadd.s32 v61, v12  }
0x54e: {  	v9 =	vadd.s32 v11, v9;
	v10 =	vadd.s32 v62, v10  }
0x54f: {  	(xrf0) =	vadd.scan.msk.s32 $0xffff, v9;
	v9 =	vadd.s32 v63, v10  }
0x550: {  	(xrf0) =	vadd.scan.msk.s32 $0xffff, v9;
	_ =	sdelay $0x4  }
0x551: {  	v9, _, _ =	vpop (xrf0)  }
0x552: {  	v10 =	vmov s25;
	v9 =	vbroadcast v9, $0xF;
	v11, _, _ =	vpop (xrf0)  }
0x553: {  	vm0 =	veq.s32 v10, v1;
	v10 =	vmov s24;
	v11 =	vbroadcast v11, $0xF  }
0x554: {  	v8 =	vsel vm0, v9, v8;
	vm0 =	veq.s32 v10, v1  }
0x555: {  	v8 =	vsel vm0, v11, v8  }
0x556: {  	(xrf0) =	vadd.scan.msk.s32 $0xffff, v8;
	_ =	sdelay $0x5  }
0x557: {  	v9, _, _ =	vpop (xrf0)  }
0x558: {  	v10 =	vbroadcast v9, $0xF;
	_ =	sdelay $0x1  }
0x559: {  	v9 =	vsub.s32 v10, v9  }
0x55a: {  	v9 =	vadd.s32 v8, v9  }
0x55b: {  	vm0 =	vlt.s32 v9, s18  }
0x55c: {  	v10 =	vsel vm0, $0x80000000, v3  }
0x55d: {  	(xrf0) =	vmax.scan.msk.u32 $0xffff, v10;
	_ =	sdelay $0x5  }
0x55e: {  	v10, _, _ =	vpop (xrf0)  }
0x55f: {  	(v2sf) =	vpush v10, $0xF;
	_ =	sdelay $0xe  }
0x560: {  	s24 =	spop (v2sf)  }
0x561: {  	s0 =	sshll.u32 s24, $0xA  }
0x562: {  	s25 =	simm.s32 $0x0;
	s0 =	sshra.s32 s0, $0x2  }
0x563: {  	s31 =	sand.u32 $0x80, s25;
	s28 =	sadd.s32 $0x1A300, s0  }
0x564: {  	s1 =	sand.u32 $0x70, s25;
	s0 =	sadd.s32 s31, s28  }
0x565: {  	s0 =	sadd.s32 s1, s0  }
0x566: {  	v12 =	vld [tilespmem:s0+$0x0];
	_ =	sdelay $0x1  }
0x567: {  	s26 =	simm.s32 $0x10  }
0x568: {  	s31 =	sand.u32 $0x80, s26  }
0x569: {  	s1 =	sadd.s32 s31, s28;
	s0 =	sand.u32 $0x70, s26  }
0x56a: {  	s0 =	sadd.s32 s0, s1;
	(xrf0) =	vadd.scan.msk.s32 $0xffff, v12  }
0x56b: {  	v12 =	vld [tilespmem:s0+$0x0]  }
0x56c: {  	s29 =	simm.s32 $0x2;
	s30 =	simm.s32 $0x20;
	v11 =	vmov s18;
	v10 =	vimm.s32 $0x0;
	s26 =	simm.s32 $0x1  }
.LBB2_31:
0x56d: {  	s0 =	sand.u32 $0x80, s30  }
0x56e: {  	p0 =	sne.s32 s29, $0xF;
	s1 =	smov.u32 s29;
	s29 =	sadd.s32 $0x1, s29  }
.Ltmp14:
0x56f: {  	s31 =	sand.u32 $0x70, s30;
	s0 =	sadd.s32 s0, s28;
	(pc) =	sbr.rel @p0 .LBB2_31-.Ltmp14, $4  }
0x570: {  	s0 =	sadd.s32 s31, s0;
	(xrf0) =	vadd.scan.msk.s32 $0xffff, v12;
	v13, _, _ =	vpop (xrf0)  }
0x571: {  	v14 =	vmov s25;
	s25 =	smov.u32 s26;
	s26 =	smov.u32 s1;
	v12 =	vld [tilespmem:s0+$0x0];
	v13 =	vbroadcast v13, $0xF  }
0x572: {  	vm0 =	veq.s32 v14, v1  }
0x573: {  	s30 =	sadd.s32 $0x10, s30;
	v10 =	vsel vm0, v13, v10  }
0x574: {  	s0 =	sxor.u32 $0x80000000, s23  }
0x575: {  	vm0 =	vlt.s32 v6, v7;
	v47 =	vxor.u32 $0x80000000, v6;
	v48 =	vmov s0  }
0x576: {  	v6 =	vsel vm0, $0xFFFFFFFF, v47;
	(xrf0) =	vadd.scan.msk.s32 $0xffff, v12;
	vm0 =	veq.s32 v48, v1  }
0x577: {  	(xrf0) =	vmin.scan.msk.u32 $0xffff, v6;
	v5 =	vnsel vm0, $0x0, v5  }
0x578: {  	(xrf0) =	vadd.scan.msk.s32 $0xffff, v5;
	_ =	sdelay $0x2  }
0x579: {  	v5, _, _ =	vpop (xrf0)  }
0x57a: {  	v49, _, _ =	vpop (xrf0)  }
0x57b: {  	v50, _, _ =	vpop (xrf0)  }
0x57c: {  	(v2sf) =	vpush v50, $0xF;
	v51, _, _ =	vpop (xrf0)  }
0x57d: {  	(v2sf) =	vpush v51, $0xF;
	_ =	sdelay $0x6  }
0x57e: {  	(xrf0) =	vadd.scan.msk.s32 $0xffff, v4;
	_ =	sdelay $0x5  }
0x57f: {  	v52, _, _ =	vpop (xrf0)  }
0x580: {  	v53 =	vbroadcast v52, $0xF;
	s1 =	spop (v2sf)  }
0x581: {  	s0 =	sxor.u32 $0x80000000, s1;
	s1 =	spop (v2sf)  }
0x582: {  	v7 =	vsub.s32 v53, v52;
	s23 =	ssub.s32 s0, s1  }
0x583: {  	v7 =	vadd.s32 v4, v7;
	s0 =	ssub.s32 s22, s23  }
0x584: {  	vm0 =	vlt.s32 v7, s0  }
0x585: {  	v54 =	vsel vm0, $0x80000000, v3  }
0x586: {  	(xrf0) =	vmax.scan.msk.u32 $0xffff, v54;
	_ =	sdelay $0x5  }
0x587: {  	v12, _, _ =	vpop (xrf0)  }
0x588: {  	(v2sf) =	vpush v12, $0xF;
	_ =	sdelay $0xe  }
0x589: {  	s22 =	spop (v2sf)  }
0x58a: {  	s22 =	sxor.u32 $0x80000000, s22  }
0x58b: {  	v7 =	vxor.u32 $0x80000000, v7;
	v55 =	vmov s22  }
0x58c: {  	vm4 =	vlt.s32 v9, v11;
	s28 =	sxor.u32 $0x80000000, s24;
	v7 =	vsel vm0, $0xFFFFFFFF, v7;
	vm0 =	veq.s32 v55, v1  }
0x58d: {  	v56 =	vxor.u32 $0x80000000, v9;
	v57 =	vmov s28;
	(xrf0) =	vmin.scan.msk.u32 $0xffff, v7;
	v4 =	vnsel vm0, $0x0, v4  }
0x58e: {  	vm0 =	veq.s32 v57, v1;
	(xrf0) =	vadd.scan.msk.s32 $0xffff, v4;
	v4 =	vsel vm4, $0xFFFFFFFF, v56  }
0x58f: {  	(xrf0) =	vmin.scan.msk.u32 $0xffff, v4;
	v4 =	vnsel vm0, $0x0, v8  }
0x590: {  	(xrf0) =	vadd.scan.msk.s32 $0xffff, v4;
	_ =	sdelay $0x2  }
0x591: {  	v4, _, _ =	vpop (xrf0)  }
0x592: {  	(v2sf) =	vpush v4, $0xF;
	v58, _, _ =	vpop (xrf0)  }
0x593: {  	(v2sf) =	vpush v58, $0xF;
	v4, _, _ =	vpop (xrf0)  }
0x594: {  	(v2sf) =	vpush v4, $0xF;
	v4, _, _ =	vpop (xrf0)  }
0x595: {  	(v2sf) =	vpush v4, $0xF;
	_ =	sdelay $0x2  }
0x596: {  	v5 =	vbroadcast v5, $0xF;
	v4 =	vmov s25  }
0x597: {  	v6 =	vbroadcast v49, $0xF;
	vm0 =	veq.s32 v4, v1;
	v4 =	vmov s26  }
0x598: {  	v5 =	vsel vm0, v5, v10;
	vm0 =	veq.s32 v4, v1  }
0x599: {  	v4 =	vsel vm0, v6, v5  }
0x59a: {  	(xrf0) =	vadd.scan.msk.s32 $0xffff, v4;
	_ =	sdelay $0x4  }
0x59b: {  	s26 =	spop (v2sf)  }
0x59c: {  	v5, _, _ =	vpop (xrf0);
	s25 =	spop (v2sf)  }
0x59d: {  	v59 =	vbroadcast v5, $0xF;
	s29 =	spop (v2sf)  }
0x59e: {  	s0 =	sxor.u32 $0x80000000, s29;
	s30 =	spop (v2sf)  }
0x59f: {  	v5 =	vsub.s32 v59, v5;
	s28 =	ssub.s32 s0, s30  }
0x5a0: {  	v5 =	vadd.s32 v4, v5;
	s0 =	ssub.s32 s18, s28  }
0x5a1: {  	vm0 =	vlt.s32 v5, s0  }
0x5a2: {  	v60 =	vsel vm0, $0x80000000, v3  }
0x5a3: {  	(xrf0) =	vmax.scan.msk.u32 $0xffff, v60;
	_ =	sdelay $0x5  }
0x5a4: {  	v6, _, _ =	vpop (xrf0)  }
0x5a5: {  	(v2sf) =	vpush v6, $0xF;
	_ =	sdelay $0xe  }
0x5a6: {  	s31 =	spop (v2sf)  }
0x5a7: {  	s29 =	sxor.u32 $0x80000000, s31  }
0x5a8: {  	v5 =	vxor.u32 $0x80000000, v5;
	v61 =	vmov s29  }
0x5a9: {  	v5 =	vsel vm0, $0xFFFFFFFF, v5;
	vm0 =	veq.s32 v61, v1  }
0x5aa: {  	(xrf0) =	vmin.scan.msk.u32 $0xffff, v5;
	v4 =	vnsel vm0, $0x0, v4  }
0x5ab: {  	(xrf0) =	vadd.scan.msk.s32 $0xffff, v4;
	_ =	sdelay $0x4  }
0x5ac: {  	s30 =	sshll.u32 s24, $0x8;
	s1 =	sshll.u32 s31, $0x4;
	v4, _, _ =	vpop (xrf0)  }
0x5ad: {  	s24 =	sadd.s32 s30, s1;
	(v2sf) =	vpush v4, $0xF;
	v4, _, _ =	vpop (xrf0)  }
0x5ae: {  	s1 =	sand.u32 $0x70, s1;
	s31 =	sand.u32 $0xFFFFFF80, s24;
	(v2sf) =	vpush v4, $0xF  }
0x5af: {  	s1 =	sor.u32 s1, s31  }
0x5b0: {  	v4 =	vld [tilespmem:s1+$0x1A300];
	_ =	sdelay $0x4  }
0x5b1: {  	(xrf0) =	vadd.scan.msk.s32 $0xffff, v4;
	_ =	sdelay $0x5  }
0x5b2: {  	v5, _, _ =	vpop (xrf0)  }
0x5b3: {  	s29 =	spop (v2sf);
	v62 =	vbroadcast v5, $0xF  }
0x5b4: {  	s1 =	sxor.u32 $0x80000000, s29;
	s30 =	spop (v2sf)  }
0x5b5: {  	v5 =	vsub.s32 v62, v5;
	s1 =	ssub.s32 s1, s30  }
0x5b6: {  	v5 =	vadd.s32 v4, v5;
	s0 =	ssub.s32 s0, s1  }
0x5b7: {  	vm0 =	vlt.s32 v5, s0  }
0x5b8: {  	v63 =	vsel vm0, $0x80000000, v3  }
0x5b9: {  	(xrf0) =	vmax.scan.msk.u32 $0xffff, v63;
	_ =	sdelay $0x5  }
0x5ba: {  	v6, _, _ =	vpop (xrf0)  }
0x5bb: {  	(v2sf) =	vpush v6, $0xF;
	_ =	sdelay $0xe  }
0x5bc: {  	v5 =	vxor.u32 $0x80000000, v5;
	s31 =	spop (v2sf)  }
0x5bd: {  	v5 =	vsel vm0, $0xFFFFFFFF, v5;
	s0 =	sxor.u32 $0x80000000, s31  }
0x5be: {  	(xrf0) =	vmin.scan.msk.u32 $0xffff, v5;
	v5 =	vmov s0  }
0x5bf: {  	vm0 =	veq.s32 v5, v1  }
0x5c0: {  	v4 =	vnsel vm0, $0x0, v4  }
0x5c1: {  	(xrf0) =	vadd.scan.msk.s32 $0xffff, v4;
	_ =	sdelay $0x3  }
0x5c2: {  	v4, _, _ =	vpop (xrf0)  }
0x5c3: {  	(v2sf) =	vpush v4, $0xF  }
0x5c4: {  	v4, _, _ =	vpop (xrf0)  }
0x5c5: {  	(v2sf) =	vpush v4, $0xF;
	_ =	sdelay $0x7  }
0x5c6: {  	s20 =	sadd.s32 s23, s20  }
0x5c7: {  	s19 =	ssub.s32 s19, s20;
	s23 =	sxor.u32 $0x7FFFFFFF, s26  }
0x5c8: {  	s17 =	sshll.u32 s17, $0xA;
	s21 =	sadd.s32 s22, s21;
	s19 =	sadd.s32 s19, s23  }
0x5c9: {  	s16 =	sshll.u32 s16, $0xA;
	s17 =	sor.u32 s17, s21;
	s19 =	sadd.s32 s25, s19  }
0x5ca: {  	s29 =	sadd.s32 $0x1, s19;
	s30 =	sshll.u32 s15, $0x4;
	s15 =	sadd.s32 $0x1, s15  }
0x5cb: {  	s1 =	sadd.s32 s1, s28;
	p0 =	sne.s32 s15, $0x80;
	s26 =	spop (v2sf)  }
0x5cc: {  	s1 =	ssub.s32 s18, s1;
	s0 =	sadd.s32 s0, s24;
	vm0 =	vcmask $0x300;
	v4 =	vmov s17;
	s20 =	sxor.u32 $0x7FFFFFFF, s26  }
.Ltmp15:
0x5cd: {  	v4 =	vnsel vm0, $0x0, v4;
	s1 =	sadd.s32 s1, s20;
	s28 =	spop (v2sf);
	(pc) =	sbr.rel @p0 .LBB2_2-.Ltmp15, $4  }
0x5ce: {  	s0 =	sor.u32 s16, s0;
	v4 =	vsel vm1, s29, v4;
	s1 =	sadd.s32 s28, s1  }
0x5cf: {  	v4 =	vsel vm2, s0, v4;
	s1 =	sadd.s32 $0x1, s1  }
0x5d0: {  	s31 =	sand.u32 $0x3FFFFFF0, s30;
	v4 =	vsel vm3, s1, v4  }
0x5d1: {  	[tilespmem:s31+$0x1A700] =	vst v4  }
0x5d2: {  	s14 =	sadd.s32 $0x1, s14  }
0x5d3: {  	p0 =	sne.s32 s14, s7  }
.Ltmp16:
0x5d4: {  	_ = 	snop;
	(pc) =	sbr.rel @p0 .LBB2_1-.Ltmp16, $4  }
0x5d5: {  	[hbm4b:s6+s2] =	stream.linear.scatter [tilespmem:s12], [sflag:$0x2], $0x800, $0x38;
	[tilespmem:$0x1AF00] =	vst v63  }
0x5d6: {  	_ =	swait.ge [sflag:s13], $0x800  }
0x5d7: {  	[sflag:s13] =	ssyncset.done $0x0  }
0x5d8: {  	[sflag:s13] =	ssyncadd.s32 $0xFFFFF800  }
0x5d9: {  	_ =	sfence.sel $0x180000  }
0x5da: {  	[bflag:$0x0] =	sbarrier.arrive $0xFFFF  }
0x5db: {  	_ =	strace $0x90000047  }
0x5dc: {  	s0 =	stileid.u32;
	[bflag:$0x2] =	sbarrier.arrive $0xFFFF  }
0x5dd: {  	p0 =	sne.s32 s0, $0x0;
	s0 =	rddreg [dreg:$0x1]  }
0x5de: {  	s0 =	sadd.s32 @!p0 $0x100000, s0  }
0x5df: {  	[sflag:s0] =	ssyncadd.tile.s32 @!p0 $0x1;
	_ =	shalt  }
.Lfunc_end2:
_tile_overlayer_lowered:
.L_overlay_start_2:
0x5e0: {  	(tag) =	ssettag $0x2  }
0x5e1: {  	s0 =	rddreg [dreg:$0x0];
	s2 =	stileid.u32  }
0x5e2: {  	s1 =	rddreg [dreg:$0x1];
	p0 =	sne.s32 s2, $0x0  }
0x5e3: {  	s3 =	rddreg [dreg:$0x2];
	[bflag:$0x3] =	sbarrier.arrive $0xFFFF;
	s2 =	simm.s32 @!p0 $0x1C02  }
0x5e4: {  	[timem:s3], [sflag:s2] =	dma.local @!p0 [hbm:s0], s1  }
0x5e5: {  	s0 =	simm.s32 @!p0 $0x2  }
0x5e6: {  	_ =	swait.ge @!p0 [sflag:s0], s1  }
0x5e7: {  	s1 =	ssub.s32 @!p0 $0x0, s1;
	[sflag:s0] =	ssyncset.done @!p0 $0x0  }
0x5e8: {  	[sflag:s0] =	ssyncadd.s32 @!p0 s1  }
0x5e9: {  	[bflag:$0x3] =	sbarrier.arrive $0xFFFF  }
0x5ea: {  	_ =	shalt  }

</sc_bundles>
